<compile_context>
chip_gen: v7x
topology: tpu7x:2x2x1
jax: 0.10.2.dev20260603
libtpu: 0.0.44.dev20260713+nightly
codegen_flags: <defaults>
</compile_context>

<pallas_src>
import functools

import jax
import jax.numpy as jnp
from jax import lax
from jax.experimental import pallas as pl
from jax.experimental.pallas import tpu as pltpu
from jax.experimental.pallas import tpu_sc as plsc

_BN_K = 0.9999950000374997
_CH = 128
_NB = 10



def _split(y, o_ref):
  hh = y.shape[1] // 2
  o_ref[0] = y[:, :hh]
  o_ref[1] = y[:, hh:]


def _pre_body(degp_ref, x_ref, w_ref, hps_ref, dinv_ref):
  dt = jnp.transpose(degp_ref[...])
  deg = dt[:, 0:1] + dt[:, 1:2] - 1.0
  dinv = lax.rsqrt(deg)
  dinv_ref[...] = jnp.broadcast_to(dinv, dinv_ref.shape)
  y = jnp.dot(x_ref[...], w_ref[...], preferred_element_type=jnp.float32)
  _split(y * dinv, hps_ref)


def _layer(pp_ref, dinv_ref, g_ref, b_ref, be_ref):
  agg = pp_ref[...] * dinv_ref[:, 0:1]
  scale = g_ref[...] * _BN_K
  h = jnp.maximum(agg * scale + (b_ref[...] * scale + be_ref[...]), 0.0)
  return jnp.concatenate([h[0], h[1]], axis=1)


def _mid_body(pp_ref, dinv_ref, w_ref, g_ref, b_ref, be_ref, o_ref):
  h = _layer(pp_ref, dinv_ref, g_ref, b_ref, be_ref)
  y = jnp.dot(h, w_ref[...], preferred_element_type=jnp.float32)
  _split(y * dinv_ref[:, 0:1], o_ref)


def _final_body(pp_ref, dinv_ref, dep_ref, g_ref, b_ref, be_ref,
                wh1_ref, bh1_ref, wh2_ref, bh2_ref, o_ref, acc_ref, *,
                rb, nblk):
  k = pl.program_id(0)

  @pl.when(k == 0)
  def _():
    acc_ref[...] = jnp.zeros_like(acc_ref)

  h = _layer(pp_ref, dinv_ref, g_ref, b_ref, be_ref)
  ids = lax.broadcasted_iota(jnp.int32, (dep_ref.shape[0], rb), 1) + k * rb
  oh = (dep_ref[...] == ids).astype(jnp.float32)
  acc_ref[...] += jnp.dot(oh, h, preferred_element_type=jnp.float32)

  @pl.when(k == nblk - 1)
  def _():
    t = jnp.maximum(
        jnp.dot(acc_ref[...], wh1_ref[...],
                preferred_element_type=jnp.float32) + bh1_ref[...], 0.0)
    o_ref[...] = jnp.dot(t, wh2_ref[...],
                         preferred_element_type=jnp.float32) + bh2_ref[...]



def _sc_mesh():
  return plsc.VectorSubcoreMesh(core_axis_name="c", subcore_axis_name="s")


def _make_deg(npad, gct, ns, nc):
  chunk = npad // ns
  gh = gct // nc

  @functools.partial(
      pl.kernel,
      out_type=jax.ShapeDtypeStruct((nc, npad), jnp.float32),
      mesh=_sc_mesh(),
      scratch_types=[
          pltpu.VMEM((chunk,), jnp.float32),
          pltpu.VMEM((_CH,), jnp.float32),
          pltpu.VMEM((gct, _CH), jnp.int32),
          pltpu.VMEM_SHARED((npad,), jnp.float32),
      ],
      compiler_params=pltpu.CompilerParams(use_tc_tiling_on_sc=False),
  )
  def deg(dst_hbm, out_hbm, fill_v, ones_v, idxd_v, accum):
    cid = lax.axis_index("c")
    sid = lax.axis_index("s")
    for i in range(chunk // 16):
      fill_v[pl.ds(i * 16, 16)] = jnp.ones((16,), jnp.float32)
    for i in range(_CH // 16):
      ones_v[pl.ds(i * 16, 16)] = jnp.ones((16,), jnp.float32)
    pltpu.sync_copy(fill_v, accum.at[pl.ds(sid * chunk, chunk)])
    pltpu.sync_copy(dst_hbm.at[sid], idxd_v)
    plsc.subcore_barrier()

    def body(gi, c):
      pltpu.sync_copy(ones_v, accum.at[idxd_v.at[cid * gh + gi]], add=True)
      return c

    lax.fori_loop(0, gh, body, 0)
    plsc.subcore_barrier()
    pltpu.sync_copy(accum.at[pl.ds(sid * chunk, chunk)],
                    out_hbm.at[cid, pl.ds(sid * chunk, chunk)])

  return deg


def _make_agg(npad, hh, gct, ns, nc):
  chunk = npad // ns

  @functools.partial(
      pl.kernel,
      out_type=jax.ShapeDtypeStruct((nc, npad, hh), jnp.float32),
      mesh=_sc_mesh(),
      scratch_types=[
          pltpu.VMEM((gct, _CH), jnp.int32),
          pltpu.VMEM((gct, _CH), jnp.int32),
          pltpu.VMEM((_NB, _CH, hh), jnp.float32),
          pltpu.SemaphoreType.DMA((_NB,)),
          pltpu.SemaphoreType.DMA((_NB,)),
          pltpu.VMEM_SHARED((npad, hh), jnp.float32),
          pltpu.VMEM_SHARED((npad, hh), jnp.float32),
      ],
      compiler_params=pltpu.CompilerParams(use_tc_tiling_on_sc=False),
  )
  def agg(src_hbm, dst_hbm, hps_hbm, out_hbm, idxs_v, idxd_v, rows_v, gsem,
          ssem, accum, table):
    cid = lax.axis_index("c")
    sid = lax.axis_index("s")
    pltpu.sync_copy(hps_hbm.at[cid, pl.ds(sid * chunk, chunk)],
                    accum.at[pl.ds(sid * chunk, chunk)])
    pltpu.sync_copy(hps_hbm.at[cid, pl.ds(sid * chunk, chunk)],
                    table.at[pl.ds(sid * chunk, chunk)])
    pltpu.sync_copy(src_hbm.at[sid], idxs_v)
    pltpu.sync_copy(dst_hbm.at[sid], idxd_v)
    plsc.subcore_barrier()

    def body(go, c):
      base = go * _NB
      gd = []
      for b in range(_NB):
        gd.append(pltpu.async_copy(table.at[idxs_v.at[base + b]],
                                   rows_v.at[b], gsem.at[b]))
      sd = []
      for b in range(_NB):
        gd[b].wait()
        sd.append(pltpu.async_copy(rows_v.at[b], accum.at[idxd_v.at[base + b]],
                                   ssem.at[b], add=True))
      for b in range(_NB):
        sd[b].wait()
      return c

    lax.fori_loop(0, gct // _NB, body, 0)
    plsc.subcore_barrier()
    pltpu.sync_copy(accum.at[pl.ds(sid * chunk, chunk)],
                    out_hbm.at[cid, pl.ds(sid * chunk, chunk)])

  return agg



def kernel(x, edge_index, batch, deployer, W1, b1, g1, be1, W2, b2, g2, be2,
           W3, b3, g3, be3, Wh1, bh1, Wh2, bh2):
  n, in_dim = x.shape
  e = edge_index.shape[1]
  hdim = W1.shape[1]
  hh = hdim // 2
  nq = deployer.shape[0]

  info = plsc.get_sparse_core_info()
  nc, ns = info.num_cores, info.num_subcores

  npad = -(-(n + 1) // (16 * ns)) * (16 * ns)
  u = _NB if _NB % nc == 0 else _NB * nc
  gct = -(-e // (ns * _CH * u)) * u
  ep = ns * gct * _CH

  pad = n + jnp.arange(ep - e, dtype=jnp.int32) % (npad - n)
  srcp = jnp.concatenate([edge_index[0], pad]).reshape(ns, gct, _CH)
  dstp = jnp.concatenate([edge_index[1], pad]).reshape(ns, gct, _CH)
  xp = jnp.pad(x, ((0, npad - n), (0, 0)))

  degp = _make_deg(npad, gct, ns, nc)(dstp)
  agg_fn = _make_agg(npad, hh, gct, ns, nc)

  nblk = 8
  rb = npad // nblk
  hps1, dinv = pl.pallas_call(
      _pre_body,
      grid=(nblk,),
      in_specs=[pl.BlockSpec((nc, rb), lambda i: (0, i)),
                pl.BlockSpec((rb, in_dim), lambda i: (i, 0)),
                pl.BlockSpec((in_dim, hdim), lambda i: (0, 0))],
      out_specs=(pl.BlockSpec((nc, rb, hh), lambda i: (0, i, 0)),
                 pl.BlockSpec((rb, 8), lambda i: (i, 0))),
      out_shape=(jax.ShapeDtypeStruct((nc, npad, hh), jnp.float32),
                 jax.ShapeDtypeStruct((npad, 8), jnp.float32)),
  )(degp, xp, W1)

  def sp(v):
    return v.reshape(nc, 1, hh)

  def mid(pp, w, g, b, be):
    return pl.pallas_call(
        _mid_body,
        grid=(nblk,),
        in_specs=[pl.BlockSpec((nc, rb, hh), lambda i: (0, i, 0)),
                  pl.BlockSpec((rb, 8), lambda i: (i, 0)),
                  pl.BlockSpec((hdim, hdim), lambda i: (0, 0)),
                  pl.BlockSpec((nc, 1, hh), lambda i: (0, 0, 0)),
                  pl.BlockSpec((nc, 1, hh), lambda i: (0, 0, 0)),
                  pl.BlockSpec((nc, 1, hh), lambda i: (0, 0, 0))],
        out_specs=pl.BlockSpec((nc, rb, hh), lambda i: (0, i, 0)),
        out_shape=jax.ShapeDtypeStruct((nc, npad, hh), jnp.float32),
    )(pp, dinv, w, sp(g), sp(b), sp(be))

  pp1 = agg_fn(srcp, dstp, hps1)
  hps2 = mid(pp1, W2, g1, b1, be1)
  pp2 = agg_fn(srcp, dstp, hps2)
  hps3 = mid(pp2, W3, g2, b2, be2)
  pp3 = agg_fn(srcp, dstp, hps3)

  out = pl.pallas_call(
      functools.partial(_final_body, rb=rb, nblk=nblk),
      grid=(nblk,),
      in_specs=[
          pl.BlockSpec((nc, rb, hh), lambda k: (0, k, 0)),
          pl.BlockSpec((rb, 8), lambda k: (k, 0)),
          pl.BlockSpec((nq, 1), lambda k: (0, 0)),
          pl.BlockSpec((nc, 1, hh), lambda k: (0, 0, 0)),
          pl.BlockSpec((nc, 1, hh), lambda k: (0, 0, 0)),
          pl.BlockSpec((nc, 1, hh), lambda k: (0, 0, 0)),
          pl.BlockSpec(Wh1.shape, lambda k: (0, 0)),
          pl.BlockSpec((1, Wh1.shape[1]), lambda k: (0, 0)),
          pl.BlockSpec(Wh2.shape, lambda k: (0, 0)),
          pl.BlockSpec((1, 1), lambda k: (0, 0)),
      ],
      out_specs=pl.BlockSpec((nq, 1), lambda k: (0, 0)),
      out_shape=jax.ShapeDtypeStruct((nq, 1), jnp.float32),
      scratch_shapes=[pltpu.VMEM((nq, hdim), jnp.float32)],
  )(pp3, dinv, deployer.reshape(nq, 1), sp(g3), sp(b3), sp(be3),
    Wh1, bh1.reshape(1, -1), Wh2, bh2.reshape(1, 1))

  return out.reshape(nq)

# --- scband reference (transcript-rebuilt; emitter-appended) ---
"""Pipeline reference for scband-wallet-gnn-35141422416338 (READ-ONLY COPY).

The authoritative reference and input builder live on the scoring server;
editing this copy changes nothing except your own understanding.
"""

import jax, jax.numpy as jnp
import numpy as np

N = 10000
E = 320000
IN_DIM = 128
HIDDEN = 64
NQ = 256


def setup_inputs(seed: int = 0) -> dict:
    key = jax.random.key(seed)
    ks = jax.random.split(key, 24)
    x = jax.random.normal(ks[0], (N, IN_DIM), dtype=jnp.float32)
    edge_index = jax.random.randint(ks[1], (2, E), 0, N, dtype=jnp.int32)
    batch = jnp.zeros((N,), dtype=jnp.int32)
    deployer = jax.random.randint(ks[2], (NQ,), 0, N, dtype=jnp.int32)

    def lin(k, fi, fo):
        return (jax.random.normal(k, (fi, fo), dtype=jnp.float32) / np.sqrt(fi)).astype(jnp.float32)

    inp = {
        'x': x, 'edge_index': edge_index, 'batch': batch, 'deployer': deployer,
        'W1': lin(ks[3], IN_DIM, HIDDEN), 'b1': jnp.zeros((HIDDEN,), jnp.float32),
        'g1': jnp.ones((HIDDEN,), jnp.float32), 'be1': jnp.zeros((HIDDEN,), jnp.float32),
        'W2': lin(ks[4], HIDDEN, HIDDEN), 'b2': jnp.zeros((HIDDEN,), jnp.float32),
        'g2': jnp.ones((HIDDEN,), jnp.float32), 'be2': jnp.zeros((HIDDEN,), jnp.float32),
        'W3': lin(ks[5], HIDDEN, HIDDEN), 'b3': jnp.zeros((HIDDEN,), jnp.float32),
        'g3': jnp.ones((HIDDEN,), jnp.float32), 'be3': jnp.zeros((HIDDEN,), jnp.float32),
        'Wh1': lin(ks[6], HIDDEN, 32), 'bh1': jnp.zeros((32,), jnp.float32),
        'Wh2': lin(ks[7], 32, 1), 'bh2': jnp.zeros((1,), jnp.float32),
    }
    return inp


def gcn_conv(h, W, b, src, dst, n):
    # PyG GCNConv: out = D^-1/2 (A + I) D^-1/2 (X W) + b
    h = h @ W
    loop = jnp.arange(n, dtype=src.dtype)
    s = jnp.concatenate([src, loop])
    d = jnp.concatenate([dst, loop])
    deg = jnp.zeros((n,), dtype=h.dtype).at[d].add(1.0)
    dinv = jnp.where(deg > 0, 1.0 / jnp.sqrt(deg), 0.0)
    norm = dinv[s] * dinv[d]
    msg = h[s] * norm[:, None]
    out = jnp.zeros((n, h.shape[1]), dtype=h.dtype).at[d].add(msg)
    return out + b


def bn_eval(h, g, be):
    # BatchNorm1d in eval mode with running_mean=0, running_var=1
    return h / jnp.sqrt(1.0 + 1e-5) * g + be


def reference(x, edge_index, batch, deployer, W1, b1, g1, be1, W2, b2, g2, be2, W3, b3, g3, be3, Wh1, bh1, Wh2, bh2):
    src, dst = edge_index[0], edge_index[1]
    n = x.shape[0]
    h = x
    for (W, b, g, be) in ((W1, b1, g1, be1), (W2, b2, g2, be2), (W3, b3, g3, be3)):
        h = gcn_conv(h, W, b, src, dst, n)
        h = bn_eval(h, g, be)
        h = jax.nn.relu(h)
        # dropout is identity in eval mode
    demb = h[deployer]
    out = jax.nn.relu(demb @ Wh1 + bh1) @ Wh2 + bh2
    return out.squeeze(-1)

if __name__ == "__main__":
    import jax
    _d = setup_inputs()
    print(jax.jit(kernel)(*tuple(_d.values())))

</pallas_src>

<mosaic_0001>
#map = affine_map<(d0, d1) -> (0, 0, 0)>
module attributes {stable_mosaic.version = 14 : i64} {
  func.func @agg(%arg0: i32, %arg1: i32, %arg2: memref<16x160x128xi32, #tpu.memory_space<hbm>>, %arg3: memref<16x160x128xi32, #tpu.memory_space<hbm>>, %arg4: memref<2x10240x32xf32, #tpu.memory_space<hbm>>, %arg5: memref<2x10240x32xf32, #tpu.memory_space<hbm>>, %arg6: memref<160x128xi32, #tpu.memory_space<vmem>>, %arg7: memref<160x128xi32, #tpu.memory_space<vmem>>, %arg8: memref<10x128x32xf32, #tpu.memory_space<vmem>>, %arg9: memref<10x!tpu.dma_semaphore, #tpu.memory_space<semaphore_mem>>, %arg10: memref<10x!tpu.dma_semaphore, #tpu.memory_space<semaphore_mem>>, %arg11: memref<10240x32xf32, #tpu.memory_space<vmem_shared>>, %arg12: memref<10240x32xf32, #tpu.memory_space<vmem_shared>>) attributes {dimension_semantics = [#tpu.dimension_semantics<core_parallel>, #tpu.dimension_semantics<subcore_parallel>], iteration_bounds = array<i64: 2, 16>, scalar_prefetch = 0 : i64, scratch_operands = 7 : i64, tpu.core_type = #tpu.core_type<sc_vector_subcore>, window_params = [{transform_indices = #map}, {transform_indices = #map}, {transform_indices = #map}, {transform_indices = #map}]} {
    %mul3A = arith.constant 640 : i32
    %mul3A_0 = arith.muli %arg1, %mul3A : i32
    %mul3A_1 = arith.constant 640 : i32
    %mul3A_2 = arith.muli %arg1, %mul3A_1 : i32
    "tpu.region"() ({
      %run_scoped3A = tpu.sem_alloc : memref<!tpu.dma_semaphore, #tpu.memory_space<semaphore_mem>>
      %dma_start3A = arith.constant 0 : i32
      %dma_start3A_17 = tpu.memref_slice %arg11[%mul3A_2, %dma_start3A] : memref<10240x32xf32, #tpu.memory_space<vmem_shared>> -> memref<640x32xf32, #tpu.memory_space<vmem_shared>>
      %dma_start3A_18 = arith.constant 0 : i32
      %dma_start3A_19 = tpu.memref_slice %arg4[%arg0, %mul3A_0, %dma_start3A_18] : memref<2x10240x32xf32, #tpu.memory_space<hbm>> -> memref<1x640x32xf32, #tpu.memory_space<hbm>>
      %dma_start3A_20 = tpu.memref_squeeze %dma_start3A_19 : memref<1x640x32xf32, #tpu.memory_space<hbm>> -> memref<640x32xf32, #tpu.memory_space<hbm>>
      tpu.enqueue_dma source(%dma_start3A_20 : memref<640x32xf32, #tpu.memory_space<hbm>>) target(%dma_start3A_17 : memref<640x32xf32, #tpu.memory_space<vmem_shared>>) target_semaphore(%run_scoped3A : memref<!tpu.dma_semaphore, #tpu.memory_space<semaphore_mem>>)
      %dma_wait3A = arith.constant 0 : i32
      %dma_wait3A_21 = tpu.memref_slice %arg11[%mul3A_2, %dma_wait3A] : memref<10240x32xf32, #tpu.memory_space<vmem_shared>> -> memref<640x32xf32, #tpu.memory_space<vmem_shared>>
      %dma_wait3A_22 = arith.constant 0 : i32
      %dma_wait3A_23 = tpu.memref_slice %arg4[%arg0, %mul3A_0, %dma_wait3A_22] : memref<2x10240x32xf32, #tpu.memory_space<hbm>> -> memref<1x640x32xf32, #tpu.memory_space<hbm>>
      %dma_wait3A_24 = tpu.memref_squeeze %dma_wait3A_23 : memref<1x640x32xf32, #tpu.memory_space<hbm>> -> memref<640x32xf32, #tpu.memory_space<hbm>>
      tpu.wait_dma2 semaphore(%run_scoped3A : memref<!tpu.dma_semaphore, #tpu.memory_space<semaphore_mem>>) src(%dma_wait3A_24 : memref<640x32xf32, #tpu.memory_space<hbm>>) dst(%dma_wait3A_21 : memref<640x32xf32, #tpu.memory_space<vmem_shared>>)
      tpu.yield
    }) : () -> ()
    %mul3A_3 = arith.constant 640 : i32
    %mul3A_4 = arith.muli %arg1, %mul3A_3 : i32
    %mul3A_5 = arith.constant 640 : i32
    %mul3A_6 = arith.muli %arg1, %mul3A_5 : i32
    "tpu.region"() ({
      %run_scoped3A = tpu.sem_alloc : memref<!tpu.dma_semaphore, #tpu.memory_space<semaphore_mem>>
      %dma_start3A = arith.constant 0 : i32
      %dma_start3A_17 = tpu.memref_slice %arg12[%mul3A_6, %dma_start3A] : memref<10240x32xf32, #tpu.memory_space<vmem_shared>> -> memref<640x32xf32, #tpu.memory_space<vmem_shared>>
      %dma_start3A_18 = arith.constant 0 : i32
      %dma_start3A_19 = tpu.memref_slice %arg4[%arg0, %mul3A_4, %dma_start3A_18] : memref<2x10240x32xf32, #tpu.memory_space<hbm>> -> memref<1x640x32xf32, #tpu.memory_space<hbm>>
      %dma_start3A_20 = tpu.memref_squeeze %dma_start3A_19 : memref<1x640x32xf32, #tpu.memory_space<hbm>> -> memref<640x32xf32, #tpu.memory_space<hbm>>
      tpu.enqueue_dma source(%dma_start3A_20 : memref<640x32xf32, #tpu.memory_space<hbm>>) target(%dma_start3A_17 : memref<640x32xf32, #tpu.memory_space<vmem_shared>>) target_semaphore(%run_scoped3A : memref<!tpu.dma_semaphore, #tpu.memory_space<semaphore_mem>>)
      %dma_wait3A = arith.constant 0 : i32
      %dma_wait3A_21 = tpu.memref_slice %arg12[%mul3A_6, %dma_wait3A] : memref<10240x32xf32, #tpu.memory_space<vmem_shared>> -> memref<640x32xf32, #tpu.memory_space<vmem_shared>>
      %dma_wait3A_22 = arith.constant 0 : i32
      %dma_wait3A_23 = tpu.memref_slice %arg4[%arg0, %mul3A_4, %dma_wait3A_22] : memref<2x10240x32xf32, #tpu.memory_space<hbm>> -> memref<1x640x32xf32, #tpu.memory_space<hbm>>
      %dma_wait3A_24 = tpu.memref_squeeze %dma_wait3A_23 : memref<1x640x32xf32, #tpu.memory_space<hbm>> -> memref<640x32xf32, #tpu.memory_space<hbm>>
      tpu.wait_dma2 semaphore(%run_scoped3A : memref<!tpu.dma_semaphore, #tpu.memory_space<semaphore_mem>>) src(%dma_wait3A_24 : memref<640x32xf32, #tpu.memory_space<hbm>>) dst(%dma_wait3A_21 : memref<640x32xf32, #tpu.memory_space<vmem_shared>>)
      tpu.yield
    }) : () -> ()
    "tpu.region"() ({
      %run_scoped3A = tpu.sem_alloc : memref<!tpu.dma_semaphore, #tpu.memory_space<semaphore_mem>>
      %dma_start3A = arith.constant 0 : i32
      %dma_start3A_17 = arith.constant 0 : i32
      %dma_start3A_18 = tpu.memref_slice %arg2[%arg1, %dma_start3A, %dma_start3A_17] : memref<16x160x128xi32, #tpu.memory_space<hbm>> -> memref<1x160x128xi32, #tpu.memory_space<hbm>>
      %dma_start3A_19 = tpu.memref_squeeze %dma_start3A_18 : memref<1x160x128xi32, #tpu.memory_space<hbm>> -> memref<160x128xi32, #tpu.memory_space<hbm>>
      %dma_start3A_20 = arith.constant 0 : i32
      %dma_start3A_21 = arith.constant 0 : i32
      %dma_start3A_22 = tpu.memref_slice %arg2[%arg1, %dma_start3A_20, %dma_start3A_21] : memref<16x160x128xi32, #tpu.memory_space<hbm>> -> memref<1x160x128xi32, #tpu.memory_space<hbm>>
      %dma_start3A_23 = tpu.memref_squeeze %dma_start3A_22 : memref<1x160x128xi32, #tpu.memory_space<hbm>> -> memref<160x128xi32, #tpu.memory_space<hbm>>
      tpu.enqueue_dma source(%dma_start3A_23 : memref<160x128xi32, #tpu.memory_space<hbm>>) target(%arg6 : memref<160x128xi32, #tpu.memory_space<vmem>>) target_semaphore(%run_scoped3A : memref<!tpu.dma_semaphore, #tpu.memory_space<semaphore_mem>>)
      %dma_wait3A = arith.constant 0 : i32
      %dma_wait3A_24 = arith.constant 0 : i32
      %dma_wait3A_25 = tpu.memref_slice %arg2[%arg1, %dma_wait3A, %dma_wait3A_24] : memref<16x160x128xi32, #tpu.memory_space<hbm>> -> memref<1x160x128xi32, #tpu.memory_space<hbm>>
      %dma_wait3A_26 = tpu.memref_squeeze %dma_wait3A_25 : memref<1x160x128xi32, #tpu.memory_space<hbm>> -> memref<160x128xi32, #tpu.memory_space<hbm>>
      %dma_wait3A_27 = arith.constant 0 : i32
      %dma_wait3A_28 = arith.constant 0 : i32
      %dma_wait3A_29 = tpu.memref_slice %arg2[%arg1, %dma_wait3A_27, %dma_wait3A_28] : memref<16x160x128xi32, #tpu.memory_space<hbm>> -> memref<1x160x128xi32, #tpu.memory_space<hbm>>
      %dma_wait3A_30 = tpu.memref_squeeze %dma_wait3A_29 : memref<1x160x128xi32, #tpu.memory_space<hbm>> -> memref<160x128xi32, #tpu.memory_space<hbm>>
      tpu.wait_dma2 semaphore(%run_scoped3A : memref<!tpu.dma_semaphore, #tpu.memory_space<semaphore_mem>>) src(%dma_wait3A_30 : memref<160x128xi32, #tpu.memory_space<hbm>>) dst(%arg6 : memref<160x128xi32, #tpu.memory_space<vmem>>)
      tpu.yield
    }) : () -> ()
    "tpu.region"() ({
      %run_scoped3A = tpu.sem_alloc : memref<!tpu.dma_semaphore, #tpu.memory_space<semaphore_mem>>
      %dma_start3A = arith.constant 0 : i32
      %dma_start3A_17 = arith.constant 0 : i32
      %dma_start3A_18 = tpu.memref_slice %arg3[%arg1, %dma_start3A, %dma_start3A_17] : memref<16x160x128xi32, #tpu.memory_space<hbm>> -> memref<1x160x128xi32, #tpu.memory_space<hbm>>
      %dma_start3A_19 = tpu.memref_squeeze %dma_start3A_18 : memref<1x160x128xi32, #tpu.memory_space<hbm>> -> memref<160x128xi32, #tpu.memory_space<hbm>>
      %dma_start3A_20 = arith.constant 0 : i32
      %dma_start3A_21 = arith.constant 0 : i32
      %dma_start3A_22 = tpu.memref_slice %arg3[%arg1, %dma_start3A_20, %dma_start3A_21] : memref<16x160x128xi32, #tpu.memory_space<hbm>> -> memref<1x160x128xi32, #tpu.memory_space<hbm>>
      %dma_start3A_23 = tpu.memref_squeeze %dma_start3A_22 : memref<1x160x128xi32, #tpu.memory_space<hbm>> -> memref<160x128xi32, #tpu.memory_space<hbm>>
      tpu.enqueue_dma source(%dma_start3A_23 : memref<160x128xi32, #tpu.memory_space<hbm>>) target(%arg7 : memref<160x128xi32, #tpu.memory_space<vmem>>) target_semaphore(%run_scoped3A : memref<!tpu.dma_semaphore, #tpu.memory_space<semaphore_mem>>)
      %dma_wait3A = arith.constant 0 : i32
      %dma_wait3A_24 = arith.constant 0 : i32
      %dma_wait3A_25 = tpu.memref_slice %arg3[%arg1, %dma_wait3A, %dma_wait3A_24] : memref<16x160x128xi32, #tpu.memory_space<hbm>> -> memref<1x160x128xi32, #tpu.memory_space<hbm>>
      %dma_wait3A_26 = tpu.memref_squeeze %dma_wait3A_25 : memref<1x160x128xi32, #tpu.memory_space<hbm>> -> memref<160x128xi32, #tpu.memory_space<hbm>>
      %dma_wait3A_27 = arith.constant 0 : i32
      %dma_wait3A_28 = arith.constant 0 : i32
      %dma_wait3A_29 = tpu.memref_slice %arg3[%arg1, %dma_wait3A_27, %dma_wait3A_28] : memref<16x160x128xi32, #tpu.memory_space<hbm>> -> memref<1x160x128xi32, #tpu.memory_space<hbm>>
      %dma_wait3A_30 = tpu.memref_squeeze %dma_wait3A_29 : memref<1x160x128xi32, #tpu.memory_space<hbm>> -> memref<160x128xi32, #tpu.memory_space<hbm>>
      tpu.wait_dma2 semaphore(%run_scoped3A : memref<!tpu.dma_semaphore, #tpu.memory_space<semaphore_mem>>) src(%dma_wait3A_30 : memref<160x128xi32, #tpu.memory_space<hbm>>) dst(%arg7 : memref<160x128xi32, #tpu.memory_space<vmem>>)
      tpu.yield
    }) : () -> ()
    %barrier3A = arith.constant 0 : index
    tpu.barrier barrier_id(%barrier3A)
    %scan3A = arith.constant 0 : i32
    %scan3A_7 = arith.constant 0 : i32
    %scan3A_8 = arith.constant 16 : i32
    %scan3A_9 = arith.addi %scan3A_7, %scan3A_8 : i32
    %scan3A_10 = arith.constant 1 : i32
    scf.for %scan3A_17 = %scan3A_7 to %scan3A_9 step %scan3A_10  : i32 {
      %mul3A_18 = arith.constant 10 : i32
      %mul3A_19 = arith.muli %scan3A_17, %mul3A_18 : i32
      %add3A = arith.constant 0 : i32
      %add3A_20 = arith.addi %mul3A_19, %add3A : i32
      %dma_start3A = arith.constant 0 : i32
      %dma_start3A_21 = arith.constant 0 : i32
      %dma_start3A_22 = arith.constant 0 : i32
      %dma_start3A_23 = arith.constant 0 : i32
      %dma_start3A_24 = tpu.memref_slice %arg8[%dma_start3A, %dma_start3A_22, %dma_start3A_23] : memref<10x128x32xf32, #tpu.memory_space<vmem>> -> memref<1x128x32xf32, #tpu.memory_space<vmem>>
      %dma_start3A_25 = tpu.memref_squeeze %dma_start3A_24 : memref<1x128x32xf32, #tpu.memory_space<vmem>> -> memref<128x32xf32, #tpu.memory_space<vmem>>
      %dma_start3A_26 = arith.constant 0 : i32
      %dma_start3A_27 = tpu.memref_slice %arg6[%add3A_20, %dma_start3A_26] : memref<160x128xi32, #tpu.memory_space<vmem>> -> memref<1x128xi32, #tpu.memory_space<vmem>>
      %dma_start3A_28 = tpu.memref_squeeze %dma_start3A_27 : memref<1x128xi32, #tpu.memory_space<vmem>> -> memref<128xi32, #tpu.memory_space<vmem>>
      %dma_start3A_29 = arith.constant 0 : i32
      %dma_start3A_30 = arith.constant 0 : i32
      %dma_start3A_31 = tpu.memref_slice %arg12[%dma_start3A_29, %dma_start3A_30] : memref<10240x32xf32, #tpu.memory_space<vmem_shared>> -> memref<10240x32xf32, #tpu.memory_space<vmem_shared>>
      %dma_start3A_32 = tpu.memref_slice %arg9[%dma_start3A_21] : memref<10x!tpu.dma_semaphore, #tpu.memory_space<semaphore_mem>> -> memref<1x!tpu.dma_semaphore, #tpu.memory_space<semaphore_mem>>
      %dma_start3A_33 = tpu.memref_squeeze %dma_start3A_32 : memref<1x!tpu.dma_semaphore, #tpu.memory_space<semaphore_mem>> -> memref<!tpu.dma_semaphore, #tpu.memory_space<semaphore_mem>>
      tpu.enqueue_indirect_dma source(%dma_start3A_31 : memref<10240x32xf32, #tpu.memory_space<vmem_shared>>) target(%dma_start3A_25 : memref<128x32xf32, #tpu.memory_space<vmem>>) offsets(%dma_start3A_28 : memref<128xi32, #tpu.memory_space<vmem>>) semaphore(%dma_start3A_33 : memref<!tpu.dma_semaphore, #tpu.memory_space<semaphore_mem>>)
      %add3A_34 = arith.constant 1 : i32
      %add3A_35 = arith.addi %mul3A_19, %add3A_34 : i32
      %dma_start3A_36 = arith.constant 1 : i32
      %dma_start3A_37 = arith.constant 1 : i32
      %dma_start3A_38 = arith.constant 0 : i32
      %dma_start3A_39 = arith.constant 0 : i32
      %dma_start3A_40 = tpu.memref_slice %arg8[%dma_start3A_36, %dma_start3A_38, %dma_start3A_39] : memref<10x128x32xf32, #tpu.memory_space<vmem>> -> memref<1x128x32xf32, #tpu.memory_space<vmem>>
      %dma_start3A_41 = tpu.memref_squeeze %dma_start3A_40 : memref<1x128x32xf32, #tpu.memory_space<vmem>> -> memref<128x32xf32, #tpu.memory_space<vmem>>
      %dma_start3A_42 = arith.constant 0 : i32
      %dma_start3A_43 = tpu.memref_slice %arg6[%add3A_35, %dma_start3A_42] : memref<160x128xi32, #tpu.memory_space<vmem>> -> memref<1x128xi32, #tpu.memory_space<vmem>>
      %dma_start3A_44 = tpu.memref_squeeze %dma_start3A_43 : memref<1x128xi32, #tpu.memory_space<vmem>> -> memref<128xi32, #tpu.memory_space<vmem>>
      %dma_start3A_45 = arith.constant 0 : i32
      %dma_start3A_46 = arith.constant 0 : i32
      %dma_start3A_47 = tpu.memref_slice %arg12[%dma_start3A_45, %dma_start3A_46] : memref<10240x32xf32, #tpu.memory_space<vmem_shared>> -> memref<10240x32xf32, #tpu.memory_space<vmem_shared>>
      %dma_start3A_48 = tpu.memref_slice %arg9[%dma_start3A_37] : memref<10x!tpu.dma_semaphore, #tpu.memory_space<semaphore_mem>> -> memref<1x!tpu.dma_semaphore, #tpu.memory_space<semaphore_mem>>
      %dma_start3A_49 = tpu.memref_squeeze %dma_start3A_48 : memref<1x!tpu.dma_semaphore, #tpu.memory_space<semaphore_mem>> -> memref<!tpu.dma_semaphore, #tpu.memory_space<semaphore_mem>>
      tpu.enqueue_indirect_dma source(%dma_start3A_47 : memref<10240x32xf32, #tpu.memory_space<vmem_shared>>) target(%dma_start3A_41 : memref<128x32xf32, #tpu.memory_space<vmem>>) offsets(%dma_start3A_44 : memref<128xi32, #tpu.memory_space<vmem>>) semaphore(%dma_start3A_49 : memref<!tpu.dma_semaphore, #tpu.memory_space<semaphore_mem>>)
      %add3A_50 = arith.constant 2 : i32
      %add3A_51 = arith.addi %mul3A_19, %add3A_50 : i32
      %dma_start3A_52 = arith.constant 2 : i32
      %dma_start3A_53 = arith.constant 2 : i32
      %dma_start3A_54 = arith.constant 0 : i32
      %dma_start3A_55 = arith.constant 0 : i32
      %dma_start3A_56 = tpu.memref_slice %arg8[%dma_start3A_52, %dma_start3A_54, %dma_start3A_55] : memref<10x128x32xf32, #tpu.memory_space<vmem>> -> memref<1x128x32xf32, #tpu.memory_space<vmem>>
      %dma_start3A_57 = tpu.memref_squeeze %dma_start3A_56 : memref<1x128x32xf32, #tpu.memory_space<vmem>> -> memref<128x32xf32, #tpu.memory_space<vmem>>
      %dma_start3A_58 = arith.constant 0 : i32
      %dma_start3A_59 = tpu.memref_slice %arg6[%add3A_51, %dma_start3A_58] : memref<160x128xi32, #tpu.memory_space<vmem>> -> memref<1x128xi32, #tpu.memory_space<vmem>>
      %dma_start3A_60 = tpu.memref_squeeze %dma_start3A_59 : memref<1x128xi32, #tpu.memory_space<vmem>> -> memref<128xi32, #tpu.memory_space<vmem>>
      %dma_start3A_61 = arith.constant 0 : i32
      %dma_start3A_62 = arith.constant 0 : i32
      %dma_start3A_63 = tpu.memref_slice %arg12[%dma_start3A_61, %dma_start3A_62] : memref<10240x32xf32, #tpu.memory_space<vmem_shared>> -> memref<10240x32xf32, #tpu.memory_space<vmem_shared>>
      %dma_start3A_64 = tpu.memref_slice %arg9[%dma_start3A_53] : memref<10x!tpu.dma_semaphore, #tpu.memory_space<semaphore_mem>> -> memref<1x!tpu.dma_semaphore, #tpu.memory_space<semaphore_mem>>
      %dma_start3A_65 = tpu.memref_squeeze %dma_start3A_64 : memref<1x!tpu.dma_semaphore, #tpu.memory_space<semaphore_mem>> -> memref<!tpu.dma_semaphore, #tpu.memory_space<semaphore_mem>>
      tpu.enqueue_indirect_dma source(%dma_start3A_63 : memref<10240x32xf32, #tpu.memory_space<vmem_shared>>) target(%dma_start3A_57 : memref<128x32xf32, #tpu.memory_space<vmem>>) offsets(%dma_start3A_60 : memref<128xi32, #tpu.memory_space<vmem>>) semaphore(%dma_start3A_65 : memref<!tpu.dma_semaphore, #tpu.memory_space<semaphore_mem>>)
      %add3A_66 = arith.constant 3 : i32
      %add3A_67 = arith.addi %mul3A_19, %add3A_66 : i32
      %dma_start3A_68 = arith.constant 3 : i32
      %dma_start3A_69 = arith.constant 3 : i32
      %dma_start3A_70 = arith.constant 0 : i32
      %dma_start3A_71 = arith.constant 0 : i32
      %dma_start3A_72 = tpu.memref_slice %arg8[%dma_start3A_68, %dma_start3A_70, %dma_start3A_71] : memref<10x128x32xf32, #tpu.memory_space<vmem>> -> memref<1x128x32xf32, #tpu.memory_space<vmem>>
      %dma_start3A_73 = tpu.memref_squeeze %dma_start3A_72 : memref<1x128x32xf32, #tpu.memory_space<vmem>> -> memref<128x32xf32, #tpu.memory_space<vmem>>
      %dma_start3A_74 = arith.constant 0 : i32
      %dma_start3A_75 = tpu.memref_slice %arg6[%add3A_67, %dma_start3A_74] : memref<160x128xi32, #tpu.memory_space<vmem>> -> memref<1x128xi32, #tpu.memory_space<vmem>>
      %dma_start3A_76 = tpu.memref_squeeze %dma_start3A_75 : memref<1x128xi32, #tpu.memory_space<vmem>> -> memref<128xi32, #tpu.memory_space<vmem>>
      %dma_start3A_77 = arith.constant 0 : i32
      %dma_start3A_78 = arith.constant 0 : i32
      %dma_start3A_79 = tpu.memref_slice %arg12[%dma_start3A_77, %dma_start3A_78] : memref<10240x32xf32, #tpu.memory_space<vmem_shared>> -> memref<10240x32xf32, #tpu.memory_space<vmem_shared>>
      %dma_start3A_80 = tpu.memref_slice %arg9[%dma_start3A_69] : memref<10x!tpu.dma_semaphore, #tpu.memory_space<semaphore_mem>> -> memref<1x!tpu.dma_semaphore, #tpu.memory_space<semaphore_mem>>
      %dma_start3A_81 = tpu.memref_squeeze %dma_start3A_80 : memref<1x!tpu.dma_semaphore, #tpu.memory_space<semaphore_mem>> -> memref<!tpu.dma_semaphore, #tpu.memory_space<semaphore_mem>>
      tpu.enqueue_indirect_dma source(%dma_start3A_79 : memref<10240x32xf32, #tpu.memory_space<vmem_shared>>) target(%dma_start3A_73 : memref<128x32xf32, #tpu.memory_space<vmem>>) offsets(%dma_start3A_76 : memref<128xi32, #tpu.memory_space<vmem>>) semaphore(%dma_start3A_81 : memref<!tpu.dma_semaphore, #tpu.memory_space<semaphore_mem>>)
      %add3A_82 = arith.constant 4 : i32
      %add3A_83 = arith.addi %mul3A_19, %add3A_82 : i32
      %dma_start3A_84 = arith.constant 4 : i32
      %dma_start3A_85 = arith.constant 4 : i32
      %dma_start3A_86 = arith.constant 0 : i32
      %dma_start3A_87 = arith.constant 0 : i32
      %dma_start3A_88 = tpu.memref_slice %arg8[%dma_start3A_84, %dma_start3A_86, %dma_start3A_87] : memref<10x128x32xf32, #tpu.memory_space<vmem>> -> memref<1x128x32xf32, #tpu.memory_space<vmem>>
      %dma_start3A_89 = tpu.memref_squeeze %dma_start3A_88 : memref<1x128x32xf32, #tpu.memory_space<vmem>> -> memref<128x32xf32, #tpu.memory_space<vmem>>
      %dma_start3A_90 = arith.constant 0 : i32
      %dma_start3A_91 = tpu.memref_slice %arg6[%add3A_83, %dma_start3A_90] : memref<160x128xi32, #tpu.memory_space<vmem>> -> memref<1x128xi32, #tpu.memory_space<vmem>>
      %dma_start3A_92 = tpu.memref_squeeze %dma_start3A_91 : memref<1x128xi32, #tpu.memory_space<vmem>> -> memref<128xi32, #tpu.memory_space<vmem>>
      %dma_start3A_93 = arith.constant 0 : i32
      %dma_start3A_94 = arith.constant 0 : i32
      %dma_start3A_95 = tpu.memref_slice %arg12[%dma_start3A_93, %dma_start3A_94] : memref<10240x32xf32, #tpu.memory_space<vmem_shared>> -> memref<10240x32xf32, #tpu.memory_space<vmem_shared>>
      %dma_start3A_96 = tpu.memref_slice %arg9[%dma_start3A_85] : memref<10x!tpu.dma_semaphore, #tpu.memory_space<semaphore_mem>> -> memref<1x!tpu.dma_semaphore, #tpu.memory_space<semaphore_mem>>
      %dma_start3A_97 = tpu.memref_squeeze %dma_start3A_96 : memref<1x!tpu.dma_semaphore, #tpu.memory_space<semaphore_mem>> -> memref<!tpu.dma_semaphore, #tpu.memory_space<semaphore_mem>>
      tpu.enqueue_indirect_dma source(%dma_start3A_95 : memref<10240x32xf32, #tpu.memory_space<vmem_shared>>) target(%dma_start3A_89 : memref<128x32xf32, #tpu.memory_space<vmem>>) offsets(%dma_start3A_92 : memref<128xi32, #tpu.memory_space<vmem>>) semaphore(%dma_start3A_97 : memref<!tpu.dma_semaphore, #tpu.memory_space<semaphore_mem>>)
      %add3A_98 = arith.constant 5 : i32
      %add3A_99 = arith.addi %mul3A_19, %add3A_98 : i32
      %dma_start3A_100 = arith.constant 5 : i32
      %dma_start3A_101 = arith.constant 5 : i32
      %dma_start3A_102 = arith.constant 0 : i32
      %dma_start3A_103 = arith.constant 0 : i32
      %dma_start3A_104 = tpu.memref_slice %arg8[%dma_start3A_100, %dma_start3A_102, %dma_start3A_103] : memref<10x128x32xf32, #tpu.memory_space<vmem>> -> memref<1x128x32xf32, #tpu.memory_space<vmem>>
      %dma_start3A_105 = tpu.memref_squeeze %dma_start3A_104 : memref<1x128x32xf32, #tpu.memory_space<vmem>> -> memref<128x32xf32, #tpu.memory_space<vmem>>
      %dma_start3A_106 = arith.constant 0 : i32
      %dma_start3A_107 = tpu.memref_slice %arg6[%add3A_99, %dma_start3A_106] : memref<160x128xi32, #tpu.memory_space<vmem>> -> memref<1x128xi32, #tpu.memory_space<vmem>>
      %dma_start3A_108 = tpu.memref_squeeze %dma_start3A_107 : memref<1x128xi32, #tpu.memory_space<vmem>> -> memref<128xi32, #tpu.memory_space<vmem>>
      %dma_start3A_109 = arith.constant 0 : i32
      %dma_start3A_110 = arith.constant 0 : i32
      %dma_start3A_111 = tpu.memref_slice %arg12[%dma_start3A_109, %dma_start3A_110] : memref<10240x32xf32, #tpu.memory_space<vmem_shared>> -> memref<10240x32xf32, #tpu.memory_space<vmem_shared>>
      %dma_start3A_112 = tpu.memref_slice %arg9[%dma_start3A_101] : memref<10x!tpu.dma_semaphore, #tpu.memory_space<semaphore_mem>> -> memref<1x!tpu.dma_semaphore, #tpu.memory_space<semaphore_mem>>
      %dma_start3A_113 = tpu.memref_squeeze %dma_start3A_112 : memref<1x!tpu.dma_semaphore, #tpu.memory_space<semaphore_mem>> -> memref<!tpu.dma_semaphore, #tpu.memory_space<semaphore_mem>>
      tpu.enqueue_indirect_dma source(%dma_start3A_111 : memref<10240x32xf32, #tpu.memory_space<vmem_shared>>) target(%dma_start3A_105 : memref<128x32xf32, #tpu.memory_space<vmem>>) offsets(%dma_start3A_108 : memref<128xi32, #tpu.memory_space<vmem>>) semaphore(%dma_start3A_113 : memref<!tpu.dma_semaphore, #tpu.memory_space<semaphore_mem>>)
      %add3A_114 = arith.constant 6 : i32
      %add3A_115 = arith.addi %mul3A_19, %add3A_114 : i32
      %dma_start3A_116 = arith.constant 6 : i32
      %dma_start3A_117 = arith.constant 6 : i32
      %dma_start3A_118 = arith.constant 0 : i32
      %dma_start3A_119 = arith.constant 0 : i32
      %dma_start3A_120 = tpu.memref_slice %arg8[%dma_start3A_116, %dma_start3A_118, %dma_start3A_119] : memref<10x128x32xf32, #tpu.memory_space<vmem>> -> memref<1x128x32xf32, #tpu.memory_space<vmem>>
      %dma_start3A_121 = tpu.memref_squeeze %dma_start3A_120 : memref<1x128x32xf32, #tpu.memory_space<vmem>> -> memref<128x32xf32, #tpu.memory_space<vmem>>
      %dma_start3A_122 = arith.constant 0 : i32
      %dma_start3A_123 = tpu.memref_slice %arg6[%add3A_115, %dma_start3A_122] : memref<160x128xi32, #tpu.memory_space<vmem>> -> memref<1x128xi32, #tpu.memory_space<vmem>>
      %dma_start3A_124 = tpu.memref_squeeze %dma_start3A_123 : memref<1x128xi32, #tpu.memory_space<vmem>> -> memref<128xi32, #tpu.memory_space<vmem>>
      %dma_start3A_125 = arith.constant 0 : i32
      %dma_start3A_126 = arith.constant 0 : i32
      %dma_start3A_127 = tpu.memref_slice %arg12[%dma_start3A_125, %dma_start3A_126] : memref<10240x32xf32, #tpu.memory_space<vmem_shared>> -> memref<10240x32xf32, #tpu.memory_space<vmem_shared>>
      %dma_start3A_128 = tpu.memref_slice %arg9[%dma_start3A_117] : memref<10x!tpu.dma_semaphore, #tpu.memory_space<semaphore_mem>> -> memref<1x!tpu.dma_semaphore, #tpu.memory_space<semaphore_mem>>
      %dma_start3A_129 = tpu.memref_squeeze %dma_start3A_128 : memref<1x!tpu.dma_semaphore, #tpu.memory_space<semaphore_mem>> -> memref<!tpu.dma_semaphore, #tpu.memory_space<semaphore_mem>>
      tpu.enqueue_indirect_dma source(%dma_start3A_127 : memref<10240x32xf32, #tpu.memory_space<vmem_shared>>) target(%dma_start3A_121 : memref<128x32xf32, #tpu.memory_space<vmem>>) offsets(%dma_start3A_124 : memref<128xi32, #tpu.memory_space<vmem>>) semaphore(%dma_start3A_129 : memref<!tpu.dma_semaphore, #tpu.memory_space<semaphore_mem>>)
      %add3A_130 = arith.constant 7 : i32
      %add3A_131 = arith.addi %mul3A_19, %add3A_130 : i32
      %dma_start3A_132 = arith.constant 7 : i32
      %dma_start3A_133 = arith.constant 7 : i32
      %dma_start3A_134 = arith.constant 0 : i32
      %dma_start3A_135 = arith.constant 0 : i32
      %dma_start3A_136 = tpu.memref_slice %arg8[%dma_start3A_132, %dma_start3A_134, %dma_start3A_135] : memref<10x128x32xf32, #tpu.memory_space<vmem>> -> memref<1x128x32xf32, #tpu.memory_space<vmem>>
      %dma_start3A_137 = tpu.memref_squeeze %dma_start3A_136 : memref<1x128x32xf32, #tpu.memory_space<vmem>> -> memref<128x32xf32, #tpu.memory_space<vmem>>
      %dma_start3A_138 = arith.constant 0 : i32
      %dma_start3A_139 = tpu.memref_slice %arg6[%add3A_131, %dma_start3A_138] : memref<160x128xi32, #tpu.memory_space<vmem>> -> memref<1x128xi32, #tpu.memory_space<vmem>>
      %dma_start3A_140 = tpu.memref_squeeze %dma_start3A_139 : memref<1x128xi32, #tpu.memory_space<vmem>> -> memref<128xi32, #tpu.memory_space<vmem>>
      %dma_start3A_141 = arith.constant 0 : i32
      %dma_start3A_142 = arith.constant 0 : i32
      %dma_start3A_143 = tpu.memref_slice %arg12[%dma_start3A_141, %dma_start3A_142] : memref<10240x32xf32, #tpu.memory_space<vmem_shared>> -> memref<10240x32xf32, #tpu.memory_space<vmem_shared>>
      %dma_start3A_144 = tpu.memref_slice %arg9[%dma_start3A_133] : memref<10x!tpu.dma_semaphore, #tpu.memory_space<semaphore_mem>> -> memref<1x!tpu.dma_semaphore, #tpu.memory_space<semaphore_mem>>
      %dma_start3A_145 = tpu.memref_squeeze %dma_start3A_144 : memref<1x!tpu.dma_semaphore, #tpu.memory_space<semaphore_mem>> -> memref<!tpu.dma_semaphore, #tpu.memory_space<semaphore_mem>>
      tpu.enqueue_indirect_dma source(%dma_start3A_143 : memref<10240x32xf32, #tpu.memory_space<vmem_shared>>) target(%dma_start3A_137 : memref<128x32xf32, #tpu.memory_space<vmem>>) offsets(%dma_start3A_140 : memref<128xi32, #tpu.memory_space<vmem>>) semaphore(%dma_start3A_145 : memref<!tpu.dma_semaphore, #tpu.memory_space<semaphore_mem>>)
      %add3A_146 = arith.constant 8 : i32
      %add3A_147 = arith.addi %mul3A_19, %add3A_146 : i32
      %dma_start3A_148 = arith.constant 8 : i32
      %dma_start3A_149 = arith.constant 8 : i32
      %dma_start3A_150 = arith.constant 0 : i32
      %dma_start3A_151 = arith.constant 0 : i32
      %dma_start3A_152 = tpu.memref_slice %arg8[%dma_start3A_148, %dma_start3A_150, %dma_start3A_151] : memref<10x128x32xf32, #tpu.memory_space<vmem>> -> memref<1x128x32xf32, #tpu.memory_space<vmem>>
      %dma_start3A_153 = tpu.memref_squeeze %dma_start3A_152 : memref<1x128x32xf32, #tpu.memory_space<vmem>> -> memref<128x32xf32, #tpu.memory_space<vmem>>
      %dma_start3A_154 = arith.constant 0 : i32
      %dma_start3A_155 = tpu.memref_slice %arg6[%add3A_147, %dma_start3A_154] : memref<160x128xi32, #tpu.memory_space<vmem>> -> memref<1x128xi32, #tpu.memory_space<vmem>>
      %dma_start3A_156 = tpu.memref_squeeze %dma_start3A_155 : memref<1x128xi32, #tpu.memory_space<vmem>> -> memref<128xi32, #tpu.memory_space<vmem>>
      %dma_start3A_157 = arith.constant 0 : i32
      %dma_start3A_158 = arith.constant 0 : i32
      %dma_start3A_159 = tpu.memref_slice %arg12[%dma_start3A_157, %dma_start3A_158] : memref<10240x32xf32, #tpu.memory_space<vmem_shared>> -> memref<10240x32xf32, #tpu.memory_space<vmem_shared>>
      %dma_start3A_160 = tpu.memref_slice %arg9[%dma_start3A_149] : memref<10x!tpu.dma_semaphore, #tpu.memory_space<semaphore_mem>> -> memref<1x!tpu.dma_semaphore, #tpu.memory_space<semaphore_mem>>
      %dma_start3A_161 = tpu.memref_squeeze %dma_start3A_160 : memref<1x!tpu.dma_semaphore, #tpu.memory_space<semaphore_mem>> -> memref<!tpu.dma_semaphore, #tpu.memory_space<semaphore_mem>>
      tpu.enqueue_indirect_dma source(%dma_start3A_159 : memref<10240x32xf32, #tpu.memory_space<vmem_shared>>) target(%dma_start3A_153 : memref<128x32xf32, #tpu.memory_space<vmem>>) offsets(%dma_start3A_156 : memref<128xi32, #tpu.memory_space<vmem>>) semaphore(%dma_start3A_161 : memref<!tpu.dma_semaphore, #tpu.memory_space<semaphore_mem>>)
      %add3A_162 = arith.constant 9 : i32
      %add3A_163 = arith.addi %mul3A_19, %add3A_162 : i32
      %dma_start3A_164 = arith.constant 9 : i32
      %dma_start3A_165 = arith.constant 9 : i32
      %dma_start3A_166 = arith.constant 0 : i32
      %dma_start3A_167 = arith.constant 0 : i32
      %dma_start3A_168 = tpu.memref_slice %arg8[%dma_start3A_164, %dma_start3A_166, %dma_start3A_167] : memref<10x128x32xf32, #tpu.memory_space<vmem>> -> memref<1x128x32xf32, #tpu.memory_space<vmem>>
      %dma_start3A_169 = tpu.memref_squeeze %dma_start3A_168 : memref<1x128x32xf32, #tpu.memory_space<vmem>> -> memref<128x32xf32, #tpu.memory_space<vmem>>
      %dma_start3A_170 = arith.constant 0 : i32
      %dma_start3A_171 = tpu.memref_slice %arg6[%add3A_163, %dma_start3A_170] : memref<160x128xi32, #tpu.memory_space<vmem>> -> memref<1x128xi32, #tpu.memory_space<vmem>>
      %dma_start3A_172 = tpu.memref_squeeze %dma_start3A_171 : memref<1x128xi32, #tpu.memory_space<vmem>> -> memref<128xi32, #tpu.memory_space<vmem>>
      %dma_start3A_173 = arith.constant 0 : i32
      %dma_start3A_174 = arith.constant 0 : i32
      %dma_start3A_175 = tpu.memref_slice %arg12[%dma_start3A_173, %dma_start3A_174] : memref<10240x32xf32, #tpu.memory_space<vmem_shared>> -> memref<10240x32xf32, #tpu.memory_space<vmem_shared>>
      %dma_start3A_176 = tpu.memref_slice %arg9[%dma_start3A_165] : memref<10x!tpu.dma_semaphore, #tpu.memory_space<semaphore_mem>> -> memref<1x!tpu.dma_semaphore, #tpu.memory_space<semaphore_mem>>
      %dma_start3A_177 = tpu.memref_squeeze %dma_start3A_176 : memref<1x!tpu.dma_semaphore, #tpu.memory_space<semaphore_mem>> -> memref<!tpu.dma_semaphore, #tpu.memory_space<semaphore_mem>>
      tpu.enqueue_indirect_dma source(%dma_start3A_175 : memref<10240x32xf32, #tpu.memory_space<vmem_shared>>) target(%dma_start3A_169 : memref<128x32xf32, #tpu.memory_space<vmem>>) offsets(%dma_start3A_172 : memref<128xi32, #tpu.memory_space<vmem>>) semaphore(%dma_start3A_177 : memref<!tpu.dma_semaphore, #tpu.memory_space<semaphore_mem>>)
      %dma_wait3A = arith.constant 0 : i32
      %dma_wait3A_178 = arith.constant 0 : i32
      %dma_wait3A_179 = arith.constant 0 : i32
      %dma_wait3A_180 = arith.constant 0 : i32
      %dma_wait3A_181 = tpu.memref_slice %arg8[%dma_wait3A, %dma_wait3A_179, %dma_wait3A_180] : memref<10x128x32xf32, #tpu.memory_space<vmem>> -> memref<1x128x32xf32, #tpu.memory_space<vmem>>
      %dma_wait3A_182 = tpu.memref_squeeze %dma_wait3A_181 : memref<1x128x32xf32, #tpu.memory_space<vmem>> -> memref<128x32xf32, #tpu.memory_space<vmem>>
      %dma_wait3A_183 = arith.constant 0 : i32
      %dma_wait3A_184 = tpu.memref_slice %arg6[%add3A_20, %dma_wait3A_183] : memref<160x128xi32, #tpu.memory_space<vmem>> -> memref<1x128xi32, #tpu.memory_space<vmem>>
      %dma_wait3A_185 = tpu.memref_squeeze %dma_wait3A_184 : memref<1x128xi32, #tpu.memory_space<vmem>> -> memref<128xi32, #tpu.memory_space<vmem>>
      %dma_wait3A_186 = arith.constant 0 : i32
      %dma_wait3A_187 = arith.constant 0 : i32
      %dma_wait3A_188 = tpu.memref_slice %arg12[%dma_wait3A_186, %dma_wait3A_187] : memref<10240x32xf32, #tpu.memory_space<vmem_shared>> -> memref<10240x32xf32, #tpu.memory_space<vmem_shared>>
      %dma_wait3A_189 = tpu.memref_slice %arg9[%dma_wait3A_178] : memref<10x!tpu.dma_semaphore, #tpu.memory_space<semaphore_mem>> -> memref<1x!tpu.dma_semaphore, #tpu.memory_space<semaphore_mem>>
      %dma_wait3A_190 = tpu.memref_squeeze %dma_wait3A_189 : memref<1x!tpu.dma_semaphore, #tpu.memory_space<semaphore_mem>> -> memref<!tpu.dma_semaphore, #tpu.memory_space<semaphore_mem>>
      tpu.wait_indirect_dma semaphore(%dma_wait3A_190 : memref<!tpu.dma_semaphore, #tpu.memory_space<semaphore_mem>>) src(%dma_wait3A_188 : memref<10240x32xf32, #tpu.memory_space<vmem_shared>>) dst(%dma_wait3A_182 : memref<128x32xf32, #tpu.memory_space<vmem>>)
      %add3A_191 = arith.constant 0 : i32
      %add3A_192 = arith.addi %mul3A_19, %add3A_191 : i32
      %dma_start3A_193 = arith.constant 0 : i32
      %dma_start3A_194 = arith.constant 0 : i32
      %dma_start3A_195 = arith.constant 0 : i32
      %dma_start3A_196 = arith.constant 0 : i32
      %dma_start3A_197 = tpu.memref_slice %arg8[%dma_start3A_193, %dma_start3A_195, %dma_start3A_196] : memref<10x128x32xf32, #tpu.memory_space<vmem>> -> memref<1x128x32xf32, #tpu.memory_space<vmem>>
      %dma_start3A_198 = tpu.memref_squeeze %dma_start3A_197 : memref<1x128x32xf32, #tpu.memory_space<vmem>> -> memref<128x32xf32, #tpu.memory_space<vmem>>
      %dma_start3A_199 = arith.constant 0 : i32
      %dma_start3A_200 = tpu.memref_slice %arg7[%add3A_192, %dma_start3A_199] : memref<160x128xi32, #tpu.memory_space<vmem>> -> memref<1x128xi32, #tpu.memory_space<vmem>>
      %dma_start3A_201 = tpu.memref_squeeze %dma_start3A_200 : memref<1x128xi32, #tpu.memory_space<vmem>> -> memref<128xi32, #tpu.memory_space<vmem>>
      %dma_start3A_202 = arith.constant 0 : i32
      %dma_start3A_203 = arith.constant 0 : i32
      %dma_start3A_204 = tpu.memref_slice %arg11[%dma_start3A_202, %dma_start3A_203] : memref<10240x32xf32, #tpu.memory_space<vmem_shared>> -> memref<10240x32xf32, #tpu.memory_space<vmem_shared>>
      %dma_start3A_205 = tpu.memref_slice %arg10[%dma_start3A_194] : memref<10x!tpu.dma_semaphore, #tpu.memory_space<semaphore_mem>> -> memref<1x!tpu.dma_semaphore, #tpu.memory_space<semaphore_mem>>
      %dma_start3A_206 = tpu.memref_squeeze %dma_start3A_205 : memref<1x!tpu.dma_semaphore, #tpu.memory_space<semaphore_mem>> -> memref<!tpu.dma_semaphore, #tpu.memory_space<semaphore_mem>>
      tpu.enqueue_indirect_dma source(%dma_start3A_198 : memref<128x32xf32, #tpu.memory_space<vmem>>) target(%dma_start3A_204 : memref<10240x32xf32, #tpu.memory_space<vmem_shared>>) offsets(%dma_start3A_201 : memref<128xi32, #tpu.memory_space<vmem>>) semaphore(%dma_start3A_206 : memref<!tpu.dma_semaphore, #tpu.memory_space<semaphore_mem>>) {add = true}
      %dma_wait3A_207 = arith.constant 1 : i32
      %dma_wait3A_208 = arith.constant 1 : i32
      %dma_wait3A_209 = arith.constant 0 : i32
      %dma_wait3A_210 = arith.constant 0 : i32
      %dma_wait3A_211 = tpu.memref_slice %arg8[%dma_wait3A_207, %dma_wait3A_209, %dma_wait3A_210] : memref<10x128x32xf32, #tpu.memory_space<vmem>> -> memref<1x128x32xf32, #tpu.memory_space<vmem>>
      %dma_wait3A_212 = tpu.memref_squeeze %dma_wait3A_211 : memref<1x128x32xf32, #tpu.memory_space<vmem>> -> memref<128x32xf32, #tpu.memory_space<vmem>>
      %dma_wait3A_213 = arith.constant 0 : i32
      %dma_wait3A_214 = tpu.memref_slice %arg6[%add3A_35, %dma_wait3A_213] : memref<160x128xi32, #tpu.memory_space<vmem>> -> memref<1x128xi32, #tpu.memory_space<vmem>>
      %dma_wait3A_215 = tpu.memref_squeeze %dma_wait3A_214 : memref<1x128xi32, #tpu.memory_space<vmem>> -> memref<128xi32, #tpu.memory_space<vmem>>
      %dma_wait3A_216 = arith.constant 0 : i32
      %dma_wait3A_217 = arith.constant 0 : i32
      %dma_wait3A_218 = tpu.memref_slice %arg12[%dma_wait3A_216, %dma_wait3A_217] : memref<10240x32xf32, #tpu.memory_space<vmem_shared>> -> memref<10240x32xf32, #tpu.memory_space<vmem_shared>>
      %dma_wait3A_219 = tpu.memref_slice %arg9[%dma_wait3A_208] : memref<10x!tpu.dma_semaphore, #tpu.memory_space<semaphore_mem>> -> memref<1x!tpu.dma_semaphore, #tpu.memory_space<semaphore_mem>>
      %dma_wait3A_220 = tpu.memref_squeeze %dma_wait3A_219 : memref<1x!tpu.dma_semaphore, #tpu.memory_space<semaphore_mem>> -> memref<!tpu.dma_semaphore, #tpu.memory_space<semaphore_mem>>
      tpu.wait_indirect_dma semaphore(%dma_wait3A_220 : memref<!tpu.dma_semaphore, #tpu.memory_space<semaphore_mem>>) src(%dma_wait3A_218 : memref<10240x32xf32, #tpu.memory_space<vmem_shared>>) dst(%dma_wait3A_212 : memref<128x32xf32, #tpu.memory_space<vmem>>)
      %add3A_221 = arith.constant 1 : i32
      %add3A_222 = arith.addi %mul3A_19, %add3A_221 : i32
      %dma_start3A_223 = arith.constant 1 : i32
      %dma_start3A_224 = arith.constant 1 : i32
      %dma_start3A_225 = arith.constant 0 : i32
      %dma_start3A_226 = arith.constant 0 : i32
      %dma_start3A_227 = tpu.memref_slice %arg8[%dma_start3A_223, %dma_start3A_225, %dma_start3A_226] : memref<10x128x32xf32, #tpu.memory_space<vmem>> -> memref<1x128x32xf32, #tpu.memory_space<vmem>>
      %dma_start3A_228 = tpu.memref_squeeze %dma_start3A_227 : memref<1x128x32xf32, #tpu.memory_space<vmem>> -> memref<128x32xf32, #tpu.memory_space<vmem>>
      %dma_start3A_229 = arith.constant 0 : i32
      %dma_start3A_230 = tpu.memref_slice %arg7[%add3A_222, %dma_start3A_229] : memref<160x128xi32, #tpu.memory_space<vmem>> -> memref<1x128xi32, #tpu.memory_space<vmem>>
      %dma_start3A_231 = tpu.memref_squeeze %dma_start3A_230 : memref<1x128xi32, #tpu.memory_space<vmem>> -> memref<128xi32, #tpu.memory_space<vmem>>
      %dma_start3A_232 = arith.constant 0 : i32
      %dma_start3A_233 = arith.constant 0 : i32
      %dma_start3A_234 = tpu.memref_slice %arg11[%dma_start3A_232, %dma_start3A_233] : memref<10240x32xf32, #tpu.memory_space<vmem_shared>> -> memref<10240x32xf32, #tpu.memory_space<vmem_shared>>
      %dma_start3A_235 = tpu.memref_slice %arg10[%dma_start3A_224] : memref<10x!tpu.dma_semaphore, #tpu.memory_space<semaphore_mem>> -> memref<1x!tpu.dma_semaphore, #tpu.memory_space<semaphore_mem>>
      %dma_start3A_236 = tpu.memref_squeeze %dma_start3A_235 : memref<1x!tpu.dma_semaphore, #tpu.memory_space<semaphore_mem>> -> memref<!tpu.dma_semaphore, #tpu.memory_space<semaphore_mem>>
      tpu.enqueue_indirect_dma source(%dma_start3A_228 : memref<128x32xf32, #tpu.memory_space<vmem>>) target(%dma_start3A_234 : memref<10240x32xf32, #tpu.memory_space<vmem_shared>>) offsets(%dma_start3A_231 : memref<128xi32, #tpu.memory_space<vmem>>) semaphore(%dma_start3A_236 : memref<!tpu.dma_semaphore, #tpu.memory_space<semaphore_mem>>) {add = true}
      %dma_wait3A_237 = arith.constant 2 : i32
      %dma_wait3A_238 = arith.constant 2 : i32
      %dma_wait3A_239 = arith.constant 0 : i32
      %dma_wait3A_240 = arith.constant 0 : i32
      %dma_wait3A_241 = tpu.memref_slice %arg8[%dma_wait3A_237, %dma_wait3A_239, %dma_wait3A_240] : memref<10x128x32xf32, #tpu.memory_space<vmem>> -> memref<1x128x32xf32, #tpu.memory_space<vmem>>
      %dma_wait3A_242 = tpu.memref_squeeze %dma_wait3A_241 : memref<1x128x32xf32, #tpu.memory_space<vmem>> -> memref<128x32xf32, #tpu.memory_space<vmem>>
      %dma_wait3A_243 = arith.constant 0 : i32
      %dma_wait3A_244 = tpu.memref_slice %arg6[%add3A_51, %dma_wait3A_243] : memref<160x128xi32, #tpu.memory_space<vmem>> -> memref<1x128xi32, #tpu.memory_space<vmem>>
      %dma_wait3A_245 = tpu.memref_squeeze %dma_wait3A_244 : memref<1x128xi32, #tpu.memory_space<vmem>> -> memref<128xi32, #tpu.memory_space<vmem>>
      %dma_wait3A_246 = arith.constant 0 : i32
      %dma_wait3A_247 = arith.constant 0 : i32
      %dma_wait3A_248 = tpu.memref_slice %arg12[%dma_wait3A_246, %dma_wait3A_247] : memref<10240x32xf32, #tpu.memory_space<vmem_shared>> -> memref<10240x32xf32, #tpu.memory_space<vmem_shared>>
      %dma_wait3A_249 = tpu.memref_slice %arg9[%dma_wait3A_238] : memref<10x!tpu.dma_semaphore, #tpu.memory_space<semaphore_mem>> -> memref<1x!tpu.dma_semaphore, #tpu.memory_space<semaphore_mem>>
      %dma_wait3A_250 = tpu.memref_squeeze %dma_wait3A_249 : memref<1x!tpu.dma_semaphore, #tpu.memory_space<semaphore_mem>> -> memref<!tpu.dma_semaphore, #tpu.memory_space<semaphore_mem>>
      tpu.wait_indirect_dma semaphore(%dma_wait3A_250 : memref<!tpu.dma_semaphore, #tpu.memory_space<semaphore_mem>>) src(%dma_wait3A_248 : memref<10240x32xf32, #tpu.memory_space<vmem_shared>>) dst(%dma_wait3A_242 : memref<128x32xf32, #tpu.memory_space<vmem>>)
      %add3A_251 = arith.constant 2 : i32
      %add3A_252 = arith.addi %mul3A_19, %add3A_251 : i32
      %dma_start3A_253 = arith.constant 2 : i32
      %dma_start3A_254 = arith.constant 2 : i32
      %dma_start3A_255 = arith.constant 0 : i32
      %dma_start3A_256 = arith.constant 0 : i32
      %dma_start3A_257 = tpu.memref_slice %arg8[%dma_start3A_253, %dma_start3A_255, %dma_start3A_256] : memref<10x128x32xf32, #tpu.memory_space<vmem>> -> memref<1x128x32xf32, #tpu.memory_space<vmem>>
      %dma_start3A_258 = tpu.memref_squeeze %dma_start3A_257 : memref<1x128x32xf32, #tpu.memory_space<vmem>> -> memref<128x32xf32, #tpu.memory_space<vmem>>
      %dma_start3A_259 = arith.constant 0 : i32
      %dma_start3A_260 = tpu.memref_slice %arg7[%add3A_252, %dma_start3A_259] : memref<160x128xi32, #tpu.memory_space<vmem>> -> memref<1x128xi32, #tpu.memory_space<vmem>>
      %dma_start3A_261 = tpu.memref_squeeze %dma_start3A_260 : memref<1x128xi32, #tpu.memory_space<vmem>> -> memref<128xi32, #tpu.memory_space<vmem>>
      %dma_start3A_262 = arith.constant 0 : i32
      %dma_start3A_263 = arith.constant 0 : i32
      %dma_start3A_264 = tpu.memref_slice %arg11[%dma_start3A_262, %dma_start3A_263] : memref<10240x32xf32, #tpu.memory_space<vmem_shared>> -> memref<10240x32xf32, #tpu.memory_space<vmem_shared>>
      %dma_start3A_265 = tpu.memref_slice %arg10[%dma_start3A_254] : memref<10x!tpu.dma_semaphore, #tpu.memory_space<semaphore_mem>> -> memref<1x!tpu.dma_semaphore, #tpu.memory_space<semaphore_mem>>
      %dma_start3A_266 = tpu.memref_squeeze %dma_start3A_265 : memref<1x!tpu.dma_semaphore, #tpu.memory_space<semaphore_mem>> -> memref<!tpu.dma_semaphore, #tpu.memory_space<semaphore_mem>>
      tpu.enqueue_indirect_dma source(%dma_start3A_258 : memref<128x32xf32, #tpu.memory_space<vmem>>) target(%dma_start3A_264 : memref<10240x32xf32, #tpu.memory_space<vmem_shared>>) offsets(%dma_start3A_261 : memref<128xi32, #tpu.memory_space<vmem>>) semaphore(%dma_start3A_266 : memref<!tpu.dma_semaphore, #tpu.memory_space<semaphore_mem>>) {add = true}
      %dma_wait3A_267 = arith.constant 3 : i32
      %dma_wait3A_268 = arith.constant 3 : i32
      %dma_wait3A_269 = arith.constant 0 : i32
      %dma_wait3A_270 = arith.constant 0 : i32
      %dma_wait3A_271 = tpu.memref_slice %arg8[%dma_wait3A_267, %dma_wait3A_269, %dma_wait3A_270] : memref<10x128x32xf32, #tpu.memory_space<vmem>> -> memref<1x128x32xf32, #tpu.memory_space<vmem>>
      %dma_wait3A_272 = tpu.memref_squeeze %dma_wait3A_271 : memref<1x128x32xf32, #tpu.memory_space<vmem>> -> memref<128x32xf32, #tpu.memory_space<vmem>>
      %dma_wait3A_273 = arith.constant 0 : i32
      %dma_wait3A_274 = tpu.memref_slice %arg6[%add3A_67, %dma_wait3A_273] : memref<160x128xi32, #tpu.memory_space<vmem>> -> memref<1x128xi32, #tpu.memory_space<vmem>>
      %dma_wait3A_275 = tpu.memref_squeeze %dma_wait3A_274 : memref<1x128xi32, #tpu.memory_space<vmem>> -> memref<128xi32, #tpu.memory_space<vmem>>
      %dma_wait3A_276 = arith.constant 0 : i32
      %dma_wait3A_277 = arith.constant 0 : i32
      %dma_wait3A_278 = tpu.memref_slice %arg12[%dma_wait3A_276, %dma_wait3A_277] : memref<10240x32xf32, #tpu.memory_space<vmem_shared>> -> memref<10240x32xf32, #tpu.memory_space<vmem_shared>>
      %dma_wait3A_279 = tpu.memref_slice %arg9[%dma_wait3A_268] : memref<10x!tpu.dma_semaphore, #tpu.memory_space<semaphore_mem>> -> memref<1x!tpu.dma_semaphore, #tpu.memory_space<semaphore_mem>>
      %dma_wait3A_280 = tpu.memref_squeeze %dma_wait3A_279 : memref<1x!tpu.dma_semaphore, #tpu.memory_space<semaphore_mem>> -> memref<!tpu.dma_semaphore, #tpu.memory_space<semaphore_mem>>
      tpu.wait_indirect_dma semaphore(%dma_wait3A_280 : memref<!tpu.dma_semaphore, #tpu.memory_space<semaphore_mem>>) src(%dma_wait3A_278 : memref<10240x32xf32, #tpu.memory_space<vmem_shared>>) dst(%dma_wait3A_272 : memref<128x32xf32, #tpu.memory_space<vmem>>)
      %add3A_281 = arith.constant 3 : i32
      %add3A_282 = arith.addi %mul3A_19, %add3A_281 : i32
      %dma_start3A_283 = arith.constant 3 : i32
      %dma_start3A_284 = arith.constant 3 : i32
      %dma_start3A_285 = arith.constant 0 : i32
      %dma_start3A_286 = arith.constant 0 : i32
      %dma_start3A_287 = tpu.memref_slice %arg8[%dma_start3A_283, %dma_start3A_285, %dma_start3A_286] : memref<10x128x32xf32, #tpu.memory_space<vmem>> -> memref<1x128x32xf32, #tpu.memory_space<vmem>>
      %dma_start3A_288 = tpu.memref_squeeze %dma_start3A_287 : memref<1x128x32xf32, #tpu.memory_space<vmem>> -> memref<128x32xf32, #tpu.memory_space<vmem>>
      %dma_start3A_289 = arith.constant 0 : i32
      %dma_start3A_290 = tpu.memref_slice %arg7[%add3A_282, %dma_start3A_289] : memref<160x128xi32, #tpu.memory_space<vmem>> -> memref<1x128xi32, #tpu.memory_space<vmem>>
      %dma_start3A_291 = tpu.memref_squeeze %dma_start3A_290 : memref<1x128xi32, #tpu.memory_space<vmem>> -> memref<128xi32, #tpu.memory_space<vmem>>
      %dma_start3A_292 = arith.constant 0 : i32
      %dma_start3A_293 = arith.constant 0 : i32
      %dma_start3A_294 = tpu.memref_slice %arg11[%dma_start3A_292, %dma_start3A_293] : memref<10240x32xf32, #tpu.memory_space<vmem_shared>> -> memref<10240x32xf32, #tpu.memory_space<vmem_shared>>
      %dma_start3A_295 = tpu.memref_slice %arg10[%dma_start3A_284] : memref<10x!tpu.dma_semaphore, #tpu.memory_space<semaphore_mem>> -> memref<1x!tpu.dma_semaphore, #tpu.memory_space<semaphore_mem>>
      %dma_start3A_296 = tpu.memref_squeeze %dma_start3A_295 : memref<1x!tpu.dma_semaphore, #tpu.memory_space<semaphore_mem>> -> memref<!tpu.dma_semaphore, #tpu.memory_space<semaphore_mem>>
      tpu.enqueue_indirect_dma source(%dma_start3A_288 : memref<128x32xf32, #tpu.memory_space<vmem>>) target(%dma_start3A_294 : memref<10240x32xf32, #tpu.memory_space<vmem_shared>>) offsets(%dma_start3A_291 : memref<128xi32, #tpu.memory_space<vmem>>) semaphore(%dma_start3A_296 : memref<!tpu.dma_semaphore, #tpu.memory_space<semaphore_mem>>) {add = true}
      %dma_wait3A_297 = arith.constant 4 : i32
      %dma_wait3A_298 = arith.constant 4 : i32
      %dma_wait3A_299 = arith.constant 0 : i32
      %dma_wait3A_300 = arith.constant 0 : i32
      %dma_wait3A_301 = tpu.memref_slice %arg8[%dma_wait3A_297, %dma_wait3A_299, %dma_wait3A_300] : memref<10x128x32xf32, #tpu.memory_space<vmem>> -> memref<1x128x32xf32, #tpu.memory_space<vmem>>
      %dma_wait3A_302 = tpu.memref_squeeze %dma_wait3A_301 : memref<1x128x32xf32, #tpu.memory_space<vmem>> -> memref<128x32xf32, #tpu.memory_space<vmem>>
      %dma_wait3A_303 = arith.constant 0 : i32
      %dma_wait3A_304 = tpu.memref_slice %arg6[%add3A_83, %dma_wait3A_303] : memref<160x128xi32, #tpu.memory_space<vmem>> -> memref<1x128xi32, #tpu.memory_space<vmem>>
      %dma_wait3A_305 = tpu.memref_squeeze %dma_wait3A_304 : memref<1x128xi32, #tpu.memory_space<vmem>> -> memref<128xi32, #tpu.memory_space<vmem>>
      %dma_wait3A_306 = arith.constant 0 : i32
      %dma_wait3A_307 = arith.constant 0 : i32
      %dma_wait3A_308 = tpu.memref_slice %arg12[%dma_wait3A_306, %dma_wait3A_307] : memref<10240x32xf32, #tpu.memory_space<vmem_shared>> -> memref<10240x32xf32, #tpu.memory_space<vmem_shared>>
      %dma_wait3A_309 = tpu.memref_slice %arg9[%dma_wait3A_298] : memref<10x!tpu.dma_semaphore, #tpu.memory_space<semaphore_mem>> -> memref<1x!tpu.dma_semaphore, #tpu.memory_space<semaphore_mem>>
      %dma_wait3A_310 = tpu.memref_squeeze %dma_wait3A_309 : memref<1x!tpu.dma_semaphore, #tpu.memory_space<semaphore_mem>> -> memref<!tpu.dma_semaphore, #tpu.memory_space<semaphore_mem>>
      tpu.wait_indirect_dma semaphore(%dma_wait3A_310 : memref<!tpu.dma_semaphore, #tpu.memory_space<semaphore_mem>>) src(%dma_wait3A_308 : memref<10240x32xf32, #tpu.memory_space<vmem_shared>>) dst(%dma_wait3A_302 : memref<128x32xf32, #tpu.memory_space<vmem>>)
      %add3A_311 = arith.constant 4 : i32
      %add3A_312 = arith.addi %mul3A_19, %add3A_311 : i32
      %dma_start3A_313 = arith.constant 4 : i32
      %dma_start3A_314 = arith.constant 4 : i32
      %dma_start3A_315 = arith.constant 0 : i32
      %dma_start3A_316 = arith.constant 0 : i32
      %dma_start3A_317 = tpu.memref_slice %arg8[%dma_start3A_313, %dma_start3A_315, %dma_start3A_316] : memref<10x128x32xf32, #tpu.memory_space<vmem>> -> memref<1x128x32xf32, #tpu.memory_space<vmem>>
      %dma_start3A_318 = tpu.memref_squeeze %dma_start3A_317 : memref<1x128x32xf32, #tpu.memory_space<vmem>> -> memref<128x32xf32, #tpu.memory_space<vmem>>
      %dma_start3A_319 = arith.constant 0 : i32
      %dma_start3A_320 = tpu.memref_slice %arg7[%add3A_312, %dma_start3A_319] : memref<160x128xi32, #tpu.memory_space<vmem>> -> memref<1x128xi32, #tpu.memory_space<vmem>>
      %dma_start3A_321 = tpu.memref_squeeze %dma_start3A_320 : memref<1x128xi32, #tpu.memory_space<vmem>> -> memref<128xi32, #tpu.memory_space<vmem>>
      %dma_start3A_322 = arith.constant 0 : i32
      %dma_start3A_323 = arith.constant 0 : i32
      %dma_start3A_324 = tpu.memref_slice %arg11[%dma_start3A_322, %dma_start3A_323] : memref<10240x32xf32, #tpu.memory_space<vmem_shared>> -> memref<10240x32xf32, #tpu.memory_space<vmem_shared>>
      %dma_start3A_325 = tpu.memref_slice %arg10[%dma_start3A_314] : memref<10x!tpu.dma_semaphore, #tpu.memory_space<semaphore_mem>> -> memref<1x!tpu.dma_semaphore, #tpu.memory_space<semaphore_mem>>
      %dma_start3A_326 = tpu.memref_squeeze %dma_start3A_325 : memref<1x!tpu.dma_semaphore, #tpu.memory_space<semaphore_mem>> -> memref<!tpu.dma_semaphore, #tpu.memory_space<semaphore_mem>>
      tpu.enqueue_indirect_dma source(%dma_start3A_318 : memref<128x32xf32, #tpu.memory_space<vmem>>) target(%dma_start3A_324 : memref<10240x32xf32, #tpu.memory_space<vmem_shared>>) offsets(%dma_start3A_321 : memref<128xi32, #tpu.memory_space<vmem>>) semaphore(%dma_start3A_326 : memref<!tpu.dma_semaphore, #tpu.memory_space<semaphore_mem>>) {add = true}
      %dma_wait3A_327 = arith.constant 5 : i32
      %dma_wait3A_328 = arith.constant 5 : i32
      %dma_wait3A_329 = arith.constant 0 : i32
      %dma_wait3A_330 = arith.constant 0 : i32
      %dma_wait3A_331 = tpu.memref_slice %arg8[%dma_wait3A_327, %dma_wait3A_329, %dma_wait3A_330] : memref<10x128x32xf32, #tpu.memory_space<vmem>> -> memref<1x128x32xf32, #tpu.memory_space<vmem>>
      %dma_wait3A_332 = tpu.memref_squeeze %dma_wait3A_331 : memref<1x128x32xf32, #tpu.memory_space<vmem>> -> memref<128x32xf32, #tpu.memory_space<vmem>>
      %dma_wait3A_333 = arith.constant 0 : i32
      %dma_wait3A_334 = tpu.memref_slice %arg6[%add3A_99, %dma_wait3A_333] : memref<160x128xi32, #tpu.memory_space<vmem>> -> memref<1x128xi32, #tpu.memory_space<vmem>>
      %dma_wait3A_335 = tpu.memref_squeeze %dma_wait3A_334 : memref<1x128xi32, #tpu.memory_space<vmem>> -> memref<128xi32, #tpu.memory_space<vmem>>
      %dma_wait3A_336 = arith.constant 0 : i32
      %dma_wait3A_337 = arith.constant 0 : i32
      %dma_wait3A_338 = tpu.memref_slice %arg12[%dma_wait3A_336, %dma_wait3A_337] : memref<10240x32xf32, #tpu.memory_space<vmem_shared>> -> memref<10240x32xf32, #tpu.memory_space<vmem_shared>>
      %dma_wait3A_339 = tpu.memref_slice %arg9[%dma_wait3A_328] : memref<10x!tpu.dma_semaphore, #tpu.memory_space<semaphore_mem>> -> memref<1x!tpu.dma_semaphore, #tpu.memory_space<semaphore_mem>>
      %dma_wait3A_340 = tpu.memref_squeeze %dma_wait3A_339 : memref<1x!tpu.dma_semaphore, #tpu.memory_space<semaphore_mem>> -> memref<!tpu.dma_semaphore, #tpu.memory_space<semaphore_mem>>
      tpu.wait_indirect_dma semaphore(%dma_wait3A_340 : memref<!tpu.dma_semaphore, #tpu.memory_space<semaphore_mem>>) src(%dma_wait3A_338 : memref<10240x32xf32, #tpu.memory_space<vmem_shared>>) dst(%dma_wait3A_332 : memref<128x32xf32, #tpu.memory_space<vmem>>)
      %add3A_341 = arith.constant 5 : i32
      %add3A_342 = arith.addi %mul3A_19, %add3A_341 : i32
      %dma_start3A_343 = arith.constant 5 : i32
      %dma_start3A_344 = arith.constant 5 : i32
      %dma_start3A_345 = arith.constant 0 : i32
      %dma_start3A_346 = arith.constant 0 : i32
      %dma_start3A_347 = tpu.memref_slice %arg8[%dma_start3A_343, %dma_start3A_345, %dma_start3A_346] : memref<10x128x32xf32, #tpu.memory_space<vmem>> -> memref<1x128x32xf32, #tpu.memory_space<vmem>>
      %dma_start3A_348 = tpu.memref_squeeze %dma_start3A_347 : memref<1x128x32xf32, #tpu.memory_space<vmem>> -> memref<128x32xf32, #tpu.memory_space<vmem>>
      %dma_start3A_349 = arith.constant 0 : i32
      %dma_start3A_350 = tpu.memref_slice %arg7[%add3A_342, %dma_start3A_349] : memref<160x128xi32, #tpu.memory_space<vmem>> -> memref<1x128xi32, #tpu.memory_space<vmem>>
      %dma_start3A_351 = tpu.memref_squeeze %dma_start3A_350 : memref<1x128xi32, #tpu.memory_space<vmem>> -> memref<128xi32, #tpu.memory_space<vmem>>
      %dma_start3A_352 = arith.constant 0 : i32
      %dma_start3A_353 = arith.constant 0 : i32
      %dma_start3A_354 = tpu.memref_slice %arg11[%dma_start3A_352, %dma_start3A_353] : memref<10240x32xf32, #tpu.memory_space<vmem_shared>> -> memref<10240x32xf32, #tpu.memory_space<vmem_shared>>
      %dma_start3A_355 = tpu.memref_slice %arg10[%dma_start3A_344] : memref<10x!tpu.dma_semaphore, #tpu.memory_space<semaphore_mem>> -> memref<1x!tpu.dma_semaphore, #tpu.memory_space<semaphore_mem>>
      %dma_start3A_356 = tpu.memref_squeeze %dma_start3A_355 : memref<1x!tpu.dma_semaphore, #tpu.memory_space<semaphore_mem>> -> memref<!tpu.dma_semaphore, #tpu.memory_space<semaphore_mem>>
      tpu.enqueue_indirect_dma source(%dma_start3A_348 : memref<128x32xf32, #tpu.memory_space<vmem>>) target(%dma_start3A_354 : memref<10240x32xf32, #tpu.memory_space<vmem_shared>>) offsets(%dma_start3A_351 : memref<128xi32, #tpu.memory_space<vmem>>) semaphore(%dma_start3A_356 : memref<!tpu.dma_semaphore, #tpu.memory_space<semaphore_mem>>) {add = true}
      %dma_wait3A_357 = arith.constant 6 : i32
      %dma_wait3A_358 = arith.constant 6 : i32
      %dma_wait3A_359 = arith.constant 0 : i32
      %dma_wait3A_360 = arith.constant 0 : i32
      %dma_wait3A_361 = tpu.memref_slice %arg8[%dma_wait3A_357, %dma_wait3A_359, %dma_wait3A_360] : memref<10x128x32xf32, #tpu.memory_space<vmem>> -> memref<1x128x32xf32, #tpu.memory_space<vmem>>
      %dma_wait3A_362 = tpu.memref_squeeze %dma_wait3A_361 : memref<1x128x32xf32, #tpu.memory_space<vmem>> -> memref<128x32xf32, #tpu.memory_space<vmem>>
      %dma_wait3A_363 = arith.constant 0 : i32
      %dma_wait3A_364 = tpu.memref_slice %arg6[%add3A_115, %dma_wait3A_363] : memref<160x128xi32, #tpu.memory_space<vmem>> -> memref<1x128xi32, #tpu.memory_space<vmem>>
      %dma_wait3A_365 = tpu.memref_squeeze %dma_wait3A_364 : memref<1x128xi32, #tpu.memory_space<vmem>> -> memref<128xi32, #tpu.memory_space<vmem>>
      %dma_wait3A_366 = arith.constant 0 : i32
      %dma_wait3A_367 = arith.constant 0 : i32
      %dma_wait3A_368 = tpu.memref_slice %arg12[%dma_wait3A_366, %dma_wait3A_367] : memref<10240x32xf32, #tpu.memory_space<vmem_shared>> -> memref<10240x32xf32, #tpu.memory_space<vmem_shared>>
      %dma_wait3A_369 = tpu.memref_slice %arg9[%dma_wait3A_358] : memref<10x!tpu.dma_semaphore, #tpu.memory_space<semaphore_mem>> -> memref<1x!tpu.dma_semaphore, #tpu.memory_space<semaphore_mem>>
      %dma_wait3A_370 = tpu.memref_squeeze %dma_wait3A_369 : memref<1x!tpu.dma_semaphore, #tpu.memory_space<semaphore_mem>> -> memref<!tpu.dma_semaphore, #tpu.memory_space<semaphore_mem>>
      tpu.wait_indirect_dma semaphore(%dma_wait3A_370 : memref<!tpu.dma_semaphore, #tpu.memory_space<semaphore_mem>>) src(%dma_wait3A_368 : memref<10240x32xf32, #tpu.memory_space<vmem_shared>>) dst(%dma_wait3A_362 : memref<128x32xf32, #tpu.memory_space<vmem>>)
      %add3A_371 = arith.constant 6 : i32
      %add3A_372 = arith.addi %mul3A_19, %add3A_371 : i32
      %dma_start3A_373 = arith.constant 6 : i32
      %dma_start3A_374 = arith.constant 6 : i32
      %dma_start3A_375 = arith.constant 0 : i32
      %dma_start3A_376 = arith.constant 0 : i32
      %dma_start3A_377 = tpu.memref_slice %arg8[%dma_start3A_373, %dma_start3A_375, %dma_start3A_376] : memref<10x128x32xf32, #tpu.memory_space<vmem>> -> memref<1x128x32xf32, #tpu.memory_space<vmem>>
      %dma_start3A_378 = tpu.memref_squeeze %dma_start3A_377 : memref<1x128x32xf32, #tpu.memory_space<vmem>> -> memref<128x32xf32, #tpu.memory_space<vmem>>
      %dma_start3A_379 = arith.constant 0 : i32
      %dma_start3A_380 = tpu.memref_slice %arg7[%add3A_372, %dma_start3A_379] : memref<160x128xi32, #tpu.memory_space<vmem>> -> memref<1x128xi32, #tpu.memory_space<vmem>>
      %dma_start3A_381 = tpu.memref_squeeze %dma_start3A_380 : memref<1x128xi32, #tpu.memory_space<vmem>> -> memref<128xi32, #tpu.memory_space<vmem>>
      %dma_start3A_382 = arith.constant 0 : i32
      %dma_start3A_383 = arith.constant 0 : i32
      %dma_start3A_384 = tpu.memref_slice %arg11[%dma_start3A_382, %dma_start3A_383] : memref<10240x32xf32, #tpu.memory_space<vmem_shared>> -> memref<10240x32xf32, #tpu.memory_space<vmem_shared>>
      %dma_start3A_385 = tpu.memref_slice %arg10[%dma_start3A_374] : memref<10x!tpu.dma_semaphore, #tpu.memory_space<semaphore_mem>> -> memref<1x!tpu.dma_semaphore, #tpu.memory_space<semaphore_mem>>
      %dma_start3A_386 = tpu.memref_squeeze %dma_start3A_385 : memref<1x!tpu.dma_semaphore, #tpu.memory_space<semaphore_mem>> -> memref<!tpu.dma_semaphore, #tpu.memory_space<semaphore_mem>>
      tpu.enqueue_indirect_dma source(%dma_start3A_378 : memref<128x32xf32, #tpu.memory_space<vmem>>) target(%dma_start3A_384 : memref<10240x32xf32, #tpu.memory_space<vmem_shared>>) offsets(%dma_start3A_381 : memref<128xi32, #tpu.memory_space<vmem>>) semaphore(%dma_start3A_386 : memref<!tpu.dma_semaphore, #tpu.memory_space<semaphore_mem>>) {add = true}
      %dma_wait3A_387 = arith.constant 7 : i32
      %dma_wait3A_388 = arith.constant 7 : i32
      %dma_wait3A_389 = arith.constant 0 : i32
      %dma_wait3A_390 = arith.constant 0 : i32
      %dma_wait3A_391 = tpu.memref_slice %arg8[%dma_wait3A_387, %dma_wait3A_389, %dma_wait3A_390] : memref<10x128x32xf32, #tpu.memory_space<vmem>> -> memref<1x128x32xf32, #tpu.memory_space<vmem>>
      %dma_wait3A_392 = tpu.memref_squeeze %dma_wait3A_391 : memref<1x128x32xf32, #tpu.memory_space<vmem>> -> memref<128x32xf32, #tpu.memory_space<vmem>>
      %dma_wait3A_393 = arith.constant 0 : i32
      %dma_wait3A_394 = tpu.memref_slice %arg6[%add3A_131, %dma_wait3A_393] : memref<160x128xi32, #tpu.memory_space<vmem>> -> memref<1x128xi32, #tpu.memory_space<vmem>>
      %dma_wait3A_395 = tpu.memref_squeeze %dma_wait3A_394 : memref<1x128xi32, #tpu.memory_space<vmem>> -> memref<128xi32, #tpu.memory_space<vmem>>
      %dma_wait3A_396 = arith.constant 0 : i32
      %dma_wait3A_397 = arith.constant 0 : i32
      %dma_wait3A_398 = tpu.memref_slice %arg12[%dma_wait3A_396, %dma_wait3A_397] : memref<10240x32xf32, #tpu.memory_space<vmem_shared>> -> memref<10240x32xf32, #tpu.memory_space<vmem_shared>>
      %dma_wait3A_399 = tpu.memref_slice %arg9[%dma_wait3A_388] : memref<10x!tpu.dma_semaphore, #tpu.memory_space<semaphore_mem>> -> memref<1x!tpu.dma_semaphore, #tpu.memory_space<semaphore_mem>>
      %dma_wait3A_400 = tpu.memref_squeeze %dma_wait3A_399 : memref<1x!tpu.dma_semaphore, #tpu.memory_space<semaphore_mem>> -> memref<!tpu.dma_semaphore, #tpu.memory_space<semaphore_mem>>
      tpu.wait_indirect_dma semaphore(%dma_wait3A_400 : memref<!tpu.dma_semaphore, #tpu.memory_space<semaphore_mem>>) src(%dma_wait3A_398 : memref<10240x32xf32, #tpu.memory_space<vmem_shared>>) dst(%dma_wait3A_392 : memref<128x32xf32, #tpu.memory_space<vmem>>)
      %add3A_401 = arith.constant 7 : i32
      %add3A_402 = arith.addi %mul3A_19, %add3A_401 : i32
      %dma_start3A_403 = arith.constant 7 : i32
      %dma_start3A_404 = arith.constant 7 : i32
      %dma_start3A_405 = arith.constant 0 : i32
      %dma_start3A_406 = arith.constant 0 : i32
      %dma_start3A_407 = tpu.memref_slice %arg8[%dma_start3A_403, %dma_start3A_405, %dma_start3A_406] : memref<10x128x32xf32, #tpu.memory_space<vmem>> -> memref<1x128x32xf32, #tpu.memory_space<vmem>>
      %dma_start3A_408 = tpu.memref_squeeze %dma_start3A_407 : memref<1x128x32xf32, #tpu.memory_space<vmem>> -> memref<128x32xf32, #tpu.memory_space<vmem>>
      %dma_start3A_409 = arith.constant 0 : i32
      %dma_start3A_410 = tpu.memref_slice %arg7[%add3A_402, %dma_start3A_409] : memref<160x128xi32, #tpu.memory_space<vmem>> -> memref<1x128xi32, #tpu.memory_space<vmem>>
      %dma_start3A_411 = tpu.memref_squeeze %dma_start3A_410 : memref<1x128xi32, #tpu.memory_space<vmem>> -> memref<128xi32, #tpu.memory_space<vmem>>
      %dma_start3A_412 = arith.constant 0 : i32
      %dma_start3A_413 = arith.constant 0 : i32
      %dma_start3A_414 = tpu.memref_slice %arg11[%dma_start3A_412, %dma_start3A_413] : memref<10240x32xf32, #tpu.memory_space<vmem_shared>> -> memref<10240x32xf32, #tpu.memory_space<vmem_shared>>
      %dma_start3A_415 = tpu.memref_slice %arg10[%dma_start3A_404] : memref<10x!tpu.dma_semaphore, #tpu.memory_space<semaphore_mem>> -> memref<1x!tpu.dma_semaphore, #tpu.memory_space<semaphore_mem>>
      %dma_start3A_416 = tpu.memref_squeeze %dma_start3A_415 : memref<1x!tpu.dma_semaphore, #tpu.memory_space<semaphore_mem>> -> memref<!tpu.dma_semaphore, #tpu.memory_space<semaphore_mem>>
      tpu.enqueue_indirect_dma source(%dma_start3A_408 : memref<128x32xf32, #tpu.memory_space<vmem>>) target(%dma_start3A_414 : memref<10240x32xf32, #tpu.memory_space<vmem_shared>>) offsets(%dma_start3A_411 : memref<128xi32, #tpu.memory_space<vmem>>) semaphore(%dma_start3A_416 : memref<!tpu.dma_semaphore, #tpu.memory_space<semaphore_mem>>) {add = true}
      %dma_wait3A_417 = arith.constant 8 : i32
      %dma_wait3A_418 = arith.constant 8 : i32
      %dma_wait3A_419 = arith.constant 0 : i32
      %dma_wait3A_420 = arith.constant 0 : i32
      %dma_wait3A_421 = tpu.memref_slice %arg8[%dma_wait3A_417, %dma_wait3A_419, %dma_wait3A_420] : memref<10x128x32xf32, #tpu.memory_space<vmem>> -> memref<1x128x32xf32, #tpu.memory_space<vmem>>
      %dma_wait3A_422 = tpu.memref_squeeze %dma_wait3A_421 : memref<1x128x32xf32, #tpu.memory_space<vmem>> -> memref<128x32xf32, #tpu.memory_space<vmem>>
      %dma_wait3A_423 = arith.constant 0 : i32
      %dma_wait3A_424 = tpu.memref_slice %arg6[%add3A_147, %dma_wait3A_423] : memref<160x128xi32, #tpu.memory_space<vmem>> -> memref<1x128xi32, #tpu.memory_space<vmem>>
      %dma_wait3A_425 = tpu.memref_squeeze %dma_wait3A_424 : memref<1x128xi32, #tpu.memory_space<vmem>> -> memref<128xi32, #tpu.memory_space<vmem>>
      %dma_wait3A_426 = arith.constant 0 : i32
      %dma_wait3A_427 = arith.constant 0 : i32
      %dma_wait3A_428 = tpu.memref_slice %arg12[%dma_wait3A_426, %dma_wait3A_427] : memref<10240x32xf32, #tpu.memory_space<vmem_shared>> -> memref<10240x32xf32, #tpu.memory_space<vmem_shared>>
      %dma_wait3A_429 = tpu.memref_slice %arg9[%dma_wait3A_418] : memref<10x!tpu.dma_semaphore, #tpu.memory_space<semaphore_mem>> -> memref<1x!tpu.dma_semaphore, #tpu.memory_space<semaphore_mem>>
      %dma_wait3A_430 = tpu.memref_squeeze %dma_wait3A_429 : memref<1x!tpu.dma_semaphore, #tpu.memory_space<semaphore_mem>> -> memref<!tpu.dma_semaphore, #tpu.memory_space<semaphore_mem>>
      tpu.wait_indirect_dma semaphore(%dma_wait3A_430 : memref<!tpu.dma_semaphore, #tpu.memory_space<semaphore_mem>>) src(%dma_wait3A_428 : memref<10240x32xf32, #tpu.memory_space<vmem_shared>>) dst(%dma_wait3A_422 : memref<128x32xf32, #tpu.memory_space<vmem>>)
      %add3A_431 = arith.constant 8 : i32
      %add3A_432 = arith.addi %mul3A_19, %add3A_431 : i32
      %dma_start3A_433 = arith.constant 8 : i32
      %dma_start3A_434 = arith.constant 8 : i32
      %dma_start3A_435 = arith.constant 0 : i32
      %dma_start3A_436 = arith.constant 0 : i32
      %dma_start3A_437 = tpu.memref_slice %arg8[%dma_start3A_433, %dma_start3A_435, %dma_start3A_436] : memref<10x128x32xf32, #tpu.memory_space<vmem>> -> memref<1x128x32xf32, #tpu.memory_space<vmem>>
      %dma_start3A_438 = tpu.memref_squeeze %dma_start3A_437 : memref<1x128x32xf32, #tpu.memory_space<vmem>> -> memref<128x32xf32, #tpu.memory_space<vmem>>
      %dma_start3A_439 = arith.constant 0 : i32
      %dma_start3A_440 = tpu.memref_slice %arg7[%add3A_432, %dma_start3A_439] : memref<160x128xi32, #tpu.memory_space<vmem>> -> memref<1x128xi32, #tpu.memory_space<vmem>>
      %dma_start3A_441 = tpu.memref_squeeze %dma_start3A_440 : memref<1x128xi32, #tpu.memory_space<vmem>> -> memref<128xi32, #tpu.memory_space<vmem>>
      %dma_start3A_442 = arith.constant 0 : i32
      %dma_start3A_443 = arith.constant 0 : i32
      %dma_start3A_444 = tpu.memref_slice %arg11[%dma_start3A_442, %dma_start3A_443] : memref<10240x32xf32, #tpu.memory_space<vmem_shared>> -> memref<10240x32xf32, #tpu.memory_space<vmem_shared>>
      %dma_start3A_445 = tpu.memref_slice %arg10[%dma_start3A_434] : memref<10x!tpu.dma_semaphore, #tpu.memory_space<semaphore_mem>> -> memref<1x!tpu.dma_semaphore, #tpu.memory_space<semaphore_mem>>
      %dma_start3A_446 = tpu.memref_squeeze %dma_start3A_445 : memref<1x!tpu.dma_semaphore, #tpu.memory_space<semaphore_mem>> -> memref<!tpu.dma_semaphore, #tpu.memory_space<semaphore_mem>>
      tpu.enqueue_indirect_dma source(%dma_start3A_438 : memref<128x32xf32, #tpu.memory_space<vmem>>) target(%dma_start3A_444 : memref<10240x32xf32, #tpu.memory_space<vmem_shared>>) offsets(%dma_start3A_441 : memref<128xi32, #tpu.memory_space<vmem>>) semaphore(%dma_start3A_446 : memref<!tpu.dma_semaphore, #tpu.memory_space<semaphore_mem>>) {add = true}
      %dma_wait3A_447 = arith.constant 9 : i32
      %dma_wait3A_448 = arith.constant 9 : i32
      %dma_wait3A_449 = arith.constant 0 : i32
      %dma_wait3A_450 = arith.constant 0 : i32
      %dma_wait3A_451 = tpu.memref_slice %arg8[%dma_wait3A_447, %dma_wait3A_449, %dma_wait3A_450] : memref<10x128x32xf32, #tpu.memory_space<vmem>> -> memref<1x128x32xf32, #tpu.memory_space<vmem>>
      %dma_wait3A_452 = tpu.memref_squeeze %dma_wait3A_451 : memref<1x128x32xf32, #tpu.memory_space<vmem>> -> memref<128x32xf32, #tpu.memory_space<vmem>>
      %dma_wait3A_453 = arith.constant 0 : i32
      %dma_wait3A_454 = tpu.memref_slice %arg6[%add3A_163, %dma_wait3A_453] : memref<160x128xi32, #tpu.memory_space<vmem>> -> memref<1x128xi32, #tpu.memory_space<vmem>>
      %dma_wait3A_455 = tpu.memref_squeeze %dma_wait3A_454 : memref<1x128xi32, #tpu.memory_space<vmem>> -> memref<128xi32, #tpu.memory_space<vmem>>
      %dma_wait3A_456 = arith.constant 0 : i32
      %dma_wait3A_457 = arith.constant 0 : i32
      %dma_wait3A_458 = tpu.memref_slice %arg12[%dma_wait3A_456, %dma_wait3A_457] : memref<10240x32xf32, #tpu.memory_space<vmem_shared>> -> memref<10240x32xf32, #tpu.memory_space<vmem_shared>>
      %dma_wait3A_459 = tpu.memref_slice %arg9[%dma_wait3A_448] : memref<10x!tpu.dma_semaphore, #tpu.memory_space<semaphore_mem>> -> memref<1x!tpu.dma_semaphore, #tpu.memory_space<semaphore_mem>>
      %dma_wait3A_460 = tpu.memref_squeeze %dma_wait3A_459 : memref<1x!tpu.dma_semaphore, #tpu.memory_space<semaphore_mem>> -> memref<!tpu.dma_semaphore, #tpu.memory_space<semaphore_mem>>
      tpu.wait_indirect_dma semaphore(%dma_wait3A_460 : memref<!tpu.dma_semaphore, #tpu.memory_space<semaphore_mem>>) src(%dma_wait3A_458 : memref<10240x32xf32, #tpu.memory_space<vmem_shared>>) dst(%dma_wait3A_452 : memref<128x32xf32, #tpu.memory_space<vmem>>)
      %add3A_461 = arith.constant 9 : i32
      %add3A_462 = arith.addi %mul3A_19, %add3A_461 : i32
      %dma_start3A_463 = arith.constant 9 : i32
      %dma_start3A_464 = arith.constant 9 : i32
      %dma_start3A_465 = arith.constant 0 : i32
      %dma_start3A_466 = arith.constant 0 : i32
      %dma_start3A_467 = tpu.memref_slice %arg8[%dma_start3A_463, %dma_start3A_465, %dma_start3A_466] : memref<10x128x32xf32, #tpu.memory_space<vmem>> -> memref<1x128x32xf32, #tpu.memory_space<vmem>>
      %dma_start3A_468 = tpu.memref_squeeze %dma_start3A_467 : memref<1x128x32xf32, #tpu.memory_space<vmem>> -> memref<128x32xf32, #tpu.memory_space<vmem>>
      %dma_start3A_469 = arith.constant 0 : i32
      %dma_start3A_470 = tpu.memref_slice %arg7[%add3A_462, %dma_start3A_469] : memref<160x128xi32, #tpu.memory_space<vmem>> -> memref<1x128xi32, #tpu.memory_space<vmem>>
      %dma_start3A_471 = tpu.memref_squeeze %dma_start3A_470 : memref<1x128xi32, #tpu.memory_space<vmem>> -> memref<128xi32, #tpu.memory_space<vmem>>
      %dma_start3A_472 = arith.constant 0 : i32
      %dma_start3A_473 = arith.constant 0 : i32
      %dma_start3A_474 = tpu.memref_slice %arg11[%dma_start3A_472, %dma_start3A_473] : memref<10240x32xf32, #tpu.memory_space<vmem_shared>> -> memref<10240x32xf32, #tpu.memory_space<vmem_shared>>
      %dma_start3A_475 = tpu.memref_slice %arg10[%dma_start3A_464] : memref<10x!tpu.dma_semaphore, #tpu.memory_space<semaphore_mem>> -> memref<1x!tpu.dma_semaphore, #tpu.memory_space<semaphore_mem>>
      %dma_start3A_476 = tpu.memref_squeeze %dma_start3A_475 : memref<1x!tpu.dma_semaphore, #tpu.memory_space<semaphore_mem>> -> memref<!tpu.dma_semaphore, #tpu.memory_space<semaphore_mem>>
      tpu.enqueue_indirect_dma source(%dma_start3A_468 : memref<128x32xf32, #tpu.memory_space<vmem>>) target(%dma_start3A_474 : memref<10240x32xf32, #tpu.memory_space<vmem_shared>>) offsets(%dma_start3A_471 : memref<128xi32, #tpu.memory_space<vmem>>) semaphore(%dma_start3A_476 : memref<!tpu.dma_semaphore, #tpu.memory_space<semaphore_mem>>) {add = true}
      %dma_wait3A_477 = arith.constant 0 : i32
      %dma_wait3A_478 = arith.constant 0 : i32
      %dma_wait3A_479 = arith.constant 0 : i32
      %dma_wait3A_480 = arith.constant 0 : i32
      %dma_wait3A_481 = tpu.memref_slice %arg8[%dma_wait3A_477, %dma_wait3A_479, %dma_wait3A_480] : memref<10x128x32xf32, #tpu.memory_space<vmem>> -> memref<1x128x32xf32, #tpu.memory_space<vmem>>
      %dma_wait3A_482 = tpu.memref_squeeze %dma_wait3A_481 : memref<1x128x32xf32, #tpu.memory_space<vmem>> -> memref<128x32xf32, #tpu.memory_space<vmem>>
      %dma_wait3A_483 = arith.constant 0 : i32
      %dma_wait3A_484 = tpu.memref_slice %arg7[%add3A_192, %dma_wait3A_483] : memref<160x128xi32, #tpu.memory_space<vmem>> -> memref<1x128xi32, #tpu.memory_space<vmem>>
      %dma_wait3A_485 = tpu.memref_squeeze %dma_wait3A_484 : memref<1x128xi32, #tpu.memory_space<vmem>> -> memref<128xi32, #tpu.memory_space<vmem>>
      %dma_wait3A_486 = arith.constant 0 : i32
      %dma_wait3A_487 = arith.constant 0 : i32
      %dma_wait3A_488 = tpu.memref_slice %arg11[%dma_wait3A_486, %dma_wait3A_487] : memref<10240x32xf32, #tpu.memory_space<vmem_shared>> -> memref<10240x32xf32, #tpu.memory_space<vmem_shared>>
      %dma_wait3A_489 = tpu.memref_slice %arg10[%dma_wait3A_478] : memref<10x!tpu.dma_semaphore, #tpu.memory_space<semaphore_mem>> -> memref<1x!tpu.dma_semaphore, #tpu.memory_space<semaphore_mem>>
      %dma_wait3A_490 = tpu.memref_squeeze %dma_wait3A_489 : memref<1x!tpu.dma_semaphore, #tpu.memory_space<semaphore_mem>> -> memref<!tpu.dma_semaphore, #tpu.memory_space<semaphore_mem>>
      tpu.wait_indirect_dma semaphore(%dma_wait3A_490 : memref<!tpu.dma_semaphore, #tpu.memory_space<semaphore_mem>>) src(%dma_wait3A_482 : memref<128x32xf32, #tpu.memory_space<vmem>>) dst(%dma_wait3A_488 : memref<10240x32xf32, #tpu.memory_space<vmem_shared>>)
      %dma_wait3A_491 = arith.constant 1 : i32
      %dma_wait3A_492 = arith.constant 1 : i32
      %dma_wait3A_493 = arith.constant 0 : i32
      %dma_wait3A_494 = arith.constant 0 : i32
      %dma_wait3A_495 = tpu.memref_slice %arg8[%dma_wait3A_491, %dma_wait3A_493, %dma_wait3A_494] : memref<10x128x32xf32, #tpu.memory_space<vmem>> -> memref<1x128x32xf32, #tpu.memory_space<vmem>>
      %dma_wait3A_496 = tpu.memref_squeeze %dma_wait3A_495 : memref<1x128x32xf32, #tpu.memory_space<vmem>> -> memref<128x32xf32, #tpu.memory_space<vmem>>
      %dma_wait3A_497 = arith.constant 0 : i32
      %dma_wait3A_498 = tpu.memref_slice %arg7[%add3A_222, %dma_wait3A_497] : memref<160x128xi32, #tpu.memory_space<vmem>> -> memref<1x128xi32, #tpu.memory_space<vmem>>
      %dma_wait3A_499 = tpu.memref_squeeze %dma_wait3A_498 : memref<1x128xi32, #tpu.memory_space<vmem>> -> memref<128xi32, #tpu.memory_space<vmem>>
      %dma_wait3A_500 = arith.constant 0 : i32
      %dma_wait3A_501 = arith.constant 0 : i32
      %dma_wait3A_502 = tpu.memref_slice %arg11[%dma_wait3A_500, %dma_wait3A_501] : memref<10240x32xf32, #tpu.memory_space<vmem_shared>> -> memref<10240x32xf32, #tpu.memory_space<vmem_shared>>
      %dma_wait3A_503 = tpu.memref_slice %arg10[%dma_wait3A_492] : memref<10x!tpu.dma_semaphore, #tpu.memory_space<semaphore_mem>> -> memref<1x!tpu.dma_semaphore, #tpu.memory_space<semaphore_mem>>
      %dma_wait3A_504 = tpu.memref_squeeze %dma_wait3A_503 : memref<1x!tpu.dma_semaphore, #tpu.memory_space<semaphore_mem>> -> memref<!tpu.dma_semaphore, #tpu.memory_space<semaphore_mem>>
      tpu.wait_indirect_dma semaphore(%dma_wait3A_504 : memref<!tpu.dma_semaphore, #tpu.memory_space<semaphore_mem>>) src(%dma_wait3A_496 : memref<128x32xf32, #tpu.memory_space<vmem>>) dst(%dma_wait3A_502 : memref<10240x32xf32, #tpu.memory_space<vmem_shared>>)
      %dma_wait3A_505 = arith.constant 2 : i32
      %dma_wait3A_506 = arith.constant 2 : i32
      %dma_wait3A_507 = arith.constant 0 : i32
      %dma_wait3A_508 = arith.constant 0 : i32
      %dma_wait3A_509 = tpu.memref_slice %arg8[%dma_wait3A_505, %dma_wait3A_507, %dma_wait3A_508] : memref<10x128x32xf32, #tpu.memory_space<vmem>> -> memref<1x128x32xf32, #tpu.memory_space<vmem>>
      %dma_wait3A_510 = tpu.memref_squeeze %dma_wait3A_509 : memref<1x128x32xf32, #tpu.memory_space<vmem>> -> memref<128x32xf32, #tpu.memory_space<vmem>>
      %dma_wait3A_511 = arith.constant 0 : i32
      %dma_wait3A_512 = tpu.memref_slice %arg7[%add3A_252, %dma_wait3A_511] : memref<160x128xi32, #tpu.memory_space<vmem>> -> memref<1x128xi32, #tpu.memory_space<vmem>>
      %dma_wait3A_513 = tpu.memref_squeeze %dma_wait3A_512 : memref<1x128xi32, #tpu.memory_space<vmem>> -> memref<128xi32, #tpu.memory_space<vmem>>
      %dma_wait3A_514 = arith.constant 0 : i32
      %dma_wait3A_515 = arith.constant 0 : i32
      %dma_wait3A_516 = tpu.memref_slice %arg11[%dma_wait3A_514, %dma_wait3A_515] : memref<10240x32xf32, #tpu.memory_space<vmem_shared>> -> memref<10240x32xf32, #tpu.memory_space<vmem_shared>>
      %dma_wait3A_517 = tpu.memref_slice %arg10[%dma_wait3A_506] : memref<10x!tpu.dma_semaphore, #tpu.memory_space<semaphore_mem>> -> memref<1x!tpu.dma_semaphore, #tpu.memory_space<semaphore_mem>>
      %dma_wait3A_518 = tpu.memref_squeeze %dma_wait3A_517 : memref<1x!tpu.dma_semaphore, #tpu.memory_space<semaphore_mem>> -> memref<!tpu.dma_semaphore, #tpu.memory_space<semaphore_mem>>
      tpu.wait_indirect_dma semaphore(%dma_wait3A_518 : memref<!tpu.dma_semaphore, #tpu.memory_space<semaphore_mem>>) src(%dma_wait3A_510 : memref<128x32xf32, #tpu.memory_space<vmem>>) dst(%dma_wait3A_516 : memref<10240x32xf32, #tpu.memory_space<vmem_shared>>)
      %dma_wait3A_519 = arith.constant 3 : i32
      %dma_wait3A_520 = arith.constant 3 : i32
      %dma_wait3A_521 = arith.constant 0 : i32
      %dma_wait3A_522 = arith.constant 0 : i32
      %dma_wait3A_523 = tpu.memref_slice %arg8[%dma_wait3A_519, %dma_wait3A_521, %dma_wait3A_522] : memref<10x128x32xf32, #tpu.memory_space<vmem>> -> memref<1x128x32xf32, #tpu.memory_space<vmem>>
      %dma_wait3A_524 = tpu.memref_squeeze %dma_wait3A_523 : memref<1x128x32xf32, #tpu.memory_space<vmem>> -> memref<128x32xf32, #tpu.memory_space<vmem>>
      %dma_wait3A_525 = arith.constant 0 : i32
      %dma_wait3A_526 = tpu.memref_slice %arg7[%add3A_282, %dma_wait3A_525] : memref<160x128xi32, #tpu.memory_space<vmem>> -> memref<1x128xi32, #tpu.memory_space<vmem>>
      %dma_wait3A_527 = tpu.memref_squeeze %dma_wait3A_526 : memref<1x128xi32, #tpu.memory_space<vmem>> -> memref<128xi32, #tpu.memory_space<vmem>>
      %dma_wait3A_528 = arith.constant 0 : i32
      %dma_wait3A_529 = arith.constant 0 : i32
      %dma_wait3A_530 = tpu.memref_slice %arg11[%dma_wait3A_528, %dma_wait3A_529] : memref<10240x32xf32, #tpu.memory_space<vmem_shared>> -> memref<10240x32xf32, #tpu.memory_space<vmem_shared>>
      %dma_wait3A_531 = tpu.memref_slice %arg10[%dma_wait3A_520] : memref<10x!tpu.dma_semaphore, #tpu.memory_space<semaphore_mem>> -> memref<1x!tpu.dma_semaphore, #tpu.memory_space<semaphore_mem>>
      %dma_wait3A_532 = tpu.memref_squeeze %dma_wait3A_531 : memref<1x!tpu.dma_semaphore, #tpu.memory_space<semaphore_mem>> -> memref<!tpu.dma_semaphore, #tpu.memory_space<semaphore_mem>>
      tpu.wait_indirect_dma semaphore(%dma_wait3A_532 : memref<!tpu.dma_semaphore, #tpu.memory_space<semaphore_mem>>) src(%dma_wait3A_524 : memref<128x32xf32, #tpu.memory_space<vmem>>) dst(%dma_wait3A_530 : memref<10240x32xf32, #tpu.memory_space<vmem_shared>>)
      %dma_wait3A_533 = arith.constant 4 : i32
      %dma_wait3A_534 = arith.constant 4 : i32
      %dma_wait3A_535 = arith.constant 0 : i32
      %dma_wait3A_536 = arith.constant 0 : i32
      %dma_wait3A_537 = tpu.memref_slice %arg8[%dma_wait3A_533, %dma_wait3A_535, %dma_wait3A_536] : memref<10x128x32xf32, #tpu.memory_space<vmem>> -> memref<1x128x32xf32, #tpu.memory_space<vmem>>
      %dma_wait3A_538 = tpu.memref_squeeze %dma_wait3A_537 : memref<1x128x32xf32, #tpu.memory_space<vmem>> -> memref<128x32xf32, #tpu.memory_space<vmem>>
      %dma_wait3A_539 = arith.constant 0 : i32
      %dma_wait3A_540 = tpu.memref_slice %arg7[%add3A_312, %dma_wait3A_539] : memref<160x128xi32, #tpu.memory_space<vmem>> -> memref<1x128xi32, #tpu.memory_space<vmem>>
      %dma_wait3A_541 = tpu.memref_squeeze %dma_wait3A_540 : memref<1x128xi32, #tpu.memory_space<vmem>> -> memref<128xi32, #tpu.memory_space<vmem>>
      %dma_wait3A_542 = arith.constant 0 : i32
      %dma_wait3A_543 = arith.constant 0 : i32
      %dma_wait3A_544 = tpu.memref_slice %arg11[%dma_wait3A_542, %dma_wait3A_543] : memref<10240x32xf32, #tpu.memory_space<vmem_shared>> -> memref<10240x32xf32, #tpu.memory_space<vmem_shared>>
      %dma_wait3A_545 = tpu.memref_slice %arg10[%dma_wait3A_534] : memref<10x!tpu.dma_semaphore, #tpu.memory_space<semaphore_mem>> -> memref<1x!tpu.dma_semaphore, #tpu.memory_space<semaphore_mem>>
      %dma_wait3A_546 = tpu.memref_squeeze %dma_wait3A_545 : memref<1x!tpu.dma_semaphore, #tpu.memory_space<semaphore_mem>> -> memref<!tpu.dma_semaphore, #tpu.memory_space<semaphore_mem>>
      tpu.wait_indirect_dma semaphore(%dma_wait3A_546 : memref<!tpu.dma_semaphore, #tpu.memory_space<semaphore_mem>>) src(%dma_wait3A_538 : memref<128x32xf32, #tpu.memory_space<vmem>>) dst(%dma_wait3A_544 : memref<10240x32xf32, #tpu.memory_space<vmem_shared>>)
      %dma_wait3A_547 = arith.constant 5 : i32
      %dma_wait3A_548 = arith.constant 5 : i32
      %dma_wait3A_549 = arith.constant 0 : i32
      %dma_wait3A_550 = arith.constant 0 : i32
      %dma_wait3A_551 = tpu.memref_slice %arg8[%dma_wait3A_547, %dma_wait3A_549, %dma_wait3A_550] : memref<10x128x32xf32, #tpu.memory_space<vmem>> -> memref<1x128x32xf32, #tpu.memory_space<vmem>>
      %dma_wait3A_552 = tpu.memref_squeeze %dma_wait3A_551 : memref<1x128x32xf32, #tpu.memory_space<vmem>> -> memref<128x32xf32, #tpu.memory_space<vmem>>
      %dma_wait3A_553 = arith.constant 0 : i32
      %dma_wait3A_554 = tpu.memref_slice %arg7[%add3A_342, %dma_wait3A_553] : memref<160x128xi32, #tpu.memory_space<vmem>> -> memref<1x128xi32, #tpu.memory_space<vmem>>
      %dma_wait3A_555 = tpu.memref_squeeze %dma_wait3A_554 : memref<1x128xi32, #tpu.memory_space<vmem>> -> memref<128xi32, #tpu.memory_space<vmem>>
      %dma_wait3A_556 = arith.constant 0 : i32
      %dma_wait3A_557 = arith.constant 0 : i32
      %dma_wait3A_558 = tpu.memref_slice %arg11[%dma_wait3A_556, %dma_wait3A_557] : memref<10240x32xf32, #tpu.memory_space<vmem_shared>> -> memref<10240x32xf32, #tpu.memory_space<vmem_shared>>
      %dma_wait3A_559 = tpu.memref_slice %arg10[%dma_wait3A_548] : memref<10x!tpu.dma_semaphore, #tpu.memory_space<semaphore_mem>> -> memref<1x!tpu.dma_semaphore, #tpu.memory_space<semaphore_mem>>
      %dma_wait3A_560 = tpu.memref_squeeze %dma_wait3A_559 : memref<1x!tpu.dma_semaphore, #tpu.memory_space<semaphore_mem>> -> memref<!tpu.dma_semaphore, #tpu.memory_space<semaphore_mem>>
      tpu.wait_indirect_dma semaphore(%dma_wait3A_560 : memref<!tpu.dma_semaphore, #tpu.memory_space<semaphore_mem>>) src(%dma_wait3A_552 : memref<128x32xf32, #tpu.memory_space<vmem>>) dst(%dma_wait3A_558 : memref<10240x32xf32, #tpu.memory_space<vmem_shared>>)
      %dma_wait3A_561 = arith.constant 6 : i32
      %dma_wait3A_562 = arith.constant 6 : i32
      %dma_wait3A_563 = arith.constant 0 : i32
      %dma_wait3A_564 = arith.constant 0 : i32
      %dma_wait3A_565 = tpu.memref_slice %arg8[%dma_wait3A_561, %dma_wait3A_563, %dma_wait3A_564] : memref<10x128x32xf32, #tpu.memory_space<vmem>> -> memref<1x128x32xf32, #tpu.memory_space<vmem>>
      %dma_wait3A_566 = tpu.memref_squeeze %dma_wait3A_565 : memref<1x128x32xf32, #tpu.memory_space<vmem>> -> memref<128x32xf32, #tpu.memory_space<vmem>>
      %dma_wait3A_567 = arith.constant 0 : i32
      %dma_wait3A_568 = tpu.memref_slice %arg7[%add3A_372, %dma_wait3A_567] : memref<160x128xi32, #tpu.memory_space<vmem>> -> memref<1x128xi32, #tpu.memory_space<vmem>>
      %dma_wait3A_569 = tpu.memref_squeeze %dma_wait3A_568 : memref<1x128xi32, #tpu.memory_space<vmem>> -> memref<128xi32, #tpu.memory_space<vmem>>
      %dma_wait3A_570 = arith.constant 0 : i32
      %dma_wait3A_571 = arith.constant 0 : i32
      %dma_wait3A_572 = tpu.memref_slice %arg11[%dma_wait3A_570, %dma_wait3A_571] : memref<10240x32xf32, #tpu.memory_space<vmem_shared>> -> memref<10240x32xf32, #tpu.memory_space<vmem_shared>>
      %dma_wait3A_573 = tpu.memref_slice %arg10[%dma_wait3A_562] : memref<10x!tpu.dma_semaphore, #tpu.memory_space<semaphore_mem>> -> memref<1x!tpu.dma_semaphore, #tpu.memory_space<semaphore_mem>>
      %dma_wait3A_574 = tpu.memref_squeeze %dma_wait3A_573 : memref<1x!tpu.dma_semaphore, #tpu.memory_space<semaphore_mem>> -> memref<!tpu.dma_semaphore, #tpu.memory_space<semaphore_mem>>
      tpu.wait_indirect_dma semaphore(%dma_wait3A_574 : memref<!tpu.dma_semaphore, #tpu.memory_space<semaphore_mem>>) src(%dma_wait3A_566 : memref<128x32xf32, #tpu.memory_space<vmem>>) dst(%dma_wait3A_572 : memref<10240x32xf32, #tpu.memory_space<vmem_shared>>)
      %dma_wait3A_575 = arith.constant 7 : i32
      %dma_wait3A_576 = arith.constant 7 : i32
      %dma_wait3A_577 = arith.constant 0 : i32
      %dma_wait3A_578 = arith.constant 0 : i32
      %dma_wait3A_579 = tpu.memref_slice %arg8[%dma_wait3A_575, %dma_wait3A_577, %dma_wait3A_578] : memref<10x128x32xf32, #tpu.memory_space<vmem>> -> memref<1x128x32xf32, #tpu.memory_space<vmem>>
      %dma_wait3A_580 = tpu.memref_squeeze %dma_wait3A_579 : memref<1x128x32xf32, #tpu.memory_space<vmem>> -> memref<128x32xf32, #tpu.memory_space<vmem>>
      %dma_wait3A_581 = arith.constant 0 : i32
      %dma_wait3A_582 = tpu.memref_slice %arg7[%add3A_402, %dma_wait3A_581] : memref<160x128xi32, #tpu.memory_space<vmem>> -> memref<1x128xi32, #tpu.memory_space<vmem>>
      %dma_wait3A_583 = tpu.memref_squeeze %dma_wait3A_582 : memref<1x128xi32, #tpu.memory_space<vmem>> -> memref<128xi32, #tpu.memory_space<vmem>>
      %dma_wait3A_584 = arith.constant 0 : i32
      %dma_wait3A_585 = arith.constant 0 : i32
      %dma_wait3A_586 = tpu.memref_slice %arg11[%dma_wait3A_584, %dma_wait3A_585] : memref<10240x32xf32, #tpu.memory_space<vmem_shared>> -> memref<10240x32xf32, #tpu.memory_space<vmem_shared>>
      %dma_wait3A_587 = tpu.memref_slice %arg10[%dma_wait3A_576] : memref<10x!tpu.dma_semaphore, #tpu.memory_space<semaphore_mem>> -> memref<1x!tpu.dma_semaphore, #tpu.memory_space<semaphore_mem>>
      %dma_wait3A_588 = tpu.memref_squeeze %dma_wait3A_587 : memref<1x!tpu.dma_semaphore, #tpu.memory_space<semaphore_mem>> -> memref<!tpu.dma_semaphore, #tpu.memory_space<semaphore_mem>>
      tpu.wait_indirect_dma semaphore(%dma_wait3A_588 : memref<!tpu.dma_semaphore, #tpu.memory_space<semaphore_mem>>) src(%dma_wait3A_580 : memref<128x32xf32, #tpu.memory_space<vmem>>) dst(%dma_wait3A_586 : memref<10240x32xf32, #tpu.memory_space<vmem_shared>>)
      %dma_wait3A_589 = arith.constant 8 : i32
      %dma_wait3A_590 = arith.constant 8 : i32
      %dma_wait3A_591 = arith.constant 0 : i32
      %dma_wait3A_592 = arith.constant 0 : i32
      %dma_wait3A_593 = tpu.memref_slice %arg8[%dma_wait3A_589, %dma_wait3A_591, %dma_wait3A_592] : memref<10x128x32xf32, #tpu.memory_space<vmem>> -> memref<1x128x32xf32, #tpu.memory_space<vmem>>
      %dma_wait3A_594 = tpu.memref_squeeze %dma_wait3A_593 : memref<1x128x32xf32, #tpu.memory_space<vmem>> -> memref<128x32xf32, #tpu.memory_space<vmem>>
      %dma_wait3A_595 = arith.constant 0 : i32
      %dma_wait3A_596 = tpu.memref_slice %arg7[%add3A_432, %dma_wait3A_595] : memref<160x128xi32, #tpu.memory_space<vmem>> -> memref<1x128xi32, #tpu.memory_space<vmem>>
      %dma_wait3A_597 = tpu.memref_squeeze %dma_wait3A_596 : memref<1x128xi32, #tpu.memory_space<vmem>> -> memref<128xi32, #tpu.memory_space<vmem>>
      %dma_wait3A_598 = arith.constant 0 : i32
      %dma_wait3A_599 = arith.constant 0 : i32
      %dma_wait3A_600 = tpu.memref_slice %arg11[%dma_wait3A_598, %dma_wait3A_599] : memref<10240x32xf32, #tpu.memory_space<vmem_shared>> -> memref<10240x32xf32, #tpu.memory_space<vmem_shared>>
      %dma_wait3A_601 = tpu.memref_slice %arg10[%dma_wait3A_590] : memref<10x!tpu.dma_semaphore, #tpu.memory_space<semaphore_mem>> -> memref<1x!tpu.dma_semaphore, #tpu.memory_space<semaphore_mem>>
      %dma_wait3A_602 = tpu.memref_squeeze %dma_wait3A_601 : memref<1x!tpu.dma_semaphore, #tpu.memory_space<semaphore_mem>> -> memref<!tpu.dma_semaphore, #tpu.memory_space<semaphore_mem>>
      tpu.wait_indirect_dma semaphore(%dma_wait3A_602 : memref<!tpu.dma_semaphore, #tpu.memory_space<semaphore_mem>>) src(%dma_wait3A_594 : memref<128x32xf32, #tpu.memory_space<vmem>>) dst(%dma_wait3A_600 : memref<10240x32xf32, #tpu.memory_space<vmem_shared>>)
      %dma_wait3A_603 = arith.constant 9 : i32
      %dma_wait3A_604 = arith.constant 9 : i32
      %dma_wait3A_605 = arith.constant 0 : i32
      %dma_wait3A_606 = arith.constant 0 : i32
      %dma_wait3A_607 = tpu.memref_slice %arg8[%dma_wait3A_603, %dma_wait3A_605, %dma_wait3A_606] : memref<10x128x32xf32, #tpu.memory_space<vmem>> -> memref<1x128x32xf32, #tpu.memory_space<vmem>>
      %dma_wait3A_608 = tpu.memref_squeeze %dma_wait3A_607 : memref<1x128x32xf32, #tpu.memory_space<vmem>> -> memref<128x32xf32, #tpu.memory_space<vmem>>
      %dma_wait3A_609 = arith.constant 0 : i32
      %dma_wait3A_610 = tpu.memref_slice %arg7[%add3A_462, %dma_wait3A_609] : memref<160x128xi32, #tpu.memory_space<vmem>> -> memref<1x128xi32, #tpu.memory_space<vmem>>
      %dma_wait3A_611 = tpu.memref_squeeze %dma_wait3A_610 : memref<1x128xi32, #tpu.memory_space<vmem>> -> memref<128xi32, #tpu.memory_space<vmem>>
      %dma_wait3A_612 = arith.constant 0 : i32
      %dma_wait3A_613 = arith.constant 0 : i32
      %dma_wait3A_614 = tpu.memref_slice %arg11[%dma_wait3A_612, %dma_wait3A_613] : memref<10240x32xf32, #tpu.memory_space<vmem_shared>> -> memref<10240x32xf32, #tpu.memory_space<vmem_shared>>
      %dma_wait3A_615 = tpu.memref_slice %arg10[%dma_wait3A_604] : memref<10x!tpu.dma_semaphore, #tpu.memory_space<semaphore_mem>> -> memref<1x!tpu.dma_semaphore, #tpu.memory_space<semaphore_mem>>
      %dma_wait3A_616 = tpu.memref_squeeze %dma_wait3A_615 : memref<1x!tpu.dma_semaphore, #tpu.memory_space<semaphore_mem>> -> memref<!tpu.dma_semaphore, #tpu.memory_space<semaphore_mem>>
      tpu.wait_indirect_dma semaphore(%dma_wait3A_616 : memref<!tpu.dma_semaphore, #tpu.memory_space<semaphore_mem>>) src(%dma_wait3A_608 : memref<128x32xf32, #tpu.memory_space<vmem>>) dst(%dma_wait3A_614 : memref<10240x32xf32, #tpu.memory_space<vmem_shared>>)
    }
    %scan3A_11 = arith.constant 16 : i32
    %barrier3A_12 = arith.constant 0 : index
    tpu.barrier barrier_id(%barrier3A_12)
    %mul3A_13 = arith.constant 640 : i32
    %mul3A_14 = arith.muli %arg1, %mul3A_13 : i32
    %mul3A_15 = arith.constant 640 : i32
    %mul3A_16 = arith.muli %arg1, %mul3A_15 : i32
    "tpu.region"() ({
      %run_scoped3A = tpu.sem_alloc : memref<!tpu.dma_semaphore, #tpu.memory_space<semaphore_mem>>
      %dma_start3A = arith.constant 0 : i32
      %dma_start3A_17 = tpu.memref_slice %arg5[%arg0, %mul3A_16, %dma_start3A] : memref<2x10240x32xf32, #tpu.memory_space<hbm>> -> memref<1x640x32xf32, #tpu.memory_space<hbm>>
      %dma_start3A_18 = tpu.memref_squeeze %dma_start3A_17 : memref<1x640x32xf32, #tpu.memory_space<hbm>> -> memref<640x32xf32, #tpu.memory_space<hbm>>
      %dma_start3A_19 = arith.constant 0 : i32
      %dma_start3A_20 = tpu.memref_slice %arg11[%mul3A_14, %dma_start3A_19] : memref<10240x32xf32, #tpu.memory_space<vmem_shared>> -> memref<640x32xf32, #tpu.memory_space<vmem_shared>>
      tpu.enqueue_dma source(%dma_start3A_20 : memref<640x32xf32, #tpu.memory_space<vmem_shared>>) target(%dma_start3A_18 : memref<640x32xf32, #tpu.memory_space<hbm>>) target_semaphore(%run_scoped3A : memref<!tpu.dma_semaphore, #tpu.memory_space<semaphore_mem>>)
      %dma_wait3A = arith.constant 0 : i32
      %dma_wait3A_21 = tpu.memref_slice %arg5[%arg0, %mul3A_16, %dma_wait3A] : memref<2x10240x32xf32, #tpu.memory_space<hbm>> -> memref<1x640x32xf32, #tpu.memory_space<hbm>>
      %dma_wait3A_22 = tpu.memref_squeeze %dma_wait3A_21 : memref<1x640x32xf32, #tpu.memory_space<hbm>> -> memref<640x32xf32, #tpu.memory_space<hbm>>
      %dma_wait3A_23 = arith.constant 0 : i32
      %dma_wait3A_24 = tpu.memref_slice %arg11[%mul3A_14, %dma_wait3A_23] : memref<10240x32xf32, #tpu.memory_space<vmem_shared>> -> memref<640x32xf32, #tpu.memory_space<vmem_shared>>
      tpu.wait_dma2 semaphore(%run_scoped3A : memref<!tpu.dma_semaphore, #tpu.memory_space<semaphore_mem>>) src(%dma_wait3A_24 : memref<640x32xf32, #tpu.memory_space<vmem_shared>>) dst(%dma_wait3A_22 : memref<640x32xf32, #tpu.memory_space<hbm>>)
      tpu.yield
    }) : () -> ()
    return
  }
}

#map = affine_map<(d0, d1) -> (0, 0, 0)>
#map1 = affine_map<(d0, d1) -> (0, 0)>
module attributes {stable_mosaic.version = 14 : i64} {
  func.func @deg(%arg0: i32, %arg1: i32, %arg2: memref<16x160x128xi32, #tpu.memory_space<hbm>>, %arg3: memref<2x10240xf32, #tpu.memory_space<hbm>>, %arg4: memref<640xf32, #tpu.memory_space<vmem>>, %arg5: memref<128xf32, #tpu.memory_space<vmem>>, %arg6: memref<160x128xi32, #tpu.memory_space<vmem>>, %arg7: memref<10240xf32, #tpu.memory_space<vmem_shared>>) attributes {dimension_semantics = [#tpu.dimension_semantics<core_parallel>, #tpu.dimension_semantics<subcore_parallel>], iteration_bounds = array<i64: 2, 16>, scalar_prefetch = 0 : i64, scratch_operands = 4 : i64, tpu.core_type = #tpu.core_type<sc_vector_subcore>, window_params = [{transform_indices = #map}, {transform_indices = #map1}]} {
    %broadcast_in_dim3A = arith.constant 1.000000e+00 : f32
    %broadcast_in_dim3A_0 = vector.broadcast %broadcast_in_dim3A : f32 to vector<16xf32>
    %swap3A = arith.constant 0 : index
    %swap3A_1 = tpu.vector_load %arg4[%swap3A] {strides = array<i32>} : memref<640xf32, #tpu.memory_space<vmem>>, vector<16xf32>,
    %swap3A_2 = vector.shape_cast %swap3A_1 : vector<16xf32> to vector<16xf32>
    %swap3A_3 = vector.shape_cast %broadcast_in_dim3A_0 : vector<16xf32> to vector<16xf32>
    tpu.vector_store %arg4[%swap3A], %swap3A_3 {strides = array<i32>} : memref<640xf32, #tpu.memory_space<vmem>>, vector<16xf32>,
    %broadcast_in_dim3A_4 = arith.constant 1.000000e+00 : f32
    %broadcast_in_dim3A_5 = vector.broadcast %broadcast_in_dim3A_4 : f32 to vector<16xf32>
    %swap3A_6 = arith.constant 16 : index
    %swap3A_7 = tpu.vector_load %arg4[%swap3A_6] {strides = array<i32>} : memref<640xf32, #tpu.memory_space<vmem>>, vector<16xf32>,
    %swap3A_8 = vector.shape_cast %swap3A_7 : vector<16xf32> to vector<16xf32>
    %swap3A_9 = vector.shape_cast %broadcast_in_dim3A_5 : vector<16xf32> to vector<16xf32>
    tpu.vector_store %arg4[%swap3A_6], %swap3A_9 {strides = array<i32>} : memref<640xf32, #tpu.memory_space<vmem>>, vector<16xf32>,
    %broadcast_in_dim3A_10 = arith.constant 1.000000e+00 : f32
    %broadcast_in_dim3A_11 = vector.broadcast %broadcast_in_dim3A_10 : f32 to vector<16xf32>
    %swap3A_12 = arith.constant 32 : index
    %swap3A_13 = tpu.vector_load %arg4[%swap3A_12] {strides = array<i32>} : memref<640xf32, #tpu.memory_space<vmem>>, vector<16xf32>,
    %swap3A_14 = vector.shape_cast %swap3A_13 : vector<16xf32> to vector<16xf32>
    %swap3A_15 = vector.shape_cast %broadcast_in_dim3A_11 : vector<16xf32> to vector<16xf32>
    tpu.vector_store %arg4[%swap3A_12], %swap3A_15 {strides = array<i32>} : memref<640xf32, #tpu.memory_space<vmem>>, vector<16xf32>,
    %broadcast_in_dim3A_16 = arith.constant 1.000000e+00 : f32
    %broadcast_in_dim3A_17 = vector.broadcast %broadcast_in_dim3A_16 : f32 to vector<16xf32>
    %swap3A_18 = arith.constant 48 : index
    %swap3A_19 = tpu.vector_load %arg4[%swap3A_18] {strides = array<i32>} : memref<640xf32, #tpu.memory_space<vmem>>, vector<16xf32>,
    %swap3A_20 = vector.shape_cast %swap3A_19 : vector<16xf32> to vector<16xf32>
    %swap3A_21 = vector.shape_cast %broadcast_in_dim3A_17 : vector<16xf32> to vector<16xf32>
    tpu.vector_store %arg4[%swap3A_18], %swap3A_21 {strides = array<i32>} : memref<640xf32, #tpu.memory_space<vmem>>, vector<16xf32>,
    %broadcast_in_dim3A_22 = arith.constant 1.000000e+00 : f32
    %broadcast_in_dim3A_23 = vector.broadcast %broadcast_in_dim3A_22 : f32 to vector<16xf32>
    %swap3A_24 = arith.constant 64 : index
    %swap3A_25 = tpu.vector_load %arg4[%swap3A_24] {strides = array<i32>} : memref<640xf32, #tpu.memory_space<vmem>>, vector<16xf32>,
    %swap3A_26 = vector.shape_cast %swap3A_25 : vector<16xf32> to vector<16xf32>
    %swap3A_27 = vector.shape_cast %broadcast_in_dim3A_23 : vector<16xf32> to vector<16xf32>
    tpu.vector_store %arg4[%swap3A_24], %swap3A_27 {strides = array<i32>} : memref<640xf32, #tpu.memory_space<vmem>>, vector<16xf32>,
    %broadcast_in_dim3A_28 = arith.constant 1.000000e+00 : f32
    %broadcast_in_dim3A_29 = vector.broadcast %broadcast_in_dim3A_28 : f32 to vector<16xf32>
    %swap3A_30 = arith.constant 80 : index
    %swap3A_31 = tpu.vector_load %arg4[%swap3A_30] {strides = array<i32>} : memref<640xf32, #tpu.memory_space<vmem>>, vector<16xf32>,
    %swap3A_32 = vector.shape_cast %swap3A_31 : vector<16xf32> to vector<16xf32>
    %swap3A_33 = vector.shape_cast %broadcast_in_dim3A_29 : vector<16xf32> to vector<16xf32>
    tpu.vector_store %arg4[%swap3A_30], %swap3A_33 {strides = array<i32>} : memref<640xf32, #tpu.memory_space<vmem>>, vector<16xf32>,
    %broadcast_in_dim3A_34 = arith.constant 1.000000e+00 : f32
    %broadcast_in_dim3A_35 = vector.broadcast %broadcast_in_dim3A_34 : f32 to vector<16xf32>
    %swap3A_36 = arith.constant 96 : index
    %swap3A_37 = tpu.vector_load %arg4[%swap3A_36] {strides = array<i32>} : memref<640xf32, #tpu.memory_space<vmem>>, vector<16xf32>,
    %swap3A_38 = vector.shape_cast %swap3A_37 : vector<16xf32> to vector<16xf32>
    %swap3A_39 = vector.shape_cast %broadcast_in_dim3A_35 : vector<16xf32> to vector<16xf32>
    tpu.vector_store %arg4[%swap3A_36], %swap3A_39 {strides = array<i32>} : memref<640xf32, #tpu.memory_space<vmem>>, vector<16xf32>,
    %broadcast_in_dim3A_40 = arith.constant 1.000000e+00 : f32
    %broadcast_in_dim3A_41 = vector.broadcast %broadcast_in_dim3A_40 : f32 to vector<16xf32>
    %swap3A_42 = arith.constant 112 : index
    %swap3A_43 = tpu.vector_load %arg4[%swap3A_42] {strides = array<i32>} : memref<640xf32, #tpu.memory_space<vmem>>, vector<16xf32>,
    %swap3A_44 = vector.shape_cast %swap3A_43 : vector<16xf32> to vector<16xf32>
    %swap3A_45 = vector.shape_cast %broadcast_in_dim3A_41 : vector<16xf32> to vector<16xf32>
    tpu.vector_store %arg4[%swap3A_42], %swap3A_45 {strides = array<i32>} : memref<640xf32, #tpu.memory_space<vmem>>, vector<16xf32>,
    %broadcast_in_dim3A_46 = arith.constant 1.000000e+00 : f32
    %broadcast_in_dim3A_47 = vector.broadcast %broadcast_in_dim3A_46 : f32 to vector<16xf32>
    %swap3A_48 = arith.constant 128 : index
    %swap3A_49 = tpu.vector_load %arg4[%swap3A_48] {strides = array<i32>} : memref<640xf32, #tpu.memory_space<vmem>>, vector<16xf32>,
    %swap3A_50 = vector.shape_cast %swap3A_49 : vector<16xf32> to vector<16xf32>
    %swap3A_51 = vector.shape_cast %broadcast_in_dim3A_47 : vector<16xf32> to vector<16xf32>
    tpu.vector_store %arg4[%swap3A_48], %swap3A_51 {strides = array<i32>} : memref<640xf32, #tpu.memory_space<vmem>>, vector<16xf32>,
    %broadcast_in_dim3A_52 = arith.constant 1.000000e+00 : f32
    %broadcast_in_dim3A_53 = vector.broadcast %broadcast_in_dim3A_52 : f32 to vector<16xf32>
    %swap3A_54 = arith.constant 144 : index
    %swap3A_55 = tpu.vector_load %arg4[%swap3A_54] {strides = array<i32>} : memref<640xf32, #tpu.memory_space<vmem>>, vector<16xf32>,
    %swap3A_56 = vector.shape_cast %swap3A_55 : vector<16xf32> to vector<16xf32>
    %swap3A_57 = vector.shape_cast %broadcast_in_dim3A_53 : vector<16xf32> to vector<16xf32>
    tpu.vector_store %arg4[%swap3A_54], %swap3A_57 {strides = array<i32>} : memref<640xf32, #tpu.memory_space<vmem>>, vector<16xf32>,
    %broadcast_in_dim3A_58 = arith.constant 1.000000e+00 : f32
    %broadcast_in_dim3A_59 = vector.broadcast %broadcast_in_dim3A_58 : f32 to vector<16xf32>
    %swap3A_60 = arith.constant 160 : index
    %swap3A_61 = tpu.vector_load %arg4[%swap3A_60] {strides = array<i32>} : memref<640xf32, #tpu.memory_space<vmem>>, vector<16xf32>,
    %swap3A_62 = vector.shape_cast %swap3A_61 : vector<16xf32> to vector<16xf32>
    %swap3A_63 = vector.shape_cast %broadcast_in_dim3A_59 : vector<16xf32> to vector<16xf32>
    tpu.vector_store %arg4[%swap3A_60], %swap3A_63 {strides = array<i32>} : memref<640xf32, #tpu.memory_space<vmem>>, vector<16xf32>,
    %broadcast_in_dim3A_64 = arith.constant 1.000000e+00 : f32
    %broadcast_in_dim3A_65 = vector.broadcast %broadcast_in_dim3A_64 : f32 to vector<16xf32>
    %swap3A_66 = arith.constant 176 : index
    %swap3A_67 = tpu.vector_load %arg4[%swap3A_66] {strides = array<i32>} : memref<640xf32, #tpu.memory_space<vmem>>, vector<16xf32>,
    %swap3A_68 = vector.shape_cast %swap3A_67 : vector<16xf32> to vector<16xf32>
    %swap3A_69 = vector.shape_cast %broadcast_in_dim3A_65 : vector<16xf32> to vector<16xf32>
    tpu.vector_store %arg4[%swap3A_66], %swap3A_69 {strides = array<i32>} : memref<640xf32, #tpu.memory_space<vmem>>, vector<16xf32>,
    %broadcast_in_dim3A_70 = arith.constant 1.000000e+00 : f32
    %broadcast_in_dim3A_71 = vector.broadcast %broadcast_in_dim3A_70 : f32 to vector<16xf32>
    %swap3A_72 = arith.constant 192 : index
    %swap3A_73 = tpu.vector_load %arg4[%swap3A_72] {strides = array<i32>} : memref<640xf32, #tpu.memory_space<vmem>>, vector<16xf32>,
    %swap3A_74 = vector.shape_cast %swap3A_73 : vector<16xf32> to vector<16xf32>
    %swap3A_75 = vector.shape_cast %broadcast_in_dim3A_71 : vector<16xf32> to vector<16xf32>
    tpu.vector_store %arg4[%swap3A_72], %swap3A_75 {strides = array<i32>} : memref<640xf32, #tpu.memory_space<vmem>>, vector<16xf32>,
    %broadcast_in_dim3A_76 = arith.constant 1.000000e+00 : f32
    %broadcast_in_dim3A_77 = vector.broadcast %broadcast_in_dim3A_76 : f32 to vector<16xf32>
    %swap3A_78 = arith.constant 208 : index
    %swap3A_79 = tpu.vector_load %arg4[%swap3A_78] {strides = array<i32>} : memref<640xf32, #tpu.memory_space<vmem>>, vector<16xf32>,
    %swap3A_80 = vector.shape_cast %swap3A_79 : vector<16xf32> to vector<16xf32>
    %swap3A_81 = vector.shape_cast %broadcast_in_dim3A_77 : vector<16xf32> to vector<16xf32>
    tpu.vector_store %arg4[%swap3A_78], %swap3A_81 {strides = array<i32>} : memref<640xf32, #tpu.memory_space<vmem>>, vector<16xf32>,
    %broadcast_in_dim3A_82 = arith.constant 1.000000e+00 : f32
    %broadcast_in_dim3A_83 = vector.broadcast %broadcast_in_dim3A_82 : f32 to vector<16xf32>
    %swap3A_84 = arith.constant 224 : index
    %swap3A_85 = tpu.vector_load %arg4[%swap3A_84] {strides = array<i32>} : memref<640xf32, #tpu.memory_space<vmem>>, vector<16xf32>,
    %swap3A_86 = vector.shape_cast %swap3A_85 : vector<16xf32> to vector<16xf32>
    %swap3A_87 = vector.shape_cast %broadcast_in_dim3A_83 : vector<16xf32> to vector<16xf32>
    tpu.vector_store %arg4[%swap3A_84], %swap3A_87 {strides = array<i32>} : memref<640xf32, #tpu.memory_space<vmem>>, vector<16xf32>,
    %broadcast_in_dim3A_88 = arith.constant 1.000000e+00 : f32
    %broadcast_in_dim3A_89 = vector.broadcast %broadcast_in_dim3A_88 : f32 to vector<16xf32>
    %swap3A_90 = arith.constant 240 : index
    %swap3A_91 = tpu.vector_load %arg4[%swap3A_90] {strides = array<i32>} : memref<640xf32, #tpu.memory_space<vmem>>, vector<16xf32>,
    %swap3A_92 = vector.shape_cast %swap3A_91 : vector<16xf32> to vector<16xf32>
    %swap3A_93 = vector.shape_cast %broadcast_in_dim3A_89 : vector<16xf32> to vector<16xf32>
    tpu.vector_store %arg4[%swap3A_90], %swap3A_93 {strides = array<i32>} : memref<640xf32, #tpu.memory_space<vmem>>, vector<16xf32>,
    %broadcast_in_dim3A_94 = arith.constant 1.000000e+00 : f32
    %broadcast_in_dim3A_95 = vector.broadcast %broadcast_in_dim3A_94 : f32 to vector<16xf32>
    %swap3A_96 = arith.constant 256 : index
    %swap3A_97 = tpu.vector_load %arg4[%swap3A_96] {strides = array<i32>} : memref<640xf32, #tpu.memory_space<vmem>>, vector<16xf32>,
    %swap3A_98 = vector.shape_cast %swap3A_97 : vector<16xf32> to vector<16xf32>
    %swap3A_99 = vector.shape_cast %broadcast_in_dim3A_95 : vector<16xf32> to vector<16xf32>
    tpu.vector_store %arg4[%swap3A_96], %swap3A_99 {strides = array<i32>} : memref<640xf32, #tpu.memory_space<vmem>>, vector<16xf32>,
    %broadcast_in_dim3A_100 = arith.constant 1.000000e+00 : f32
    %broadcast_in_dim3A_101 = vector.broadcast %broadcast_in_dim3A_100 : f32 to vector<16xf32>
    %swap3A_102 = arith.constant 272 : index
    %swap3A_103 = tpu.vector_load %arg4[%swap3A_102] {strides = array<i32>} : memref<640xf32, #tpu.memory_space<vmem>>, vector<16xf32>,
    %swap3A_104 = vector.shape_cast %swap3A_103 : vector<16xf32> to vector<16xf32>
    %swap3A_105 = vector.shape_cast %broadcast_in_dim3A_101 : vector<16xf32> to vector<16xf32>
    tpu.vector_store %arg4[%swap3A_102], %swap3A_105 {strides = array<i32>} : memref<640xf32, #tpu.memory_space<vmem>>, vector<16xf32>,
    %broadcast_in_dim3A_106 = arith.constant 1.000000e+00 : f32
    %broadcast_in_dim3A_107 = vector.broadcast %broadcast_in_dim3A_106 : f32 to vector<16xf32>
    %swap3A_108 = arith.constant 288 : index
    %swap3A_109 = tpu.vector_load %arg4[%swap3A_108] {strides = array<i32>} : memref<640xf32, #tpu.memory_space<vmem>>, vector<16xf32>,
    %swap3A_110 = vector.shape_cast %swap3A_109 : vector<16xf32> to vector<16xf32>
    %swap3A_111 = vector.shape_cast %broadcast_in_dim3A_107 : vector<16xf32> to vector<16xf32>
    tpu.vector_store %arg4[%swap3A_108], %swap3A_111 {strides = array<i32>} : memref<640xf32, #tpu.memory_space<vmem>>, vector<16xf32>,
    %broadcast_in_dim3A_112 = arith.constant 1.000000e+00 : f32
    %broadcast_in_dim3A_113 = vector.broadcast %broadcast_in_dim3A_112 : f32 to vector<16xf32>
    %swap3A_114 = arith.constant 304 : index
    %swap3A_115 = tpu.vector_load %arg4[%swap3A_114] {strides = array<i32>} : memref<640xf32, #tpu.memory_space<vmem>>, vector<16xf32>,
    %swap3A_116 = vector.shape_cast %swap3A_115 : vector<16xf32> to vector<16xf32>
    %swap3A_117 = vector.shape_cast %broadcast_in_dim3A_113 : vector<16xf32> to vector<16xf32>
    tpu.vector_store %arg4[%swap3A_114], %swap3A_117 {strides = array<i32>} : memref<640xf32, #tpu.memory_space<vmem>>, vector<16xf32>,
    %broadcast_in_dim3A_118 = arith.constant 1.000000e+00 : f32
    %broadcast_in_dim3A_119 = vector.broadcast %broadcast_in_dim3A_118 : f32 to vector<16xf32>
    %swap3A_120 = arith.constant 320 : index
    %swap3A_121 = tpu.vector_load %arg4[%swap3A_120] {strides = array<i32>} : memref<640xf32, #tpu.memory_space<vmem>>, vector<16xf32>,
    %swap3A_122 = vector.shape_cast %swap3A_121 : vector<16xf32> to vector<16xf32>
    %swap3A_123 = vector.shape_cast %broadcast_in_dim3A_119 : vector<16xf32> to vector<16xf32>
    tpu.vector_store %arg4[%swap3A_120], %swap3A_123 {strides = array<i32>} : memref<640xf32, #tpu.memory_space<vmem>>, vector<16xf32>,
    %broadcast_in_dim3A_124 = arith.constant 1.000000e+00 : f32
    %broadcast_in_dim3A_125 = vector.broadcast %broadcast_in_dim3A_124 : f32 to vector<16xf32>
    %swap3A_126 = arith.constant 336 : index
    %swap3A_127 = tpu.vector_load %arg4[%swap3A_126] {strides = array<i32>} : memref<640xf32, #tpu.memory_space<vmem>>, vector<16xf32>,
    %swap3A_128 = vector.shape_cast %swap3A_127 : vector<16xf32> to vector<16xf32>
    %swap3A_129 = vector.shape_cast %broadcast_in_dim3A_125 : vector<16xf32> to vector<16xf32>
    tpu.vector_store %arg4[%swap3A_126], %swap3A_129 {strides = array<i32>} : memref<640xf32, #tpu.memory_space<vmem>>, vector<16xf32>,
    %broadcast_in_dim3A_130 = arith.constant 1.000000e+00 : f32
    %broadcast_in_dim3A_131 = vector.broadcast %broadcast_in_dim3A_130 : f32 to vector<16xf32>
    %swap3A_132 = arith.constant 352 : index
    %swap3A_133 = tpu.vector_load %arg4[%swap3A_132] {strides = array<i32>} : memref<640xf32, #tpu.memory_space<vmem>>, vector<16xf32>,
    %swap3A_134 = vector.shape_cast %swap3A_133 : vector<16xf32> to vector<16xf32>
    %swap3A_135 = vector.shape_cast %broadcast_in_dim3A_131 : vector<16xf32> to vector<16xf32>
    tpu.vector_store %arg4[%swap3A_132], %swap3A_135 {strides = array<i32>} : memref<640xf32, #tpu.memory_space<vmem>>, vector<16xf32>,
    %broadcast_in_dim3A_136 = arith.constant 1.000000e+00 : f32
    %broadcast_in_dim3A_137 = vector.broadcast %broadcast_in_dim3A_136 : f32 to vector<16xf32>
    %swap3A_138 = arith.constant 368 : index
    %swap3A_139 = tpu.vector_load %arg4[%swap3A_138] {strides = array<i32>} : memref<640xf32, #tpu.memory_space<vmem>>, vector<16xf32>,
    %swap3A_140 = vector.shape_cast %swap3A_139 : vector<16xf32> to vector<16xf32>
    %swap3A_141 = vector.shape_cast %broadcast_in_dim3A_137 : vector<16xf32> to vector<16xf32>
    tpu.vector_store %arg4[%swap3A_138], %swap3A_141 {strides = array<i32>} : memref<640xf32, #tpu.memory_space<vmem>>, vector<16xf32>,
    %broadcast_in_dim3A_142 = arith.constant 1.000000e+00 : f32
    %broadcast_in_dim3A_143 = vector.broadcast %broadcast_in_dim3A_142 : f32 to vector<16xf32>
    %swap3A_144 = arith.constant 384 : index
    %swap3A_145 = tpu.vector_load %arg4[%swap3A_144] {strides = array<i32>} : memref<640xf32, #tpu.memory_space<vmem>>, vector<16xf32>,
    %swap3A_146 = vector.shape_cast %swap3A_145 : vector<16xf32> to vector<16xf32>
    %swap3A_147 = vector.shape_cast %broadcast_in_dim3A_143 : vector<16xf32> to vector<16xf32>
    tpu.vector_store %arg4[%swap3A_144], %swap3A_147 {strides = array<i32>} : memref<640xf32, #tpu.memory_space<vmem>>, vector<16xf32>,
    %broadcast_in_dim3A_148 = arith.constant 1.000000e+00 : f32
    %broadcast_in_dim3A_149 = vector.broadcast %broadcast_in_dim3A_148 : f32 to vector<16xf32>
    %swap3A_150 = arith.constant 400 : index
    %swap3A_151 = tpu.vector_load %arg4[%swap3A_150] {strides = array<i32>} : memref<640xf32, #tpu.memory_space<vmem>>, vector<16xf32>,
    %swap3A_152 = vector.shape_cast %swap3A_151 : vector<16xf32> to vector<16xf32>
    %swap3A_153 = vector.shape_cast %broadcast_in_dim3A_149 : vector<16xf32> to vector<16xf32>
    tpu.vector_store %arg4[%swap3A_150], %swap3A_153 {strides = array<i32>} : memref<640xf32, #tpu.memory_space<vmem>>, vector<16xf32>,
    %broadcast_in_dim3A_154 = arith.constant 1.000000e+00 : f32
    %broadcast_in_dim3A_155 = vector.broadcast %broadcast_in_dim3A_154 : f32 to vector<16xf32>
    %swap3A_156 = arith.constant 416 : index
    %swap3A_157 = tpu.vector_load %arg4[%swap3A_156] {strides = array<i32>} : memref<640xf32, #tpu.memory_space<vmem>>, vector<16xf32>,
    %swap3A_158 = vector.shape_cast %swap3A_157 : vector<16xf32> to vector<16xf32>
    %swap3A_159 = vector.shape_cast %broadcast_in_dim3A_155 : vector<16xf32> to vector<16xf32>
    tpu.vector_store %arg4[%swap3A_156], %swap3A_159 {strides = array<i32>} : memref<640xf32, #tpu.memory_space<vmem>>, vector<16xf32>,
    %broadcast_in_dim3A_160 = arith.constant 1.000000e+00 : f32
    %broadcast_in_dim3A_161 = vector.broadcast %broadcast_in_dim3A_160 : f32 to vector<16xf32>
    %swap3A_162 = arith.constant 432 : index
    %swap3A_163 = tpu.vector_load %arg4[%swap3A_162] {strides = array<i32>} : memref<640xf32, #tpu.memory_space<vmem>>, vector<16xf32>,
    %swap3A_164 = vector.shape_cast %swap3A_163 : vector<16xf32> to vector<16xf32>
    %swap3A_165 = vector.shape_cast %broadcast_in_dim3A_161 : vector<16xf32> to vector<16xf32>
    tpu.vector_store %arg4[%swap3A_162], %swap3A_165 {strides = array<i32>} : memref<640xf32, #tpu.memory_space<vmem>>, vector<16xf32>,
    %broadcast_in_dim3A_166 = arith.constant 1.000000e+00 : f32
    %broadcast_in_dim3A_167 = vector.broadcast %broadcast_in_dim3A_166 : f32 to vector<16xf32>
    %swap3A_168 = arith.constant 448 : index
    %swap3A_169 = tpu.vector_load %arg4[%swap3A_168] {strides = array<i32>} : memref<640xf32, #tpu.memory_space<vmem>>, vector<16xf32>,
    %swap3A_170 = vector.shape_cast %swap3A_169 : vector<16xf32> to vector<16xf32>
    %swap3A_171 = vector.shape_cast %broadcast_in_dim3A_167 : vector<16xf32> to vector<16xf32>
    tpu.vector_store %arg4[%swap3A_168], %swap3A_171 {strides = array<i32>} : memref<640xf32, #tpu.memory_space<vmem>>, vector<16xf32>,
    %broadcast_in_dim3A_172 = arith.constant 1.000000e+00 : f32
    %broadcast_in_dim3A_173 = vector.broadcast %broadcast_in_dim3A_172 : f32 to vector<16xf32>
    %swap3A_174 = arith.constant 464 : index
    %swap3A_175 = tpu.vector_load %arg4[%swap3A_174] {strides = array<i32>} : memref<640xf32, #tpu.memory_space<vmem>>, vector<16xf32>,
    %swap3A_176 = vector.shape_cast %swap3A_175 : vector<16xf32> to vector<16xf32>
    %swap3A_177 = vector.shape_cast %broadcast_in_dim3A_173 : vector<16xf32> to vector<16xf32>
    tpu.vector_store %arg4[%swap3A_174], %swap3A_177 {strides = array<i32>} : memref<640xf32, #tpu.memory_space<vmem>>, vector<16xf32>,
    %broadcast_in_dim3A_178 = arith.constant 1.000000e+00 : f32
    %broadcast_in_dim3A_179 = vector.broadcast %broadcast_in_dim3A_178 : f32 to vector<16xf32>
    %swap3A_180 = arith.constant 480 : index
    %swap3A_181 = tpu.vector_load %arg4[%swap3A_180] {strides = array<i32>} : memref<640xf32, #tpu.memory_space<vmem>>, vector<16xf32>,
    %swap3A_182 = vector.shape_cast %swap3A_181 : vector<16xf32> to vector<16xf32>
    %swap3A_183 = vector.shape_cast %broadcast_in_dim3A_179 : vector<16xf32> to vector<16xf32>
    tpu.vector_store %arg4[%swap3A_180], %swap3A_183 {strides = array<i32>} : memref<640xf32, #tpu.memory_space<vmem>>, vector<16xf32>,
    %broadcast_in_dim3A_184 = arith.constant 1.000000e+00 : f32
    %broadcast_in_dim3A_185 = vector.broadcast %broadcast_in_dim3A_184 : f32 to vector<16xf32>
    %swap3A_186 = arith.constant 496 : index
    %swap3A_187 = tpu.vector_load %arg4[%swap3A_186] {strides = array<i32>} : memref<640xf32, #tpu.memory_space<vmem>>, vector<16xf32>,
    %swap3A_188 = vector.shape_cast %swap3A_187 : vector<16xf32> to vector<16xf32>
    %swap3A_189 = vector.shape_cast %broadcast_in_dim3A_185 : vector<16xf32> to vector<16xf32>
    tpu.vector_store %arg4[%swap3A_186], %swap3A_189 {strides = array<i32>} : memref<640xf32, #tpu.memory_space<vmem>>, vector<16xf32>,
    %broadcast_in_dim3A_190 = arith.constant 1.000000e+00 : f32
    %broadcast_in_dim3A_191 = vector.broadcast %broadcast_in_dim3A_190 : f32 to vector<16xf32>
    %swap3A_192 = arith.constant 512 : index
    %swap3A_193 = tpu.vector_load %arg4[%swap3A_192] {strides = array<i32>} : memref<640xf32, #tpu.memory_space<vmem>>, vector<16xf32>,
    %swap3A_194 = vector.shape_cast %swap3A_193 : vector<16xf32> to vector<16xf32>
    %swap3A_195 = vector.shape_cast %broadcast_in_dim3A_191 : vector<16xf32> to vector<16xf32>
    tpu.vector_store %arg4[%swap3A_192], %swap3A_195 {strides = array<i32>} : memref<640xf32, #tpu.memory_space<vmem>>, vector<16xf32>,
    %broadcast_in_dim3A_196 = arith.constant 1.000000e+00 : f32
    %broadcast_in_dim3A_197 = vector.broadcast %broadcast_in_dim3A_196 : f32 to vector<16xf32>
    %swap3A_198 = arith.constant 528 : index
    %swap3A_199 = tpu.vector_load %arg4[%swap3A_198] {strides = array<i32>} : memref<640xf32, #tpu.memory_space<vmem>>, vector<16xf32>,
    %swap3A_200 = vector.shape_cast %swap3A_199 : vector<16xf32> to vector<16xf32>
    %swap3A_201 = vector.shape_cast %broadcast_in_dim3A_197 : vector<16xf32> to vector<16xf32>
    tpu.vector_store %arg4[%swap3A_198], %swap3A_201 {strides = array<i32>} : memref<640xf32, #tpu.memory_space<vmem>>, vector<16xf32>,
    %broadcast_in_dim3A_202 = arith.constant 1.000000e+00 : f32
    %broadcast_in_dim3A_203 = vector.broadcast %broadcast_in_dim3A_202 : f32 to vector<16xf32>
    %swap3A_204 = arith.constant 544 : index
    %swap3A_205 = tpu.vector_load %arg4[%swap3A_204] {strides = array<i32>} : memref<640xf32, #tpu.memory_space<vmem>>, vector<16xf32>,
    %swap3A_206 = vector.shape_cast %swap3A_205 : vector<16xf32> to vector<16xf32>
    %swap3A_207 = vector.shape_cast %broadcast_in_dim3A_203 : vector<16xf32> to vector<16xf32>
    tpu.vector_store %arg4[%swap3A_204], %swap3A_207 {strides = array<i32>} : memref<640xf32, #tpu.memory_space<vmem>>, vector<16xf32>,
    %broadcast_in_dim3A_208 = arith.constant 1.000000e+00 : f32
    %broadcast_in_dim3A_209 = vector.broadcast %broadcast_in_dim3A_208 : f32 to vector<16xf32>
    %swap3A_210 = arith.constant 560 : index
    %swap3A_211 = tpu.vector_load %arg4[%swap3A_210] {strides = array<i32>} : memref<640xf32, #tpu.memory_space<vmem>>, vector<16xf32>,
    %swap3A_212 = vector.shape_cast %swap3A_211 : vector<16xf32> to vector<16xf32>
    %swap3A_213 = vector.shape_cast %broadcast_in_dim3A_209 : vector<16xf32> to vector<16xf32>
    tpu.vector_store %arg4[%swap3A_210], %swap3A_213 {strides = array<i32>} : memref<640xf32, #tpu.memory_space<vmem>>, vector<16xf32>,
    %broadcast_in_dim3A_214 = arith.constant 1.000000e+00 : f32
    %broadcast_in_dim3A_215 = vector.broadcast %broadcast_in_dim3A_214 : f32 to vector<16xf32>
    %swap3A_216 = arith.constant 576 : index
    %swap3A_217 = tpu.vector_load %arg4[%swap3A_216] {strides = array<i32>} : memref<640xf32, #tpu.memory_space<vmem>>, vector<16xf32>,
    %swap3A_218 = vector.shape_cast %swap3A_217 : vector<16xf32> to vector<16xf32>
    %swap3A_219 = vector.shape_cast %broadcast_in_dim3A_215 : vector<16xf32> to vector<16xf32>
    tpu.vector_store %arg4[%swap3A_216], %swap3A_219 {strides = array<i32>} : memref<640xf32, #tpu.memory_space<vmem>>, vector<16xf32>,
    %broadcast_in_dim3A_220 = arith.constant 1.000000e+00 : f32
    %broadcast_in_dim3A_221 = vector.broadcast %broadcast_in_dim3A_220 : f32 to vector<16xf32>
    %swap3A_222 = arith.constant 592 : index
    %swap3A_223 = tpu.vector_load %arg4[%swap3A_222] {strides = array<i32>} : memref<640xf32, #tpu.memory_space<vmem>>, vector<16xf32>,
    %swap3A_224 = vector.shape_cast %swap3A_223 : vector<16xf32> to vector<16xf32>
    %swap3A_225 = vector.shape_cast %broadcast_in_dim3A_221 : vector<16xf32> to vector<16xf32>
    tpu.vector_store %arg4[%swap3A_222], %swap3A_225 {strides = array<i32>} : memref<640xf32, #tpu.memory_space<vmem>>, vector<16xf32>,
    %broadcast_in_dim3A_226 = arith.constant 1.000000e+00 : f32
    %broadcast_in_dim3A_227 = vector.broadcast %broadcast_in_dim3A_226 : f32 to vector<16xf32>
    %swap3A_228 = arith.constant 608 : index
    %swap3A_229 = tpu.vector_load %arg4[%swap3A_228] {strides = array<i32>} : memref<640xf32, #tpu.memory_space<vmem>>, vector<16xf32>,
    %swap3A_230 = vector.shape_cast %swap3A_229 : vector<16xf32> to vector<16xf32>
    %swap3A_231 = vector.shape_cast %broadcast_in_dim3A_227 : vector<16xf32> to vector<16xf32>
    tpu.vector_store %arg4[%swap3A_228], %swap3A_231 {strides = array<i32>} : memref<640xf32, #tpu.memory_space<vmem>>, vector<16xf32>,
    %broadcast_in_dim3A_232 = arith.constant 1.000000e+00 : f32
    %broadcast_in_dim3A_233 = vector.broadcast %broadcast_in_dim3A_232 : f32 to vector<16xf32>
    %swap3A_234 = arith.constant 624 : index
    %swap3A_235 = tpu.vector_load %arg4[%swap3A_234] {strides = array<i32>} : memref<640xf32, #tpu.memory_space<vmem>>, vector<16xf32>,
    %swap3A_236 = vector.shape_cast %swap3A_235 : vector<16xf32> to vector<16xf32>
    %swap3A_237 = vector.shape_cast %broadcast_in_dim3A_233 : vector<16xf32> to vector<16xf32>
    tpu.vector_store %arg4[%swap3A_234], %swap3A_237 {strides = array<i32>} : memref<640xf32, #tpu.memory_space<vmem>>, vector<16xf32>,
    %broadcast_in_dim3A_238 = arith.constant 1.000000e+00 : f32
    %broadcast_in_dim3A_239 = vector.broadcast %broadcast_in_dim3A_238 : f32 to vector<16xf32>
    %swap3A_240 = arith.constant 0 : index
    %swap3A_241 = tpu.vector_load %arg5[%swap3A_240] {strides = array<i32>} : memref<128xf32, #tpu.memory_space<vmem>>, vector<16xf32>,
    %swap3A_242 = vector.shape_cast %swap3A_241 : vector<16xf32> to vector<16xf32>
    %swap3A_243 = vector.shape_cast %broadcast_in_dim3A_239 : vector<16xf32> to vector<16xf32>
    tpu.vector_store %arg5[%swap3A_240], %swap3A_243 {strides = array<i32>} : memref<128xf32, #tpu.memory_space<vmem>>, vector<16xf32>,
    %broadcast_in_dim3A_244 = arith.constant 1.000000e+00 : f32
    %broadcast_in_dim3A_245 = vector.broadcast %broadcast_in_dim3A_244 : f32 to vector<16xf32>
    %swap3A_246 = arith.constant 16 : index
    %swap3A_247 = tpu.vector_load %arg5[%swap3A_246] {strides = array<i32>} : memref<128xf32, #tpu.memory_space<vmem>>, vector<16xf32>,
    %swap3A_248 = vector.shape_cast %swap3A_247 : vector<16xf32> to vector<16xf32>
    %swap3A_249 = vector.shape_cast %broadcast_in_dim3A_245 : vector<16xf32> to vector<16xf32>
    tpu.vector_store %arg5[%swap3A_246], %swap3A_249 {strides = array<i32>} : memref<128xf32, #tpu.memory_space<vmem>>, vector<16xf32>,
    %broadcast_in_dim3A_250 = arith.constant 1.000000e+00 : f32
    %broadcast_in_dim3A_251 = vector.broadcast %broadcast_in_dim3A_250 : f32 to vector<16xf32>
    %swap3A_252 = arith.constant 32 : index
    %swap3A_253 = tpu.vector_load %arg5[%swap3A_252] {strides = array<i32>} : memref<128xf32, #tpu.memory_space<vmem>>, vector<16xf32>,
    %swap3A_254 = vector.shape_cast %swap3A_253 : vector<16xf32> to vector<16xf32>
    %swap3A_255 = vector.shape_cast %broadcast_in_dim3A_251 : vector<16xf32> to vector<16xf32>
    tpu.vector_store %arg5[%swap3A_252], %swap3A_255 {strides = array<i32>} : memref<128xf32, #tpu.memory_space<vmem>>, vector<16xf32>,
    %broadcast_in_dim3A_256 = arith.constant 1.000000e+00 : f32
    %broadcast_in_dim3A_257 = vector.broadcast %broadcast_in_dim3A_256 : f32 to vector<16xf32>
    %swap3A_258 = arith.constant 48 : index
    %swap3A_259 = tpu.vector_load %arg5[%swap3A_258] {strides = array<i32>} : memref<128xf32, #tpu.memory_space<vmem>>, vector<16xf32>,
    %swap3A_260 = vector.shape_cast %swap3A_259 : vector<16xf32> to vector<16xf32>
    %swap3A_261 = vector.shape_cast %broadcast_in_dim3A_257 : vector<16xf32> to vector<16xf32>
    tpu.vector_store %arg5[%swap3A_258], %swap3A_261 {strides = array<i32>} : memref<128xf32, #tpu.memory_space<vmem>>, vector<16xf32>,
    %broadcast_in_dim3A_262 = arith.constant 1.000000e+00 : f32
    %broadcast_in_dim3A_263 = vector.broadcast %broadcast_in_dim3A_262 : f32 to vector<16xf32>
    %swap3A_264 = arith.constant 64 : index
    %swap3A_265 = tpu.vector_load %arg5[%swap3A_264] {strides = array<i32>} : memref<128xf32, #tpu.memory_space<vmem>>, vector<16xf32>,
    %swap3A_266 = vector.shape_cast %swap3A_265 : vector<16xf32> to vector<16xf32>
    %swap3A_267 = vector.shape_cast %broadcast_in_dim3A_263 : vector<16xf32> to vector<16xf32>
    tpu.vector_store %arg5[%swap3A_264], %swap3A_267 {strides = array<i32>} : memref<128xf32, #tpu.memory_space<vmem>>, vector<16xf32>,
    %broadcast_in_dim3A_268 = arith.constant 1.000000e+00 : f32
    %broadcast_in_dim3A_269 = vector.broadcast %broadcast_in_dim3A_268 : f32 to vector<16xf32>
    %swap3A_270 = arith.constant 80 : index
    %swap3A_271 = tpu.vector_load %arg5[%swap3A_270] {strides = array<i32>} : memref<128xf32, #tpu.memory_space<vmem>>, vector<16xf32>,
    %swap3A_272 = vector.shape_cast %swap3A_271 : vector<16xf32> to vector<16xf32>
    %swap3A_273 = vector.shape_cast %broadcast_in_dim3A_269 : vector<16xf32> to vector<16xf32>
    tpu.vector_store %arg5[%swap3A_270], %swap3A_273 {strides = array<i32>} : memref<128xf32, #tpu.memory_space<vmem>>, vector<16xf32>,
    %broadcast_in_dim3A_274 = arith.constant 1.000000e+00 : f32
    %broadcast_in_dim3A_275 = vector.broadcast %broadcast_in_dim3A_274 : f32 to vector<16xf32>
    %swap3A_276 = arith.constant 96 : index
    %swap3A_277 = tpu.vector_load %arg5[%swap3A_276] {strides = array<i32>} : memref<128xf32, #tpu.memory_space<vmem>>, vector<16xf32>,
    %swap3A_278 = vector.shape_cast %swap3A_277 : vector<16xf32> to vector<16xf32>
    %swap3A_279 = vector.shape_cast %broadcast_in_dim3A_275 : vector<16xf32> to vector<16xf32>
    tpu.vector_store %arg5[%swap3A_276], %swap3A_279 {strides = array<i32>} : memref<128xf32, #tpu.memory_space<vmem>>, vector<16xf32>,
    %broadcast_in_dim3A_280 = arith.constant 1.000000e+00 : f32
    %broadcast_in_dim3A_281 = vector.broadcast %broadcast_in_dim3A_280 : f32 to vector<16xf32>
    %swap3A_282 = arith.constant 112 : index
    %swap3A_283 = tpu.vector_load %arg5[%swap3A_282] {strides = array<i32>} : memref<128xf32, #tpu.memory_space<vmem>>, vector<16xf32>,
    %swap3A_284 = vector.shape_cast %swap3A_283 : vector<16xf32> to vector<16xf32>
    %swap3A_285 = vector.shape_cast %broadcast_in_dim3A_281 : vector<16xf32> to vector<16xf32>
    tpu.vector_store %arg5[%swap3A_282], %swap3A_285 {strides = array<i32>} : memref<128xf32, #tpu.memory_space<vmem>>, vector<16xf32>,
    %mul3A = arith.constant 640 : i32
    %mul3A_286 = arith.muli %arg1, %mul3A : i32
    "tpu.region"() ({
      %run_scoped3A = tpu.sem_alloc : memref<!tpu.dma_semaphore, #tpu.memory_space<semaphore_mem>>
      %dma_start3A = tpu.memref_slice %arg7[%mul3A_286] : memref<10240xf32, #tpu.memory_space<vmem_shared>> -> memref<640xf32, #tpu.memory_space<vmem_shared>>
      %dma_start3A_297 = tpu.memref_slice %arg7[%mul3A_286] : memref<10240xf32, #tpu.memory_space<vmem_shared>> -> memref<640xf32, #tpu.memory_space<vmem_shared>>
      tpu.enqueue_dma source(%arg4 : memref<640xf32, #tpu.memory_space<vmem>>) target(%dma_start3A_297 : memref<640xf32, #tpu.memory_space<vmem_shared>>) target_semaphore(%run_scoped3A : memref<!tpu.dma_semaphore, #tpu.memory_space<semaphore_mem>>)
      %dma_wait3A = tpu.memref_slice %arg7[%mul3A_286] : memref<10240xf32, #tpu.memory_space<vmem_shared>> -> memref<640xf32, #tpu.memory_space<vmem_shared>>
      %dma_wait3A_298 = tpu.memref_slice %arg7[%mul3A_286] : memref<10240xf32, #tpu.memory_space<vmem_shared>> -> memref<640xf32, #tpu.memory_space<vmem_shared>>
      tpu.wait_dma2 semaphore(%run_scoped3A : memref<!tpu.dma_semaphore, #tpu.memory_space<semaphore_mem>>) src(%arg4 : memref<640xf32, #tpu.memory_space<vmem>>) dst(%dma_wait3A_298 : memref<640xf32, #tpu.memory_space<vmem_shared>>)
      tpu.yield
    }) : () -> ()
    "tpu.region"() ({
      %run_scoped3A = tpu.sem_alloc : memref<!tpu.dma_semaphore, #tpu.memory_space<semaphore_mem>>
      %dma_start3A = arith.constant 0 : i32
      %dma_start3A_297 = arith.constant 0 : i32
      %dma_start3A_298 = tpu.memref_slice %arg2[%arg1, %dma_start3A, %dma_start3A_297] : memref<16x160x128xi32, #tpu.memory_space<hbm>> -> memref<1x160x128xi32, #tpu.memory_space<hbm>>
      %dma_start3A_299 = tpu.memref_squeeze %dma_start3A_298 : memref<1x160x128xi32, #tpu.memory_space<hbm>> -> memref<160x128xi32, #tpu.memory_space<hbm>>
      %dma_start3A_300 = arith.constant 0 : i32
      %dma_start3A_301 = arith.constant 0 : i32
      %dma_start3A_302 = tpu.memref_slice %arg2[%arg1, %dma_start3A_300, %dma_start3A_301] : memref<16x160x128xi32, #tpu.memory_space<hbm>> -> memref<1x160x128xi32, #tpu.memory_space<hbm>>
      %dma_start3A_303 = tpu.memref_squeeze %dma_start3A_302 : memref<1x160x128xi32, #tpu.memory_space<hbm>> -> memref<160x128xi32, #tpu.memory_space<hbm>>
      tpu.enqueue_dma source(%dma_start3A_303 : memref<160x128xi32, #tpu.memory_space<hbm>>) target(%arg6 : memref<160x128xi32, #tpu.memory_space<vmem>>) target_semaphore(%run_scoped3A : memref<!tpu.dma_semaphore, #tpu.memory_space<semaphore_mem>>)
      %dma_wait3A = arith.constant 0 : i32
      %dma_wait3A_304 = arith.constant 0 : i32
      %dma_wait3A_305 = tpu.memref_slice %arg2[%arg1, %dma_wait3A, %dma_wait3A_304] : memref<16x160x128xi32, #tpu.memory_space<hbm>> -> memref<1x160x128xi32, #tpu.memory_space<hbm>>
      %dma_wait3A_306 = tpu.memref_squeeze %dma_wait3A_305 : memref<1x160x128xi32, #tpu.memory_space<hbm>> -> memref<160x128xi32, #tpu.memory_space<hbm>>
      %dma_wait3A_307 = arith.constant 0 : i32
      %dma_wait3A_308 = arith.constant 0 : i32
      %dma_wait3A_309 = tpu.memref_slice %arg2[%arg1, %dma_wait3A_307, %dma_wait3A_308] : memref<16x160x128xi32, #tpu.memory_space<hbm>> -> memref<1x160x128xi32, #tpu.memory_space<hbm>>
      %dma_wait3A_310 = tpu.memref_squeeze %dma_wait3A_309 : memref<1x160x128xi32, #tpu.memory_space<hbm>> -> memref<160x128xi32, #tpu.memory_space<hbm>>
      tpu.wait_dma2 semaphore(%run_scoped3A : memref<!tpu.dma_semaphore, #tpu.memory_space<semaphore_mem>>) src(%dma_wait3A_310 : memref<160x128xi32, #tpu.memory_space<hbm>>) dst(%arg6 : memref<160x128xi32, #tpu.memory_space<vmem>>)
      tpu.yield
    }) : () -> ()
    %barrier3A = arith.constant 0 : index
    tpu.barrier barrier_id(%barrier3A)
    %scan3A = arith.constant 0 : i32
    %scan3A_287 = arith.constant 0 : i32
    %scan3A_288 = arith.constant 80 : i32
    %scan3A_289 = arith.addi %scan3A_287, %scan3A_288 : i32
    %scan3A_290 = arith.constant 1 : i32
    scf.for %scan3A_297 = %scan3A_287 to %scan3A_289 step %scan3A_290  : i32 {
      %mul3A_298 = arith.constant 80 : i32
      %mul3A_299 = arith.muli %arg0, %mul3A_298 : i32
      %add3A = arith.addi %mul3A_299, %scan3A_297 : i32
      "tpu.region"() ({
        %run_scoped3A = tpu.sem_alloc : memref<!tpu.dma_semaphore, #tpu.memory_space<semaphore_mem>>
        %dma_start3A = arith.constant 0 : i32
        %dma_start3A_300 = tpu.memref_slice %arg6[%add3A, %dma_start3A] : memref<160x128xi32, #tpu.memory_space<vmem>> -> memref<1x128xi32, #tpu.memory_space<vmem>>
        %dma_start3A_301 = tpu.memref_squeeze %dma_start3A_300 : memref<1x128xi32, #tpu.memory_space<vmem>> -> memref<128xi32, #tpu.memory_space<vmem>>
        %dma_start3A_302 = arith.constant 0 : i32
        %dma_start3A_303 = tpu.memref_slice %arg7[%dma_start3A_302] : memref<10240xf32, #tpu.memory_space<vmem_shared>> -> memref<10240xf32, #tpu.memory_space<vmem_shared>>
        tpu.enqueue_indirect_dma source(%arg5 : memref<128xf32, #tpu.memory_space<vmem>>) target(%dma_start3A_303 : memref<10240xf32, #tpu.memory_space<vmem_shared>>) offsets(%dma_start3A_301 : memref<128xi32, #tpu.memory_space<vmem>>) semaphore(%run_scoped3A : memref<!tpu.dma_semaphore, #tpu.memory_space<semaphore_mem>>) {add = true}
        %dma_wait3A = arith.constant 0 : i32
        %dma_wait3A_304 = tpu.memref_slice %arg6[%add3A, %dma_wait3A] : memref<160x128xi32, #tpu.memory_space<vmem>> -> memref<1x128xi32, #tpu.memory_space<vmem>>
        %dma_wait3A_305 = tpu.memref_squeeze %dma_wait3A_304 : memref<1x128xi32, #tpu.memory_space<vmem>> -> memref<128xi32, #tpu.memory_space<vmem>>
        %dma_wait3A_306 = arith.constant 0 : i32
        %dma_wait3A_307 = tpu.memref_slice %arg7[%dma_wait3A_306] : memref<10240xf32, #tpu.memory_space<vmem_shared>> -> memref<10240xf32, #tpu.memory_space<vmem_shared>>
        tpu.wait_indirect_dma semaphore(%run_scoped3A : memref<!tpu.dma_semaphore, #tpu.memory_space<semaphore_mem>>) src(%arg5 : memref<128xf32, #tpu.memory_space<vmem>>) dst(%dma_wait3A_307 : memref<10240xf32, #tpu.memory_space<vmem_shared>>)
        tpu.yield
      }) : () -> ()
    }
    %scan3A_291 = arith.constant 80 : i32
    %barrier3A_292 = arith.constant 0 : index
    tpu.barrier barrier_id(%barrier3A_292)
    %mul3A_293 = arith.constant 640 : i32
    %mul3A_294 = arith.muli %arg1, %mul3A_293 : i32
    %mul3A_295 = arith.constant 640 : i32
    %mul3A_296 = arith.muli %arg1, %mul3A_295 : i32
    "tpu.region"() ({
      %run_scoped3A = tpu.sem_alloc : memref<!tpu.dma_semaphore, #tpu.memory_space<semaphore_mem>>
      %dma_start3A = tpu.memref_slice %arg3[%arg0, %mul3A_296] : memref<2x10240xf32, #tpu.memory_space<hbm>> -> memref<1x640xf32, #tpu.memory_space<hbm>>
      %dma_start3A_297 = tpu.memref_squeeze %dma_start3A : memref<1x640xf32, #tpu.memory_space<hbm>> -> memref<640xf32, #tpu.memory_space<hbm>>
      %dma_start3A_298 = tpu.memref_slice %arg7[%mul3A_294] : memref<10240xf32, #tpu.memory_space<vmem_shared>> -> memref<640xf32, #tpu.memory_space<vmem_shared>>
      tpu.enqueue_dma source(%dma_start3A_298 : memref<640xf32, #tpu.memory_space<vmem_shared>>) target(%dma_start3A_297 : memref<640xf32, #tpu.memory_space<hbm>>) target_semaphore(%run_scoped3A : memref<!tpu.dma_semaphore, #tpu.memory_space<semaphore_mem>>)
      %dma_wait3A = tpu.memref_slice %arg3[%arg0, %mul3A_296] : memref<2x10240xf32, #tpu.memory_space<hbm>> -> memref<1x640xf32, #tpu.memory_space<hbm>>
      %dma_wait3A_299 = tpu.memref_squeeze %dma_wait3A : memref<1x640xf32, #tpu.memory_space<hbm>> -> memref<640xf32, #tpu.memory_space<hbm>>
      %dma_wait3A_300 = tpu.memref_slice %arg7[%mul3A_294] : memref<10240xf32, #tpu.memory_space<vmem_shared>> -> memref<640xf32, #tpu.memory_space<vmem_shared>>
      tpu.wait_dma2 semaphore(%run_scoped3A : memref<!tpu.dma_semaphore, #tpu.memory_space<semaphore_mem>>) src(%dma_wait3A_300 : memref<640xf32, #tpu.memory_space<vmem_shared>>) dst(%dma_wait3A_299 : memref<640xf32, #tpu.memory_space<hbm>>)
      tpu.yield
    }) : () -> ()
    return
  }
}

#map = affine_map<(d0, d1) -> (0, 0, 0)>
module attributes {stable_mosaic.version = 14 : i64} {
  func.func @agg(%arg0: i32, %arg1: i32, %arg2: memref<16x160x128xi32, #tpu.memory_space<hbm>>, %arg3: memref<16x160x128xi32, #tpu.memory_space<hbm>>, %arg4: memref<2x10240x32xf32, #tpu.memory_space<hbm>>, %arg5: memref<2x10240x32xf32, #tpu.memory_space<hbm>>, %arg6: memref<160x128xi32, #tpu.memory_space<vmem>>, %arg7: memref<160x128xi32, #tpu.memory_space<vmem>>, %arg8: memref<10x128x32xf32, #tpu.memory_space<vmem>>, %arg9: memref<10x!tpu.dma_semaphore, #tpu.memory_space<semaphore_mem>>, %arg10: memref<10x!tpu.dma_semaphore, #tpu.memory_space<semaphore_mem>>, %arg11: memref<10240x32xf32, #tpu.memory_space<vmem_shared>>, %arg12: memref<10240x32xf32, #tpu.memory_space<vmem_shared>>) attributes {dimension_semantics = [#tpu.dimension_semantics<core_parallel>, #tpu.dimension_semantics<subcore_parallel>], iteration_bounds = array<i64: 2, 16>, scalar_prefetch = 0 : i64, scratch_operands = 7 : i64, tpu.core_type = #tpu.core_type<sc_vector_subcore>, window_params = [{transform_indices = #map}, {transform_indices = #map}, {transform_indices = #map}, {transform_indices = #map}]} {
    %mul3A = arith.constant 640 : i32
    %mul3A_0 = arith.muli %arg1, %mul3A : i32
    %mul3A_1 = arith.constant 640 : i32
    %mul3A_2 = arith.muli %arg1, %mul3A_1 : i32
    "tpu.region"() ({
      %run_scoped3A = tpu.sem_alloc : memref<!tpu.dma_semaphore, #tpu.memory_space<semaphore_mem>>
      %dma_start3A = arith.constant 0 : i32
      %dma_start3A_17 = tpu.memref_slice %arg11[%mul3A_2, %dma_start3A] : memref<10240x32xf32, #tpu.memory_space<vmem_shared>> -> memref<640x32xf32, #tpu.memory_space<vmem_shared>>
      %dma_start3A_18 = arith.constant 0 : i32
      %dma_start3A_19 = tpu.memref_slice %arg4[%arg0, %mul3A_0, %dma_start3A_18] : memref<2x10240x32xf32, #tpu.memory_space<hbm>> -> memref<1x640x32xf32, #tpu.memory_space<hbm>>
      %dma_start3A_20 = tpu.memref_squeeze %dma_start3A_19 : memref<1x640x32xf32, #tpu.memory_space<hbm>> -> memref<640x32xf32, #tpu.memory_space<hbm>>
      tpu.enqueue_dma source(%dma_start3A_20 : memref<640x32xf32, #tpu.memory_space<hbm>>) target(%dma_start3A_17 : memref<640x32xf32, #tpu.memory_space<vmem_shared>>) target_semaphore(%run_scoped3A : memref<!tpu.dma_semaphore, #tpu.memory_space<semaphore_mem>>)
      %dma_wait3A = arith.constant 0 : i32
      %dma_wait3A_21 = tpu.memref_slice %arg11[%mul3A_2, %dma_wait3A] : memref<10240x32xf32, #tpu.memory_space<vmem_shared>> -> memref<640x32xf32, #tpu.memory_space<vmem_shared>>
      %dma_wait3A_22 = arith.constant 0 : i32
      %dma_wait3A_23 = tpu.memref_slice %arg4[%arg0, %mul3A_0, %dma_wait3A_22] : memref<2x10240x32xf32, #tpu.memory_space<hbm>> -> memref<1x640x32xf32, #tpu.memory_space<hbm>>
      %dma_wait3A_24 = tpu.memref_squeeze %dma_wait3A_23 : memref<1x640x32xf32, #tpu.memory_space<hbm>> -> memref<640x32xf32, #tpu.memory_space<hbm>>
      tpu.wait_dma2 semaphore(%run_scoped3A : memref<!tpu.dma_semaphore, #tpu.memory_space<semaphore_mem>>) src(%dma_wait3A_24 : memref<640x32xf32, #tpu.memory_space<hbm>>) dst(%dma_wait3A_21 : memref<640x32xf32, #tpu.memory_space<vmem_shared>>)
      tpu.yield
    }) : () -> ()
    %mul3A_3 = arith.constant 640 : i32
    %mul3A_4 = arith.muli %arg1, %mul3A_3 : i32
    %mul3A_5 = arith.constant 640 : i32
    %mul3A_6 = arith.muli %arg1, %mul3A_5 : i32
    "tpu.region"() ({
      %run_scoped3A = tpu.sem_alloc : memref<!tpu.dma_semaphore, #tpu.memory_space<semaphore_mem>>
      %dma_start3A = arith.constant 0 : i32
      %dma_start3A_17 = tpu.memref_slice %arg12[%mul3A_6, %dma_start3A] : memref<10240x32xf32, #tpu.memory_space<vmem_shared>> -> memref<640x32xf32, #tpu.memory_space<vmem_shared>>
      %dma_start3A_18 = arith.constant 0 : i32
      %dma_start3A_19 = tpu.memref_slice %arg4[%arg0, %mul3A_4, %dma_start3A_18] : memref<2x10240x32xf32, #tpu.memory_space<hbm>> -> memref<1x640x32xf32, #tpu.memory_space<hbm>>
      %dma_start3A_20 = tpu.memref_squeeze %dma_start3A_19 : memref<1x640x32xf32, #tpu.memory_space<hbm>> -> memref<640x32xf32, #tpu.memory_space<hbm>>
      tpu.enqueue_dma source(%dma_start3A_20 : memref<640x32xf32, #tpu.memory_space<hbm>>) target(%dma_start3A_17 : memref<640x32xf32, #tpu.memory_space<vmem_shared>>) target_semaphore(%run_scoped3A : memref<!tpu.dma_semaphore, #tpu.memory_space<semaphore_mem>>)
      %dma_wait3A = arith.constant 0 : i32
      %dma_wait3A_21 = tpu.memref_slice %arg12[%mul3A_6, %dma_wait3A] : memref<10240x32xf32, #tpu.memory_space<vmem_shared>> -> memref<640x32xf32, #tpu.memory_space<vmem_shared>>
      %dma_wait3A_22 = arith.constant 0 : i32
      %dma_wait3A_23 = tpu.memref_slice %arg4[%arg0, %mul3A_4, %dma_wait3A_22] : memref<2x10240x32xf32, #tpu.memory_space<hbm>> -> memref<1x640x32xf32, #tpu.memory_space<hbm>>
      %dma_wait3A_24 = tpu.memref_squeeze %dma_wait3A_23 : memref<1x640x32xf32, #tpu.memory_space<hbm>> -> memref<640x32xf32, #tpu.memory_space<hbm>>
      tpu.wait_dma2 semaphore(%run_scoped3A : memref<!tpu.dma_semaphore, #tpu.memory_space<semaphore_mem>>) src(%dma_wait3A_24 : memref<640x32xf32, #tpu.memory_space<hbm>>) dst(%dma_wait3A_21 : memref<640x32xf32, #tpu.memory_space<vmem_shared>>)
      tpu.yield
    }) : () -> ()
    "tpu.region"() ({
      %run_scoped3A = tpu.sem_alloc : memref<!tpu.dma_semaphore, #tpu.memory_space<semaphore_mem>>
      %dma_start3A = arith.constant 0 : i32
      %dma_start3A_17 = arith.constant 0 : i32
      %dma_start3A_18 = tpu.memref_slice %arg2[%arg1, %dma_start3A, %dma_start3A_17] : memref<16x160x128xi32, #tpu.memory_space<hbm>> -> memref<1x160x128xi32, #tpu.memory_space<hbm>>
      %dma_start3A_19 = tpu.memref_squeeze %dma_start3A_18 : memref<1x160x128xi32, #tpu.memory_space<hbm>> -> memref<160x128xi32, #tpu.memory_space<hbm>>
      %dma_start3A_20 = arith.constant 0 : i32
      %dma_start3A_21 = arith.constant 0 : i32
      %dma_start3A_22 = tpu.memref_slice %arg2[%arg1, %dma_start3A_20, %dma_start3A_21] : memref<16x160x128xi32, #tpu.memory_space<hbm>> -> memref<1x160x128xi32, #tpu.memory_space<hbm>>
      %dma_start3A_23 = tpu.memref_squeeze %dma_start3A_22 : memref<1x160x128xi32, #tpu.memory_space<hbm>> -> memref<160x128xi32, #tpu.memory_space<hbm>>
      tpu.enqueue_dma source(%dma_start3A_23 : memref<160x128xi32, #tpu.memory_space<hbm>>) target(%arg6 : memref<160x128xi32, #tpu.memory_space<vmem>>) target_semaphore(%run_scoped3A : memref<!tpu.dma_semaphore, #tpu.memory_space<semaphore_mem>>)
      %dma_wait3A = arith.constant 0 : i32
      %dma_wait3A_24 = arith.constant 0 : i32
      %dma_wait3A_25 = tpu.memref_slice %arg2[%arg1, %dma_wait3A, %dma_wait3A_24] : memref<16x160x128xi32, #tpu.memory_space<hbm>> -> memref<1x160x128xi32, #tpu.memory_space<hbm>>
      %dma_wait3A_26 = tpu.memref_squeeze %dma_wait3A_25 : memref<1x160x128xi32, #tpu.memory_space<hbm>> -> memref<160x128xi32, #tpu.memory_space<hbm>>
      %dma_wait3A_27 = arith.constant 0 : i32
      %dma_wait3A_28 = arith.constant 0 : i32
      %dma_wait3A_29 = tpu.memref_slice %arg2[%arg1, %dma_wait3A_27, %dma_wait3A_28] : memref<16x160x128xi32, #tpu.memory_space<hbm>> -> memref<1x160x128xi32, #tpu.memory_space<hbm>>
      %dma_wait3A_30 = tpu.memref_squeeze %dma_wait3A_29 : memref<1x160x128xi32, #tpu.memory_space<hbm>> -> memref<160x128xi32, #tpu.memory_space<hbm>>
      tpu.wait_dma2 semaphore(%run_scoped3A : memref<!tpu.dma_semaphore, #tpu.memory_space<semaphore_mem>>) src(%dma_wait3A_30 : memref<160x128xi32, #tpu.memory_space<hbm>>) dst(%arg6 : memref<160x128xi32, #tpu.memory_space<vmem>>)
      tpu.yield
    }) : () -> ()
    "tpu.region"() ({
      %run_scoped3A = tpu.sem_alloc : memref<!tpu.dma_semaphore, #tpu.memory_space<semaphore_mem>>
      %dma_start3A = arith.constant 0 : i32
      %dma_start3A_17 = arith.constant 0 : i32
      %dma_start3A_18 = tpu.memref_slice %arg3[%arg1, %dma_start3A, %dma_start3A_17] : memref<16x160x128xi32, #tpu.memory_space<hbm>> -> memref<1x160x128xi32, #tpu.memory_space<hbm>>
      %dma_start3A_19 = tpu.memref_squeeze %dma_start3A_18 : memref<1x160x128xi32, #tpu.memory_space<hbm>> -> memref<160x128xi32, #tpu.memory_space<hbm>>
      %dma_start3A_20 = arith.constant 0 : i32
      %dma_start3A_21 = arith.constant 0 : i32
      %dma_start3A_22 = tpu.memref_slice %arg3[%arg1, %dma_start3A_20, %dma_start3A_21] : memref<16x160x128xi32, #tpu.memory_space<hbm>> -> memref<1x160x128xi32, #tpu.memory_space<hbm>>
      %dma_start3A_23 = tpu.memref_squeeze %dma_start3A_22 : memref<1x160x128xi32, #tpu.memory_space<hbm>> -> memref<160x128xi32, #tpu.memory_space<hbm>>
      tpu.enqueue_dma source(%dma_start3A_23 : memref<160x128xi32, #tpu.memory_space<hbm>>) target(%arg7 : memref<160x128xi32, #tpu.memory_space<vmem>>) target_semaphore(%run_scoped3A : memref<!tpu.dma_semaphore, #tpu.memory_space<semaphore_mem>>)
      %dma_wait3A = arith.constant 0 : i32
      %dma_wait3A_24 = arith.constant 0 : i32
      %dma_wait3A_25 = tpu.memref_slice %arg3[%arg1, %dma_wait3A, %dma_wait3A_24] : memref<16x160x128xi32, #tpu.memory_space<hbm>> -> memref<1x160x128xi32, #tpu.memory_space<hbm>>
      %dma_wait3A_26 = tpu.memref_squeeze %dma_wait3A_25 : memref<1x160x128xi32, #tpu.memory_space<hbm>> -> memref<160x128xi32, #tpu.memory_space<hbm>>
      %dma_wait3A_27 = arith.constant 0 : i32
      %dma_wait3A_28 = arith.constant 0 : i32
      %dma_wait3A_29 = tpu.memref_slice %arg3[%arg1, %dma_wait3A_27, %dma_wait3A_28] : memref<16x160x128xi32, #tpu.memory_space<hbm>> -> memref<1x160x128xi32, #tpu.memory_space<hbm>>
      %dma_wait3A_30 = tpu.memref_squeeze %dma_wait3A_29 : memref<1x160x128xi32, #tpu.memory_space<hbm>> -> memref<160x128xi32, #tpu.memory_space<hbm>>
      tpu.wait_dma2 semaphore(%run_scoped3A : memref<!tpu.dma_semaphore, #tpu.memory_space<semaphore_mem>>) src(%dma_wait3A_30 : memref<160x128xi32, #tpu.memory_space<hbm>>) dst(%arg7 : memref<160x128xi32, #tpu.memory_space<vmem>>)
      tpu.yield
    }) : () -> ()
    %barrier3A = arith.constant 0 : index
    tpu.barrier barrier_id(%barrier3A)
    %scan3A = arith.constant 0 : i32
    %scan3A_7 = arith.constant 0 : i32
    %scan3A_8 = arith.constant 16 : i32
    %scan3A_9 = arith.addi %scan3A_7, %scan3A_8 : i32
    %scan3A_10 = arith.constant 1 : i32
    scf.for %scan3A_17 = %scan3A_7 to %scan3A_9 step %scan3A_10  : i32 {
      %mul3A_18 = arith.constant 10 : i32
      %mul3A_19 = arith.muli %scan3A_17, %mul3A_18 : i32
      %add3A = arith.constant 0 : i32
      %add3A_20 = arith.addi %mul3A_19, %add3A : i32
      %dma_start3A = arith.constant 0 : i32
      %dma_start3A_21 = arith.constant 0 : i32
      %dma_start3A_22 = arith.constant 0 : i32
      %dma_start3A_23 = arith.constant 0 : i32
      %dma_start3A_24 = tpu.memref_slice %arg8[%dma_start3A, %dma_start3A_22, %dma_start3A_23] : memref<10x128x32xf32, #tpu.memory_space<vmem>> -> memref<1x128x32xf32, #tpu.memory_space<vmem>>
      %dma_start3A_25 = tpu.memref_squeeze %dma_start3A_24 : memref<1x128x32xf32, #tpu.memory_space<vmem>> -> memref<128x32xf32, #tpu.memory_space<vmem>>
      %dma_start3A_26 = arith.constant 0 : i32
      %dma_start3A_27 = tpu.memref_slice %arg6[%add3A_20, %dma_start3A_26] : memref<160x128xi32, #tpu.memory_space<vmem>> -> memref<1x128xi32, #tpu.memory_space<vmem>>
      %dma_start3A_28 = tpu.memref_squeeze %dma_start3A_27 : memref<1x128xi32, #tpu.memory_space<vmem>> -> memref<128xi32, #tpu.memory_space<vmem>>
      %dma_start3A_29 = arith.constant 0 : i32
      %dma_start3A_30 = arith.constant 0 : i32
      %dma_start3A_31 = tpu.memref_slice %arg12[%dma_start3A_29, %dma_start3A_30] : memref<10240x32xf32, #tpu.memory_space<vmem_shared>> -> memref<10240x32xf32, #tpu.memory_space<vmem_shared>>
      %dma_start3A_32 = tpu.memref_slice %arg9[%dma_start3A_21] : memref<10x!tpu.dma_semaphore, #tpu.memory_space<semaphore_mem>> -> memref<1x!tpu.dma_semaphore, #tpu.memory_space<semaphore_mem>>
      %dma_start3A_33 = tpu.memref_squeeze %dma_start3A_32 : memref<1x!tpu.dma_semaphore, #tpu.memory_space<semaphore_mem>> -> memref<!tpu.dma_semaphore, #tpu.memory_space<semaphore_mem>>
      tpu.enqueue_indirect_dma source(%dma_start3A_31 : memref<10240x32xf32, #tpu.memory_space<vmem_shared>>) target(%dma_start3A_25 : memref<128x32xf32, #tpu.memory_space<vmem>>) offsets(%dma_start3A_28 : memref<128xi32, #tpu.memory_space<vmem>>) semaphore(%dma_start3A_33 : memref<!tpu.dma_semaphore, #tpu.memory_space<semaphore_mem>>)
      %add3A_34 = arith.constant 1 : i32
      %add3A_35 = arith.addi %mul3A_19, %add3A_34 : i32
      %dma_start3A_36 = arith.constant 1 : i32
      %dma_start3A_37 = arith.constant 1 : i32
      %dma_start3A_38 = arith.constant 0 : i32
      %dma_start3A_39 = arith.constant 0 : i32
      %dma_start3A_40 = tpu.memref_slice %arg8[%dma_start3A_36, %dma_start3A_38, %dma_start3A_39] : memref<10x128x32xf32, #tpu.memory_space<vmem>> -> memref<1x128x32xf32, #tpu.memory_space<vmem>>
      %dma_start3A_41 = tpu.memref_squeeze %dma_start3A_40 : memref<1x128x32xf32, #tpu.memory_space<vmem>> -> memref<128x32xf32, #tpu.memory_space<vmem>>
      %dma_start3A_42 = arith.constant 0 : i32
      %dma_start3A_43 = tpu.memref_slice %arg6[%add3A_35, %dma_start3A_42] : memref<160x128xi32, #tpu.memory_space<vmem>> -> memref<1x128xi32, #tpu.memory_space<vmem>>
      %dma_start3A_44 = tpu.memref_squeeze %dma_start3A_43 : memref<1x128xi32, #tpu.memory_space<vmem>> -> memref<128xi32, #tpu.memory_space<vmem>>
      %dma_start3A_45 = arith.constant 0 : i32
      %dma_start3A_46 = arith.constant 0 : i32
      %dma_start3A_47 = tpu.memref_slice %arg12[%dma_start3A_45, %dma_start3A_46] : memref<10240x32xf32, #tpu.memory_space<vmem_shared>> -> memref<10240x32xf32, #tpu.memory_space<vmem_shared>>
      %dma_start3A_48 = tpu.memref_slice %arg9[%dma_start3A_37] : memref<10x!tpu.dma_semaphore, #tpu.memory_space<semaphore_mem>> -> memref<1x!tpu.dma_semaphore, #tpu.memory_space<semaphore_mem>>
      %dma_start3A_49 = tpu.memref_squeeze %dma_start3A_48 : memref<1x!tpu.dma_semaphore, #tpu.memory_space<semaphore_mem>> -> memref<!tpu.dma_semaphore, #tpu.memory_space<semaphore_mem>>
      tpu.enqueue_indirect_dma source(%dma_start3A_47 : memref<10240x32xf32, #tpu.memory_space<vmem_shared>>) target(%dma_start3A_41 : memref<128x32xf32, #tpu.memory_space<vmem>>) offsets(%dma_start3A_44 : memref<128xi32, #tpu.memory_space<vmem>>) semaphore(%dma_start3A_49 : memref<!tpu.dma_semaphore, #tpu.memory_space<semaphore_mem>>)
      %add3A_50 = arith.constant 2 : i32
      %add3A_51 = arith.addi %mul3A_19, %add3A_50 : i32
      %dma_start3A_52 = arith.constant 2 : i32
      %dma_start3A_53 = arith.constant 2 : i32
      %dma_start3A_54 = arith.constant 0 : i32
      %dma_start3A_55 = arith.constant 0 : i32
      %dma_start3A_56 = tpu.memref_slice %arg8[%dma_start3A_52, %dma_start3A_54, %dma_start3A_55] : memref<10x128x32xf32, #tpu.memory_space<vmem>> -> memref<1x128x32xf32, #tpu.memory_space<vmem>>
      %dma_start3A_57 = tpu.memref_squeeze %dma_start3A_56 : memref<1x128x32xf32, #tpu.memory_space<vmem>> -> memref<128x32xf32, #tpu.memory_space<vmem>>
      %dma_start3A_58 = arith.constant 0 : i32
      %dma_start3A_59 = tpu.memref_slice %arg6[%add3A_51, %dma_start3A_58] : memref<160x128xi32, #tpu.memory_space<vmem>> -> memref<1x128xi32, #tpu.memory_space<vmem>>
      %dma_start3A_60 = tpu.memref_squeeze %dma_start3A_59 : memref<1x128xi32, #tpu.memory_space<vmem>> -> memref<128xi32, #tpu.memory_space<vmem>>
      %dma_start3A_61 = arith.constant 0 : i32
      %dma_start3A_62 = arith.constant 0 : i32
      %dma_start3A_63 = tpu.memref_slice %arg12[%dma_start3A_61, %dma_start3A_62] : memref<10240x32xf32, #tpu.memory_space<vmem_shared>> -> memref<10240x32xf32, #tpu.memory_space<vmem_shared>>
      %dma_start3A_64 = tpu.memref_slice %arg9[%dma_start3A_53] : memref<10x!tpu.dma_semaphore, #tpu.memory_space<semaphore_mem>> -> memref<1x!tpu.dma_semaphore, #tpu.memory_space<semaphore_mem>>
      %dma_start3A_65 = tpu.memref_squeeze %dma_start3A_64 : memref<1x!tpu.dma_semaphore, #tpu.memory_space<semaphore_mem>> -> memref<!tpu.dma_semaphore, #tpu.memory_space<semaphore_mem>>
      tpu.enqueue_indirect_dma source(%dma_start3A_63 : memref<10240x32xf32, #tpu.memory_space<vmem_shared>>) target(%dma_start3A_57 : memref<128x32xf32, #tpu.memory_space<vmem>>) offsets(%dma_start3A_60 : memref<128xi32, #tpu.memory_space<vmem>>) semaphore(%dma_start3A_65 : memref<!tpu.dma_semaphore, #tpu.memory_space<semaphore_mem>>)
      %add3A_66 = arith.constant 3 : i32
      %add3A_67 = arith.addi %mul3A_19, %add3A_66 : i32
      %dma_start3A_68 = arith.constant 3 : i32
      %dma_start3A_69 = arith.constant 3 : i32
      %dma_start3A_70 = arith.constant 0 : i32
      %dma_start3A_71 = arith.constant 0 : i32
      %dma_start3A_72 = tpu.memref_slice %arg8[%dma_start3A_68, %dma_start3A_70, %dma_start3A_71] : memref<10x128x32xf32, #tpu.memory_space<vmem>> -> memref<1x128x32xf32, #tpu.memory_space<vmem>>
      %dma_start3A_73 = tpu.memref_squeeze %dma_start3A_72 : memref<1x128x32xf32, #tpu.memory_space<vmem>> -> memref<128x32xf32, #tpu.memory_space<vmem>>
      %dma_start3A_74 = arith.constant 0 : i32
      %dma_start3A_75 = tpu.memref_slice %arg6[%add3A_67, %dma_start3A_74] : memref<160x128xi32, #tpu.memory_space<vmem>> -> memref<1x128xi32, #tpu.memory_space<vmem>>
      %dma_start3A_76 = tpu.memref_squeeze %dma_start3A_75 : memref<1x128xi32, #tpu.memory_space<vmem>> -> memref<128xi32, #tpu.memory_space<vmem>>
      %dma_start3A_77 = arith.constant 0 : i32
      %dma_start3A_78 = arith.constant 0 : i32
      %dma_start3A_79 = tpu.memref_slice %arg12[%dma_start3A_77, %dma_start3A_78] : memref<10240x32xf32, #tpu.memory_space<vmem_shared>> -> memref<10240x32xf32, #tpu.memory_space<vmem_shared>>
      %dma_start3A_80 = tpu.memref_slice %arg9[%dma_start3A_69] : memref<10x!tpu.dma_semaphore, #tpu.memory_space<semaphore_mem>> -> memref<1x!tpu.dma_semaphore, #tpu.memory_space<semaphore_mem>>
      %dma_start3A_81 = tpu.memref_squeeze %dma_start3A_80 : memref<1x!tpu.dma_semaphore, #tpu.memory_space<semaphore_mem>> -> memref<!tpu.dma_semaphore, #tpu.memory_space<semaphore_mem>>
      tpu.enqueue_indirect_dma source(%dma_start3A_79 : memref<10240x32xf32, #tpu.memory_space<vmem_shared>>) target(%dma_start3A_73 : memref<128x32xf32, #tpu.memory_space<vmem>>) offsets(%dma_start3A_76 : memref<128xi32, #tpu.memory_space<vmem>>) semaphore(%dma_start3A_81 : memref<!tpu.dma_semaphore, #tpu.memory_space<semaphore_mem>>)
      %add3A_82 = arith.constant 4 : i32
      %add3A_83 = arith.addi %mul3A_19, %add3A_82 : i32
      %dma_start3A_84 = arith.constant 4 : i32
      %dma_start3A_85 = arith.constant 4 : i32
      %dma_start3A_86 = arith.constant 0 : i32
      %dma_start3A_87 = arith.constant 0 : i32
      %dma_start3A_88 = tpu.memref_slice %arg8[%dma_start3A_84, %dma_start3A_86, %dma_start3A_87] : memref<10x128x32xf32, #tpu.memory_space<vmem>> -> memref<1x128x32xf32, #tpu.memory_space<vmem>>
      %dma_start3A_89 = tpu.memref_squeeze %dma_start3A_88 : memref<1x128x32xf32, #tpu.memory_space<vmem>> -> memref<128x32xf32, #tpu.memory_space<vmem>>
      %dma_start3A_90 = arith.constant 0 : i32
      %dma_start3A_91 = tpu.memref_slice %arg6[%add3A_83, %dma_start3A_90] : memref<160x128xi32, #tpu.memory_space<vmem>> -> memref<1x128xi32, #tpu.memory_space<vmem>>
      %dma_start3A_92 = tpu.memref_squeeze %dma_start3A_91 : memref<1x128xi32, #tpu.memory_space<vmem>> -> memref<128xi32, #tpu.memory_space<vmem>>
      %dma_start3A_93 = arith.constant 0 : i32
      %dma_start3A_94 = arith.constant 0 : i32
      %dma_start3A_95 = tpu.memref_slice %arg12[%dma_start3A_93, %dma_start3A_94] : memref<10240x32xf32, #tpu.memory_space<vmem_shared>> -> memref<10240x32xf32, #tpu.memory_space<vmem_shared>>
      %dma_start3A_96 = tpu.memref_slice %arg9[%dma_start3A_85] : memref<10x!tpu.dma_semaphore, #tpu.memory_space<semaphore_mem>> -> memref<1x!tpu.dma_semaphore, #tpu.memory_space<semaphore_mem>>
      %dma_start3A_97 = tpu.memref_squeeze %dma_start3A_96 : memref<1x!tpu.dma_semaphore, #tpu.memory_space<semaphore_mem>> -> memref<!tpu.dma_semaphore, #tpu.memory_space<semaphore_mem>>
      tpu.enqueue_indirect_dma source(%dma_start3A_95 : memref<10240x32xf32, #tpu.memory_space<vmem_shared>>) target(%dma_start3A_89 : memref<128x32xf32, #tpu.memory_space<vmem>>) offsets(%dma_start3A_92 : memref<128xi32, #tpu.memory_space<vmem>>) semaphore(%dma_start3A_97 : memref<!tpu.dma_semaphore, #tpu.memory_space<semaphore_mem>>)
      %add3A_98 = arith.constant 5 : i32
      %add3A_99 = arith.addi %mul3A_19, %add3A_98 : i32
      %dma_start3A_100 = arith.constant 5 : i32
      %dma_start3A_101 = arith.constant 5 : i32
      %dma_start3A_102 = arith.constant 0 : i32
      %dma_start3A_103 = arith.constant 0 : i32
      %dma_start3A_104 = tpu.memref_slice %arg8[%dma_start3A_100, %dma_start3A_102, %dma_start3A_103] : memref<10x128x32xf32, #tpu.memory_space<vmem>> -> memref<1x128x32xf32, #tpu.memory_space<vmem>>
      %dma_start3A_105 = tpu.memref_squeeze %dma_start3A_104 : memref<1x128x32xf32, #tpu.memory_space<vmem>> -> memref<128x32xf32, #tpu.memory_space<vmem>>
      %dma_start3A_106 = arith.constant 0 : i32
      %dma_start3A_107 = tpu.memref_slice %arg6[%add3A_99, %dma_start3A_106] : memref<160x128xi32, #tpu.memory_space<vmem>> -> memref<1x128xi32, #tpu.memory_space<vmem>>
      %dma_start3A_108 = tpu.memref_squeeze %dma_start3A_107 : memref<1x128xi32, #tpu.memory_space<vmem>> -> memref<128xi32, #tpu.memory_space<vmem>>
      %dma_start3A_109 = arith.constant 0 : i32
      %dma_start3A_110 = arith.constant 0 : i32
      %dma_start3A_111 = tpu.memref_slice %arg12[%dma_start3A_109, %dma_start3A_110] : memref<10240x32xf32, #tpu.memory_space<vmem_shared>> -> memref<10240x32xf32, #tpu.memory_space<vmem_shared>>
      %dma_start3A_112 = tpu.memref_slice %arg9[%dma_start3A_101] : memref<10x!tpu.dma_semaphore, #tpu.memory_space<semaphore_mem>> -> memref<1x!tpu.dma_semaphore, #tpu.memory_space<semaphore_mem>>
      %dma_start3A_113 = tpu.memref_squeeze %dma_start3A_112 : memref<1x!tpu.dma_semaphore, #tpu.memory_space<semaphore_mem>> -> memref<!tpu.dma_semaphore, #tpu.memory_space<semaphore_mem>>
      tpu.enqueue_indirect_dma source(%dma_start3A_111 : memref<10240x32xf32, #tpu.memory_space<vmem_shared>>) target(%dma_start3A_105 : memref<128x32xf32, #tpu.memory_space<vmem>>) offsets(%dma_start3A_108 : memref<128xi32, #tpu.memory_space<vmem>>) semaphore(%dma_start3A_113 : memref<!tpu.dma_semaphore, #tpu.memory_space<semaphore_mem>>)
      %add3A_114 = arith.constant 6 : i32
      %add3A_115 = arith.addi %mul3A_19, %add3A_114 : i32
      %dma_start3A_116 = arith.constant 6 : i32
      %dma_start3A_117 = arith.constant 6 : i32
      %dma_start3A_118 = arith.constant 0 : i32
      %dma_start3A_119 = arith.constant 0 : i32
      %dma_start3A_120 = tpu.memref_slice %arg8[%dma_start3A_116, %dma_start3A_118, %dma_start3A_119] : memref<10x128x32xf32, #tpu.memory_space<vmem>> -> memref<1x128x32xf32, #tpu.memory_space<vmem>>
      %dma_start3A_121 = tpu.memref_squeeze %dma_start3A_120 : memref<1x128x32xf32, #tpu.memory_space<vmem>> -> memref<128x32xf32, #tpu.memory_space<vmem>>
      %dma_start3A_122 = arith.constant 0 : i32
      %dma_start3A_123 = tpu.memref_slice %arg6[%add3A_115, %dma_start3A_122] : memref<160x128xi32, #tpu.memory_space<vmem>> -> memref<1x128xi32, #tpu.memory_space<vmem>>
      %dma_start3A_124 = tpu.memref_squeeze %dma_start3A_123 : memref<1x128xi32, #tpu.memory_space<vmem>> -> memref<128xi32, #tpu.memory_space<vmem>>
      %dma_start3A_125 = arith.constant 0 : i32
      %dma_start3A_126 = arith.constant 0 : i32
      %dma_start3A_127 = tpu.memref_slice %arg12[%dma_start3A_125, %dma_start3A_126] : memref<10240x32xf32, #tpu.memory_space<vmem_shared>> -> memref<10240x32xf32, #tpu.memory_space<vmem_shared>>
      %dma_start3A_128 = tpu.memref_slice %arg9[%dma_start3A_117] : memref<10x!tpu.dma_semaphore, #tpu.memory_space<semaphore_mem>> -> memref<1x!tpu.dma_semaphore, #tpu.memory_space<semaphore_mem>>
      %dma_start3A_129 = tpu.memref_squeeze %dma_start3A_128 : memref<1x!tpu.dma_semaphore, #tpu.memory_space<semaphore_mem>> -> memref<!tpu.dma_semaphore, #tpu.memory_space<semaphore_mem>>
      tpu.enqueue_indirect_dma source(%dma_start3A_127 : memref<10240x32xf32, #tpu.memory_space<vmem_shared>>) target(%dma_start3A_121 : memref<128x32xf32, #tpu.memory_space<vmem>>) offsets(%dma_start3A_124 : memref<128xi32, #tpu.memory_space<vmem>>) semaphore(%dma_start3A_129 : memref<!tpu.dma_semaphore, #tpu.memory_space<semaphore_mem>>)
      %add3A_130 = arith.constant 7 : i32
      %add3A_131 = arith.addi %mul3A_19, %add3A_130 : i32
      %dma_start3A_132 = arith.constant 7 : i32
      %dma_start3A_133 = arith.constant 7 : i32
      %dma_start3A_134 = arith.constant 0 : i32
      %dma_start3A_135 = arith.constant 0 : i32
      %dma_start3A_136 = tpu.memref_slice %arg8[%dma_start3A_132, %dma_start3A_134, %dma_start3A_135] : memref<10x128x32xf32, #tpu.memory_space<vmem>> -> memref<1x128x32xf32, #tpu.memory_space<vmem>>
      %dma_start3A_137 = tpu.memref_squeeze %dma_start3A_136 : memref<1x128x32xf32, #tpu.memory_space<vmem>> -> memref<128x32xf32, #tpu.memory_space<vmem>>
      %dma_start3A_138 = arith.constant 0 : i32
      %dma_start3A_139 = tpu.memref_slice %arg6[%add3A_131, %dma_start3A_138] : memref<160x128xi32, #tpu.memory_space<vmem>> -> memref<1x128xi32, #tpu.memory_space<vmem>>
      %dma_start3A_140 = tpu.memref_squeeze %dma_start3A_139 : memref<1x128xi32, #tpu.memory_space<vmem>> -> memref<128xi32, #tpu.memory_space<vmem>>
      %dma_start3A_141 = arith.constant 0 : i32
      %dma_start3A_142 = arith.constant 0 : i32
      %dma_start3A_143 = tpu.memref_slice %arg12[%dma_start3A_141, %dma_start3A_142] : memref<10240x32xf32, #tpu.memory_space<vmem_shared>> -> memref<10240x32xf32, #tpu.memory_space<vmem_shared>>
      %dma_start3A_144 = tpu.memref_slice %arg9[%dma_start3A_133] : memref<10x!tpu.dma_semaphore, #tpu.memory_space<semaphore_mem>> -> memref<1x!tpu.dma_semaphore, #tpu.memory_space<semaphore_mem>>
      %dma_start3A_145 = tpu.memref_squeeze %dma_start3A_144 : memref<1x!tpu.dma_semaphore, #tpu.memory_space<semaphore_mem>> -> memref<!tpu.dma_semaphore, #tpu.memory_space<semaphore_mem>>
      tpu.enqueue_indirect_dma source(%dma_start3A_143 : memref<10240x32xf32, #tpu.memory_space<vmem_shared>>) target(%dma_start3A_137 : memref<128x32xf32, #tpu.memory_space<vmem>>) offsets(%dma_start3A_140 : memref<128xi32, #tpu.memory_space<vmem>>) semaphore(%dma_start3A_145 : memref<!tpu.dma_semaphore, #tpu.memory_space<semaphore_mem>>)
      %add3A_146 = arith.constant 8 : i32
      %add3A_147 = arith.addi %mul3A_19, %add3A_146 : i32
      %dma_start3A_148 = arith.constant 8 : i32
      %dma_start3A_149 = arith.constant 8 : i32
      %dma_start3A_150 = arith.constant 0 : i32
      %dma_start3A_151 = arith.constant 0 : i32
      %dma_start3A_152 = tpu.memref_slice %arg8[%dma_start3A_148, %dma_start3A_150, %dma_start3A_151] : memref<10x128x32xf32, #tpu.memory_space<vmem>> -> memref<1x128x32xf32, #tpu.memory_space<vmem>>
      %dma_start3A_153 = tpu.memref_squeeze %dma_start3A_152 : memref<1x128x32xf32, #tpu.memory_space<vmem>> -> memref<128x32xf32, #tpu.memory_space<vmem>>
      %dma_start3A_154 = arith.constant 0 : i32
      %dma_start3A_155 = tpu.memref_slice %arg6[%add3A_147, %dma_start3A_154] : memref<160x128xi32, #tpu.memory_space<vmem>> -> memref<1x128xi32, #tpu.memory_space<vmem>>
      %dma_start3A_156 = tpu.memref_squeeze %dma_start3A_155 : memref<1x128xi32, #tpu.memory_space<vmem>> -> memref<128xi32, #tpu.memory_space<vmem>>
      %dma_start3A_157 = arith.constant 0 : i32
      %dma_start3A_158 = arith.constant 0 : i32
      %dma_start3A_159 = tpu.memref_slice %arg12[%dma_start3A_157, %dma_start3A_158] : memref<10240x32xf32, #tpu.memory_space<vmem_shared>> -> memref<10240x32xf32, #tpu.memory_space<vmem_shared>>
      %dma_start3A_160 = tpu.memref_slice %arg9[%dma_start3A_149] : memref<10x!tpu.dma_semaphore, #tpu.memory_space<semaphore_mem>> -> memref<1x!tpu.dma_semaphore, #tpu.memory_space<semaphore_mem>>
      %dma_start3A_161 = tpu.memref_squeeze %dma_start3A_160 : memref<1x!tpu.dma_semaphore, #tpu.memory_space<semaphore_mem>> -> memref<!tpu.dma_semaphore, #tpu.memory_space<semaphore_mem>>
      tpu.enqueue_indirect_dma source(%dma_start3A_159 : memref<10240x32xf32, #tpu.memory_space<vmem_shared>>) target(%dma_start3A_153 : memref<128x32xf32, #tpu.memory_space<vmem>>) offsets(%dma_start3A_156 : memref<128xi32, #tpu.memory_space<vmem>>) semaphore(%dma_start3A_161 : memref<!tpu.dma_semaphore, #tpu.memory_space<semaphore_mem>>)
      %add3A_162 = arith.constant 9 : i32
      %add3A_163 = arith.addi %mul3A_19, %add3A_162 : i32
      %dma_start3A_164 = arith.constant 9 : i32
      %dma_start3A_165 = arith.constant 9 : i32
      %dma_start3A_166 = arith.constant 0 : i32
      %dma_start3A_167 = arith.constant 0 : i32
      %dma_start3A_168 = tpu.memref_slice %arg8[%dma_start3A_164, %dma_start3A_166, %dma_start3A_167] : memref<10x128x32xf32, #tpu.memory_space<vmem>> -> memref<1x128x32xf32, #tpu.memory_space<vmem>>
      %dma_start3A_169 = tpu.memref_squeeze %dma_start3A_168 : memref<1x128x32xf32, #tpu.memory_space<vmem>> -> memref<128x32xf32, #tpu.memory_space<vmem>>
      %dma_start3A_170 = arith.constant 0 : i32
      %dma_start3A_171 = tpu.memref_slice %arg6[%add3A_163, %dma_start3A_170] : memref<160x128xi32, #tpu.memory_space<vmem>> -> memref<1x128xi32, #tpu.memory_space<vmem>>
      %dma_start3A_172 = tpu.memref_squeeze %dma_start3A_171 : memref<1x128xi32, #tpu.memory_space<vmem>> -> memref<128xi32, #tpu.memory_space<vmem>>
      %dma_start3A_173 = arith.constant 0 : i32
      %dma_start3A_174 = arith.constant 0 : i32
      %dma_start3A_175 = tpu.memref_slice %arg12[%dma_start3A_173, %dma_start3A_174] : memref<10240x32xf32, #tpu.memory_space<vmem_shared>> -> memref<10240x32xf32, #tpu.memory_space<vmem_shared>>
      %dma_start3A_176 = tpu.memref_slice %arg9[%dma_start3A_165] : memref<10x!tpu.dma_semaphore, #tpu.memory_space<semaphore_mem>> -> memref<1x!tpu.dma_semaphore, #tpu.memory_space<semaphore_mem>>
      %dma_start3A_177 = tpu.memref_squeeze %dma_start3A_176 : memref<1x!tpu.dma_semaphore, #tpu.memory_space<semaphore_mem>> -> memref<!tpu.dma_semaphore, #tpu.memory_space<semaphore_mem>>
      tpu.enqueue_indirect_dma source(%dma_start3A_175 : memref<10240x32xf32, #tpu.memory_space<vmem_shared>>) target(%dma_start3A_169 : memref<128x32xf32, #tpu.memory_space<vmem>>) offsets(%dma_start3A_172 : memref<128xi32, #tpu.memory_space<vmem>>) semaphore(%dma_start3A_177 : memref<!tpu.dma_semaphore, #tpu.memory_space<semaphore_mem>>)
      %dma_wait3A = arith.constant 0 : i32
      %dma_wait3A_178 = arith.constant 0 : i32
      %dma_wait3A_179 = arith.constant 0 : i32
      %dma_wait3A_180 = arith.constant 0 : i32
      %dma_wait3A_181 = tpu.memref_slice %arg8[%dma_wait3A, %dma_wait3A_179, %dma_wait3A_180] : memref<10x128x32xf32, #tpu.memory_space<vmem>> -> memref<1x128x32xf32, #tpu.memory_space<vmem>>
      %dma_wait3A_182 = tpu.memref_squeeze %dma_wait3A_181 : memref<1x128x32xf32, #tpu.memory_space<vmem>> -> memref<128x32xf32, #tpu.memory_space<vmem>>
      %dma_wait3A_183 = arith.constant 0 : i32
      %dma_wait3A_184 = tpu.memref_slice %arg6[%add3A_20, %dma_wait3A_183] : memref<160x128xi32, #tpu.memory_space<vmem>> -> memref<1x128xi32, #tpu.memory_space<vmem>>
      %dma_wait3A_185 = tpu.memref_squeeze %dma_wait3A_184 : memref<1x128xi32, #tpu.memory_space<vmem>> -> memref<128xi32, #tpu.memory_space<vmem>>
      %dma_wait3A_186 = arith.constant 0 : i32
      %dma_wait3A_187 = arith.constant 0 : i32
      %dma_wait3A_188 = tpu.memref_slice %arg12[%dma_wait3A_186, %dma_wait3A_187] : memref<10240x32xf32, #tpu.memory_space<vmem_shared>> -> memref<10240x32xf32, #tpu.memory_space<vmem_shared>>
      %dma_wait3A_189 = tpu.memref_slice %arg9[%dma_wait3A_178] : memref<10x!tpu.dma_semaphore, #tpu.memory_space<semaphore_mem>> -> memref<1x!tpu.dma_semaphore, #tpu.memory_space<semaphore_mem>>
      %dma_wait3A_190 = tpu.memref_squeeze %dma_wait3A_189 : memref<1x!tpu.dma_semaphore, #tpu.memory_space<semaphore_mem>> -> memref<!tpu.dma_semaphore, #tpu.memory_space<semaphore_mem>>
      tpu.wait_indirect_dma semaphore(%dma_wait3A_190 : memref<!tpu.dma_semaphore, #tpu.memory_space<semaphore_mem>>) src(%dma_wait3A_188 : memref<10240x32xf32, #tpu.memory_space<vmem_shared>>) dst(%dma_wait3A_182 : memref<128x32xf32, #tpu.memory_space<vmem>>)
      %add3A_191 = arith.constant 0 : i32
      %add3A_192 = arith.addi %mul3A_19, %add3A_191 : i32
      %dma_start3A_193 = arith.constant 0 : i32
      %dma_start3A_194 = arith.constant 0 : i32
      %dma_start3A_195 = arith.constant 0 : i32
      %dma_start3A_196 = arith.constant 0 : i32
      %dma_start3A_197 = tpu.memref_slice %arg8[%dma_start3A_193, %dma_start3A_195, %dma_start3A_196] : memref<10x128x32xf32, #tpu.memory_space<vmem>> -> memref<1x128x32xf32, #tpu.memory_space<vmem>>
      %dma_start3A_198 = tpu.memref_squeeze %dma_start3A_197 : memref<1x128x32xf32, #tpu.memory_space<vmem>> -> memref<128x32xf32, #tpu.memory_space<vmem>>
      %dma_start3A_199 = arith.constant 0 : i32
      %dma_start3A_200 = tpu.memref_slice %arg7[%add3A_192, %dma_start3A_199] : memref<160x128xi32, #tpu.memory_space<vmem>> -> memref<1x128xi32, #tpu.memory_space<vmem>>
      %dma_start3A_201 = tpu.memref_squeeze %dma_start3A_200 : memref<1x128xi32, #tpu.memory_space<vmem>> -> memref<128xi32, #tpu.memory_space<vmem>>
      %dma_start3A_202 = arith.constant 0 : i32
      %dma_start3A_203 = arith.constant 0 : i32
      %dma_start3A_204 = tpu.memref_slice %arg11[%dma_start3A_202, %dma_start3A_203] : memref<10240x32xf32, #tpu.memory_space<vmem_shared>> -> memref<10240x32xf32, #tpu.memory_space<vmem_shared>>
      %dma_start3A_205 = tpu.memref_slice %arg10[%dma_start3A_194] : memref<10x!tpu.dma_semaphore, #tpu.memory_space<semaphore_mem>> -> memref<1x!tpu.dma_semaphore, #tpu.memory_space<semaphore_mem>>
      %dma_start3A_206 = tpu.memref_squeeze %dma_start3A_205 : memref<1x!tpu.dma_semaphore, #tpu.memory_space<semaphore_mem>> -> memref<!tpu.dma_semaphore, #tpu.memory_space<semaphore_mem>>
      tpu.enqueue_indirect_dma source(%dma_start3A_198 : memref<128x32xf32, #tpu.memory_space<vmem>>) target(%dma_start3A_204 : memref<10240x32xf32, #tpu.memory_space<vmem_shared>>) offsets(%dma_start3A_201 : memref<128xi32, #tpu.memory_space<vmem>>) semaphore(%dma_start3A_206 : memref<!tpu.dma_semaphore, #tpu.memory_space<semaphore_mem>>) {add = true}
      %dma_wait3A_207 = arith.constant 1 : i32
      %dma_wait3A_208 = arith.constant 1 : i32
      %dma_wait3A_209 = arith.constant 0 : i32
      %dma_wait3A_210 = arith.constant 0 : i32
      %dma_wait3A_211 = tpu.memref_slice %arg8[%dma_wait3A_207, %dma_wait3A_209, %dma_wait3A_210] : memref<10x128x32xf32, #tpu.memory_space<vmem>> -> memref<1x128x32xf32, #tpu.memory_space<vmem>>
      %dma_wait3A_212 = tpu.memref_squeeze %dma_wait3A_211 : memref<1x128x32xf32, #tpu.memory_space<vmem>> -> memref<128x32xf32, #tpu.memory_space<vmem>>
      %dma_wait3A_213 = arith.constant 0 : i32
      %dma_wait3A_214 = tpu.memref_slice %arg6[%add3A_35, %dma_wait3A_213] : memref<160x128xi32, #tpu.memory_space<vmem>> -> memref<1x128xi32, #tpu.memory_space<vmem>>
      %dma_wait3A_215 = tpu.memref_squeeze %dma_wait3A_214 : memref<1x128xi32, #tpu.memory_space<vmem>> -> memref<128xi32, #tpu.memory_space<vmem>>
      %dma_wait3A_216 = arith.constant 0 : i32
      %dma_wait3A_217 = arith.constant 0 : i32
      %dma_wait3A_218 = tpu.memref_slice %arg12[%dma_wait3A_216, %dma_wait3A_217] : memref<10240x32xf32, #tpu.memory_space<vmem_shared>> -> memref<10240x32xf32, #tpu.memory_space<vmem_shared>>
      %dma_wait3A_219 = tpu.memref_slice %arg9[%dma_wait3A_208] : memref<10x!tpu.dma_semaphore, #tpu.memory_space<semaphore_mem>> -> memref<1x!tpu.dma_semaphore, #tpu.memory_space<semaphore_mem>>
      %dma_wait3A_220 = tpu.memref_squeeze %dma_wait3A_219 : memref<1x!tpu.dma_semaphore, #tpu.memory_space<semaphore_mem>> -> memref<!tpu.dma_semaphore, #tpu.memory_space<semaphore_mem>>
      tpu.wait_indirect_dma semaphore(%dma_wait3A_220 : memref<!tpu.dma_semaphore, #tpu.memory_space<semaphore_mem>>) src(%dma_wait3A_218 : memref<10240x32xf32, #tpu.memory_space<vmem_shared>>) dst(%dma_wait3A_212 : memref<128x32xf32, #tpu.memory_space<vmem>>)
      %add3A_221 = arith.constant 1 : i32
      %add3A_222 = arith.addi %mul3A_19, %add3A_221 : i32
      %dma_start3A_223 = arith.constant 1 : i32
      %dma_start3A_224 = arith.constant 1 : i32
      %dma_start3A_225 = arith.constant 0 : i32
      %dma_start3A_226 = arith.constant 0 : i32
      %dma_start3A_227 = tpu.memref_slice %arg8[%dma_start3A_223, %dma_start3A_225, %dma_start3A_226] : memref<10x128x32xf32, #tpu.memory_space<vmem>> -> memref<1x128x32xf32, #tpu.memory_space<vmem>>
      %dma_start3A_228 = tpu.memref_squeeze %dma_start3A_227 : memref<1x128x32xf32, #tpu.memory_space<vmem>> -> memref<128x32xf32, #tpu.memory_space<vmem>>
      %dma_start3A_229 = arith.constant 0 : i32
      %dma_start3A_230 = tpu.memref_slice %arg7[%add3A_222, %dma_start3A_229] : memref<160x128xi32, #tpu.memory_space<vmem>> -> memref<1x128xi32, #tpu.memory_space<vmem>>
      %dma_start3A_231 = tpu.memref_squeeze %dma_start3A_230 : memref<1x128xi32, #tpu.memory_space<vmem>> -> memref<128xi32, #tpu.memory_space<vmem>>
      %dma_start3A_232 = arith.constant 0 : i32
      %dma_start3A_233 = arith.constant 0 : i32
      %dma_start3A_234 = tpu.memref_slice %arg11[%dma_start3A_232, %dma_start3A_233] : memref<10240x32xf32, #tpu.memory_space<vmem_shared>> -> memref<10240x32xf32, #tpu.memory_space<vmem_shared>>
      %dma_start3A_235 = tpu.memref_slice %arg10[%dma_start3A_224] : memref<10x!tpu.dma_semaphore, #tpu.memory_space<semaphore_mem>> -> memref<1x!tpu.dma_semaphore, #tpu.memory_space<semaphore_mem>>
      %dma_start3A_236 = tpu.memref_squeeze %dma_start3A_235 : memref<1x!tpu.dma_semaphore, #tpu.memory_space<semaphore_mem>> -> memref<!tpu.dma_semaphore, #tpu.memory_space<semaphore_mem>>
      tpu.enqueue_indirect_dma source(%dma_start3A_228 : memref<128x32xf32, #tpu.memory_space<vmem>>) target(%dma_start3A_234 : memref<10240x32xf32, #tpu.memory_space<vmem_shared>>) offsets(%dma_start3A_231 : memref<128xi32, #tpu.memory_space<vmem>>) semaphore(%dma_start3A_236 : memref<!tpu.dma_semaphore, #tpu.memory_space<semaphore_mem>>) {add = true}
      %dma_wait3A_237 = arith.constant 2 : i32
      %dma_wait3A_238 = arith.constant 2 : i32
      %dma_wait3A_239 = arith.constant 0 : i32
      %dma_wait3A_240 = arith.constant 0 : i32
      %dma_wait3A_241 = tpu.memref_slice %arg8[%dma_wait3A_237, %dma_wait3A_239, %dma_wait3A_240] : memref<10x128x32xf32, #tpu.memory_space<vmem>> -> memref<1x128x32xf32, #tpu.memory_space<vmem>>
      %dma_wait3A_242 = tpu.memref_squeeze %dma_wait3A_241 : memref<1x128x32xf32, #tpu.memory_space<vmem>> -> memref<128x32xf32, #tpu.memory_space<vmem>>
      %dma_wait3A_243 = arith.constant 0 : i32
      %dma_wait3A_244 = tpu.memref_slice %arg6[%add3A_51, %dma_wait3A_243] : memref<160x128xi32, #tpu.memory_space<vmem>> -> memref<1x128xi32, #tpu.memory_space<vmem>>
      %dma_wait3A_245 = tpu.memref_squeeze %dma_wait3A_244 : memref<1x128xi32, #tpu.memory_space<vmem>> -> memref<128xi32, #tpu.memory_space<vmem>>
      %dma_wait3A_246 = arith.constant 0 : i32
      %dma_wait3A_247 = arith.constant 0 : i32
      %dma_wait3A_248 = tpu.memref_slice %arg12[%dma_wait3A_246, %dma_wait3A_247] : memref<10240x32xf32, #tpu.memory_space<vmem_shared>> -> memref<10240x32xf32, #tpu.memory_space<vmem_shared>>
      %dma_wait3A_249 = tpu.memref_slice %arg9[%dma_wait3A_238] : memref<10x!tpu.dma_semaphore, #tpu.memory_space<semaphore_mem>> -> memref<1x!tpu.dma_semaphore, #tpu.memory_space<semaphore_mem>>
      %dma_wait3A_250 = tpu.memref_squeeze %dma_wait3A_249 : memref<1x!tpu.dma_semaphore, #tpu.memory_space<semaphore_mem>> -> memref<!tpu.dma_semaphore, #tpu.memory_space<semaphore_mem>>
      tpu.wait_indirect_dma semaphore(%dma_wait3A_250 : memref<!tpu.dma_semaphore, #tpu.memory_space<semaphore_mem>>) src(%dma_wait3A_248 : memref<10240x32xf32, #tpu.memory_space<vmem_shared>>) dst(%dma_wait3A_242 : memref<128x32xf32, #tpu.memory_space<vmem>>)
      %add3A_251 = arith.constant 2 : i32
      %add3A_252 = arith.addi %mul3A_19, %add3A_251 : i32
      %dma_start3A_253 = arith.constant 2 : i32
      %dma_start3A_254 = arith.constant 2 : i32
      %dma_start3A_255 = arith.constant 0 : i32
      %dma_start3A_256 = arith.constant 0 : i32
      %dma_start3A_257 = tpu.memref_slice %arg8[%dma_start3A_253, %dma_start3A_255, %dma_start3A_256] : memref<10x128x32xf32, #tpu.memory_space<vmem>> -> memref<1x128x32xf32, #tpu.memory_space<vmem>>
      %dma_start3A_258 = tpu.memref_squeeze %dma_start3A_257 : memref<1x128x32xf32, #tpu.memory_space<vmem>> -> memref<128x32xf32, #tpu.memory_space<vmem>>
      %dma_start3A_259 = arith.constant 0 : i32
      %dma_start3A_260 = tpu.memref_slice %arg7[%add3A_252, %dma_start3A_259] : memref<160x128xi32, #tpu.memory_space<vmem>> -> memref<1x128xi32, #tpu.memory_space<vmem>>
      %dma_start3A_261 = tpu.memref_squeeze %dma_start3A_260 : memref<1x128xi32, #tpu.memory_space<vmem>> -> memref<128xi32, #tpu.memory_space<vmem>>
      %dma_start3A_262 = arith.constant 0 : i32
      %dma_start3A_263 = arith.constant 0 : i32
      %dma_start3A_264 = tpu.memref_slice %arg11[%dma_start3A_262, %dma_start3A_263] : memref<10240x32xf32, #tpu.memory_space<vmem_shared>> -> memref<10240x32xf32, #tpu.memory_space<vmem_shared>>
      %dma_start3A_265 = tpu.memref_slice %arg10[%dma_start3A_254] : memref<10x!tpu.dma_semaphore, #tpu.memory_space<semaphore_mem>> -> memref<1x!tpu.dma_semaphore, #tpu.memory_space<semaphore_mem>>
      %dma_start3A_266 = tpu.memref_squeeze %dma_start3A_265 : memref<1x!tpu.dma_semaphore, #tpu.memory_space<semaphore_mem>> -> memref<!tpu.dma_semaphore, #tpu.memory_space<semaphore_mem>>
      tpu.enqueue_indirect_dma source(%dma_start3A_258 : memref<128x32xf32, #tpu.memory_space<vmem>>) target(%dma_start3A_264 : memref<10240x32xf32, #tpu.memory_space<vmem_shared>>) offsets(%dma_start3A_261 : memref<128xi32, #tpu.memory_space<vmem>>) semaphore(%dma_start3A_266 : memref<!tpu.dma_semaphore, #tpu.memory_space<semaphore_mem>>) {add = true}
      %dma_wait3A_267 = arith.constant 3 : i32
      %dma_wait3A_268 = arith.constant 3 : i32
      %dma_wait3A_269 = arith.constant 0 : i32
      %dma_wait3A_270 = arith.constant 0 : i32
      %dma_wait3A_271 = tpu.memref_slice %arg8[%dma_wait3A_267, %dma_wait3A_269, %dma_wait3A_270] : memref<10x128x32xf32, #tpu.memory_space<vmem>> -> memref<1x128x32xf32, #tpu.memory_space<vmem>>
      %dma_wait3A_272 = tpu.memref_squeeze %dma_wait3A_271 : memref<1x128x32xf32, #tpu.memory_space<vmem>> -> memref<128x32xf32, #tpu.memory_space<vmem>>
      %dma_wait3A_273 = arith.constant 0 : i32
      %dma_wait3A_274 = tpu.memref_slice %arg6[%add3A_67, %dma_wait3A_273] : memref<160x128xi32, #tpu.memory_space<vmem>> -> memref<1x128xi32, #tpu.memory_space<vmem>>
      %dma_wait3A_275 = tpu.memref_squeeze %dma_wait3A_274 : memref<1x128xi32, #tpu.memory_space<vmem>> -> memref<128xi32, #tpu.memory_space<vmem>>
      %dma_wait3A_276 = arith.constant 0 : i32
      %dma_wait3A_277 = arith.constant 0 : i32
      %dma_wait3A_278 = tpu.memref_slice %arg12[%dma_wait3A_276, %dma_wait3A_277] : memref<10240x32xf32, #tpu.memory_space<vmem_shared>> -> memref<10240x32xf32, #tpu.memory_space<vmem_shared>>
      %dma_wait3A_279 = tpu.memref_slice %arg9[%dma_wait3A_268] : memref<10x!tpu.dma_semaphore, #tpu.memory_space<semaphore_mem>> -> memref<1x!tpu.dma_semaphore, #tpu.memory_space<semaphore_mem>>
      %dma_wait3A_280 = tpu.memref_squeeze %dma_wait3A_279 : memref<1x!tpu.dma_semaphore, #tpu.memory_space<semaphore_mem>> -> memref<!tpu.dma_semaphore, #tpu.memory_space<semaphore_mem>>
      tpu.wait_indirect_dma semaphore(%dma_wait3A_280 : memref<!tpu.dma_semaphore, #tpu.memory_space<semaphore_mem>>) src(%dma_wait3A_278 : memref<10240x32xf32, #tpu.memory_space<vmem_shared>>) dst(%dma_wait3A_272 : memref<128x32xf32, #tpu.memory_space<vmem>>)
      %add3A_281 = arith.constant 3 : i32
      %add3A_282 = arith.addi %mul3A_19, %add3A_281 : i32
      %dma_start3A_283 = arith.constant 3 : i32
      %dma_start3A_284 = arith.constant 3 : i32
      %dma_start3A_285 = arith.constant 0 : i32
      %dma_start3A_286 = arith.constant 0 : i32
      %dma_start3A_287 = tpu.memref_slice %arg8[%dma_start3A_283, %dma_start3A_285, %dma_start3A_286] : memref<10x128x32xf32, #tpu.memory_space<vmem>> -> memref<1x128x32xf32, #tpu.memory_space<vmem>>
      %dma_start3A_288 = tpu.memref_squeeze %dma_start3A_287 : memref<1x128x32xf32, #tpu.memory_space<vmem>> -> memref<128x32xf32, #tpu.memory_space<vmem>>
      %dma_start3A_289 = arith.constant 0 : i32
      %dma_start3A_290 = tpu.memref_slice %arg7[%add3A_282, %dma_start3A_289] : memref<160x128xi32, #tpu.memory_space<vmem>> -> memref<1x128xi32, #tpu.memory_space<vmem>>
      %dma_start3A_291 = tpu.memref_squeeze %dma_start3A_290 : memref<1x128xi32, #tpu.memory_space<vmem>> -> memref<128xi32, #tpu.memory_space<vmem>>
      %dma_start3A_292 = arith.constant 0 : i32
      %dma_start3A_293 = arith.constant 0 : i32
      %dma_start3A_294 = tpu.memref_slice %arg11[%dma_start3A_292, %dma_start3A_293] : memref<10240x32xf32, #tpu.memory_space<vmem_shared>> -> memref<10240x32xf32, #tpu.memory_space<vmem_shared>>
      %dma_start3A_295 = tpu.memref_slice %arg10[%dma_start3A_284] : memref<10x!tpu.dma_semaphore, #tpu.memory_space<semaphore_mem>> -> memref<1x!tpu.dma_semaphore, #tpu.memory_space<semaphore_mem>>
      %dma_start3A_296 = tpu.memref_squeeze %dma_start3A_295 : memref<1x!tpu.dma_semaphore, #tpu.memory_space<semaphore_mem>> -> memref<!tpu.dma_semaphore, #tpu.memory_space<semaphore_mem>>
      tpu.enqueue_indirect_dma source(%dma_start3A_288 : memref<128x32xf32, #tpu.memory_space<vmem>>) target(%dma_start3A_294 : memref<10240x32xf32, #tpu.memory_space<vmem_shared>>) offsets(%dma_start3A_291 : memref<128xi32, #tpu.memory_space<vmem>>) semaphore(%dma_start3A_296 : memref<!tpu.dma_semaphore, #tpu.memory_space<semaphore_mem>>) {add = true}
      %dma_wait3A_297 = arith.constant 4 : i32
      %dma_wait3A_298 = arith.constant 4 : i32
      %dma_wait3A_299 = arith.constant 0 : i32
      %dma_wait3A_300 = arith.constant 0 : i32
      %dma_wait3A_301 = tpu.memref_slice %arg8[%dma_wait3A_297, %dma_wait3A_299, %dma_wait3A_300] : memref<10x128x32xf32, #tpu.memory_space<vmem>> -> memref<1x128x32xf32, #tpu.memory_space<vmem>>
      %dma_wait3A_302 = tpu.memref_squeeze %dma_wait3A_301 : memref<1x128x32xf32, #tpu.memory_space<vmem>> -> memref<128x32xf32, #tpu.memory_space<vmem>>
      %dma_wait3A_303 = arith.constant 0 : i32
      %dma_wait3A_304 = tpu.memref_slice %arg6[%add3A_83, %dma_wait3A_303] : memref<160x128xi32, #tpu.memory_space<vmem>> -> memref<1x128xi32, #tpu.memory_space<vmem>>
      %dma_wait3A_305 = tpu.memref_squeeze %dma_wait3A_304 : memref<1x128xi32, #tpu.memory_space<vmem>> -> memref<128xi32, #tpu.memory_space<vmem>>
      %dma_wait3A_306 = arith.constant 0 : i32
      %dma_wait3A_307 = arith.constant 0 : i32
      %dma_wait3A_308 = tpu.memref_slice %arg12[%dma_wait3A_306, %dma_wait3A_307] : memref<10240x32xf32, #tpu.memory_space<vmem_shared>> -> memref<10240x32xf32, #tpu.memory_space<vmem_shared>>
      %dma_wait3A_309 = tpu.memref_slice %arg9[%dma_wait3A_298] : memref<10x!tpu.dma_semaphore, #tpu.memory_space<semaphore_mem>> -> memref<1x!tpu.dma_semaphore, #tpu.memory_space<semaphore_mem>>
      %dma_wait3A_310 = tpu.memref_squeeze %dma_wait3A_309 : memref<1x!tpu.dma_semaphore, #tpu.memory_space<semaphore_mem>> -> memref<!tpu.dma_semaphore, #tpu.memory_space<semaphore_mem>>
      tpu.wait_indirect_dma semaphore(%dma_wait3A_310 : memref<!tpu.dma_semaphore, #tpu.memory_space<semaphore_mem>>) src(%dma_wait3A_308 : memref<10240x32xf32, #tpu.memory_space<vmem_shared>>) dst(%dma_wait3A_302 : memref<128x32xf32, #tpu.memory_space<vmem>>)
      %add3A_311 = arith.constant 4 : i32
      %add3A_312 = arith.addi %mul3A_19, %add3A_311 : i32
      %dma_start3A_313 = arith.constant 4 : i32
      %dma_start3A_314 = arith.constant 4 : i32
      %dma_start3A_315 = arith.constant 0 : i32
      %dma_start3A_316 = arith.constant 0 : i32
      %dma_start3A_317 = tpu.memref_slice %arg8[%dma_start3A_313, %dma_start3A_315, %dma_start3A_316] : memref<10x128x32xf32, #tpu.memory_space<vmem>> -> memref<1x128x32xf32, #tpu.memory_space<vmem>>
      %dma_start3A_318 = tpu.memref_squeeze %dma_start3A_317 : memref<1x128x32xf32, #tpu.memory_space<vmem>> -> memref<128x32xf32, #tpu.memory_space<vmem>>
      %dma_start3A_319 = arith.constant 0 : i32
      %dma_start3A_320 = tpu.memref_slice %arg7[%add3A_312, %dma_start3A_319] : memref<160x128xi32, #tpu.memory_space<vmem>> -> memref<1x128xi32, #tpu.memory_space<vmem>>
      %dma_start3A_321 = tpu.memref_squeeze %dma_start3A_320 : memref<1x128xi32, #tpu.memory_space<vmem>> -> memref<128xi32, #tpu.memory_space<vmem>>
      %dma_start3A_322 = arith.constant 0 : i32
      %dma_start3A_323 = arith.constant 0 : i32
      %dma_start3A_324 = tpu.memref_slice %arg11[%dma_start3A_322, %dma_start3A_323] : memref<10240x32xf32, #tpu.memory_space<vmem_shared>> -> memref<10240x32xf32, #tpu.memory_space<vmem_shared>>
      %dma_start3A_325 = tpu.memref_slice %arg10[%dma_start3A_314] : memref<10x!tpu.dma_semaphore, #tpu.memory_space<semaphore_mem>> -> memref<1x!tpu.dma_semaphore, #tpu.memory_space<semaphore_mem>>
      %dma_start3A_326 = tpu.memref_squeeze %dma_start3A_325 : memref<1x!tpu.dma_semaphore, #tpu.memory_space<semaphore_mem>> -> memref<!tpu.dma_semaphore, #tpu.memory_space<semaphore_mem>>
      tpu.enqueue_indirect_dma source(%dma_start3A_318 : memref<128x32xf32, #tpu.memory_space<vmem>>) target(%dma_start3A_324 : memref<10240x32xf32, #tpu.memory_space<vmem_shared>>) offsets(%dma_start3A_321 : memref<128xi32, #tpu.memory_space<vmem>>) semaphore(%dma_start3A_326 : memref<!tpu.dma_semaphore, #tpu.memory_space<semaphore_mem>>) {add = true}
      %dma_wait3A_327 = arith.constant 5 : i32
      %dma_wait3A_328 = arith.constant 5 : i32
      %dma_wait3A_329 = arith.constant 0 : i32
      %dma_wait3A_330 = arith.constant 0 : i32
      %dma_wait3A_331 = tpu.memref_slice %arg8[%dma_wait3A_327, %dma_wait3A_329, %dma_wait3A_330] : memref<10x128x32xf32, #tpu.memory_space<vmem>> -> memref<1x128x32xf32, #tpu.memory_space<vmem>>
      %dma_wait3A_332 = tpu.memref_squeeze %dma_wait3A_331 : memref<1x128x32xf32, #tpu.memory_space<vmem>> -> memref<128x32xf32, #tpu.memory_space<vmem>>
      %dma_wait3A_333 = arith.constant 0 : i32
      %dma_wait3A_334 = tpu.memref_slice %arg6[%add3A_99, %dma_wait3A_333] : memref<160x128xi32, #tpu.memory_space<vmem>> -> memref<1x128xi32, #tpu.memory_space<vmem>>
      %dma_wait3A_335 = tpu.memref_squeeze %dma_wait3A_334 : memref<1x128xi32, #tpu.memory_space<vmem>> -> memref<128xi32, #tpu.memory_space<vmem>>
      %dma_wait3A_336 = arith.constant 0 : i32
      %dma_wait3A_337 = arith.constant 0 : i32
      %dma_wait3A_338 = tpu.memref_slice %arg12[%dma_wait3A_336, %dma_wait3A_337] : memref<10240x32xf32, #tpu.memory_space<vmem_shared>> -> memref<10240x32xf32, #tpu.memory_space<vmem_shared>>
      %dma_wait3A_339 = tpu.memref_slice %arg9[%dma_wait3A_328] : memref<10x!tpu.dma_semaphore, #tpu.memory_space<semaphore_mem>> -> memref<1x!tpu.dma_semaphore, #tpu.memory_space<semaphore_mem>>
      %dma_wait3A_340 = tpu.memref_squeeze %dma_wait3A_339 : memref<1x!tpu.dma_semaphore, #tpu.memory_space<semaphore_mem>> -> memref<!tpu.dma_semaphore, #tpu.memory_space<semaphore_mem>>
      tpu.wait_indirect_dma semaphore(%dma_wait3A_340 : memref<!tpu.dma_semaphore, #tpu.memory_space<semaphore_mem>>) src(%dma_wait3A_338 : memref<10240x32xf32, #tpu.memory_space<vmem_shared>>) dst(%dma_wait3A_332 : memref<128x32xf32, #tpu.memory_space<vmem>>)
      %add3A_341 = arith.constant 5 : i32
      %add3A_342 = arith.addi %mul3A_19, %add3A_341 : i32
      %dma_start3A_343 = arith.constant 5 : i32
      %dma_start3A_344 = arith.constant 5 : i32
      %dma_start3A_345 = arith.constant 0 : i32
      %dma_start3A_346 = arith.constant 0 : i32
      %dma_start3A_347 = tpu.memref_slice %arg8[%dma_start3A_343, %dma_start3A_345, %dma_start3A_346] : memref<10x128x32xf32, #tpu.memory_space<vmem>> -> memref<1x128x32xf32, #tpu.memory_space<vmem>>
      %dma_start3A_348 = tpu.memref_squeeze %dma_start3A_347 : memref<1x128x32xf32, #tpu.memory_space<vmem>> -> memref<128x32xf32, #tpu.memory_space<vmem>>
      %dma_start3A_349 = arith.constant 0 : i32
      %dma_start3A_350 = tpu.memref_slice %arg7[%add3A_342, %dma_start3A_349] : memref<160x128xi32, #tpu.memory_space<vmem>> -> memref<1x128xi32, #tpu.memory_space<vmem>>
      %dma_start3A_351 = tpu.memref_squeeze %dma_start3A_350 : memref<1x128xi32, #tpu.memory_space<vmem>> -> memref<128xi32, #tpu.memory_space<vmem>>
      %dma_start3A_352 = arith.constant 0 : i32
      %dma_start3A_353 = arith.constant 0 : i32
      %dma_start3A_354 = tpu.memref_slice %arg11[%dma_start3A_352, %dma_start3A_353] : memref<10240x32xf32, #tpu.memory_space<vmem_shared>> -> memref<10240x32xf32, #tpu.memory_space<vmem_shared>>
      %dma_start3A_355 = tpu.memref_slice %arg10[%dma_start3A_344] : memref<10x!tpu.dma_semaphore, #tpu.memory_space<semaphore_mem>> -> memref<1x!tpu.dma_semaphore, #tpu.memory_space<semaphore_mem>>
      %dma_start3A_356 = tpu.memref_squeeze %dma_start3A_355 : memref<1x!tpu.dma_semaphore, #tpu.memory_space<semaphore_mem>> -> memref<!tpu.dma_semaphore, #tpu.memory_space<semaphore_mem>>
      tpu.enqueue_indirect_dma source(%dma_start3A_348 : memref<128x32xf32, #tpu.memory_space<vmem>>) target(%dma_start3A_354 : memref<10240x32xf32, #tpu.memory_space<vmem_shared>>) offsets(%dma_start3A_351 : memref<128xi32, #tpu.memory_space<vmem>>) semaphore(%dma_start3A_356 : memref<!tpu.dma_semaphore, #tpu.memory_space<semaphore_mem>>) {add = true}
      %dma_wait3A_357 = arith.constant 6 : i32
      %dma_wait3A_358 = arith.constant 6 : i32
      %dma_wait3A_359 = arith.constant 0 : i32
      %dma_wait3A_360 = arith.constant 0 : i32
      %dma_wait3A_361 = tpu.memref_slice %arg8[%dma_wait3A_357, %dma_wait3A_359, %dma_wait3A_360] : memref<10x128x32xf32, #tpu.memory_space<vmem>> -> memref<1x128x32xf32, #tpu.memory_space<vmem>>
      %dma_wait3A_362 = tpu.memref_squeeze %dma_wait3A_361 : memref<1x128x32xf32, #tpu.memory_space<vmem>> -> memref<128x32xf32, #tpu.memory_space<vmem>>
      %dma_wait3A_363 = arith.constant 0 : i32
      %dma_wait3A_364 = tpu.memref_slice %arg6[%add3A_115, %dma_wait3A_363] : memref<160x128xi32, #tpu.memory_space<vmem>> -> memref<1x128xi32, #tpu.memory_space<vmem>>
      %dma_wait3A_365 = tpu.memref_squeeze %dma_wait3A_364 : memref<1x128xi32, #tpu.memory_space<vmem>> -> memref<128xi32, #tpu.memory_space<vmem>>
      %dma_wait3A_366 = arith.constant 0 : i32
      %dma_wait3A_367 = arith.constant 0 : i32
      %dma_wait3A_368 = tpu.memref_slice %arg12[%dma_wait3A_366, %dma_wait3A_367] : memref<10240x32xf32, #tpu.memory_space<vmem_shared>> -> memref<10240x32xf32, #tpu.memory_space<vmem_shared>>
      %dma_wait3A_369 = tpu.memref_slice %arg9[%dma_wait3A_358] : memref<10x!tpu.dma_semaphore, #tpu.memory_space<semaphore_mem>> -> memref<1x!tpu.dma_semaphore, #tpu.memory_space<semaphore_mem>>
      %dma_wait3A_370 = tpu.memref_squeeze %dma_wait3A_369 : memref<1x!tpu.dma_semaphore, #tpu.memory_space<semaphore_mem>> -> memref<!tpu.dma_semaphore, #tpu.memory_space<semaphore_mem>>
      tpu.wait_indirect_dma semaphore(%dma_wait3A_370 : memref<!tpu.dma_semaphore, #tpu.memory_space<semaphore_mem>>) src(%dma_wait3A_368 : memref<10240x32xf32, #tpu.memory_space<vmem_shared>>) dst(%dma_wait3A_362 : memref<128x32xf32, #tpu.memory_space<vmem>>)
      %add3A_371 = arith.constant 6 : i32
      %add3A_372 = arith.addi %mul3A_19, %add3A_371 : i32
      %dma_start3A_373 = arith.constant 6 : i32
      %dma_start3A_374 = arith.constant 6 : i32
      %dma_start3A_375 = arith.constant 0 : i32
      %dma_start3A_376 = arith.constant 0 : i32
      %dma_start3A_377 = tpu.memref_slice %arg8[%dma_start3A_373, %dma_start3A_375, %dma_start3A_376] : memref<10x128x32xf32, #tpu.memory_space<vmem>> -> memref<1x128x32xf32, #tpu.memory_space<vmem>>
      %dma_start3A_378 = tpu.memref_squeeze %dma_start3A_377 : memref<1x128x32xf32, #tpu.memory_space<vmem>> -> memref<128x32xf32, #tpu.memory_space<vmem>>
      %dma_start3A_379 = arith.constant 0 : i32
      %dma_start3A_380 = tpu.memref_slice %arg7[%add3A_372, %dma_start3A_379] : memref<160x128xi32, #tpu.memory_space<vmem>> -> memref<1x128xi32, #tpu.memory_space<vmem>>
      %dma_start3A_381 = tpu.memref_squeeze %dma_start3A_380 : memref<1x128xi32, #tpu.memory_space<vmem>> -> memref<128xi32, #tpu.memory_space<vmem>>
      %dma_start3A_382 = arith.constant 0 : i32
      %dma_start3A_383 = arith.constant 0 : i32
      %dma_start3A_384 = tpu.memref_slice %arg11[%dma_start3A_382, %dma_start3A_383] : memref<10240x32xf32, #tpu.memory_space<vmem_shared>> -> memref<10240x32xf32, #tpu.memory_space<vmem_shared>>
      %dma_start3A_385 = tpu.memref_slice %arg10[%dma_start3A_374] : memref<10x!tpu.dma_semaphore, #tpu.memory_space<semaphore_mem>> -> memref<1x!tpu.dma_semaphore, #tpu.memory_space<semaphore_mem>>
      %dma_start3A_386 = tpu.memref_squeeze %dma_start3A_385 : memref<1x!tpu.dma_semaphore, #tpu.memory_space<semaphore_mem>> -> memref<!tpu.dma_semaphore, #tpu.memory_space<semaphore_mem>>
      tpu.enqueue_indirect_dma source(%dma_start3A_378 : memref<128x32xf32, #tpu.memory_space<vmem>>) target(%dma_start3A_384 : memref<10240x32xf32, #tpu.memory_space<vmem_shared>>) offsets(%dma_start3A_381 : memref<128xi32, #tpu.memory_space<vmem>>) semaphore(%dma_start3A_386 : memref<!tpu.dma_semaphore, #tpu.memory_space<semaphore_mem>>) {add = true}
      %dma_wait3A_387 = arith.constant 7 : i32
      %dma_wait3A_388 = arith.constant 7 : i32
      %dma_wait3A_389 = arith.constant 0 : i32
      %dma_wait3A_390 = arith.constant 0 : i32
      %dma_wait3A_391 = tpu.memref_slice %arg8[%dma_wait3A_387, %dma_wait3A_389, %dma_wait3A_390] : memref<10x128x32xf32, #tpu.memory_space<vmem>> -> memref<1x128x32xf32, #tpu.memory_space<vmem>>
      %dma_wait3A_392 = tpu.memref_squeeze %dma_wait3A_391 : memref<1x128x32xf32, #tpu.memory_space<vmem>> -> memref<128x32xf32, #tpu.memory_space<vmem>>
      %dma_wait3A_393 = arith.constant 0 : i32
      %dma_wait3A_394 = tpu.memref_slice %arg6[%add3A_131, %dma_wait3A_393] : memref<160x128xi32, #tpu.memory_space<vmem>> -> memref<1x128xi32, #tpu.memory_space<vmem>>
      %dma_wait3A_395 = tpu.memref_squeeze %dma_wait3A_394 : memref<1x128xi32, #tpu.memory_space<vmem>> -> memref<128xi32, #tpu.memory_space<vmem>>
      %dma_wait3A_396 = arith.constant 0 : i32
      %dma_wait3A_397 = arith.constant 0 : i32
      %dma_wait3A_398 = tpu.memref_slice %arg12[%dma_wait3A_396, %dma_wait3A_397] : memref<10240x32xf32, #tpu.memory_space<vmem_shared>> -> memref<10240x32xf32, #tpu.memory_space<vmem_shared>>
      %dma_wait3A_399 = tpu.memref_slice %arg9[%dma_wait3A_388] : memref<10x!tpu.dma_semaphore, #tpu.memory_space<semaphore_mem>> -> memref<1x!tpu.dma_semaphore, #tpu.memory_space<semaphore_mem>>
      %dma_wait3A_400 = tpu.memref_squeeze %dma_wait3A_399 : memref<1x!tpu.dma_semaphore, #tpu.memory_space<semaphore_mem>> -> memref<!tpu.dma_semaphore, #tpu.memory_space<semaphore_mem>>
      tpu.wait_indirect_dma semaphore(%dma_wait3A_400 : memref<!tpu.dma_semaphore, #tpu.memory_space<semaphore_mem>>) src(%dma_wait3A_398 : memref<10240x32xf32, #tpu.memory_space<vmem_shared>>) dst(%dma_wait3A_392 : memref<128x32xf32, #tpu.memory_space<vmem>>)
      %add3A_401 = arith.constant 7 : i32
      %add3A_402 = arith.addi %mul3A_19, %add3A_401 : i32
      %dma_start3A_403 = arith.constant 7 : i32
      %dma_start3A_404 = arith.constant 7 : i32
      %dma_start3A_405 = arith.constant 0 : i32
      %dma_start3A_406 = arith.constant 0 : i32
      %dma_start3A_407 = tpu.memref_slice %arg8[%dma_start3A_403, %dma_start3A_405, %dma_start3A_406] : memref<10x128x32xf32, #tpu.memory_space<vmem>> -> memref<1x128x32xf32, #tpu.memory_space<vmem>>
      %dma_start3A_408 = tpu.memref_squeeze %dma_start3A_407 : memref<1x128x32xf32, #tpu.memory_space<vmem>> -> memref<128x32xf32, #tpu.memory_space<vmem>>
      %dma_start3A_409 = arith.constant 0 : i32
      %dma_start3A_410 = tpu.memref_slice %arg7[%add3A_402, %dma_start3A_409] : memref<160x128xi32, #tpu.memory_space<vmem>> -> memref<1x128xi32, #tpu.memory_space<vmem>>
      %dma_start3A_411 = tpu.memref_squeeze %dma_start3A_410 : memref<1x128xi32, #tpu.memory_space<vmem>> -> memref<128xi32, #tpu.memory_space<vmem>>
      %dma_start3A_412 = arith.constant 0 : i32
      %dma_start3A_413 = arith.constant 0 : i32
      %dma_start3A_414 = tpu.memref_slice %arg11[%dma_start3A_412, %dma_start3A_413] : memref<10240x32xf32, #tpu.memory_space<vmem_shared>> -> memref<10240x32xf32, #tpu.memory_space<vmem_shared>>
      %dma_start3A_415 = tpu.memref_slice %arg10[%dma_start3A_404] : memref<10x!tpu.dma_semaphore, #tpu.memory_space<semaphore_mem>> -> memref<1x!tpu.dma_semaphore, #tpu.memory_space<semaphore_mem>>
      %dma_start3A_416 = tpu.memref_squeeze %dma_start3A_415 : memref<1x!tpu.dma_semaphore, #tpu.memory_space<semaphore_mem>> -> memref<!tpu.dma_semaphore, #tpu.memory_space<semaphore_mem>>
      tpu.enqueue_indirect_dma source(%dma_start3A_408 : memref<128x32xf32, #tpu.memory_space<vmem>>) target(%dma_start3A_414 : memref<10240x32xf32, #tpu.memory_space<vmem_shared>>) offsets(%dma_start3A_411 : memref<128xi32, #tpu.memory_space<vmem>>) semaphore(%dma_start3A_416 : memref<!tpu.dma_semaphore, #tpu.memory_space<semaphore_mem>>) {add = true}
      %dma_wait3A_417 = arith.constant 8 : i32
      %dma_wait3A_418 = arith.constant 8 : i32
      %dma_wait3A_419 = arith.constant 0 : i32
      %dma_wait3A_420 = arith.constant 0 : i32
      %dma_wait3A_421 = tpu.memref_slice %arg8[%dma_wait3A_417, %dma_wait3A_419, %dma_wait3A_420] : memref<10x128x32xf32, #tpu.memory_space<vmem>> -> memref<1x128x32xf32, #tpu.memory_space<vmem>>
      %dma_wait3A_422 = tpu.memref_squeeze %dma_wait3A_421 : memref<1x128x32xf32, #tpu.memory_space<vmem>> -> memref<128x32xf32, #tpu.memory_space<vmem>>
      %dma_wait3A_423 = arith.constant 0 : i32
      %dma_wait3A_424 = tpu.memref_slice %arg6[%add3A_147, %dma_wait3A_423] : memref<160x128xi32, #tpu.memory_space<vmem>> -> memref<1x128xi32, #tpu.memory_space<vmem>>
      %dma_wait3A_425 = tpu.memref_squeeze %dma_wait3A_424 : memref<1x128xi32, #tpu.memory_space<vmem>> -> memref<128xi32, #tpu.memory_space<vmem>>
      %dma_wait3A_426 = arith.constant 0 : i32
      %dma_wait3A_427 = arith.constant 0 : i32
      %dma_wait3A_428 = tpu.memref_slice %arg12[%dma_wait3A_426, %dma_wait3A_427] : memref<10240x32xf32, #tpu.memory_space<vmem_shared>> -> memref<10240x32xf32, #tpu.memory_space<vmem_shared>>
      %dma_wait3A_429 = tpu.memref_slice %arg9[%dma_wait3A_418] : memref<10x!tpu.dma_semaphore, #tpu.memory_space<semaphore_mem>> -> memref<1x!tpu.dma_semaphore, #tpu.memory_space<semaphore_mem>>
      %dma_wait3A_430 = tpu.memref_squeeze %dma_wait3A_429 : memref<1x!tpu.dma_semaphore, #tpu.memory_space<semaphore_mem>> -> memref<!tpu.dma_semaphore, #tpu.memory_space<semaphore_mem>>
      tpu.wait_indirect_dma semaphore(%dma_wait3A_430 : memref<!tpu.dma_semaphore, #tpu.memory_space<semaphore_mem>>) src(%dma_wait3A_428 : memref<10240x32xf32, #tpu.memory_space<vmem_shared>>) dst(%dma_wait3A_422 : memref<128x32xf32, #tpu.memory_space<vmem>>)
      %add3A_431 = arith.constant 8 : i32
      %add3A_432 = arith.addi %mul3A_19, %add3A_431 : i32
      %dma_start3A_433 = arith.constant 8 : i32
      %dma_start3A_434 = arith.constant 8 : i32
      %dma_start3A_435 = arith.constant 0 : i32
      %dma_start3A_436 = arith.constant 0 : i32
      %dma_start3A_437 = tpu.memref_slice %arg8[%dma_start3A_433, %dma_start3A_435, %dma_start3A_436] : memref<10x128x32xf32, #tpu.memory_space<vmem>> -> memref<1x128x32xf32, #tpu.memory_space<vmem>>
      %dma_start3A_438 = tpu.memref_squeeze %dma_start3A_437 : memref<1x128x32xf32, #tpu.memory_space<vmem>> -> memref<128x32xf32, #tpu.memory_space<vmem>>
      %dma_start3A_439 = arith.constant 0 : i32
      %dma_start3A_440 = tpu.memref_slice %arg7[%add3A_432, %dma_start3A_439] : memref<160x128xi32, #tpu.memory_space<vmem>> -> memref<1x128xi32, #tpu.memory_space<vmem>>
      %dma_start3A_441 = tpu.memref_squeeze %dma_start3A_440 : memref<1x128xi32, #tpu.memory_space<vmem>> -> memref<128xi32, #tpu.memory_space<vmem>>
      %dma_start3A_442 = arith.constant 0 : i32
      %dma_start3A_443 = arith.constant 0 : i32
      %dma_start3A_444 = tpu.memref_slice %arg11[%dma_start3A_442, %dma_start3A_443] : memref<10240x32xf32, #tpu.memory_space<vmem_shared>> -> memref<10240x32xf32, #tpu.memory_space<vmem_shared>>
      %dma_start3A_445 = tpu.memref_slice %arg10[%dma_start3A_434] : memref<10x!tpu.dma_semaphore, #tpu.memory_space<semaphore_mem>> -> memref<1x!tpu.dma_semaphore, #tpu.memory_space<semaphore_mem>>
      %dma_start3A_446 = tpu.memref_squeeze %dma_start3A_445 : memref<1x!tpu.dma_semaphore, #tpu.memory_space<semaphore_mem>> -> memref<!tpu.dma_semaphore, #tpu.memory_space<semaphore_mem>>
      tpu.enqueue_indirect_dma source(%dma_start3A_438 : memref<128x32xf32, #tpu.memory_space<vmem>>) target(%dma_start3A_444 : memref<10240x32xf32, #tpu.memory_space<vmem_shared>>) offsets(%dma_start3A_441 : memref<128xi32, #tpu.memory_space<vmem>>) semaphore(%dma_start3A_446 : memref<!tpu.dma_semaphore, #tpu.memory_space<semaphore_mem>>) {add = true}
      %dma_wait3A_447 = arith.constant 9 : i32
      %dma_wait3A_448 = arith.constant 9 : i32
      %dma_wait3A_449 = arith.constant 0 : i32
      %dma_wait3A_450 = arith.constant 0 : i32
      %dma_wait3A_451 = tpu.memref_slice %arg8[%dma_wait3A_447, %dma_wait3A_449, %dma_wait3A_450] : memref<10x128x32xf32, #tpu.memory_space<vmem>> -> memref<1x128x32xf32, #tpu.memory_space<vmem>>
      %dma_wait3A_452 = tpu.memref_squeeze %dma_wait3A_451 : memref<1x128x32xf32, #tpu.memory_space<vmem>> -> memref<128x32xf32, #tpu.memory_space<vmem>>
      %dma_wait3A_453 = arith.constant 0 : i32
      %dma_wait3A_454 = tpu.memref_slice %arg6[%add3A_163, %dma_wait3A_453] : memref<160x128xi32, #tpu.memory_space<vmem>> -> memref<1x128xi32, #tpu.memory_space<vmem>>
      %dma_wait3A_455 = tpu.memref_squeeze %dma_wait3A_454 : memref<1x128xi32, #tpu.memory_space<vmem>> -> memref<128xi32, #tpu.memory_space<vmem>>
      %dma_wait3A_456 = arith.constant 0 : i32
      %dma_wait3A_457 = arith.constant 0 : i32
      %dma_wait3A_458 = tpu.memref_slice %arg12[%dma_wait3A_456, %dma_wait3A_457] : memref<10240x32xf32, #tpu.memory_space<vmem_shared>> -> memref<10240x32xf32, #tpu.memory_space<vmem_shared>>
      %dma_wait3A_459 = tpu.memref_slice %arg9[%dma_wait3A_448] : memref<10x!tpu.dma_semaphore, #tpu.memory_space<semaphore_mem>> -> memref<1x!tpu.dma_semaphore, #tpu.memory_space<semaphore_mem>>
      %dma_wait3A_460 = tpu.memref_squeeze %dma_wait3A_459 : memref<1x!tpu.dma_semaphore, #tpu.memory_space<semaphore_mem>> -> memref<!tpu.dma_semaphore, #tpu.memory_space<semaphore_mem>>
      tpu.wait_indirect_dma semaphore(%dma_wait3A_460 : memref<!tpu.dma_semaphore, #tpu.memory_space<semaphore_mem>>) src(%dma_wait3A_458 : memref<10240x32xf32, #tpu.memory_space<vmem_shared>>) dst(%dma_wait3A_452 : memref<128x32xf32, #tpu.memory_space<vmem>>)
      %add3A_461 = arith.constant 9 : i32
      %add3A_462 = arith.addi %mul3A_19, %add3A_461 : i32
      %dma_start3A_463 = arith.constant 9 : i32
      %dma_start3A_464 = arith.constant 9 : i32
      %dma_start3A_465 = arith.constant 0 : i32
      %dma_start3A_466 = arith.constant 0 : i32
      %dma_start3A_467 = tpu.memref_slice %arg8[%dma_start3A_463, %dma_start3A_465, %dma_start3A_466] : memref<10x128x32xf32, #tpu.memory_space<vmem>> -> memref<1x128x32xf32, #tpu.memory_space<vmem>>
      %dma_start3A_468 = tpu.memref_squeeze %dma_start3A_467 : memref<1x128x32xf32, #tpu.memory_space<vmem>> -> memref<128x32xf32, #tpu.memory_space<vmem>>
      %dma_start3A_469 = arith.constant 0 : i32
      %dma_start3A_470 = tpu.memref_slice %arg7[%add3A_462, %dma_start3A_469] : memref<160x128xi32, #tpu.memory_space<vmem>> -> memref<1x128xi32, #tpu.memory_space<vmem>>
      %dma_start3A_471 = tpu.memref_squeeze %dma_start3A_470 : memref<1x128xi32, #tpu.memory_space<vmem>> -> memref<128xi32, #tpu.memory_space<vmem>>
      %dma_start3A_472 = arith.constant 0 : i32
      %dma_start3A_473 = arith.constant 0 : i32
      %dma_start3A_474 = tpu.memref_slice %arg11[%dma_start3A_472, %dma_start3A_473] : memref<10240x32xf32, #tpu.memory_space<vmem_shared>> -> memref<10240x32xf32, #tpu.memory_space<vmem_shared>>
      %dma_start3A_475 = tpu.memref_slice %arg10[%dma_start3A_464] : memref<10x!tpu.dma_semaphore, #tpu.memory_space<semaphore_mem>> -> memref<1x!tpu.dma_semaphore, #tpu.memory_space<semaphore_mem>>
      %dma_start3A_476 = tpu.memref_squeeze %dma_start3A_475 : memref<1x!tpu.dma_semaphore, #tpu.memory_space<semaphore_mem>> -> memref<!tpu.dma_semaphore, #tpu.memory_space<semaphore_mem>>
      tpu.enqueue_indirect_dma source(%dma_start3A_468 : memref<128x32xf32, #tpu.memory_space<vmem>>) target(%dma_start3A_474 : memref<10240x32xf32, #tpu.memory_space<vmem_shared>>) offsets(%dma_start3A_471 : memref<128xi32, #tpu.memory_space<vmem>>) semaphore(%dma_start3A_476 : memref<!tpu.dma_semaphore, #tpu.memory_space<semaphore_mem>>) {add = true}
      %dma_wait3A_477 = arith.constant 0 : i32
      %dma_wait3A_478 = arith.constant 0 : i32
      %dma_wait3A_479 = arith.constant 0 : i32
      %dma_wait3A_480 = arith.constant 0 : i32
      %dma_wait3A_481 = tpu.memref_slice %arg8[%dma_wait3A_477, %dma_wait3A_479, %dma_wait3A_480] : memref<10x128x32xf32, #tpu.memory_space<vmem>> -> memref<1x128x32xf32, #tpu.memory_space<vmem>>
      %dma_wait3A_482 = tpu.memref_squeeze %dma_wait3A_481 : memref<1x128x32xf32, #tpu.memory_space<vmem>> -> memref<128x32xf32, #tpu.memory_space<vmem>>
      %dma_wait3A_483 = arith.constant 0 : i32
      %dma_wait3A_484 = tpu.memref_slice %arg7[%add3A_192, %dma_wait3A_483] : memref<160x128xi32, #tpu.memory_space<vmem>> -> memref<1x128xi32, #tpu.memory_space<vmem>>
      %dma_wait3A_485 = tpu.memref_squeeze %dma_wait3A_484 : memref<1x128xi32, #tpu.memory_space<vmem>> -> memref<128xi32, #tpu.memory_space<vmem>>
      %dma_wait3A_486 = arith.constant 0 : i32
      %dma_wait3A_487 = arith.constant 0 : i32
      %dma_wait3A_488 = tpu.memref_slice %arg11[%dma_wait3A_486, %dma_wait3A_487] : memref<10240x32xf32, #tpu.memory_space<vmem_shared>> -> memref<10240x32xf32, #tpu.memory_space<vmem_shared>>
      %dma_wait3A_489 = tpu.memref_slice %arg10[%dma_wait3A_478] : memref<10x!tpu.dma_semaphore, #tpu.memory_space<semaphore_mem>> -> memref<1x!tpu.dma_semaphore, #tpu.memory_space<semaphore_mem>>
      %dma_wait3A_490 = tpu.memref_squeeze %dma_wait3A_489 : memref<1x!tpu.dma_semaphore, #tpu.memory_space<semaphore_mem>> -> memref<!tpu.dma_semaphore, #tpu.memory_space<semaphore_mem>>
      tpu.wait_indirect_dma semaphore(%dma_wait3A_490 : memref<!tpu.dma_semaphore, #tpu.memory_space<semaphore_mem>>) src(%dma_wait3A_482 : memref<128x32xf32, #tpu.memory_space<vmem>>) dst(%dma_wait3A_488 : memref<10240x32xf32, #tpu.memory_space<vmem_shared>>)
      %dma_wait3A_491 = arith.constant 1 : i32
      %dma_wait3A_492 = arith.constant 1 : i32
      %dma_wait3A_493 = arith.constant 0 : i32
      %dma_wait3A_494 = arith.constant 0 : i32
      %dma_wait3A_495 = tpu.memref_slice %arg8[%dma_wait3A_491, %dma_wait3A_493, %dma_wait3A_494] : memref<10x128x32xf32, #tpu.memory_space<vmem>> -> memref<1x128x32xf32, #tpu.memory_space<vmem>>
      %dma_wait3A_496 = tpu.memref_squeeze %dma_wait3A_495 : memref<1x128x32xf32, #tpu.memory_space<vmem>> -> memref<128x32xf32, #tpu.memory_space<vmem>>
      %dma_wait3A_497 = arith.constant 0 : i32
      %dma_wait3A_498 = tpu.memref_slice %arg7[%add3A_222, %dma_wait3A_497] : memref<160x128xi32, #tpu.memory_space<vmem>> -> memref<1x128xi32, #tpu.memory_space<vmem>>
      %dma_wait3A_499 = tpu.memref_squeeze %dma_wait3A_498 : memref<1x128xi32, #tpu.memory_space<vmem>> -> memref<128xi32, #tpu.memory_space<vmem>>
      %dma_wait3A_500 = arith.constant 0 : i32
      %dma_wait3A_501 = arith.constant 0 : i32
      %dma_wait3A_502 = tpu.memref_slice %arg11[%dma_wait3A_500, %dma_wait3A_501] : memref<10240x32xf32, #tpu.memory_space<vmem_shared>> -> memref<10240x32xf32, #tpu.memory_space<vmem_shared>>
      %dma_wait3A_503 = tpu.memref_slice %arg10[%dma_wait3A_492] : memref<10x!tpu.dma_semaphore, #tpu.memory_space<semaphore_mem>> -> memref<1x!tpu.dma_semaphore, #tpu.memory_space<semaphore_mem>>
      %dma_wait3A_504 = tpu.memref_squeeze %dma_wait3A_503 : memref<1x!tpu.dma_semaphore, #tpu.memory_space<semaphore_mem>> -> memref<!tpu.dma_semaphore, #tpu.memory_space<semaphore_mem>>
      tpu.wait_indirect_dma semaphore(%dma_wait3A_504 : memref<!tpu.dma_semaphore, #tpu.memory_space<semaphore_mem>>) src(%dma_wait3A_496 : memref<128x32xf32, #tpu.memory_space<vmem>>) dst(%dma_wait3A_502 : memref<10240x32xf32, #tpu.memory_space<vmem_shared>>)
      %dma_wait3A_505 = arith.constant 2 : i32
      %dma_wait3A_506 = arith.constant 2 : i32
      %dma_wait3A_507 = arith.constant 0 : i32
      %dma_wait3A_508 = arith.constant 0 : i32
      %dma_wait3A_509 = tpu.memref_slice %arg8[%dma_wait3A_505, %dma_wait3A_507, %dma_wait3A_508] : memref<10x128x32xf32, #tpu.memory_space<vmem>> -> memref<1x128x32xf32, #tpu.memory_space<vmem>>
      %dma_wait3A_510 = tpu.memref_squeeze %dma_wait3A_509 : memref<1x128x32xf32, #tpu.memory_space<vmem>> -> memref<128x32xf32, #tpu.memory_space<vmem>>
      %dma_wait3A_511 = arith.constant 0 : i32
      %dma_wait3A_512 = tpu.memref_slice %arg7[%add3A_252, %dma_wait3A_511] : memref<160x128xi32, #tpu.memory_space<vmem>> -> memref<1x128xi32, #tpu.memory_space<vmem>>
      %dma_wait3A_513 = tpu.memref_squeeze %dma_wait3A_512 : memref<1x128xi32, #tpu.memory_space<vmem>> -> memref<128xi32, #tpu.memory_space<vmem>>
      %dma_wait3A_514 = arith.constant 0 : i32
      %dma_wait3A_515 = arith.constant 0 : i32
      %dma_wait3A_516 = tpu.memref_slice %arg11[%dma_wait3A_514, %dma_wait3A_515] : memref<10240x32xf32, #tpu.memory_space<vmem_shared>> -> memref<10240x32xf32, #tpu.memory_space<vmem_shared>>
      %dma_wait3A_517 = tpu.memref_slice %arg10[%dma_wait3A_506] : memref<10x!tpu.dma_semaphore, #tpu.memory_space<semaphore_mem>> -> memref<1x!tpu.dma_semaphore, #tpu.memory_space<semaphore_mem>>
      %dma_wait3A_518 = tpu.memref_squeeze %dma_wait3A_517 : memref<1x!tpu.dma_semaphore, #tpu.memory_space<semaphore_mem>> -> memref<!tpu.dma_semaphore, #tpu.memory_space<semaphore_mem>>
      tpu.wait_indirect_dma semaphore(%dma_wait3A_518 : memref<!tpu.dma_semaphore, #tpu.memory_space<semaphore_mem>>) src(%dma_wait3A_510 : memref<128x32xf32, #tpu.memory_space<vmem>>) dst(%dma_wait3A_516 : memref<10240x32xf32, #tpu.memory_space<vmem_shared>>)
      %dma_wait3A_519 = arith.constant 3 : i32
      %dma_wait3A_520 = arith.constant 3 : i32
      %dma_wait3A_521 = arith.constant 0 : i32
      %dma_wait3A_522 = arith.constant 0 : i32
      %dma_wait3A_523 = tpu.memref_slice %arg8[%dma_wait3A_519, %dma_wait3A_521, %dma_wait3A_522] : memref<10x128x32xf32, #tpu.memory_space<vmem>> -> memref<1x128x32xf32, #tpu.memory_space<vmem>>
      %dma_wait3A_524 = tpu.memref_squeeze %dma_wait3A_523 : memref<1x128x32xf32, #tpu.memory_space<vmem>> -> memref<128x32xf32, #tpu.memory_space<vmem>>
      %dma_wait3A_525 = arith.constant 0 : i32
      %dma_wait3A_526 = tpu.memref_slice %arg7[%add3A_282, %dma_wait3A_525] : memref<160x128xi32, #tpu.memory_space<vmem>> -> memref<1x128xi32, #tpu.memory_space<vmem>>
      %dma_wait3A_527 = tpu.memref_squeeze %dma_wait3A_526 : memref<1x128xi32, #tpu.memory_space<vmem>> -> memref<128xi32, #tpu.memory_space<vmem>>
      %dma_wait3A_528 = arith.constant 0 : i32
      %dma_wait3A_529 = arith.constant 0 : i32
      %dma_wait3A_530 = tpu.memref_slice %arg11[%dma_wait3A_528, %dma_wait3A_529] : memref<10240x32xf32, #tpu.memory_space<vmem_shared>> -> memref<10240x32xf32, #tpu.memory_space<vmem_shared>>
      %dma_wait3A_531 = tpu.memref_slice %arg10[%dma_wait3A_520] : memref<10x!tpu.dma_semaphore, #tpu.memory_space<semaphore_mem>> -> memref<1x!tpu.dma_semaphore, #tpu.memory_space<semaphore_mem>>
      %dma_wait3A_532 = tpu.memref_squeeze %dma_wait3A_531 : memref<1x!tpu.dma_semaphore, #tpu.memory_space<semaphore_mem>> -> memref<!tpu.dma_semaphore, #tpu.memory_space<semaphore_mem>>
      tpu.wait_indirect_dma semaphore(%dma_wait3A_532 : memref<!tpu.dma_semaphore, #tpu.memory_space<semaphore_mem>>) src(%dma_wait3A_524 : memref<128x32xf32, #tpu.memory_space<vmem>>) dst(%dma_wait3A_530 : memref<10240x32xf32, #tpu.memory_space<vmem_shared>>)
      %dma_wait3A_533 = arith.constant 4 : i32
      %dma_wait3A_534 = arith.constant 4 : i32
      %dma_wait3A_535 = arith.constant 0 : i32
      %dma_wait3A_536 = arith.constant 0 : i32
      %dma_wait3A_537 = tpu.memref_slice %arg8[%dma_wait3A_533, %dma_wait3A_535, %dma_wait3A_536] : memref<10x128x32xf32, #tpu.memory_space<vmem>> -> memref<1x128x32xf32, #tpu.memory_space<vmem>>
      %dma_wait3A_538 = tpu.memref_squeeze %dma_wait3A_537 : memref<1x128x32xf32, #tpu.memory_space<vmem>> -> memref<128x32xf32, #tpu.memory_space<vmem>>
      %dma_wait3A_539 = arith.constant 0 : i32
      %dma_wait3A_540 = tpu.memref_slice %arg7[%add3A_312, %dma_wait3A_539] : memref<160x128xi32, #tpu.memory_space<vmem>> -> memref<1x128xi32, #tpu.memory_space<vmem>>
      %dma_wait3A_541 = tpu.memref_squeeze %dma_wait3A_540 : memref<1x128xi32, #tpu.memory_space<vmem>> -> memref<128xi32, #tpu.memory_space<vmem>>
      %dma_wait3A_542 = arith.constant 0 : i32
      %dma_wait3A_543 = arith.constant 0 : i32
      %dma_wait3A_544 = tpu.memref_slice %arg11[%dma_wait3A_542, %dma_wait3A_543] : memref<10240x32xf32, #tpu.memory_space<vmem_shared>> -> memref<10240x32xf32, #tpu.memory_space<vmem_shared>>
      %dma_wait3A_545 = tpu.memref_slice %arg10[%dma_wait3A_534] : memref<10x!tpu.dma_semaphore, #tpu.memory_space<semaphore_mem>> -> memref<1x!tpu.dma_semaphore, #tpu.memory_space<semaphore_mem>>
      %dma_wait3A_546 = tpu.memref_squeeze %dma_wait3A_545 : memref<1x!tpu.dma_semaphore, #tpu.memory_space<semaphore_mem>> -> memref<!tpu.dma_semaphore, #tpu.memory_space<semaphore_mem>>
      tpu.wait_indirect_dma semaphore(%dma_wait3A_546 : memref<!tpu.dma_semaphore, #tpu.memory_space<semaphore_mem>>) src(%dma_wait3A_538 : memref<128x32xf32, #tpu.memory_space<vmem>>) dst(%dma_wait3A_544 : memref<10240x32xf32, #tpu.memory_space<vmem_shared>>)
      %dma_wait3A_547 = arith.constant 5 : i32
      %dma_wait3A_548 = arith.constant 5 : i32
      %dma_wait3A_549 = arith.constant 0 : i32
      %dma_wait3A_550 = arith.constant 0 : i32
      %dma_wait3A_551 = tpu.memref_slice %arg8[%dma_wait3A_547, %dma_wait3A_549, %dma_wait3A_550] : memref<10x128x32xf32, #tpu.memory_space<vmem>> -> memref<1x128x32xf32, #tpu.memory_space<vmem>>
      %dma_wait3A_552 = tpu.memref_squeeze %dma_wait3A_551 : memref<1x128x32xf32, #tpu.memory_space<vmem>> -> memref<128x32xf32, #tpu.memory_space<vmem>>
      %dma_wait3A_553 = arith.constant 0 : i32
      %dma_wait3A_554 = tpu.memref_slice %arg7[%add3A_342, %dma_wait3A_553] : memref<160x128xi32, #tpu.memory_space<vmem>> -> memref<1x128xi32, #tpu.memory_space<vmem>>
      %dma_wait3A_555 = tpu.memref_squeeze %dma_wait3A_554 : memref<1x128xi32, #tpu.memory_space<vmem>> -> memref<128xi32, #tpu.memory_space<vmem>>
      %dma_wait3A_556 = arith.constant 0 : i32
      %dma_wait3A_557 = arith.constant 0 : i32
      %dma_wait3A_558 = tpu.memref_slice %arg11[%dma_wait3A_556, %dma_wait3A_557] : memref<10240x32xf32, #tpu.memory_space<vmem_shared>> -> memref<10240x32xf32, #tpu.memory_space<vmem_shared>>
      %dma_wait3A_559 = tpu.memref_slice %arg10[%dma_wait3A_548] : memref<10x!tpu.dma_semaphore, #tpu.memory_space<semaphore_mem>> -> memref<1x!tpu.dma_semaphore, #tpu.memory_space<semaphore_mem>>
      %dma_wait3A_560 = tpu.memref_squeeze %dma_wait3A_559 : memref<1x!tpu.dma_semaphore, #tpu.memory_space<semaphore_mem>> -> memref<!tpu.dma_semaphore, #tpu.memory_space<semaphore_mem>>
      tpu.wait_indirect_dma semaphore(%dma_wait3A_560 : memref<!tpu.dma_semaphore, #tpu.memory_space<semaphore_mem>>) src(%dma_wait3A_552 : memref<128x32xf32, #tpu.memory_space<vmem>>) dst(%dma_wait3A_558 : memref<10240x32xf32, #tpu.memory_space<vmem_shared>>)
      %dma_wait3A_561 = arith.constant 6 : i32
      %dma_wait3A_562 = arith.constant 6 : i32
      %dma_wait3A_563 = arith.constant 0 : i32
      %dma_wait3A_564 = arith.constant 0 : i32
      %dma_wait3A_565 = tpu.memref_slice %arg8[%dma_wait3A_561, %dma_wait3A_563, %dma_wait3A_564] : memref<10x128x32xf32, #tpu.memory_space<vmem>> -> memref<1x128x32xf32, #tpu.memory_space<vmem>>
      %dma_wait3A_566 = tpu.memref_squeeze %dma_wait3A_565 : memref<1x128x32xf32, #tpu.memory_space<vmem>> -> memref<128x32xf32, #tpu.memory_space<vmem>>
      %dma_wait3A_567 = arith.constant 0 : i32
      %dma_wait3A_568 = tpu.memref_slice %arg7[%add3A_372, %dma_wait3A_567] : memref<160x128xi32, #tpu.memory_space<vmem>> -> memref<1x128xi32, #tpu.memory_space<vmem>>
      %dma_wait3A_569 = tpu.memref_squeeze %dma_wait3A_568 : memref<1x128xi32, #tpu.memory_space<vmem>> -> memref<128xi32, #tpu.memory_space<vmem>>
      %dma_wait3A_570 = arith.constant 0 : i32
      %dma_wait3A_571 = arith.constant 0 : i32
      %dma_wait3A_572 = tpu.memref_slice %arg11[%dma_wait3A_570, %dma_wait3A_571] : memref<10240x32xf32, #tpu.memory_space<vmem_shared>> -> memref<10240x32xf32, #tpu.memory_space<vmem_shared>>
      %dma_wait3A_573 = tpu.memref_slice %arg10[%dma_wait3A_562] : memref<10x!tpu.dma_semaphore, #tpu.memory_space<semaphore_mem>> -> memref<1x!tpu.dma_semaphore, #tpu.memory_space<semaphore_mem>>
      %dma_wait3A_574 = tpu.memref_squeeze %dma_wait3A_573 : memref<1x!tpu.dma_semaphore, #tpu.memory_space<semaphore_mem>> -> memref<!tpu.dma_semaphore, #tpu.memory_space<semaphore_mem>>
      tpu.wait_indirect_dma semaphore(%dma_wait3A_574 : memref<!tpu.dma_semaphore, #tpu.memory_space<semaphore_mem>>) src(%dma_wait3A_566 : memref<128x32xf32, #tpu.memory_space<vmem>>) dst(%dma_wait3A_572 : memref<10240x32xf32, #tpu.memory_space<vmem_shared>>)
      %dma_wait3A_575 = arith.constant 7 : i32
      %dma_wait3A_576 = arith.constant 7 : i32
      %dma_wait3A_577 = arith.constant 0 : i32
      %dma_wait3A_578 = arith.constant 0 : i32
      %dma_wait3A_579 = tpu.memref_slice %arg8[%dma_wait3A_575, %dma_wait3A_577, %dma_wait3A_578] : memref<10x128x32xf32, #tpu.memory_space<vmem>> -> memref<1x128x32xf32, #tpu.memory_space<vmem>>
      %dma_wait3A_580 = tpu.memref_squeeze %dma_wait3A_579 : memref<1x128x32xf32, #tpu.memory_space<vmem>> -> memref<128x32xf32, #tpu.memory_space<vmem>>
      %dma_wait3A_581 = arith.constant 0 : i32
      %dma_wait3A_582 = tpu.memref_slice %arg7[%add3A_402, %dma_wait3A_581] : memref<160x128xi32, #tpu.memory_space<vmem>> -> memref<1x128xi32, #tpu.memory_space<vmem>>
      %dma_wait3A_583 = tpu.memref_squeeze %dma_wait3A_582 : memref<1x128xi32, #tpu.memory_space<vmem>> -> memref<128xi32, #tpu.memory_space<vmem>>
      %dma_wait3A_584 = arith.constant 0 : i32
      %dma_wait3A_585 = arith.constant 0 : i32
      %dma_wait3A_586 = tpu.memref_slice %arg11[%dma_wait3A_584, %dma_wait3A_585] : memref<10240x32xf32, #tpu.memory_space<vmem_shared>> -> memref<10240x32xf32, #tpu.memory_space<vmem_shared>>
      %dma_wait3A_587 = tpu.memref_slice %arg10[%dma_wait3A_576] : memref<10x!tpu.dma_semaphore, #tpu.memory_space<semaphore_mem>> -> memref<1x!tpu.dma_semaphore, #tpu.memory_space<semaphore_mem>>
      %dma_wait3A_588 = tpu.memref_squeeze %dma_wait3A_587 : memref<1x!tpu.dma_semaphore, #tpu.memory_space<semaphore_mem>> -> memref<!tpu.dma_semaphore, #tpu.memory_space<semaphore_mem>>
      tpu.wait_indirect_dma semaphore(%dma_wait3A_588 : memref<!tpu.dma_semaphore, #tpu.memory_space<semaphore_mem>>) src(%dma_wait3A_580 : memref<128x32xf32, #tpu.memory_space<vmem>>) dst(%dma_wait3A_586 : memref<10240x32xf32, #tpu.memory_space<vmem_shared>>)
      %dma_wait3A_589 = arith.constant 8 : i32
      %dma_wait3A_590 = arith.constant 8 : i32
      %dma_wait3A_591 = arith.constant 0 : i32
      %dma_wait3A_592 = arith.constant 0 : i32
      %dma_wait3A_593 = tpu.memref_slice %arg8[%dma_wait3A_589, %dma_wait3A_591, %dma_wait3A_592] : memref<10x128x32xf32, #tpu.memory_space<vmem>> -> memref<1x128x32xf32, #tpu.memory_space<vmem>>
      %dma_wait3A_594 = tpu.memref_squeeze %dma_wait3A_593 : memref<1x128x32xf32, #tpu.memory_space<vmem>> -> memref<128x32xf32, #tpu.memory_space<vmem>>
      %dma_wait3A_595 = arith.constant 0 : i32
      %dma_wait3A_596 = tpu.memref_slice %arg7[%add3A_432, %dma_wait3A_595] : memref<160x128xi32, #tpu.memory_space<vmem>> -> memref<1x128xi32, #tpu.memory_space<vmem>>
      %dma_wait3A_597 = tpu.memref_squeeze %dma_wait3A_596 : memref<1x128xi32, #tpu.memory_space<vmem>> -> memref<128xi32, #tpu.memory_space<vmem>>
      %dma_wait3A_598 = arith.constant 0 : i32
      %dma_wait3A_599 = arith.constant 0 : i32
      %dma_wait3A_600 = tpu.memref_slice %arg11[%dma_wait3A_598, %dma_wait3A_599] : memref<10240x32xf32, #tpu.memory_space<vmem_shared>> -> memref<10240x32xf32, #tpu.memory_space<vmem_shared>>
      %dma_wait3A_601 = tpu.memref_slice %arg10[%dma_wait3A_590] : memref<10x!tpu.dma_semaphore, #tpu.memory_space<semaphore_mem>> -> memref<1x!tpu.dma_semaphore, #tpu.memory_space<semaphore_mem>>
      %dma_wait3A_602 = tpu.memref_squeeze %dma_wait3A_601 : memref<1x!tpu.dma_semaphore, #tpu.memory_space<semaphore_mem>> -> memref<!tpu.dma_semaphore, #tpu.memory_space<semaphore_mem>>
      tpu.wait_indirect_dma semaphore(%dma_wait3A_602 : memref<!tpu.dma_semaphore, #tpu.memory_space<semaphore_mem>>) src(%dma_wait3A_594 : memref<128x32xf32, #tpu.memory_space<vmem>>) dst(%dma_wait3A_600 : memref<10240x32xf32, #tpu.memory_space<vmem_shared>>)
      %dma_wait3A_603 = arith.constant 9 : i32
      %dma_wait3A_604 = arith.constant 9 : i32
      %dma_wait3A_605 = arith.constant 0 : i32
      %dma_wait3A_606 = arith.constant 0 : i32
      %dma_wait3A_607 = tpu.memref_slice %arg8[%dma_wait3A_603, %dma_wait3A_605, %dma_wait3A_606] : memref<10x128x32xf32, #tpu.memory_space<vmem>> -> memref<1x128x32xf32, #tpu.memory_space<vmem>>
      %dma_wait3A_608 = tpu.memref_squeeze %dma_wait3A_607 : memref<1x128x32xf32, #tpu.memory_space<vmem>> -> memref<128x32xf32, #tpu.memory_space<vmem>>
      %dma_wait3A_609 = arith.constant 0 : i32
      %dma_wait3A_610 = tpu.memref_slice %arg7[%add3A_462, %dma_wait3A_609] : memref<160x128xi32, #tpu.memory_space<vmem>> -> memref<1x128xi32, #tpu.memory_space<vmem>>
      %dma_wait3A_611 = tpu.memref_squeeze %dma_wait3A_610 : memref<1x128xi32, #tpu.memory_space<vmem>> -> memref<128xi32, #tpu.memory_space<vmem>>
      %dma_wait3A_612 = arith.constant 0 : i32
      %dma_wait3A_613 = arith.constant 0 : i32
      %dma_wait3A_614 = tpu.memref_slice %arg11[%dma_wait3A_612, %dma_wait3A_613] : memref<10240x32xf32, #tpu.memory_space<vmem_shared>> -> memref<10240x32xf32, #tpu.memory_space<vmem_shared>>
      %dma_wait3A_615 = tpu.memref_slice %arg10[%dma_wait3A_604] : memref<10x!tpu.dma_semaphore, #tpu.memory_space<semaphore_mem>> -> memref<1x!tpu.dma_semaphore, #tpu.memory_space<semaphore_mem>>
      %dma_wait3A_616 = tpu.memref_squeeze %dma_wait3A_615 : memref<1x!tpu.dma_semaphore, #tpu.memory_space<semaphore_mem>> -> memref<!tpu.dma_semaphore, #tpu.memory_space<semaphore_mem>>
      tpu.wait_indirect_dma semaphore(%dma_wait3A_616 : memref<!tpu.dma_semaphore, #tpu.memory_space<semaphore_mem>>) src(%dma_wait3A_608 : memref<128x32xf32, #tpu.memory_space<vmem>>) dst(%dma_wait3A_614 : memref<10240x32xf32, #tpu.memory_space<vmem_shared>>)
    }
    %scan3A_11 = arith.constant 16 : i32
    %barrier3A_12 = arith.constant 0 : index
    tpu.barrier barrier_id(%barrier3A_12)
    %mul3A_13 = arith.constant 640 : i32
    %mul3A_14 = arith.muli %arg1, %mul3A_13 : i32
    %mul3A_15 = arith.constant 640 : i32
    %mul3A_16 = arith.muli %arg1, %mul3A_15 : i32
    "tpu.region"() ({
      %run_scoped3A = tpu.sem_alloc : memref<!tpu.dma_semaphore, #tpu.memory_space<semaphore_mem>>
      %dma_start3A = arith.constant 0 : i32
      %dma_start3A_17 = tpu.memref_slice %arg5[%arg0, %mul3A_16, %dma_start3A] : memref<2x10240x32xf32, #tpu.memory_space<hbm>> -> memref<1x640x32xf32, #tpu.memory_space<hbm>>
      %dma_start3A_18 = tpu.memref_squeeze %dma_start3A_17 : memref<1x640x32xf32, #tpu.memory_space<hbm>> -> memref<640x32xf32, #tpu.memory_space<hbm>>
      %dma_start3A_19 = arith.constant 0 : i32
      %dma_start3A_20 = tpu.memref_slice %arg11[%mul3A_14, %dma_start3A_19] : memref<10240x32xf32, #tpu.memory_space<vmem_shared>> -> memref<640x32xf32, #tpu.memory_space<vmem_shared>>
      tpu.enqueue_dma source(%dma_start3A_20 : memref<640x32xf32, #tpu.memory_space<vmem_shared>>) target(%dma_start3A_18 : memref<640x32xf32, #tpu.memory_space<hbm>>) target_semaphore(%run_scoped3A : memref<!tpu.dma_semaphore, #tpu.memory_space<semaphore_mem>>)
      %dma_wait3A = arith.constant 0 : i32
      %dma_wait3A_21 = tpu.memref_slice %arg5[%arg0, %mul3A_16, %dma_wait3A] : memref<2x10240x32xf32, #tpu.memory_space<hbm>> -> memref<1x640x32xf32, #tpu.memory_space<hbm>>
      %dma_wait3A_22 = tpu.memref_squeeze %dma_wait3A_21 : memref<1x640x32xf32, #tpu.memory_space<hbm>> -> memref<640x32xf32, #tpu.memory_space<hbm>>
      %dma_wait3A_23 = arith.constant 0 : i32
      %dma_wait3A_24 = tpu.memref_slice %arg11[%mul3A_14, %dma_wait3A_23] : memref<10240x32xf32, #tpu.memory_space<vmem_shared>> -> memref<640x32xf32, #tpu.memory_space<vmem_shared>>
      tpu.wait_dma2 semaphore(%run_scoped3A : memref<!tpu.dma_semaphore, #tpu.memory_space<semaphore_mem>>) src(%dma_wait3A_24 : memref<640x32xf32, #tpu.memory_space<vmem_shared>>) dst(%dma_wait3A_22 : memref<640x32xf32, #tpu.memory_space<hbm>>)
      tpu.yield
    }) : () -> ()
    return
  }
}

#map = affine_map<(d0, d1) -> (0, 0, 0)>
module attributes {stable_mosaic.version = 14 : i64} {
  func.func @agg(%arg0: i32, %arg1: i32, %arg2: memref<16x160x128xi32, #tpu.memory_space<hbm>>, %arg3: memref<16x160x128xi32, #tpu.memory_space<hbm>>, %arg4: memref<2x10240x32xf32, #tpu.memory_space<hbm>>, %arg5: memref<2x10240x32xf32, #tpu.memory_space<hbm>>, %arg6: memref<160x128xi32, #tpu.memory_space<vmem>>, %arg7: memref<160x128xi32, #tpu.memory_space<vmem>>, %arg8: memref<10x128x32xf32, #tpu.memory_space<vmem>>, %arg9: memref<10x!tpu.dma_semaphore, #tpu.memory_space<semaphore_mem>>, %arg10: memref<10x!tpu.dma_semaphore, #tpu.memory_space<semaphore_mem>>, %arg11: memref<10240x32xf32, #tpu.memory_space<vmem_shared>>, %arg12: memref<10240x32xf32, #tpu.memory_space<vmem_shared>>) attributes {dimension_semantics = [#tpu.dimension_semantics<core_parallel>, #tpu.dimension_semantics<subcore_parallel>], iteration_bounds = array<i64: 2, 16>, scalar_prefetch = 0 : i64, scratch_operands = 7 : i64, tpu.core_type = #tpu.core_type<sc_vector_subcore>, window_params = [{transform_indices = #map}, {transform_indices = #map}, {transform_indices = #map}, {transform_indices = #map}]} {
    %mul3A = arith.constant 640 : i32
    %mul3A_0 = arith.muli %arg1, %mul3A : i32
    %mul3A_1 = arith.constant 640 : i32
    %mul3A_2 = arith.muli %arg1, %mul3A_1 : i32
    "tpu.region"() ({
      %run_scoped3A = tpu.sem_alloc : memref<!tpu.dma_semaphore, #tpu.memory_space<semaphore_mem>>
      %dma_start3A = arith.constant 0 : i32
      %dma_start3A_17 = tpu.memref_slice %arg11[%mul3A_2, %dma_start3A] : memref<10240x32xf32, #tpu.memory_space<vmem_shared>> -> memref<640x32xf32, #tpu.memory_space<vmem_shared>>
      %dma_start3A_18 = arith.constant 0 : i32
      %dma_start3A_19 = tpu.memref_slice %arg4[%arg0, %mul3A_0, %dma_start3A_18] : memref<2x10240x32xf32, #tpu.memory_space<hbm>> -> memref<1x640x32xf32, #tpu.memory_space<hbm>>
      %dma_start3A_20 = tpu.memref_squeeze %dma_start3A_19 : memref<1x640x32xf32, #tpu.memory_space<hbm>> -> memref<640x32xf32, #tpu.memory_space<hbm>>
      tpu.enqueue_dma source(%dma_start3A_20 : memref<640x32xf32, #tpu.memory_space<hbm>>) target(%dma_start3A_17 : memref<640x32xf32, #tpu.memory_space<vmem_shared>>) target_semaphore(%run_scoped3A : memref<!tpu.dma_semaphore, #tpu.memory_space<semaphore_mem>>)
      %dma_wait3A = arith.constant 0 : i32
      %dma_wait3A_21 = tpu.memref_slice %arg11[%mul3A_2, %dma_wait3A] : memref<10240x32xf32, #tpu.memory_space<vmem_shared>> -> memref<640x32xf32, #tpu.memory_space<vmem_shared>>
      %dma_wait3A_22 = arith.constant 0 : i32
      %dma_wait3A_23 = tpu.memref_slice %arg4[%arg0, %mul3A_0, %dma_wait3A_22] : memref<2x10240x32xf32, #tpu.memory_space<hbm>> -> memref<1x640x32xf32, #tpu.memory_space<hbm>>
      %dma_wait3A_24 = tpu.memref_squeeze %dma_wait3A_23 : memref<1x640x32xf32, #tpu.memory_space<hbm>> -> memref<640x32xf32, #tpu.memory_space<hbm>>
      tpu.wait_dma2 semaphore(%run_scoped3A : memref<!tpu.dma_semaphore, #tpu.memory_space<semaphore_mem>>) src(%dma_wait3A_24 : memref<640x32xf32, #tpu.memory_space<hbm>>) dst(%dma_wait3A_21 : memref<640x32xf32, #tpu.memory_space<vmem_shared>>)
      tpu.yield
    }) : () -> ()
    %mul3A_3 = arith.constant 640 : i32
    %mul3A_4 = arith.muli %arg1, %mul3A_3 : i32
    %mul3A_5 = arith.constant 640 : i32
    %mul3A_6 = arith.muli %arg1, %mul3A_5 : i32
    "tpu.region"() ({
      %run_scoped3A = tpu.sem_alloc : memref<!tpu.dma_semaphore, #tpu.memory_space<semaphore_mem>>
      %dma_start3A = arith.constant 0 : i32
      %dma_start3A_17 = tpu.memref_slice %arg12[%mul3A_6, %dma_start3A] : memref<10240x32xf32, #tpu.memory_space<vmem_shared>> -> memref<640x32xf32, #tpu.memory_space<vmem_shared>>
      %dma_start3A_18 = arith.constant 0 : i32
      %dma_start3A_19 = tpu.memref_slice %arg4[%arg0, %mul3A_4, %dma_start3A_18] : memref<2x10240x32xf32, #tpu.memory_space<hbm>> -> memref<1x640x32xf32, #tpu.memory_space<hbm>>
      %dma_start3A_20 = tpu.memref_squeeze %dma_start3A_19 : memref<1x640x32xf32, #tpu.memory_space<hbm>> -> memref<640x32xf32, #tpu.memory_space<hbm>>
      tpu.enqueue_dma source(%dma_start3A_20 : memref<640x32xf32, #tpu.memory_space<hbm>>) target(%dma_start3A_17 : memref<640x32xf32, #tpu.memory_space<vmem_shared>>) target_semaphore(%run_scoped3A : memref<!tpu.dma_semaphore, #tpu.memory_space<semaphore_mem>>)
      %dma_wait3A = arith.constant 0 : i32
      %dma_wait3A_21 = tpu.memref_slice %arg12[%mul3A_6, %dma_wait3A] : memref<10240x32xf32, #tpu.memory_space<vmem_shared>> -> memref<640x32xf32, #tpu.memory_space<vmem_shared>>
      %dma_wait3A_22 = arith.constant 0 : i32
      %dma_wait3A_23 = tpu.memref_slice %arg4[%arg0, %mul3A_4, %dma_wait3A_22] : memref<2x10240x32xf32, #tpu.memory_space<hbm>> -> memref<1x640x32xf32, #tpu.memory_space<hbm>>
      %dma_wait3A_24 = tpu.memref_squeeze %dma_wait3A_23 : memref<1x640x32xf32, #tpu.memory_space<hbm>> -> memref<640x32xf32, #tpu.memory_space<hbm>>
      tpu.wait_dma2 semaphore(%run_scoped3A : memref<!tpu.dma_semaphore, #tpu.memory_space<semaphore_mem>>) src(%dma_wait3A_24 : memref<640x32xf32, #tpu.memory_space<hbm>>) dst(%dma_wait3A_21 : memref<640x32xf32, #tpu.memory_space<vmem_shared>>)
      tpu.yield
    }) : () -> ()
    "tpu.region"() ({
      %run_scoped3A = tpu.sem_alloc : memref<!tpu.dma_semaphore, #tpu.memory_space<semaphore_mem>>
      %dma_start3A = arith.constant 0 : i32
      %dma_start3A_17 = arith.constant 0 : i32
      %dma_start3A_18 = tpu.memref_slice %arg2[%arg1, %dma_start3A, %dma_start3A_17] : memref<16x160x128xi32, #tpu.memory_space<hbm>> -> memref<1x160x128xi32, #tpu.memory_space<hbm>>
      %dma_start3A_19 = tpu.memref_squeeze %dma_start3A_18 : memref<1x160x128xi32, #tpu.memory_space<hbm>> -> memref<160x128xi32, #tpu.memory_space<hbm>>
      %dma_start3A_20 = arith.constant 0 : i32
      %dma_start3A_21 = arith.constant 0 : i32
      %dma_start3A_22 = tpu.memref_slice %arg2[%arg1, %dma_start3A_20, %dma_start3A_21] : memref<16x160x128xi32, #tpu.memory_space<hbm>> -> memref<1x160x128xi32, #tpu.memory_space<hbm>>
      %dma_start3A_23 = tpu.memref_squeeze %dma_start3A_22 : memref<1x160x128xi32, #tpu.memory_space<hbm>> -> memref<160x128xi32, #tpu.memory_space<hbm>>
      tpu.enqueue_dma source(%dma_start3A_23 : memref<160x128xi32, #tpu.memory_space<hbm>>) target(%arg6 : memref<160x128xi32, #tpu.memory_space<vmem>>) target_semaphore(%run_scoped3A : memref<!tpu.dma_semaphore, #tpu.memory_space<semaphore_mem>>)
      %dma_wait3A = arith.constant 0 : i32
      %dma_wait3A_24 = arith.constant 0 : i32
      %dma_wait3A_25 = tpu.memref_slice %arg2[%arg1, %dma_wait3A, %dma_wait3A_24] : memref<16x160x128xi32, #tpu.memory_space<hbm>> -> memref<1x160x128xi32, #tpu.memory_space<hbm>>
      %dma_wait3A_26 = tpu.memref_squeeze %dma_wait3A_25 : memref<1x160x128xi32, #tpu.memory_space<hbm>> -> memref<160x128xi32, #tpu.memory_space<hbm>>
      %dma_wait3A_27 = arith.constant 0 : i32
      %dma_wait3A_28 = arith.constant 0 : i32
      %dma_wait3A_29 = tpu.memref_slice %arg2[%arg1, %dma_wait3A_27, %dma_wait3A_28] : memref<16x160x128xi32, #tpu.memory_space<hbm>> -> memref<1x160x128xi32, #tpu.memory_space<hbm>>
      %dma_wait3A_30 = tpu.memref_squeeze %dma_wait3A_29 : memref<1x160x128xi32, #tpu.memory_space<hbm>> -> memref<160x128xi32, #tpu.memory_space<hbm>>
      tpu.wait_dma2 semaphore(%run_scoped3A : memref<!tpu.dma_semaphore, #tpu.memory_space<semaphore_mem>>) src(%dma_wait3A_30 : memref<160x128xi32, #tpu.memory_space<hbm>>) dst(%arg6 : memref<160x128xi32, #tpu.memory_space<vmem>>)
      tpu.yield
    }) : () -> ()
    "tpu.region"() ({
      %run_scoped3A = tpu.sem_alloc : memref<!tpu.dma_semaphore, #tpu.memory_space<semaphore_mem>>
      %dma_start3A = arith.constant 0 : i32
      %dma_start3A_17 = arith.constant 0 : i32
      %dma_start3A_18 = tpu.memref_slice %arg3[%arg1, %dma_start3A, %dma_start3A_17] : memref<16x160x128xi32, #tpu.memory_space<hbm>> -> memref<1x160x128xi32, #tpu.memory_space<hbm>>
      %dma_start3A_19 = tpu.memref_squeeze %dma_start3A_18 : memref<1x160x128xi32, #tpu.memory_space<hbm>> -> memref<160x128xi32, #tpu.memory_space<hbm>>
      %dma_start3A_20 = arith.constant 0 : i32
      %dma_start3A_21 = arith.constant 0 : i32
      %dma_start3A_22 = tpu.memref_slice %arg3[%arg1, %dma_start3A_20, %dma_start3A_21] : memref<16x160x128xi32, #tpu.memory_space<hbm>> -> memref<1x160x128xi32, #tpu.memory_space<hbm>>
      %dma_start3A_23 = tpu.memref_squeeze %dma_start3A_22 : memref<1x160x128xi32, #tpu.memory_space<hbm>> -> memref<160x128xi32, #tpu.memory_space<hbm>>
      tpu.enqueue_dma source(%dma_start3A_23 : memref<160x128xi32, #tpu.memory_space<hbm>>) target(%arg7 : memref<160x128xi32, #tpu.memory_space<vmem>>) target_semaphore(%run_scoped3A : memref<!tpu.dma_semaphore, #tpu.memory_space<semaphore_mem>>)
      %dma_wait3A = arith.constant 0 : i32
      %dma_wait3A_24 = arith.constant 0 : i32
      %dma_wait3A_25 = tpu.memref_slice %arg3[%arg1, %dma_wait3A, %dma_wait3A_24] : memref<16x160x128xi32, #tpu.memory_space<hbm>> -> memref<1x160x128xi32, #tpu.memory_space<hbm>>
      %dma_wait3A_26 = tpu.memref_squeeze %dma_wait3A_25 : memref<1x160x128xi32, #tpu.memory_space<hbm>> -> memref<160x128xi32, #tpu.memory_space<hbm>>
      %dma_wait3A_27 = arith.constant 0 : i32
      %dma_wait3A_28 = arith.constant 0 : i32
      %dma_wait3A_29 = tpu.memref_slice %arg3[%arg1, %dma_wait3A_27, %dma_wait3A_28] : memref<16x160x128xi32, #tpu.memory_space<hbm>> -> memref<1x160x128xi32, #tpu.memory_space<hbm>>
      %dma_wait3A_30 = tpu.memref_squeeze %dma_wait3A_29 : memref<1x160x128xi32, #tpu.memory_space<hbm>> -> memref<160x128xi32, #tpu.memory_space<hbm>>
      tpu.wait_dma2 semaphore(%run_scoped3A : memref<!tpu.dma_semaphore, #tpu.memory_space<semaphore_mem>>) src(%dma_wait3A_30 : memref<160x128xi32, #tpu.memory_space<hbm>>) dst(%arg7 : memref<160x128xi32, #tpu.memory_space<vmem>>)
      tpu.yield
    }) : () -> ()
    %barrier3A = arith.constant 0 : index
    tpu.barrier barrier_id(%barrier3A)
    %scan3A = arith.constant 0 : i32
    %scan3A_7 = arith.constant 0 : i32
    %scan3A_8 = arith.constant 16 : i32
    %scan3A_9 = arith.addi %scan3A_7, %scan3A_8 : i32
    %scan3A_10 = arith.constant 1 : i32
    scf.for %scan3A_17 = %scan3A_7 to %scan3A_9 step %scan3A_10  : i32 {
      %mul3A_18 = arith.constant 10 : i32
      %mul3A_19 = arith.muli %scan3A_17, %mul3A_18 : i32
      %add3A = arith.constant 0 : i32
      %add3A_20 = arith.addi %mul3A_19, %add3A : i32
      %dma_start3A = arith.constant 0 : i32
      %dma_start3A_21 = arith.constant 0 : i32
      %dma_start3A_22 = arith.constant 0 : i32
      %dma_start3A_23 = arith.constant 0 : i32
      %dma_start3A_24 = tpu.memref_slice %arg8[%dma_start3A, %dma_start3A_22, %dma_start3A_23] : memref<10x128x32xf32, #tpu.memory_space<vmem>> -> memref<1x128x32xf32, #tpu.memory_space<vmem>>
      %dma_start3A_25 = tpu.memref_squeeze %dma_start3A_24 : memref<1x128x32xf32, #tpu.memory_space<vmem>> -> memref<128x32xf32, #tpu.memory_space<vmem>>
      %dma_start3A_26 = arith.constant 0 : i32
      %dma_start3A_27 = tpu.memref_slice %arg6[%add3A_20, %dma_start3A_26] : memref<160x128xi32, #tpu.memory_space<vmem>> -> memref<1x128xi32, #tpu.memory_space<vmem>>
      %dma_start3A_28 = tpu.memref_squeeze %dma_start3A_27 : memref<1x128xi32, #tpu.memory_space<vmem>> -> memref<128xi32, #tpu.memory_space<vmem>>
      %dma_start3A_29 = arith.constant 0 : i32
      %dma_start3A_30 = arith.constant 0 : i32
      %dma_start3A_31 = tpu.memref_slice %arg12[%dma_start3A_29, %dma_start3A_30] : memref<10240x32xf32, #tpu.memory_space<vmem_shared>> -> memref<10240x32xf32, #tpu.memory_space<vmem_shared>>
      %dma_start3A_32 = tpu.memref_slice %arg9[%dma_start3A_21] : memref<10x!tpu.dma_semaphore, #tpu.memory_space<semaphore_mem>> -> memref<1x!tpu.dma_semaphore, #tpu.memory_space<semaphore_mem>>
      %dma_start3A_33 = tpu.memref_squeeze %dma_start3A_32 : memref<1x!tpu.dma_semaphore, #tpu.memory_space<semaphore_mem>> -> memref<!tpu.dma_semaphore, #tpu.memory_space<semaphore_mem>>
      tpu.enqueue_indirect_dma source(%dma_start3A_31 : memref<10240x32xf32, #tpu.memory_space<vmem_shared>>) target(%dma_start3A_25 : memref<128x32xf32, #tpu.memory_space<vmem>>) offsets(%dma_start3A_28 : memref<128xi32, #tpu.memory_space<vmem>>) semaphore(%dma_start3A_33 : memref<!tpu.dma_semaphore, #tpu.memory_space<semaphore_mem>>)
      %add3A_34 = arith.constant 1 : i32
      %add3A_35 = arith.addi %mul3A_19, %add3A_34 : i32
      %dma_start3A_36 = arith.constant 1 : i32
      %dma_start3A_37 = arith.constant 1 : i32
      %dma_start3A_38 = arith.constant 0 : i32
      %dma_start3A_39 = arith.constant 0 : i32
      %dma_start3A_40 = tpu.memref_slice %arg8[%dma_start3A_36, %dma_start3A_38, %dma_start3A_39] : memref<10x128x32xf32, #tpu.memory_space<vmem>> -> memref<1x128x32xf32, #tpu.memory_space<vmem>>
      %dma_start3A_41 = tpu.memref_squeeze %dma_start3A_40 : memref<1x128x32xf32, #tpu.memory_space<vmem>> -> memref<128x32xf32, #tpu.memory_space<vmem>>
      %dma_start3A_42 = arith.constant 0 : i32
      %dma_start3A_43 = tpu.memref_slice %arg6[%add3A_35, %dma_start3A_42] : memref<160x128xi32, #tpu.memory_space<vmem>> -> memref<1x128xi32, #tpu.memory_space<vmem>>
      %dma_start3A_44 = tpu.memref_squeeze %dma_start3A_43 : memref<1x128xi32, #tpu.memory_space<vmem>> -> memref<128xi32, #tpu.memory_space<vmem>>
      %dma_start3A_45 = arith.constant 0 : i32
      %dma_start3A_46 = arith.constant 0 : i32
      %dma_start3A_47 = tpu.memref_slice %arg12[%dma_start3A_45, %dma_start3A_46] : memref<10240x32xf32, #tpu.memory_space<vmem_shared>> -> memref<10240x32xf32, #tpu.memory_space<vmem_shared>>
      %dma_start3A_48 = tpu.memref_slice %arg9[%dma_start3A_37] : memref<10x!tpu.dma_semaphore, #tpu.memory_space<semaphore_mem>> -> memref<1x!tpu.dma_semaphore, #tpu.memory_space<semaphore_mem>>
      %dma_start3A_49 = tpu.memref_squeeze %dma_start3A_48 : memref<1x!tpu.dma_semaphore, #tpu.memory_space<semaphore_mem>> -> memref<!tpu.dma_semaphore, #tpu.memory_space<semaphore_mem>>
      tpu.enqueue_indirect_dma source(%dma_start3A_47 : memref<10240x32xf32, #tpu.memory_space<vmem_shared>>) target(%dma_start3A_41 : memref<128x32xf32, #tpu.memory_space<vmem>>) offsets(%dma_start3A_44 : memref<128xi32, #tpu.memory_space<vmem>>) semaphore(%dma_start3A_49 : memref<!tpu.dma_semaphore, #tpu.memory_space<semaphore_mem>>)
      %add3A_50 = arith.constant 2 : i32
      %add3A_51 = arith.addi %mul3A_19, %add3A_50 : i32
      %dma_start3A_52 = arith.constant 2 : i32
      %dma_start3A_53 = arith.constant 2 : i32
      %dma_start3A_54 = arith.constant 0 : i32
      %dma_start3A_55 = arith.constant 0 : i32
      %dma_start3A_56 = tpu.memref_slice %arg8[%dma_start3A_52, %dma_start3A_54, %dma_start3A_55] : memref<10x128x32xf32, #tpu.memory_space<vmem>> -> memref<1x128x32xf32, #tpu.memory_space<vmem>>
      %dma_start3A_57 = tpu.memref_squeeze %dma_start3A_56 : memref<1x128x32xf32, #tpu.memory_space<vmem>> -> memref<128x32xf32, #tpu.memory_space<vmem>>
      %dma_start3A_58 = arith.constant 0 : i32
      %dma_start3A_59 = tpu.memref_slice %arg6[%add3A_51, %dma_start3A_58] : memref<160x128xi32, #tpu.memory_space<vmem>> -> memref<1x128xi32, #tpu.memory_space<vmem>>
      %dma_start3A_60 = tpu.memref_squeeze %dma_start3A_59 : memref<1x128xi32, #tpu.memory_space<vmem>> -> memref<128xi32, #tpu.memory_space<vmem>>
      %dma_start3A_61 = arith.constant 0 : i32
      %dma_start3A_62 = arith.constant 0 : i32
      %dma_start3A_63 = tpu.memref_slice %arg12[%dma_start3A_61, %dma_start3A_62] : memref<10240x32xf32, #tpu.memory_space<vmem_shared>> -> memref<10240x32xf32, #tpu.memory_space<vmem_shared>>
      %dma_start3A_64 = tpu.memref_slice %arg9[%dma_start3A_53] : memref<10x!tpu.dma_semaphore, #tpu.memory_space<semaphore_mem>> -> memref<1x!tpu.dma_semaphore, #tpu.memory_space<semaphore_mem>>
      %dma_start3A_65 = tpu.memref_squeeze %dma_start3A_64 : memref<1x!tpu.dma_semaphore, #tpu.memory_space<semaphore_mem>> -> memref<!tpu.dma_semaphore, #tpu.memory_space<semaphore_mem>>
      tpu.enqueue_indirect_dma source(%dma_start3A_63 : memref<10240x32xf32, #tpu.memory_space<vmem_shared>>) target(%dma_start3A_57 : memref<128x32xf32, #tpu.memory_space<vmem>>) offsets(%dma_start3A_60 : memref<128xi32, #tpu.memory_space<vmem>>) semaphore(%dma_start3A_65 : memref<!tpu.dma_semaphore, #tpu.memory_space<semaphore_mem>>)
      %add3A_66 = arith.constant 3 : i32
      %add3A_67 = arith.addi %mul3A_19, %add3A_66 : i32
      %dma_start3A_68 = arith.constant 3 : i32
      %dma_start3A_69 = arith.constant 3 : i32
      %dma_start3A_70 = arith.constant 0 : i32
      %dma_start3A_71 = arith.constant 0 : i32
      %dma_start3A_72 = tpu.memref_slice %arg8[%dma_start3A_68, %dma_start3A_70, %dma_start3A_71] : memref<10x128x32xf32, #tpu.memory_space<vmem>> -> memref<1x128x32xf32, #tpu.memory_space<vmem>>
      %dma_start3A_73 = tpu.memref_squeeze %dma_start3A_72 : memref<1x128x32xf32, #tpu.memory_space<vmem>> -> memref<128x32xf32, #tpu.memory_space<vmem>>
      %dma_start3A_74 = arith.constant 0 : i32
      %dma_start3A_75 = tpu.memref_slice %arg6[%add3A_67, %dma_start3A_74] : memref<160x128xi32, #tpu.memory_space<vmem>> -> memref<1x128xi32, #tpu.memory_space<vmem>>
      %dma_start3A_76 = tpu.memref_squeeze %dma_start3A_75 : memref<1x128xi32, #tpu.memory_space<vmem>> -> memref<128xi32, #tpu.memory_space<vmem>>
      %dma_start3A_77 = arith.constant 0 : i32
      %dma_start3A_78 = arith.constant 0 : i32
      %dma_start3A_79 = tpu.memref_slice %arg12[%dma_start3A_77, %dma_start3A_78] : memref<10240x32xf32, #tpu.memory_space<vmem_shared>> -> memref<10240x32xf32, #tpu.memory_space<vmem_shared>>
      %dma_start3A_80 = tpu.memref_slice %arg9[%dma_start3A_69] : memref<10x!tpu.dma_semaphore, #tpu.memory_space<semaphore_mem>> -> memref<1x!tpu.dma_semaphore, #tpu.memory_space<semaphore_mem>>
      %dma_start3A_81 = tpu.memref_squeeze %dma_start3A_80 : memref<1x!tpu.dma_semaphore, #tpu.memory_space<semaphore_mem>> -> memref<!tpu.dma_semaphore, #tpu.memory_space<semaphore_mem>>
      tpu.enqueue_indirect_dma source(%dma_start3A_79 : memref<10240x32xf32, #tpu.memory_space<vmem_shared>>) target(%dma_start3A_73 : memref<128x32xf32, #tpu.memory_space<vmem>>) offsets(%dma_start3A_76 : memref<128xi32, #tpu.memory_space<vmem>>) semaphore(%dma_start3A_81 : memref<!tpu.dma_semaphore, #tpu.memory_space<semaphore_mem>>)
      %add3A_82 = arith.constant 4 : i32
      %add3A_83 = arith.addi %mul3A_19, %add3A_82 : i32
      %dma_start3A_84 = arith.constant 4 : i32
      %dma_start3A_85 = arith.constant 4 : i32
      %dma_start3A_86 = arith.constant 0 : i32
      %dma_start3A_87 = arith.constant 0 : i32
      %dma_start3A_88 = tpu.memref_slice %arg8[%dma_start3A_84, %dma_start3A_86, %dma_start3A_87] : memref<10x128x32xf32, #tpu.memory_space<vmem>> -> memref<1x128x32xf32, #tpu.memory_space<vmem>>
      %dma_start3A_89 = tpu.memref_squeeze %dma_start3A_88 : memref<1x128x32xf32, #tpu.memory_space<vmem>> -> memref<128x32xf32, #tpu.memory_space<vmem>>
      %dma_start3A_90 = arith.constant 0 : i32
      %dma_start3A_91 = tpu.memref_slice %arg6[%add3A_83, %dma_start3A_90] : memref<160x128xi32, #tpu.memory_space<vmem>> -> memref<1x128xi32, #tpu.memory_space<vmem>>
      %dma_start3A_92 = tpu.memref_squeeze %dma_start3A_91 : memref<1x128xi32, #tpu.memory_space<vmem>> -> memref<128xi32, #tpu.memory_space<vmem>>
      %dma_start3A_93 = arith.constant 0 : i32
      %dma_start3A_94 = arith.constant 0 : i32
      %dma_start3A_95 = tpu.memref_slice %arg12[%dma_start3A_93, %dma_start3A_94] : memref<10240x32xf32, #tpu.memory_space<vmem_shared>> -> memref<10240x32xf32, #tpu.memory_space<vmem_shared>>
      %dma_start3A_96 = tpu.memref_slice %arg9[%dma_start3A_85] : memref<10x!tpu.dma_semaphore, #tpu.memory_space<semaphore_mem>> -> memref<1x!tpu.dma_semaphore, #tpu.memory_space<semaphore_mem>>
      %dma_start3A_97 = tpu.memref_squeeze %dma_start3A_96 : memref<1x!tpu.dma_semaphore, #tpu.memory_space<semaphore_mem>> -> memref<!tpu.dma_semaphore, #tpu.memory_space<semaphore_mem>>
      tpu.enqueue_indirect_dma source(%dma_start3A_95 : memref<10240x32xf32, #tpu.memory_space<vmem_shared>>) target(%dma_start3A_89 : memref<128x32xf32, #tpu.memory_space<vmem>>) offsets(%dma_start3A_92 : memref<128xi32, #tpu.memory_space<vmem>>) semaphore(%dma_start3A_97 : memref<!tpu.dma_semaphore, #tpu.memory_space<semaphore_mem>>)
      %add3A_98 = arith.constant 5 : i32
      %add3A_99 = arith.addi %mul3A_19, %add3A_98 : i32
      %dma_start3A_100 = arith.constant 5 : i32
      %dma_start3A_101 = arith.constant 5 : i32
      %dma_start3A_102 = arith.constant 0 : i32
      %dma_start3A_103 = arith.constant 0 : i32
      %dma_start3A_104 = tpu.memref_slice %arg8[%dma_start3A_100, %dma_start3A_102, %dma_start3A_103] : memref<10x128x32xf32, #tpu.memory_space<vmem>> -> memref<1x128x32xf32, #tpu.memory_space<vmem>>
      %dma_start3A_105 = tpu.memref_squeeze %dma_start3A_104 : memref<1x128x32xf32, #tpu.memory_space<vmem>> -> memref<128x32xf32, #tpu.memory_space<vmem>>
      %dma_start3A_106 = arith.constant 0 : i32
      %dma_start3A_107 = tpu.memref_slice %arg6[%add3A_99, %dma_start3A_106] : memref<160x128xi32, #tpu.memory_space<vmem>> -> memref<1x128xi32, #tpu.memory_space<vmem>>
      %dma_start3A_108 = tpu.memref_squeeze %dma_start3A_107 : memref<1x128xi32, #tpu.memory_space<vmem>> -> memref<128xi32, #tpu.memory_space<vmem>>
      %dma_start3A_109 = arith.constant 0 : i32
      %dma_start3A_110 = arith.constant 0 : i32
      %dma_start3A_111 = tpu.memref_slice %arg12[%dma_start3A_109, %dma_start3A_110] : memref<10240x32xf32, #tpu.memory_space<vmem_shared>> -> memref<10240x32xf32, #tpu.memory_space<vmem_shared>>
      %dma_start3A_112 = tpu.memref_slice %arg9[%dma_start3A_101] : memref<10x!tpu.dma_semaphore, #tpu.memory_space<semaphore_mem>> -> memref<1x!tpu.dma_semaphore, #tpu.memory_space<semaphore_mem>>
      %dma_start3A_113 = tpu.memref_squeeze %dma_start3A_112 : memref<1x!tpu.dma_semaphore, #tpu.memory_space<semaphore_mem>> -> memref<!tpu.dma_semaphore, #tpu.memory_space<semaphore_mem>>
      tpu.enqueue_indirect_dma source(%dma_start3A_111 : memref<10240x32xf32, #tpu.memory_space<vmem_shared>>) target(%dma_start3A_105 : memref<128x32xf32, #tpu.memory_space<vmem>>) offsets(%dma_start3A_108 : memref<128xi32, #tpu.memory_space<vmem>>) semaphore(%dma_start3A_113 : memref<!tpu.dma_semaphore, #tpu.memory_space<semaphore_mem>>)
      %add3A_114 = arith.constant 6 : i32
      %add3A_115 = arith.addi %mul3A_19, %add3A_114 : i32
      %dma_start3A_116 = arith.constant 6 : i32
      %dma_start3A_117 = arith.constant 6 : i32
      %dma_start3A_118 = arith.constant 0 : i32
      %dma_start3A_119 = arith.constant 0 : i32
      %dma_start3A_120 = tpu.memref_slice %arg8[%dma_start3A_116, %dma_start3A_118, %dma_start3A_119] : memref<10x128x32xf32, #tpu.memory_space<vmem>> -> memref<1x128x32xf32, #tpu.memory_space<vmem>>
      %dma_start3A_121 = tpu.memref_squeeze %dma_start3A_120 : memref<1x128x32xf32, #tpu.memory_space<vmem>> -> memref<128x32xf32, #tpu.memory_space<vmem>>
      %dma_start3A_122 = arith.constant 0 : i32
      %dma_start3A_123 = tpu.memref_slice %arg6[%add3A_115, %dma_start3A_122] : memref<160x128xi32, #tpu.memory_space<vmem>> -> memref<1x128xi32, #tpu.memory_space<vmem>>
      %dma_start3A_124 = tpu.memref_squeeze %dma_start3A_123 : memref<1x128xi32, #tpu.memory_space<vmem>> -> memref<128xi32, #tpu.memory_space<vmem>>
      %dma_start3A_125 = arith.constant 0 : i32
      %dma_start3A_126 = arith.constant 0 : i32
      %dma_start3A_127 = tpu.memref_slice %arg12[%dma_start3A_125, %dma_start3A_126] : memref<10240x32xf32, #tpu.memory_space<vmem_shared>> -> memref<10240x32xf32, #tpu.memory_space<vmem_shared>>
      %dma_start3A_128 = tpu.memref_slice %arg9[%dma_start3A_117] : memref<10x!tpu.dma_semaphore, #tpu.memory_space<semaphore_mem>> -> memref<1x!tpu.dma_semaphore, #tpu.memory_space<semaphore_mem>>
      %dma_start3A_129 = tpu.memref_squeeze %dma_start3A_128 : memref<1x!tpu.dma_semaphore, #tpu.memory_space<semaphore_mem>> -> memref<!tpu.dma_semaphore, #tpu.memory_space<semaphore_mem>>
      tpu.enqueue_indirect_dma source(%dma_start3A_127 : memref<10240x32xf32, #tpu.memory_space<vmem_shared>>) target(%dma_start3A_121 : memref<128x32xf32, #tpu.memory_space<vmem>>) offsets(%dma_start3A_124 : memref<128xi32, #tpu.memory_space<vmem>>) semaphore(%dma_start3A_129 : memref<!tpu.dma_semaphore, #tpu.memory_space<semaphore_mem>>)
      %add3A_130 = arith.constant 7 : i32
      %add3A_131 = arith.addi %mul3A_19, %add3A_130 : i32
      %dma_start3A_132 = arith.constant 7 : i32
      %dma_start3A_133 = arith.constant 7 : i32
      %dma_start3A_134 = arith.constant 0 : i32
      %dma_start3A_135 = arith.constant 0 : i32
      %dma_start3A_136 = tpu.memref_slice %arg8[%dma_start3A_132, %dma_start3A_134, %dma_start3A_135] : memref<10x128x32xf32, #tpu.memory_space<vmem>> -> memref<1x128x32xf32, #tpu.memory_space<vmem>>
      %dma_start3A_137 = tpu.memref_squeeze %dma_start3A_136 : memref<1x128x32xf32, #tpu.memory_space<vmem>> -> memref<128x32xf32, #tpu.memory_space<vmem>>
      %dma_start3A_138 = arith.constant 0 : i32
      %dma_start3A_139 = tpu.memref_slice %arg6[%add3A_131, %dma_start3A_138] : memref<160x128xi32, #tpu.memory_space<vmem>> -> memref<1x128xi32, #tpu.memory_space<vmem>>
      %dma_start3A_140 = tpu.memref_squeeze %dma_start3A_139 : memref<1x128xi32, #tpu.memory_space<vmem>> -> memref<128xi32, #tpu.memory_space<vmem>>
      %dma_start3A_141 = arith.constant 0 : i32
      %dma_start3A_142 = arith.constant 0 : i32
      %dma_start3A_143 = tpu.memref_slice %arg12[%dma_start3A_141, %dma_start3A_142] : memref<10240x32xf32, #tpu.memory_space<vmem_shared>> -> memref<10240x32xf32, #tpu.memory_space<vmem_shared>>
      %dma_start3A_144 = tpu.memref_slice %arg9[%dma_start3A_133] : memref<10x!tpu.dma_semaphore, #tpu.memory_space<semaphore_mem>> -> memref<1x!tpu.dma_semaphore, #tpu.memory_space<semaphore_mem>>
      %dma_start3A_145 = tpu.memref_squeeze %dma_start3A_144 : memref<1x!tpu.dma_semaphore, #tpu.memory_space<semaphore_mem>> -> memref<!tpu.dma_semaphore, #tpu.memory_space<semaphore_mem>>
      tpu.enqueue_indirect_dma source(%dma_start3A_143 : memref<10240x32xf32, #tpu.memory_space<vmem_shared>>) target(%dma_start3A_137 : memref<128x32xf32, #tpu.memory_space<vmem>>) offsets(%dma_start3A_140 : memref<128xi32, #tpu.memory_space<vmem>>) semaphore(%dma_start3A_145 : memref<!tpu.dma_semaphore, #tpu.memory_space<semaphore_mem>>)
      %add3A_146 = arith.constant 8 : i32
      %add3A_147 = arith.addi %mul3A_19, %add3A_146 : i32
      %dma_start3A_148 = arith.constant 8 : i32
      %dma_start3A_149 = arith.constant 8 : i32
      %dma_start3A_150 = arith.constant 0 : i32
      %dma_start3A_151 = arith.constant 0 : i32
      %dma_start3A_152 = tpu.memref_slice %arg8[%dma_start3A_148, %dma_start3A_150, %dma_start3A_151] : memref<10x128x32xf32, #tpu.memory_space<vmem>> -> memref<1x128x32xf32, #tpu.memory_space<vmem>>
      %dma_start3A_153 = tpu.memref_squeeze %dma_start3A_152 : memref<1x128x32xf32, #tpu.memory_space<vmem>> -> memref<128x32xf32, #tpu.memory_space<vmem>>
      %dma_start3A_154 = arith.constant 0 : i32
      %dma_start3A_155 = tpu.memref_slice %arg6[%add3A_147, %dma_start3A_154] : memref<160x128xi32, #tpu.memory_space<vmem>> -> memref<1x128xi32, #tpu.memory_space<vmem>>
      %dma_start3A_156 = tpu.memref_squeeze %dma_start3A_155 : memref<1x128xi32, #tpu.memory_space<vmem>> -> memref<128xi32, #tpu.memory_space<vmem>>
      %dma_start3A_157 = arith.constant 0 : i32
      %dma_start3A_158 = arith.constant 0 : i32
      %dma_start3A_159 = tpu.memref_slice %arg12[%dma_start3A_157, %dma_start3A_158] : memref<10240x32xf32, #tpu.memory_space<vmem_shared>> -> memref<10240x32xf32, #tpu.memory_space<vmem_shared>>
      %dma_start3A_160 = tpu.memref_slice %arg9[%dma_start3A_149] : memref<10x!tpu.dma_semaphore, #tpu.memory_space<semaphore_mem>> -> memref<1x!tpu.dma_semaphore, #tpu.memory_space<semaphore_mem>>
      %dma_start3A_161 = tpu.memref_squeeze %dma_start3A_160 : memref<1x!tpu.dma_semaphore, #tpu.memory_space<semaphore_mem>> -> memref<!tpu.dma_semaphore, #tpu.memory_space<semaphore_mem>>
      tpu.enqueue_indirect_dma source(%dma_start3A_159 : memref<10240x32xf32, #tpu.memory_space<vmem_shared>>) target(%dma_start3A_153 : memref<128x32xf32, #tpu.memory_space<vmem>>) offsets(%dma_start3A_156 : memref<128xi32, #tpu.memory_space<vmem>>) semaphore(%dma_start3A_161 : memref<!tpu.dma_semaphore, #tpu.memory_space<semaphore_mem>>)
      %add3A_162 = arith.constant 9 : i32
      %add3A_163 = arith.addi %mul3A_19, %add3A_162 : i32
      %dma_start3A_164 = arith.constant 9 : i32
      %dma_start3A_165 = arith.constant 9 : i32
      %dma_start3A_166 = arith.constant 0 : i32
      %dma_start3A_167 = arith.constant 0 : i32
      %dma_start3A_168 = tpu.memref_slice %arg8[%dma_start3A_164, %dma_start3A_166, %dma_start3A_167] : memref<10x128x32xf32, #tpu.memory_space<vmem>> -> memref<1x128x32xf32, #tpu.memory_space<vmem>>
      %dma_start3A_169 = tpu.memref_squeeze %dma_start3A_168 : memref<1x128x32xf32, #tpu.memory_space<vmem>> -> memref<128x32xf32, #tpu.memory_space<vmem>>
      %dma_start3A_170 = arith.constant 0 : i32
      %dma_start3A_171 = tpu.memref_slice %arg6[%add3A_163, %dma_start3A_170] : memref<160x128xi32, #tpu.memory_space<vmem>> -> memref<1x128xi32, #tpu.memory_space<vmem>>
      %dma_start3A_172 = tpu.memref_squeeze %dma_start3A_171 : memref<1x128xi32, #tpu.memory_space<vmem>> -> memref<128xi32, #tpu.memory_space<vmem>>
      %dma_start3A_173 = arith.constant 0 : i32
      %dma_start3A_174 = arith.constant 0 : i32
      %dma_start3A_175 = tpu.memref_slice %arg12[%dma_start3A_173, %dma_start3A_174] : memref<10240x32xf32, #tpu.memory_space<vmem_shared>> -> memref<10240x32xf32, #tpu.memory_space<vmem_shared>>
      %dma_start3A_176 = tpu.memref_slice %arg9[%dma_start3A_165] : memref<10x!tpu.dma_semaphore, #tpu.memory_space<semaphore_mem>> -> memref<1x!tpu.dma_semaphore, #tpu.memory_space<semaphore_mem>>
      %dma_start3A_177 = tpu.memref_squeeze %dma_start3A_176 : memref<1x!tpu.dma_semaphore, #tpu.memory_space<semaphore_mem>> -> memref<!tpu.dma_semaphore, #tpu.memory_space<semaphore_mem>>
      tpu.enqueue_indirect_dma source(%dma_start3A_175 : memref<10240x32xf32, #tpu.memory_space<vmem_shared>>) target(%dma_start3A_169 : memref<128x32xf32, #tpu.memory_space<vmem>>) offsets(%dma_start3A_172 : memref<128xi32, #tpu.memory_space<vmem>>) semaphore(%dma_start3A_177 : memref<!tpu.dma_semaphore, #tpu.memory_space<semaphore_mem>>)
      %dma_wait3A = arith.constant 0 : i32
      %dma_wait3A_178 = arith.constant 0 : i32
      %dma_wait3A_179 = arith.constant 0 : i32
      %dma_wait3A_180 = arith.constant 0 : i32
      %dma_wait3A_181 = tpu.memref_slice %arg8[%dma_wait3A, %dma_wait3A_179, %dma_wait3A_180] : memref<10x128x32xf32, #tpu.memory_space<vmem>> -> memref<1x128x32xf32, #tpu.memory_space<vmem>>
      %dma_wait3A_182 = tpu.memref_squeeze %dma_wait3A_181 : memref<1x128x32xf32, #tpu.memory_space<vmem>> -> memref<128x32xf32, #tpu.memory_space<vmem>>
      %dma_wait3A_183 = arith.constant 0 : i32
      %dma_wait3A_184 = tpu.memref_slice %arg6[%add3A_20, %dma_wait3A_183] : memref<160x128xi32, #tpu.memory_space<vmem>> -> memref<1x128xi32, #tpu.memory_space<vmem>>
      %dma_wait3A_185 = tpu.memref_squeeze %dma_wait3A_184 : memref<1x128xi32, #tpu.memory_space<vmem>> -> memref<128xi32, #tpu.memory_space<vmem>>
      %dma_wait3A_186 = arith.constant 0 : i32
      %dma_wait3A_187 = arith.constant 0 : i32
      %dma_wait3A_188 = tpu.memref_slice %arg12[%dma_wait3A_186, %dma_wait3A_187] : memref<10240x32xf32, #tpu.memory_space<vmem_shared>> -> memref<10240x32xf32, #tpu.memory_space<vmem_shared>>
      %dma_wait3A_189 = tpu.memref_slice %arg9[%dma_wait3A_178] : memref<10x!tpu.dma_semaphore, #tpu.memory_space<semaphore_mem>> -> memref<1x!tpu.dma_semaphore, #tpu.memory_space<semaphore_mem>>
      %dma_wait3A_190 = tpu.memref_squeeze %dma_wait3A_189 : memref<1x!tpu.dma_semaphore, #tpu.memory_space<semaphore_mem>> -> memref<!tpu.dma_semaphore, #tpu.memory_space<semaphore_mem>>
      tpu.wait_indirect_dma semaphore(%dma_wait3A_190 : memref<!tpu.dma_semaphore, #tpu.memory_space<semaphore_mem>>) src(%dma_wait3A_188 : memref<10240x32xf32, #tpu.memory_space<vmem_shared>>) dst(%dma_wait3A_182 : memref<128x32xf32, #tpu.memory_space<vmem>>)
      %add3A_191 = arith.constant 0 : i32
      %add3A_192 = arith.addi %mul3A_19, %add3A_191 : i32
      %dma_start3A_193 = arith.constant 0 : i32
      %dma_start3A_194 = arith.constant 0 : i32
      %dma_start3A_195 = arith.constant 0 : i32
      %dma_start3A_196 = arith.constant 0 : i32
      %dma_start3A_197 = tpu.memref_slice %arg8[%dma_start3A_193, %dma_start3A_195, %dma_start3A_196] : memref<10x128x32xf32, #tpu.memory_space<vmem>> -> memref<1x128x32xf32, #tpu.memory_space<vmem>>
      %dma_start3A_198 = tpu.memref_squeeze %dma_start3A_197 : memref<1x128x32xf32, #tpu.memory_space<vmem>> -> memref<128x32xf32, #tpu.memory_space<vmem>>
      %dma_start3A_199 = arith.constant 0 : i32
      %dma_start3A_200 = tpu.memref_slice %arg7[%add3A_192, %dma_start3A_199] : memref<160x128xi32, #tpu.memory_space<vmem>> -> memref<1x128xi32, #tpu.memory_space<vmem>>
      %dma_start3A_201 = tpu.memref_squeeze %dma_start3A_200 : memref<1x128xi32, #tpu.memory_space<vmem>> -> memref<128xi32, #tpu.memory_space<vmem>>
      %dma_start3A_202 = arith.constant 0 : i32
      %dma_start3A_203 = arith.constant 0 : i32
      %dma_start3A_204 = tpu.memref_slice %arg11[%dma_start3A_202, %dma_start3A_203] : memref<10240x32xf32, #tpu.memory_space<vmem_shared>> -> memref<10240x32xf32, #tpu.memory_space<vmem_shared>>
      %dma_start3A_205 = tpu.memref_slice %arg10[%dma_start3A_194] : memref<10x!tpu.dma_semaphore, #tpu.memory_space<semaphore_mem>> -> memref<1x!tpu.dma_semaphore, #tpu.memory_space<semaphore_mem>>
      %dma_start3A_206 = tpu.memref_squeeze %dma_start3A_205 : memref<1x!tpu.dma_semaphore, #tpu.memory_space<semaphore_mem>> -> memref<!tpu.dma_semaphore, #tpu.memory_space<semaphore_mem>>
      tpu.enqueue_indirect_dma source(%dma_start3A_198 : memref<128x32xf32, #tpu.memory_space<vmem>>) target(%dma_start3A_204 : memref<10240x32xf32, #tpu.memory_space<vmem_shared>>) offsets(%dma_start3A_201 : memref<128xi32, #tpu.memory_space<vmem>>) semaphore(%dma_start3A_206 : memref<!tpu.dma_semaphore, #tpu.memory_space<semaphore_mem>>) {add = true}
      %dma_wait3A_207 = arith.constant 1 : i32
      %dma_wait3A_208 = arith.constant 1 : i32
      %dma_wait3A_209 = arith.constant 0 : i32
      %dma_wait3A_210 = arith.constant 0 : i32
      %dma_wait3A_211 = tpu.memref_slice %arg8[%dma_wait3A_207, %dma_wait3A_209, %dma_wait3A_210] : memref<10x128x32xf32, #tpu.memory_space<vmem>> -> memref<1x128x32xf32, #tpu.memory_space<vmem>>
      %dma_wait3A_212 = tpu.memref_squeeze %dma_wait3A_211 : memref<1x128x32xf32, #tpu.memory_space<vmem>> -> memref<128x32xf32, #tpu.memory_space<vmem>>
      %dma_wait3A_213 = arith.constant 0 : i32
      %dma_wait3A_214 = tpu.memref_slice %arg6[%add3A_35, %dma_wait3A_213] : memref<160x128xi32, #tpu.memory_space<vmem>> -> memref<1x128xi32, #tpu.memory_space<vmem>>
      %dma_wait3A_215 = tpu.memref_squeeze %dma_wait3A_214 : memref<1x128xi32, #tpu.memory_space<vmem>> -> memref<128xi32, #tpu.memory_space<vmem>>
      %dma_wait3A_216 = arith.constant 0 : i32
      %dma_wait3A_217 = arith.constant 0 : i32
      %dma_wait3A_218 = tpu.memref_slice %arg12[%dma_wait3A_216, %dma_wait3A_217] : memref<10240x32xf32, #tpu.memory_space<vmem_shared>> -> memref<10240x32xf32, #tpu.memory_space<vmem_shared>>
      %dma_wait3A_219 = tpu.memref_slice %arg9[%dma_wait3A_208] : memref<10x!tpu.dma_semaphore, #tpu.memory_space<semaphore_mem>> -> memref<1x!tpu.dma_semaphore, #tpu.memory_space<semaphore_mem>>
      %dma_wait3A_220 = tpu.memref_squeeze %dma_wait3A_219 : memref<1x!tpu.dma_semaphore, #tpu.memory_space<semaphore_mem>> -> memref<!tpu.dma_semaphore, #tpu.memory_space<semaphore_mem>>
      tpu.wait_indirect_dma semaphore(%dma_wait3A_220 : memref<!tpu.dma_semaphore, #tpu.memory_space<semaphore_mem>>) src(%dma_wait3A_218 : memref<10240x32xf32, #tpu.memory_space<vmem_shared>>) dst(%dma_wait3A_212 : memref<128x32xf32, #tpu.memory_space<vmem>>)
      %add3A_221 = arith.constant 1 : i32
      %add3A_222 = arith.addi %mul3A_19, %add3A_221 : i32
      %dma_start3A_223 = arith.constant 1 : i32
      %dma_start3A_224 = arith.constant 1 : i32
      %dma_start3A_225 = arith.constant 0 : i32
      %dma_start3A_226 = arith.constant 0 : i32
      %dma_start3A_227 = tpu.memref_slice %arg8[%dma_start3A_223, %dma_start3A_225, %dma_start3A_226] : memref<10x128x32xf32, #tpu.memory_space<vmem>> -> memref<1x128x32xf32, #tpu.memory_space<vmem>>
      %dma_start3A_228 = tpu.memref_squeeze %dma_start3A_227 : memref<1x128x32xf32, #tpu.memory_space<vmem>> -> memref<128x32xf32, #tpu.memory_space<vmem>>
      %dma_start3A_229 = arith.constant 0 : i32
      %dma_start3A_230 = tpu.memref_slice %arg7[%add3A_222, %dma_start3A_229] : memref<160x128xi32, #tpu.memory_space<vmem>> -> memref<1x128xi32, #tpu.memory_space<vmem>>
      %dma_start3A_231 = tpu.memref_squeeze %dma_start3A_230 : memref<1x128xi32, #tpu.memory_space<vmem>> -> memref<128xi32, #tpu.memory_space<vmem>>
      %dma_start3A_232 = arith.constant 0 : i32
      %dma_start3A_233 = arith.constant 0 : i32
      %dma_start3A_234 = tpu.memref_slice %arg11[%dma_start3A_232, %dma_start3A_233] : memref<10240x32xf32, #tpu.memory_space<vmem_shared>> -> memref<10240x32xf32, #tpu.memory_space<vmem_shared>>
      %dma_start3A_235 = tpu.memref_slice %arg10[%dma_start3A_224] : memref<10x!tpu.dma_semaphore, #tpu.memory_space<semaphore_mem>> -> memref<1x!tpu.dma_semaphore, #tpu.memory_space<semaphore_mem>>
      %dma_start3A_236 = tpu.memref_squeeze %dma_start3A_235 : memref<1x!tpu.dma_semaphore, #tpu.memory_space<semaphore_mem>> -> memref<!tpu.dma_semaphore, #tpu.memory_space<semaphore_mem>>
      tpu.enqueue_indirect_dma source(%dma_start3A_228 : memref<128x32xf32, #tpu.memory_space<vmem>>) target(%dma_start3A_234 : memref<10240x32xf32, #tpu.memory_space<vmem_shared>>) offsets(%dma_start3A_231 : memref<128xi32, #tpu.memory_space<vmem>>) semaphore(%dma_start3A_236 : memref<!tpu.dma_semaphore, #tpu.memory_space<semaphore_mem>>) {add = true}
      %dma_wait3A_237 = arith.constant 2 : i32
      %dma_wait3A_238 = arith.constant 2 : i32
      %dma_wait3A_239 = arith.constant 0 : i32
      %dma_wait3A_240 = arith.constant 0 : i32
      %dma_wait3A_241 = tpu.memref_slice %arg8[%dma_wait3A_237, %dma_wait3A_239, %dma_wait3A_240] : memref<10x128x32xf32, #tpu.memory_space<vmem>> -> memref<1x128x32xf32, #tpu.memory_space<vmem>>
      %dma_wait3A_242 = tpu.memref_squeeze %dma_wait3A_241 : memref<1x128x32xf32, #tpu.memory_space<vmem>> -> memref<128x32xf32, #tpu.memory_space<vmem>>
      %dma_wait3A_243 = arith.constant 0 : i32
      %dma_wait3A_244 = tpu.memref_slice %arg6[%add3A_51, %dma_wait3A_243] : memref<160x128xi32, #tpu.memory_space<vmem>> -> memref<1x128xi32, #tpu.memory_space<vmem>>
      %dma_wait3A_245 = tpu.memref_squeeze %dma_wait3A_244 : memref<1x128xi32, #tpu.memory_space<vmem>> -> memref<128xi32, #tpu.memory_space<vmem>>
      %dma_wait3A_246 = arith.constant 0 : i32
      %dma_wait3A_247 = arith.constant 0 : i32
      %dma_wait3A_248 = tpu.memref_slice %arg12[%dma_wait3A_246, %dma_wait3A_247] : memref<10240x32xf32, #tpu.memory_space<vmem_shared>> -> memref<10240x32xf32, #tpu.memory_space<vmem_shared>>
      %dma_wait3A_249 = tpu.memref_slice %arg9[%dma_wait3A_238] : memref<10x!tpu.dma_semaphore, #tpu.memory_space<semaphore_mem>> -> memref<1x!tpu.dma_semaphore, #tpu.memory_space<semaphore_mem>>
      %dma_wait3A_250 = tpu.memref_squeeze %dma_wait3A_249 : memref<1x!tpu.dma_semaphore, #tpu.memory_space<semaphore_mem>> -> memref<!tpu.dma_semaphore, #tpu.memory_space<semaphore_mem>>
      tpu.wait_indirect_dma semaphore(%dma_wait3A_250 : memref<!tpu.dma_semaphore, #tpu.memory_space<semaphore_mem>>) src(%dma_wait3A_248 : memref<10240x32xf32, #tpu.memory_space<vmem_shared>>) dst(%dma_wait3A_242 : memref<128x32xf32, #tpu.memory_space<vmem>>)
      %add3A_251 = arith.constant 2 : i32
      %add3A_252 = arith.addi %mul3A_19, %add3A_251 : i32
      %dma_start3A_253 = arith.constant 2 : i32
      %dma_start3A_254 = arith.constant 2 : i32
      %dma_start3A_255 = arith.constant 0 : i32
      %dma_start3A_256 = arith.constant 0 : i32
      %dma_start3A_257 = tpu.memref_slice %arg8[%dma_start3A_253, %dma_start3A_255, %dma_start3A_256] : memref<10x128x32xf32, #tpu.memory_space<vmem>> -> memref<1x128x32xf32, #tpu.memory_space<vmem>>
      %dma_start3A_258 = tpu.memref_squeeze %dma_start3A_257 : memref<1x128x32xf32, #tpu.memory_space<vmem>> -> memref<128x32xf32, #tpu.memory_space<vmem>>
      %dma_start3A_259 = arith.constant 0 : i32
      %dma_start3A_260 = tpu.memref_slice %arg7[%add3A_252, %dma_start3A_259] : memref<160x128xi32, #tpu.memory_space<vmem>> -> memref<1x128xi32, #tpu.memory_space<vmem>>
      %dma_start3A_261 = tpu.memref_squeeze %dma_start3A_260 : memref<1x128xi32, #tpu.memory_space<vmem>> -> memref<128xi32, #tpu.memory_space<vmem>>
      %dma_start3A_262 = arith.constant 0 : i32
      %dma_start3A_263 = arith.constant 0 : i32
      %dma_start3A_264 = tpu.memref_slice %arg11[%dma_start3A_262, %dma_start3A_263] : memref<10240x32xf32, #tpu.memory_space<vmem_shared>> -> memref<10240x32xf32, #tpu.memory_space<vmem_shared>>
      %dma_start3A_265 = tpu.memref_slice %arg10[%dma_start3A_254] : memref<10x!tpu.dma_semaphore, #tpu.memory_space<semaphore_mem>> -> memref<1x!tpu.dma_semaphore, #tpu.memory_space<semaphore_mem>>
      %dma_start3A_266 = tpu.memref_squeeze %dma_start3A_265 : memref<1x!tpu.dma_semaphore, #tpu.memory_space<semaphore_mem>> -> memref<!tpu.dma_semaphore, #tpu.memory_space<semaphore_mem>>
      tpu.enqueue_indirect_dma source(%dma_start3A_258 : memref<128x32xf32, #tpu.memory_space<vmem>>) target(%dma_start3A_264 : memref<10240x32xf32, #tpu.memory_space<vmem_shared>>) offsets(%dma_start3A_261 : memref<128xi32, #tpu.memory_space<vmem>>) semaphore(%dma_start3A_266 : memref<!tpu.dma_semaphore, #tpu.memory_space<semaphore_mem>>) {add = true}
      %dma_wait3A_267 = arith.constant 3 : i32
      %dma_wait3A_268 = arith.constant 3 : i32
      %dma_wait3A_269 = arith.constant 0 : i32
      %dma_wait3A_270 = arith.constant 0 : i32
      %dma_wait3A_271 = tpu.memref_slice %arg8[%dma_wait3A_267, %dma_wait3A_269, %dma_wait3A_270] : memref<10x128x32xf32, #tpu.memory_space<vmem>> -> memref<1x128x32xf32, #tpu.memory_space<vmem>>
      %dma_wait3A_272 = tpu.memref_squeeze %dma_wait3A_271 : memref<1x128x32xf32, #tpu.memory_space<vmem>> -> memref<128x32xf32, #tpu.memory_space<vmem>>
      %dma_wait3A_273 = arith.constant 0 : i32
      %dma_wait3A_274 = tpu.memref_slice %arg6[%add3A_67, %dma_wait3A_273] : memref<160x128xi32, #tpu.memory_space<vmem>> -> memref<1x128xi32, #tpu.memory_space<vmem>>
      %dma_wait3A_275 = tpu.memref_squeeze %dma_wait3A_274 : memref<1x128xi32, #tpu.memory_space<vmem>> -> memref<128xi32, #tpu.memory_space<vmem>>
      %dma_wait3A_276 = arith.constant 0 : i32
      %dma_wait3A_277 = arith.constant 0 : i32
      %dma_wait3A_278 = tpu.memref_slice %arg12[%dma_wait3A_276, %dma_wait3A_277] : memref<10240x32xf32, #tpu.memory_space<vmem_shared>> -> memref<10240x32xf32, #tpu.memory_space<vmem_shared>>
      %dma_wait3A_279 = tpu.memref_slice %arg9[%dma_wait3A_268] : memref<10x!tpu.dma_semaphore, #tpu.memory_space<semaphore_mem>> -> memref<1x!tpu.dma_semaphore, #tpu.memory_space<semaphore_mem>>
      %dma_wait3A_280 = tpu.memref_squeeze %dma_wait3A_279 : memref<1x!tpu.dma_semaphore, #tpu.memory_space<semaphore_mem>> -> memref<!tpu.dma_semaphore, #tpu.memory_space<semaphore_mem>>
      tpu.wait_indirect_dma semaphore(%dma_wait3A_280 : memref<!tpu.dma_semaphore, #tpu.memory_space<semaphore_mem>>) src(%dma_wait3A_278 : memref<10240x32xf32, #tpu.memory_space<vmem_shared>>) dst(%dma_wait3A_272 : memref<128x32xf32, #tpu.memory_space<vmem>>)
      %add3A_281 = arith.constant 3 : i32
      %add3A_282 = arith.addi %mul3A_19, %add3A_281 : i32
      %dma_start3A_283 = arith.constant 3 : i32
      %dma_start3A_284 = arith.constant 3 : i32
      %dma_start3A_285 = arith.constant 0 : i32
      %dma_start3A_286 = arith.constant 0 : i32
      %dma_start3A_287 = tpu.memref_slice %arg8[%dma_start3A_283, %dma_start3A_285, %dma_start3A_286] : memref<10x128x32xf32, #tpu.memory_space<vmem>> -> memref<1x128x32xf32, #tpu.memory_space<vmem>>
      %dma_start3A_288 = tpu.memref_squeeze %dma_start3A_287 : memref<1x128x32xf32, #tpu.memory_space<vmem>> -> memref<128x32xf32, #tpu.memory_space<vmem>>
      %dma_start3A_289 = arith.constant 0 : i32
      %dma_start3A_290 = tpu.memref_slice %arg7[%add3A_282, %dma_start3A_289] : memref<160x128xi32, #tpu.memory_space<vmem>> -> memref<1x128xi32, #tpu.memory_space<vmem>>
      %dma_start3A_291 = tpu.memref_squeeze %dma_start3A_290 : memref<1x128xi32, #tpu.memory_space<vmem>> -> memref<128xi32, #tpu.memory_space<vmem>>
      %dma_start3A_292 = arith.constant 0 : i32
      %dma_start3A_293 = arith.constant 0 : i32
      %dma_start3A_294 = tpu.memref_slice %arg11[%dma_start3A_292, %dma_start3A_293] : memref<10240x32xf32, #tpu.memory_space<vmem_shared>> -> memref<10240x32xf32, #tpu.memory_space<vmem_shared>>
      %dma_start3A_295 = tpu.memref_slice %arg10[%dma_start3A_284] : memref<10x!tpu.dma_semaphore, #tpu.memory_space<semaphore_mem>> -> memref<1x!tpu.dma_semaphore, #tpu.memory_space<semaphore_mem>>
      %dma_start3A_296 = tpu.memref_squeeze %dma_start3A_295 : memref<1x!tpu.dma_semaphore, #tpu.memory_space<semaphore_mem>> -> memref<!tpu.dma_semaphore, #tpu.memory_space<semaphore_mem>>
      tpu.enqueue_indirect_dma source(%dma_start3A_288 : memref<128x32xf32, #tpu.memory_space<vmem>>) target(%dma_start3A_294 : memref<10240x32xf32, #tpu.memory_space<vmem_shared>>) offsets(%dma_start3A_291 : memref<128xi32, #tpu.memory_space<vmem>>) semaphore(%dma_start3A_296 : memref<!tpu.dma_semaphore, #tpu.memory_space<semaphore_mem>>) {add = true}
      %dma_wait3A_297 = arith.constant 4 : i32
      %dma_wait3A_298 = arith.constant 4 : i32
      %dma_wait3A_299 = arith.constant 0 : i32
      %dma_wait3A_300 = arith.constant 0 : i32
      %dma_wait3A_301 = tpu.memref_slice %arg8[%dma_wait3A_297, %dma_wait3A_299, %dma_wait3A_300] : memref<10x128x32xf32, #tpu.memory_space<vmem>> -> memref<1x128x32xf32, #tpu.memory_space<vmem>>
      %dma_wait3A_302 = tpu.memref_squeeze %dma_wait3A_301 : memref<1x128x32xf32, #tpu.memory_space<vmem>> -> memref<128x32xf32, #tpu.memory_space<vmem>>
      %dma_wait3A_303 = arith.constant 0 : i32
      %dma_wait3A_304 = tpu.memref_slice %arg6[%add3A_83, %dma_wait3A_303] : memref<160x128xi32, #tpu.memory_space<vmem>> -> memref<1x128xi32, #tpu.memory_space<vmem>>
      %dma_wait3A_305 = tpu.memref_squeeze %dma_wait3A_304 : memref<1x128xi32, #tpu.memory_space<vmem>> -> memref<128xi32, #tpu.memory_space<vmem>>
      %dma_wait3A_306 = arith.constant 0 : i32
      %dma_wait3A_307 = arith.constant 0 : i32
      %dma_wait3A_308 = tpu.memref_slice %arg12[%dma_wait3A_306, %dma_wait3A_307] : memref<10240x32xf32, #tpu.memory_space<vmem_shared>> -> memref<10240x32xf32, #tpu.memory_space<vmem_shared>>
      %dma_wait3A_309 = tpu.memref_slice %arg9[%dma_wait3A_298] : memref<10x!tpu.dma_semaphore, #tpu.memory_space<semaphore_mem>> -> memref<1x!tpu.dma_semaphore, #tpu.memory_space<semaphore_mem>>
      %dma_wait3A_310 = tpu.memref_squeeze %dma_wait3A_309 : memref<1x!tpu.dma_semaphore, #tpu.memory_space<semaphore_mem>> -> memref<!tpu.dma_semaphore, #tpu.memory_space<semaphore_mem>>
      tpu.wait_indirect_dma semaphore(%dma_wait3A_310 : memref<!tpu.dma_semaphore, #tpu.memory_space<semaphore_mem>>) src(%dma_wait3A_308 : memref<10240x32xf32, #tpu.memory_space<vmem_shared>>) dst(%dma_wait3A_302 : memref<128x32xf32, #tpu.memory_space<vmem>>)
      %add3A_311 = arith.constant 4 : i32
      %add3A_312 = arith.addi %mul3A_19, %add3A_311 : i32
      %dma_start3A_313 = arith.constant 4 : i32
      %dma_start3A_314 = arith.constant 4 : i32
      %dma_start3A_315 = arith.constant 0 : i32
      %dma_start3A_316 = arith.constant 0 : i32
      %dma_start3A_317 = tpu.memref_slice %arg8[%dma_start3A_313, %dma_start3A_315, %dma_start3A_316] : memref<10x128x32xf32, #tpu.memory_space<vmem>> -> memref<1x128x32xf32, #tpu.memory_space<vmem>>
      %dma_start3A_318 = tpu.memref_squeeze %dma_start3A_317 : memref<1x128x32xf32, #tpu.memory_space<vmem>> -> memref<128x32xf32, #tpu.memory_space<vmem>>
      %dma_start3A_319 = arith.constant 0 : i32
      %dma_start3A_320 = tpu.memref_slice %arg7[%add3A_312, %dma_start3A_319] : memref<160x128xi32, #tpu.memory_space<vmem>> -> memref<1x128xi32, #tpu.memory_space<vmem>>
      %dma_start3A_321 = tpu.memref_squeeze %dma_start3A_320 : memref<1x128xi32, #tpu.memory_space<vmem>> -> memref<128xi32, #tpu.memory_space<vmem>>
      %dma_start3A_322 = arith.constant 0 : i32
      %dma_start3A_323 = arith.constant 0 : i32
      %dma_start3A_324 = tpu.memref_slice %arg11[%dma_start3A_322, %dma_start3A_323] : memref<10240x32xf32, #tpu.memory_space<vmem_shared>> -> memref<10240x32xf32, #tpu.memory_space<vmem_shared>>
      %dma_start3A_325 = tpu.memref_slice %arg10[%dma_start3A_314] : memref<10x!tpu.dma_semaphore, #tpu.memory_space<semaphore_mem>> -> memref<1x!tpu.dma_semaphore, #tpu.memory_space<semaphore_mem>>
      %dma_start3A_326 = tpu.memref_squeeze %dma_start3A_325 : memref<1x!tpu.dma_semaphore, #tpu.memory_space<semaphore_mem>> -> memref<!tpu.dma_semaphore, #tpu.memory_space<semaphore_mem>>
      tpu.enqueue_indirect_dma source(%dma_start3A_318 : memref<128x32xf32, #tpu.memory_space<vmem>>) target(%dma_start3A_324 : memref<10240x32xf32, #tpu.memory_space<vmem_shared>>) offsets(%dma_start3A_321 : memref<128xi32, #tpu.memory_space<vmem>>) semaphore(%dma_start3A_326 : memref<!tpu.dma_semaphore, #tpu.memory_space<semaphore_mem>>) {add = true}
      %dma_wait3A_327 = arith.constant 5 : i32
      %dma_wait3A_328 = arith.constant 5 : i32
      %dma_wait3A_329 = arith.constant 0 : i32
      %dma_wait3A_330 = arith.constant 0 : i32
      %dma_wait3A_331 = tpu.memref_slice %arg8[%dma_wait3A_327, %dma_wait3A_329, %dma_wait3A_330] : memref<10x128x32xf32, #tpu.memory_space<vmem>> -> memref<1x128x32xf32, #tpu.memory_space<vmem>>
      %dma_wait3A_332 = tpu.memref_squeeze %dma_wait3A_331 : memref<1x128x32xf32, #tpu.memory_space<vmem>> -> memref<128x32xf32, #tpu.memory_space<vmem>>
      %dma_wait3A_333 = arith.constant 0 : i32
      %dma_wait3A_334 = tpu.memref_slice %arg6[%add3A_99, %dma_wait3A_333] : memref<160x128xi32, #tpu.memory_space<vmem>> -> memref<1x128xi32, #tpu.memory_space<vmem>>
      %dma_wait3A_335 = tpu.memref_squeeze %dma_wait3A_334 : memref<1x128xi32, #tpu.memory_space<vmem>> -> memref<128xi32, #tpu.memory_space<vmem>>
      %dma_wait3A_336 = arith.constant 0 : i32
      %dma_wait3A_337 = arith.constant 0 : i32
      %dma_wait3A_338 = tpu.memref_slice %arg12[%dma_wait3A_336, %dma_wait3A_337] : memref<10240x32xf32, #tpu.memory_space<vmem_shared>> -> memref<10240x32xf32, #tpu.memory_space<vmem_shared>>
      %dma_wait3A_339 = tpu.memref_slice %arg9[%dma_wait3A_328] : memref<10x!tpu.dma_semaphore, #tpu.memory_space<semaphore_mem>> -> memref<1x!tpu.dma_semaphore, #tpu.memory_space<semaphore_mem>>
      %dma_wait3A_340 = tpu.memref_squeeze %dma_wait3A_339 : memref<1x!tpu.dma_semaphore, #tpu.memory_space<semaphore_mem>> -> memref<!tpu.dma_semaphore, #tpu.memory_space<semaphore_mem>>
      tpu.wait_indirect_dma semaphore(%dma_wait3A_340 : memref<!tpu.dma_semaphore, #tpu.memory_space<semaphore_mem>>) src(%dma_wait3A_338 : memref<10240x32xf32, #tpu.memory_space<vmem_shared>>) dst(%dma_wait3A_332 : memref<128x32xf32, #tpu.memory_space<vmem>>)
      %add3A_341 = arith.constant 5 : i32
      %add3A_342 = arith.addi %mul3A_19, %add3A_341 : i32
      %dma_start3A_343 = arith.constant 5 : i32
      %dma_start3A_344 = arith.constant 5 : i32
      %dma_start3A_345 = arith.constant 0 : i32
      %dma_start3A_346 = arith.constant 0 : i32
      %dma_start3A_347 = tpu.memref_slice %arg8[%dma_start3A_343, %dma_start3A_345, %dma_start3A_346] : memref<10x128x32xf32, #tpu.memory_space<vmem>> -> memref<1x128x32xf32, #tpu.memory_space<vmem>>
      %dma_start3A_348 = tpu.memref_squeeze %dma_start3A_347 : memref<1x128x32xf32, #tpu.memory_space<vmem>> -> memref<128x32xf32, #tpu.memory_space<vmem>>
      %dma_start3A_349 = arith.constant 0 : i32
      %dma_start3A_350 = tpu.memref_slice %arg7[%add3A_342, %dma_start3A_349] : memref<160x128xi32, #tpu.memory_space<vmem>> -> memref<1x128xi32, #tpu.memory_space<vmem>>
      %dma_start3A_351 = tpu.memref_squeeze %dma_start3A_350 : memref<1x128xi32, #tpu.memory_space<vmem>> -> memref<128xi32, #tpu.memory_space<vmem>>
      %dma_start3A_352 = arith.constant 0 : i32
      %dma_start3A_353 = arith.constant 0 : i32
      %dma_start3A_354 = tpu.memref_slice %arg11[%dma_start3A_352, %dma_start3A_353] : memref<10240x32xf32, #tpu.memory_space<vmem_shared>> -> memref<10240x32xf32, #tpu.memory_space<vmem_shared>>
      %dma_start3A_355 = tpu.memref_slice %arg10[%dma_start3A_344] : memref<10x!tpu.dma_semaphore, #tpu.memory_space<semaphore_mem>> -> memref<1x!tpu.dma_semaphore, #tpu.memory_space<semaphore_mem>>
      %dma_start3A_356 = tpu.memref_squeeze %dma_start3A_355 : memref<1x!tpu.dma_semaphore, #tpu.memory_space<semaphore_mem>> -> memref<!tpu.dma_semaphore, #tpu.memory_space<semaphore_mem>>
      tpu.enqueue_indirect_dma source(%dma_start3A_348 : memref<128x32xf32, #tpu.memory_space<vmem>>) target(%dma_start3A_354 : memref<10240x32xf32, #tpu.memory_space<vmem_shared>>) offsets(%dma_start3A_351 : memref<128xi32, #tpu.memory_space<vmem>>) semaphore(%dma_start3A_356 : memref<!tpu.dma_semaphore, #tpu.memory_space<semaphore_mem>>) {add = true}
      %dma_wait3A_357 = arith.constant 6 : i32
      %dma_wait3A_358 = arith.constant 6 : i32
      %dma_wait3A_359 = arith.constant 0 : i32
      %dma_wait3A_360 = arith.constant 0 : i32
      %dma_wait3A_361 = tpu.memref_slice %arg8[%dma_wait3A_357, %dma_wait3A_359, %dma_wait3A_360] : memref<10x128x32xf32, #tpu.memory_space<vmem>> -> memref<1x128x32xf32, #tpu.memory_space<vmem>>
      %dma_wait3A_362 = tpu.memref_squeeze %dma_wait3A_361 : memref<1x128x32xf32, #tpu.memory_space<vmem>> -> memref<128x32xf32, #tpu.memory_space<vmem>>
      %dma_wait3A_363 = arith.constant 0 : i32
      %dma_wait3A_364 = tpu.memref_slice %arg6[%add3A_115, %dma_wait3A_363] : memref<160x128xi32, #tpu.memory_space<vmem>> -> memref<1x128xi32, #tpu.memory_space<vmem>>
      %dma_wait3A_365 = tpu.memref_squeeze %dma_wait3A_364 : memref<1x128xi32, #tpu.memory_space<vmem>> -> memref<128xi32, #tpu.memory_space<vmem>>
      %dma_wait3A_366 = arith.constant 0 : i32
      %dma_wait3A_367 = arith.constant 0 : i32
      %dma_wait3A_368 = tpu.memref_slice %arg12[%dma_wait3A_366, %dma_wait3A_367] : memref<10240x32xf32, #tpu.memory_space<vmem_shared>> -> memref<10240x32xf32, #tpu.memory_space<vmem_shared>>
      %dma_wait3A_369 = tpu.memref_slice %arg9[%dma_wait3A_358] : memref<10x!tpu.dma_semaphore, #tpu.memory_space<semaphore_mem>> -> memref<1x!tpu.dma_semaphore, #tpu.memory_space<semaphore_mem>>
      %dma_wait3A_370 = tpu.memref_squeeze %dma_wait3A_369 : memref<1x!tpu.dma_semaphore, #tpu.memory_space<semaphore_mem>> -> memref<!tpu.dma_semaphore, #tpu.memory_space<semaphore_mem>>
      tpu.wait_indirect_dma semaphore(%dma_wait3A_370 : memref<!tpu.dma_semaphore, #tpu.memory_space<semaphore_mem>>) src(%dma_wait3A_368 : memref<10240x32xf32, #tpu.memory_space<vmem_shared>>) dst(%dma_wait3A_362 : memref<128x32xf32, #tpu.memory_space<vmem>>)
      %add3A_371 = arith.constant 6 : i32
      %add3A_372 = arith.addi %mul3A_19, %add3A_371 : i32
      %dma_start3A_373 = arith.constant 6 : i32
      %dma_start3A_374 = arith.constant 6 : i32
      %dma_start3A_375 = arith.constant 0 : i32
      %dma_start3A_376 = arith.constant 0 : i32
      %dma_start3A_377 = tpu.memref_slice %arg8[%dma_start3A_373, %dma_start3A_375, %dma_start3A_376] : memref<10x128x32xf32, #tpu.memory_space<vmem>> -> memref<1x128x32xf32, #tpu.memory_space<vmem>>
      %dma_start3A_378 = tpu.memref_squeeze %dma_start3A_377 : memref<1x128x32xf32, #tpu.memory_space<vmem>> -> memref<128x32xf32, #tpu.memory_space<vmem>>
      %dma_start3A_379 = arith.constant 0 : i32
      %dma_start3A_380 = tpu.memref_slice %arg7[%add3A_372, %dma_start3A_379] : memref<160x128xi32, #tpu.memory_space<vmem>> -> memref<1x128xi32, #tpu.memory_space<vmem>>
      %dma_start3A_381 = tpu.memref_squeeze %dma_start3A_380 : memref<1x128xi32, #tpu.memory_space<vmem>> -> memref<128xi32, #tpu.memory_space<vmem>>
      %dma_start3A_382 = arith.constant 0 : i32
      %dma_start3A_383 = arith.constant 0 : i32
      %dma_start3A_384 = tpu.memref_slice %arg11[%dma_start3A_382, %dma_start3A_383] : memref<10240x32xf32, #tpu.memory_space<vmem_shared>> -> memref<10240x32xf32, #tpu.memory_space<vmem_shared>>
      %dma_start3A_385 = tpu.memref_slice %arg10[%dma_start3A_374] : memref<10x!tpu.dma_semaphore, #tpu.memory_space<semaphore_mem>> -> memref<1x!tpu.dma_semaphore, #tpu.memory_space<semaphore_mem>>
      %dma_start3A_386 = tpu.memref_squeeze %dma_start3A_385 : memref<1x!tpu.dma_semaphore, #tpu.memory_space<semaphore_mem>> -> memref<!tpu.dma_semaphore, #tpu.memory_space<semaphore_mem>>
      tpu.enqueue_indirect_dma source(%dma_start3A_378 : memref<128x32xf32, #tpu.memory_space<vmem>>) target(%dma_start3A_384 : memref<10240x32xf32, #tpu.memory_space<vmem_shared>>) offsets(%dma_start3A_381 : memref<128xi32, #tpu.memory_space<vmem>>) semaphore(%dma_start3A_386 : memref<!tpu.dma_semaphore, #tpu.memory_space<semaphore_mem>>) {add = true}
      %dma_wait3A_387 = arith.constant 7 : i32
      %dma_wait3A_388 = arith.constant 7 : i32
      %dma_wait3A_389 = arith.constant 0 : i32
      %dma_wait3A_390 = arith.constant 0 : i32
      %dma_wait3A_391 = tpu.memref_slice %arg8[%dma_wait3A_387, %dma_wait3A_389, %dma_wait3A_390] : memref<10x128x32xf32, #tpu.memory_space<vmem>> -> memref<1x128x32xf32, #tpu.memory_space<vmem>>
      %dma_wait3A_392 = tpu.memref_squeeze %dma_wait3A_391 : memref<1x128x32xf32, #tpu.memory_space<vmem>> -> memref<128x32xf32, #tpu.memory_space<vmem>>
      %dma_wait3A_393 = arith.constant 0 : i32
      %dma_wait3A_394 = tpu.memref_slice %arg6[%add3A_131, %dma_wait3A_393] : memref<160x128xi32, #tpu.memory_space<vmem>> -> memref<1x128xi32, #tpu.memory_space<vmem>>
      %dma_wait3A_395 = tpu.memref_squeeze %dma_wait3A_394 : memref<1x128xi32, #tpu.memory_space<vmem>> -> memref<128xi32, #tpu.memory_space<vmem>>
      %dma_wait3A_396 = arith.constant 0 : i32
      %dma_wait3A_397 = arith.constant 0 : i32
      %dma_wait3A_398 = tpu.memref_slice %arg12[%dma_wait3A_396, %dma_wait3A_397] : memref<10240x32xf32, #tpu.memory_space<vmem_shared>> -> memref<10240x32xf32, #tpu.memory_space<vmem_shared>>
      %dma_wait3A_399 = tpu.memref_slice %arg9[%dma_wait3A_388] : memref<10x!tpu.dma_semaphore, #tpu.memory_space<semaphore_mem>> -> memref<1x!tpu.dma_semaphore, #tpu.memory_space<semaphore_mem>>
      %dma_wait3A_400 = tpu.memref_squeeze %dma_wait3A_399 : memref<1x!tpu.dma_semaphore, #tpu.memory_space<semaphore_mem>> -> memref<!tpu.dma_semaphore, #tpu.memory_space<semaphore_mem>>
      tpu.wait_indirect_dma semaphore(%dma_wait3A_400 : memref<!tpu.dma_semaphore, #tpu.memory_space<semaphore_mem>>) src(%dma_wait3A_398 : memref<10240x32xf32, #tpu.memory_space<vmem_shared>>) dst(%dma_wait3A_392 : memref<128x32xf32, #tpu.memory_space<vmem>>)
      %add3A_401 = arith.constant 7 : i32
      %add3A_402 = arith.addi %mul3A_19, %add3A_401 : i32
      %dma_start3A_403 = arith.constant 7 : i32
      %dma_start3A_404 = arith.constant 7 : i32
      %dma_start3A_405 = arith.constant 0 : i32
      %dma_start3A_406 = arith.constant 0 : i32
      %dma_start3A_407 = tpu.memref_slice %arg8[%dma_start3A_403, %dma_start3A_405, %dma_start3A_406] : memref<10x128x32xf32, #tpu.memory_space<vmem>> -> memref<1x128x32xf32, #tpu.memory_space<vmem>>
      %dma_start3A_408 = tpu.memref_squeeze %dma_start3A_407 : memref<1x128x32xf32, #tpu.memory_space<vmem>> -> memref<128x32xf32, #tpu.memory_space<vmem>>
      %dma_start3A_409 = arith.constant 0 : i32
      %dma_start3A_410 = tpu.memref_slice %arg7[%add3A_402, %dma_start3A_409] : memref<160x128xi32, #tpu.memory_space<vmem>> -> memref<1x128xi32, #tpu.memory_space<vmem>>
      %dma_start3A_411 = tpu.memref_squeeze %dma_start3A_410 : memref<1x128xi32, #tpu.memory_space<vmem>> -> memref<128xi32, #tpu.memory_space<vmem>>
      %dma_start3A_412 = arith.constant 0 : i32
      %dma_start3A_413 = arith.constant 0 : i32
      %dma_start3A_414 = tpu.memref_slice %arg11[%dma_start3A_412, %dma_start3A_413] : memref<10240x32xf32, #tpu.memory_space<vmem_shared>> -> memref<10240x32xf32, #tpu.memory_space<vmem_shared>>
      %dma_start3A_415 = tpu.memref_slice %arg10[%dma_start3A_404] : memref<10x!tpu.dma_semaphore, #tpu.memory_space<semaphore_mem>> -> memref<1x!tpu.dma_semaphore, #tpu.memory_space<semaphore_mem>>
      %dma_start3A_416 = tpu.memref_squeeze %dma_start3A_415 : memref<1x!tpu.dma_semaphore, #tpu.memory_space<semaphore_mem>> -> memref<!tpu.dma_semaphore, #tpu.memory_space<semaphore_mem>>
      tpu.enqueue_indirect_dma source(%dma_start3A_408 : memref<128x32xf32, #tpu.memory_space<vmem>>) target(%dma_start3A_414 : memref<10240x32xf32, #tpu.memory_space<vmem_shared>>) offsets(%dma_start3A_411 : memref<128xi32, #tpu.memory_space<vmem>>) semaphore(%dma_start3A_416 : memref<!tpu.dma_semaphore, #tpu.memory_space<semaphore_mem>>) {add = true}
      %dma_wait3A_417 = arith.constant 8 : i32
      %dma_wait3A_418 = arith.constant 8 : i32
      %dma_wait3A_419 = arith.constant 0 : i32
      %dma_wait3A_420 = arith.constant 0 : i32
      %dma_wait3A_421 = tpu.memref_slice %arg8[%dma_wait3A_417, %dma_wait3A_419, %dma_wait3A_420] : memref<10x128x32xf32, #tpu.memory_space<vmem>> -> memref<1x128x32xf32, #tpu.memory_space<vmem>>
      %dma_wait3A_422 = tpu.memref_squeeze %dma_wait3A_421 : memref<1x128x32xf32, #tpu.memory_space<vmem>> -> memref<128x32xf32, #tpu.memory_space<vmem>>
      %dma_wait3A_423 = arith.constant 0 : i32
      %dma_wait3A_424 = tpu.memref_slice %arg6[%add3A_147, %dma_wait3A_423] : memref<160x128xi32, #tpu.memory_space<vmem>> -> memref<1x128xi32, #tpu.memory_space<vmem>>
      %dma_wait3A_425 = tpu.memref_squeeze %dma_wait3A_424 : memref<1x128xi32, #tpu.memory_space<vmem>> -> memref<128xi32, #tpu.memory_space<vmem>>
      %dma_wait3A_426 = arith.constant 0 : i32
      %dma_wait3A_427 = arith.constant 0 : i32
      %dma_wait3A_428 = tpu.memref_slice %arg12[%dma_wait3A_426, %dma_wait3A_427] : memref<10240x32xf32, #tpu.memory_space<vmem_shared>> -> memref<10240x32xf32, #tpu.memory_space<vmem_shared>>
      %dma_wait3A_429 = tpu.memref_slice %arg9[%dma_wait3A_418] : memref<10x!tpu.dma_semaphore, #tpu.memory_space<semaphore_mem>> -> memref<1x!tpu.dma_semaphore, #tpu.memory_space<semaphore_mem>>
      %dma_wait3A_430 = tpu.memref_squeeze %dma_wait3A_429 : memref<1x!tpu.dma_semaphore, #tpu.memory_space<semaphore_mem>> -> memref<!tpu.dma_semaphore, #tpu.memory_space<semaphore_mem>>
      tpu.wait_indirect_dma semaphore(%dma_wait3A_430 : memref<!tpu.dma_semaphore, #tpu.memory_space<semaphore_mem>>) src(%dma_wait3A_428 : memref<10240x32xf32, #tpu.memory_space<vmem_shared>>) dst(%dma_wait3A_422 : memref<128x32xf32, #tpu.memory_space<vmem>>)
      %add3A_431 = arith.constant 8 : i32
      %add3A_432 = arith.addi %mul3A_19, %add3A_431 : i32
      %dma_start3A_433 = arith.constant 8 : i32
      %dma_start3A_434 = arith.constant 8 : i32
      %dma_start3A_435 = arith.constant 0 : i32
      %dma_start3A_436 = arith.constant 0 : i32
      %dma_start3A_437 = tpu.memref_slice %arg8[%dma_start3A_433, %dma_start3A_435, %dma_start3A_436] : memref<10x128x32xf32, #tpu.memory_space<vmem>> -> memref<1x128x32xf32, #tpu.memory_space<vmem>>
      %dma_start3A_438 = tpu.memref_squeeze %dma_start3A_437 : memref<1x128x32xf32, #tpu.memory_space<vmem>> -> memref<128x32xf32, #tpu.memory_space<vmem>>
      %dma_start3A_439 = arith.constant 0 : i32
      %dma_start3A_440 = tpu.memref_slice %arg7[%add3A_432, %dma_start3A_439] : memref<160x128xi32, #tpu.memory_space<vmem>> -> memref<1x128xi32, #tpu.memory_space<vmem>>
      %dma_start3A_441 = tpu.memref_squeeze %dma_start3A_440 : memref<1x128xi32, #tpu.memory_space<vmem>> -> memref<128xi32, #tpu.memory_space<vmem>>
      %dma_start3A_442 = arith.constant 0 : i32
      %dma_start3A_443 = arith.constant 0 : i32
      %dma_start3A_444 = tpu.memref_slice %arg11[%dma_start3A_442, %dma_start3A_443] : memref<10240x32xf32, #tpu.memory_space<vmem_shared>> -> memref<10240x32xf32, #tpu.memory_space<vmem_shared>>
      %dma_start3A_445 = tpu.memref_slice %arg10[%dma_start3A_434] : memref<10x!tpu.dma_semaphore, #tpu.memory_space<semaphore_mem>> -> memref<1x!tpu.dma_semaphore, #tpu.memory_space<semaphore_mem>>
      %dma_start3A_446 = tpu.memref_squeeze %dma_start3A_445 : memref<1x!tpu.dma_semaphore, #tpu.memory_space<semaphore_mem>> -> memref<!tpu.dma_semaphore, #tpu.memory_space<semaphore_mem>>
      tpu.enqueue_indirect_dma source(%dma_start3A_438 : memref<128x32xf32, #tpu.memory_space<vmem>>) target(%dma_start3A_444 : memref<10240x32xf32, #tpu.memory_space<vmem_shared>>) offsets(%dma_start3A_441 : memref<128xi32, #tpu.memory_space<vmem>>) semaphore(%dma_start3A_446 : memref<!tpu.dma_semaphore, #tpu.memory_space<semaphore_mem>>) {add = true}
      %dma_wait3A_447 = arith.constant 9 : i32
      %dma_wait3A_448 = arith.constant 9 : i32
      %dma_wait3A_449 = arith.constant 0 : i32
      %dma_wait3A_450 = arith.constant 0 : i32
      %dma_wait3A_451 = tpu.memref_slice %arg8[%dma_wait3A_447, %dma_wait3A_449, %dma_wait3A_450] : memref<10x128x32xf32, #tpu.memory_space<vmem>> -> memref<1x128x32xf32, #tpu.memory_space<vmem>>
      %dma_wait3A_452 = tpu.memref_squeeze %dma_wait3A_451 : memref<1x128x32xf32, #tpu.memory_space<vmem>> -> memref<128x32xf32, #tpu.memory_space<vmem>>
      %dma_wait3A_453 = arith.constant 0 : i32
      %dma_wait3A_454 = tpu.memref_slice %arg6[%add3A_163, %dma_wait3A_453] : memref<160x128xi32, #tpu.memory_space<vmem>> -> memref<1x128xi32, #tpu.memory_space<vmem>>
      %dma_wait3A_455 = tpu.memref_squeeze %dma_wait3A_454 : memref<1x128xi32, #tpu.memory_space<vmem>> -> memref<128xi32, #tpu.memory_space<vmem>>
      %dma_wait3A_456 = arith.constant 0 : i32
      %dma_wait3A_457 = arith.constant 0 : i32
      %dma_wait3A_458 = tpu.memref_slice %arg12[%dma_wait3A_456, %dma_wait3A_457] : memref<10240x32xf32, #tpu.memory_space<vmem_shared>> -> memref<10240x32xf32, #tpu.memory_space<vmem_shared>>
      %dma_wait3A_459 = tpu.memref_slice %arg9[%dma_wait3A_448] : memref<10x!tpu.dma_semaphore, #tpu.memory_space<semaphore_mem>> -> memref<1x!tpu.dma_semaphore, #tpu.memory_space<semaphore_mem>>
      %dma_wait3A_460 = tpu.memref_squeeze %dma_wait3A_459 : memref<1x!tpu.dma_semaphore, #tpu.memory_space<semaphore_mem>> -> memref<!tpu.dma_semaphore, #tpu.memory_space<semaphore_mem>>
      tpu.wait_indirect_dma semaphore(%dma_wait3A_460 : memref<!tpu.dma_semaphore, #tpu.memory_space<semaphore_mem>>) src(%dma_wait3A_458 : memref<10240x32xf32, #tpu.memory_space<vmem_shared>>) dst(%dma_wait3A_452 : memref<128x32xf32, #tpu.memory_space<vmem>>)
      %add3A_461 = arith.constant 9 : i32
      %add3A_462 = arith.addi %mul3A_19, %add3A_461 : i32
      %dma_start3A_463 = arith.constant 9 : i32
      %dma_start3A_464 = arith.constant 9 : i32
      %dma_start3A_465 = arith.constant 0 : i32
      %dma_start3A_466 = arith.constant 0 : i32
      %dma_start3A_467 = tpu.memref_slice %arg8[%dma_start3A_463, %dma_start3A_465, %dma_start3A_466] : memref<10x128x32xf32, #tpu.memory_space<vmem>> -> memref<1x128x32xf32, #tpu.memory_space<vmem>>
      %dma_start3A_468 = tpu.memref_squeeze %dma_start3A_467 : memref<1x128x32xf32, #tpu.memory_space<vmem>> -> memref<128x32xf32, #tpu.memory_space<vmem>>
      %dma_start3A_469 = arith.constant 0 : i32
      %dma_start3A_470 = tpu.memref_slice %arg7[%add3A_462, %dma_start3A_469] : memref<160x128xi32, #tpu.memory_space<vmem>> -> memref<1x128xi32, #tpu.memory_space<vmem>>
      %dma_start3A_471 = tpu.memref_squeeze %dma_start3A_470 : memref<1x128xi32, #tpu.memory_space<vmem>> -> memref<128xi32, #tpu.memory_space<vmem>>
      %dma_start3A_472 = arith.constant 0 : i32
      %dma_start3A_473 = arith.constant 0 : i32
      %dma_start3A_474 = tpu.memref_slice %arg11[%dma_start3A_472, %dma_start3A_473] : memref<10240x32xf32, #tpu.memory_space<vmem_shared>> -> memref<10240x32xf32, #tpu.memory_space<vmem_shared>>
      %dma_start3A_475 = tpu.memref_slice %arg10[%dma_start3A_464] : memref<10x!tpu.dma_semaphore, #tpu.memory_space<semaphore_mem>> -> memref<1x!tpu.dma_semaphore, #tpu.memory_space<semaphore_mem>>
      %dma_start3A_476 = tpu.memref_squeeze %dma_start3A_475 : memref<1x!tpu.dma_semaphore, #tpu.memory_space<semaphore_mem>> -> memref<!tpu.dma_semaphore, #tpu.memory_space<semaphore_mem>>
      tpu.enqueue_indirect_dma source(%dma_start3A_468 : memref<128x32xf32, #tpu.memory_space<vmem>>) target(%dma_start3A_474 : memref<10240x32xf32, #tpu.memory_space<vmem_shared>>) offsets(%dma_start3A_471 : memref<128xi32, #tpu.memory_space<vmem>>) semaphore(%dma_start3A_476 : memref<!tpu.dma_semaphore, #tpu.memory_space<semaphore_mem>>) {add = true}
      %dma_wait3A_477 = arith.constant 0 : i32
      %dma_wait3A_478 = arith.constant 0 : i32
      %dma_wait3A_479 = arith.constant 0 : i32
      %dma_wait3A_480 = arith.constant 0 : i32
      %dma_wait3A_481 = tpu.memref_slice %arg8[%dma_wait3A_477, %dma_wait3A_479, %dma_wait3A_480] : memref<10x128x32xf32, #tpu.memory_space<vmem>> -> memref<1x128x32xf32, #tpu.memory_space<vmem>>
      %dma_wait3A_482 = tpu.memref_squeeze %dma_wait3A_481 : memref<1x128x32xf32, #tpu.memory_space<vmem>> -> memref<128x32xf32, #tpu.memory_space<vmem>>
      %dma_wait3A_483 = arith.constant 0 : i32
      %dma_wait3A_484 = tpu.memref_slice %arg7[%add3A_192, %dma_wait3A_483] : memref<160x128xi32, #tpu.memory_space<vmem>> -> memref<1x128xi32, #tpu.memory_space<vmem>>
      %dma_wait3A_485 = tpu.memref_squeeze %dma_wait3A_484 : memref<1x128xi32, #tpu.memory_space<vmem>> -> memref<128xi32, #tpu.memory_space<vmem>>
      %dma_wait3A_486 = arith.constant 0 : i32
      %dma_wait3A_487 = arith.constant 0 : i32
      %dma_wait3A_488 = tpu.memref_slice %arg11[%dma_wait3A_486, %dma_wait3A_487] : memref<10240x32xf32, #tpu.memory_space<vmem_shared>> -> memref<10240x32xf32, #tpu.memory_space<vmem_shared>>
      %dma_wait3A_489 = tpu.memref_slice %arg10[%dma_wait3A_478] : memref<10x!tpu.dma_semaphore, #tpu.memory_space<semaphore_mem>> -> memref<1x!tpu.dma_semaphore, #tpu.memory_space<semaphore_mem>>
      %dma_wait3A_490 = tpu.memref_squeeze %dma_wait3A_489 : memref<1x!tpu.dma_semaphore, #tpu.memory_space<semaphore_mem>> -> memref<!tpu.dma_semaphore, #tpu.memory_space<semaphore_mem>>
      tpu.wait_indirect_dma semaphore(%dma_wait3A_490 : memref<!tpu.dma_semaphore, #tpu.memory_space<semaphore_mem>>) src(%dma_wait3A_482 : memref<128x32xf32, #tpu.memory_space<vmem>>) dst(%dma_wait3A_488 : memref<10240x32xf32, #tpu.memory_space<vmem_shared>>)
      %dma_wait3A_491 = arith.constant 1 : i32
      %dma_wait3A_492 = arith.constant 1 : i32
      %dma_wait3A_493 = arith.constant 0 : i32
      %dma_wait3A_494 = arith.constant 0 : i32
      %dma_wait3A_495 = tpu.memref_slice %arg8[%dma_wait3A_491, %dma_wait3A_493, %dma_wait3A_494] : memref<10x128x32xf32, #tpu.memory_space<vmem>> -> memref<1x128x32xf32, #tpu.memory_space<vmem>>
      %dma_wait3A_496 = tpu.memref_squeeze %dma_wait3A_495 : memref<1x128x32xf32, #tpu.memory_space<vmem>> -> memref<128x32xf32, #tpu.memory_space<vmem>>
      %dma_wait3A_497 = arith.constant 0 : i32
      %dma_wait3A_498 = tpu.memref_slice %arg7[%add3A_222, %dma_wait3A_497] : memref<160x128xi32, #tpu.memory_space<vmem>> -> memref<1x128xi32, #tpu.memory_space<vmem>>
      %dma_wait3A_499 = tpu.memref_squeeze %dma_wait3A_498 : memref<1x128xi32, #tpu.memory_space<vmem>> -> memref<128xi32, #tpu.memory_space<vmem>>
      %dma_wait3A_500 = arith.constant 0 : i32
      %dma_wait3A_501 = arith.constant 0 : i32
      %dma_wait3A_502 = tpu.memref_slice %arg11[%dma_wait3A_500, %dma_wait3A_501] : memref<10240x32xf32, #tpu.memory_space<vmem_shared>> -> memref<10240x32xf32, #tpu.memory_space<vmem_shared>>
      %dma_wait3A_503 = tpu.memref_slice %arg10[%dma_wait3A_492] : memref<10x!tpu.dma_semaphore, #tpu.memory_space<semaphore_mem>> -> memref<1x!tpu.dma_semaphore, #tpu.memory_space<semaphore_mem>>
      %dma_wait3A_504 = tpu.memref_squeeze %dma_wait3A_503 : memref<1x!tpu.dma_semaphore, #tpu.memory_space<semaphore_mem>> -> memref<!tpu.dma_semaphore, #tpu.memory_space<semaphore_mem>>
      tpu.wait_indirect_dma semaphore(%dma_wait3A_504 : memref<!tpu.dma_semaphore, #tpu.memory_space<semaphore_mem>>) src(%dma_wait3A_496 : memref<128x32xf32, #tpu.memory_space<vmem>>) dst(%dma_wait3A_502 : memref<10240x32xf32, #tpu.memory_space<vmem_shared>>)
      %dma_wait3A_505 = arith.constant 2 : i32
      %dma_wait3A_506 = arith.constant 2 : i32
      %dma_wait3A_507 = arith.constant 0 : i32
      %dma_wait3A_508 = arith.constant 0 : i32
      %dma_wait3A_509 = tpu.memref_slice %arg8[%dma_wait3A_505, %dma_wait3A_507, %dma_wait3A_508] : memref<10x128x32xf32, #tpu.memory_space<vmem>> -> memref<1x128x32xf32, #tpu.memory_space<vmem>>
      %dma_wait3A_510 = tpu.memref_squeeze %dma_wait3A_509 : memref<1x128x32xf32, #tpu.memory_space<vmem>> -> memref<128x32xf32, #tpu.memory_space<vmem>>
      %dma_wait3A_511 = arith.constant 0 : i32
      %dma_wait3A_512 = tpu.memref_slice %arg7[%add3A_252, %dma_wait3A_511] : memref<160x128xi32, #tpu.memory_space<vmem>> -> memref<1x128xi32, #tpu.memory_space<vmem>>
      %dma_wait3A_513 = tpu.memref_squeeze %dma_wait3A_512 : memref<1x128xi32, #tpu.memory_space<vmem>> -> memref<128xi32, #tpu.memory_space<vmem>>
      %dma_wait3A_514 = arith.constant 0 : i32
      %dma_wait3A_515 = arith.constant 0 : i32
      %dma_wait3A_516 = tpu.memref_slice %arg11[%dma_wait3A_514, %dma_wait3A_515] : memref<10240x32xf32, #tpu.memory_space<vmem_shared>> -> memref<10240x32xf32, #tpu.memory_space<vmem_shared>>
      %dma_wait3A_517 = tpu.memref_slice %arg10[%dma_wait3A_506] : memref<10x!tpu.dma_semaphore, #tpu.memory_space<semaphore_mem>> -> memref<1x!tpu.dma_semaphore, #tpu.memory_space<semaphore_mem>>
      %dma_wait3A_518 = tpu.memref_squeeze %dma_wait3A_517 : memref<1x!tpu.dma_semaphore, #tpu.memory_space<semaphore_mem>> -> memref<!tpu.dma_semaphore, #tpu.memory_space<semaphore_mem>>
      tpu.wait_indirect_dma semaphore(%dma_wait3A_518 : memref<!tpu.dma_semaphore, #tpu.memory_space<semaphore_mem>>) src(%dma_wait3A_510 : memref<128x32xf32, #tpu.memory_space<vmem>>) dst(%dma_wait3A_516 : memref<10240x32xf32, #tpu.memory_space<vmem_shared>>)
      %dma_wait3A_519 = arith.constant 3 : i32
      %dma_wait3A_520 = arith.constant 3 : i32
      %dma_wait3A_521 = arith.constant 0 : i32
      %dma_wait3A_522 = arith.constant 0 : i32
      %dma_wait3A_523 = tpu.memref_slice %arg8[%dma_wait3A_519, %dma_wait3A_521, %dma_wait3A_522] : memref<10x128x32xf32, #tpu.memory_space<vmem>> -> memref<1x128x32xf32, #tpu.memory_space<vmem>>
      %dma_wait3A_524 = tpu.memref_squeeze %dma_wait3A_523 : memref<1x128x32xf32, #tpu.memory_space<vmem>> -> memref<128x32xf32, #tpu.memory_space<vmem>>
      %dma_wait3A_525 = arith.constant 0 : i32
      %dma_wait3A_526 = tpu.memref_slice %arg7[%add3A_282, %dma_wait3A_525] : memref<160x128xi32, #tpu.memory_space<vmem>> -> memref<1x128xi32, #tpu.memory_space<vmem>>
      %dma_wait3A_527 = tpu.memref_squeeze %dma_wait3A_526 : memref<1x128xi32, #tpu.memory_space<vmem>> -> memref<128xi32, #tpu.memory_space<vmem>>
      %dma_wait3A_528 = arith.constant 0 : i32
      %dma_wait3A_529 = arith.constant 0 : i32
      %dma_wait3A_530 = tpu.memref_slice %arg11[%dma_wait3A_528, %dma_wait3A_529] : memref<10240x32xf32, #tpu.memory_space<vmem_shared>> -> memref<10240x32xf32, #tpu.memory_space<vmem_shared>>
      %dma_wait3A_531 = tpu.memref_slice %arg10[%dma_wait3A_520] : memref<10x!tpu.dma_semaphore, #tpu.memory_space<semaphore_mem>> -> memref<1x!tpu.dma_semaphore, #tpu.memory_space<semaphore_mem>>
      %dma_wait3A_532 = tpu.memref_squeeze %dma_wait3A_531 : memref<1x!tpu.dma_semaphore, #tpu.memory_space<semaphore_mem>> -> memref<!tpu.dma_semaphore, #tpu.memory_space<semaphore_mem>>
      tpu.wait_indirect_dma semaphore(%dma_wait3A_532 : memref<!tpu.dma_semaphore, #tpu.memory_space<semaphore_mem>>) src(%dma_wait3A_524 : memref<128x32xf32, #tpu.memory_space<vmem>>) dst(%dma_wait3A_530 : memref<10240x32xf32, #tpu.memory_space<vmem_shared>>)
      %dma_wait3A_533 = arith.constant 4 : i32
      %dma_wait3A_534 = arith.constant 4 : i32
      %dma_wait3A_535 = arith.constant 0 : i32
      %dma_wait3A_536 = arith.constant 0 : i32
      %dma_wait3A_537 = tpu.memref_slice %arg8[%dma_wait3A_533, %dma_wait3A_535, %dma_wait3A_536] : memref<10x128x32xf32, #tpu.memory_space<vmem>> -> memref<1x128x32xf32, #tpu.memory_space<vmem>>
      %dma_wait3A_538 = tpu.memref_squeeze %dma_wait3A_537 : memref<1x128x32xf32, #tpu.memory_space<vmem>> -> memref<128x32xf32, #tpu.memory_space<vmem>>
      %dma_wait3A_539 = arith.constant 0 : i32
      %dma_wait3A_540 = tpu.memref_slice %arg7[%add3A_312, %dma_wait3A_539] : memref<160x128xi32, #tpu.memory_space<vmem>> -> memref<1x128xi32, #tpu.memory_space<vmem>>
      %dma_wait3A_541 = tpu.memref_squeeze %dma_wait3A_540 : memref<1x128xi32, #tpu.memory_space<vmem>> -> memref<128xi32, #tpu.memory_space<vmem>>
      %dma_wait3A_542 = arith.constant 0 : i32
      %dma_wait3A_543 = arith.constant 0 : i32
      %dma_wait3A_544 = tpu.memref_slice %arg11[%dma_wait3A_542, %dma_wait3A_543] : memref<10240x32xf32, #tpu.memory_space<vmem_shared>> -> memref<10240x32xf32, #tpu.memory_space<vmem_shared>>
      %dma_wait3A_545 = tpu.memref_slice %arg10[%dma_wait3A_534] : memref<10x!tpu.dma_semaphore, #tpu.memory_space<semaphore_mem>> -> memref<1x!tpu.dma_semaphore, #tpu.memory_space<semaphore_mem>>
      %dma_wait3A_546 = tpu.memref_squeeze %dma_wait3A_545 : memref<1x!tpu.dma_semaphore, #tpu.memory_space<semaphore_mem>> -> memref<!tpu.dma_semaphore, #tpu.memory_space<semaphore_mem>>
      tpu.wait_indirect_dma semaphore(%dma_wait3A_546 : memref<!tpu.dma_semaphore, #tpu.memory_space<semaphore_mem>>) src(%dma_wait3A_538 : memref<128x32xf32, #tpu.memory_space<vmem>>) dst(%dma_wait3A_544 : memref<10240x32xf32, #tpu.memory_space<vmem_shared>>)
      %dma_wait3A_547 = arith.constant 5 : i32
      %dma_wait3A_548 = arith.constant 5 : i32
      %dma_wait3A_549 = arith.constant 0 : i32
      %dma_wait3A_550 = arith.constant 0 : i32
      %dma_wait3A_551 = tpu.memref_slice %arg8[%dma_wait3A_547, %dma_wait3A_549, %dma_wait3A_550] : memref<10x128x32xf32, #tpu.memory_space<vmem>> -> memref<1x128x32xf32, #tpu.memory_space<vmem>>
      %dma_wait3A_552 = tpu.memref_squeeze %dma_wait3A_551 : memref<1x128x32xf32, #tpu.memory_space<vmem>> -> memref<128x32xf32, #tpu.memory_space<vmem>>
      %dma_wait3A_553 = arith.constant 0 : i32
      %dma_wait3A_554 = tpu.memref_slice %arg7[%add3A_342, %dma_wait3A_553] : memref<160x128xi32, #tpu.memory_space<vmem>> -> memref<1x128xi32, #tpu.memory_space<vmem>>
      %dma_wait3A_555 = tpu.memref_squeeze %dma_wait3A_554 : memref<1x128xi32, #tpu.memory_space<vmem>> -> memref<128xi32, #tpu.memory_space<vmem>>
      %dma_wait3A_556 = arith.constant 0 : i32
      %dma_wait3A_557 = arith.constant 0 : i32
      %dma_wait3A_558 = tpu.memref_slice %arg11[%dma_wait3A_556, %dma_wait3A_557] : memref<10240x32xf32, #tpu.memory_space<vmem_shared>> -> memref<10240x32xf32, #tpu.memory_space<vmem_shared>>
      %dma_wait3A_559 = tpu.memref_slice %arg10[%dma_wait3A_548] : memref<10x!tpu.dma_semaphore, #tpu.memory_space<semaphore_mem>> -> memref<1x!tpu.dma_semaphore, #tpu.memory_space<semaphore_mem>>
      %dma_wait3A_560 = tpu.memref_squeeze %dma_wait3A_559 : memref<1x!tpu.dma_semaphore, #tpu.memory_space<semaphore_mem>> -> memref<!tpu.dma_semaphore, #tpu.memory_space<semaphore_mem>>
      tpu.wait_indirect_dma semaphore(%dma_wait3A_560 : memref<!tpu.dma_semaphore, #tpu.memory_space<semaphore_mem>>) src(%dma_wait3A_552 : memref<128x32xf32, #tpu.memory_space<vmem>>) dst(%dma_wait3A_558 : memref<10240x32xf32, #tpu.memory_space<vmem_shared>>)
      %dma_wait3A_561 = arith.constant 6 : i32
      %dma_wait3A_562 = arith.constant 6 : i32
      %dma_wait3A_563 = arith.constant 0 : i32
      %dma_wait3A_564 = arith.constant 0 : i32
      %dma_wait3A_565 = tpu.memref_slice %arg8[%dma_wait3A_561, %dma_wait3A_563, %dma_wait3A_564] : memref<10x128x32xf32, #tpu.memory_space<vmem>> -> memref<1x128x32xf32, #tpu.memory_space<vmem>>
      %dma_wait3A_566 = tpu.memref_squeeze %dma_wait3A_565 : memref<1x128x32xf32, #tpu.memory_space<vmem>> -> memref<128x32xf32, #tpu.memory_space<vmem>>
      %dma_wait3A_567 = arith.constant 0 : i32
      %dma_wait3A_568 = tpu.memref_slice %arg7[%add3A_372, %dma_wait3A_567] : memref<160x128xi32, #tpu.memory_space<vmem>> -> memref<1x128xi32, #tpu.memory_space<vmem>>
      %dma_wait3A_569 = tpu.memref_squeeze %dma_wait3A_568 : memref<1x128xi32, #tpu.memory_space<vmem>> -> memref<128xi32, #tpu.memory_space<vmem>>
      %dma_wait3A_570 = arith.constant 0 : i32
      %dma_wait3A_571 = arith.constant 0 : i32
      %dma_wait3A_572 = tpu.memref_slice %arg11[%dma_wait3A_570, %dma_wait3A_571] : memref<10240x32xf32, #tpu.memory_space<vmem_shared>> -> memref<10240x32xf32, #tpu.memory_space<vmem_shared>>
      %dma_wait3A_573 = tpu.memref_slice %arg10[%dma_wait3A_562] : memref<10x!tpu.dma_semaphore, #tpu.memory_space<semaphore_mem>> -> memref<1x!tpu.dma_semaphore, #tpu.memory_space<semaphore_mem>>
      %dma_wait3A_574 = tpu.memref_squeeze %dma_wait3A_573 : memref<1x!tpu.dma_semaphore, #tpu.memory_space<semaphore_mem>> -> memref<!tpu.dma_semaphore, #tpu.memory_space<semaphore_mem>>
      tpu.wait_indirect_dma semaphore(%dma_wait3A_574 : memref<!tpu.dma_semaphore, #tpu.memory_space<semaphore_mem>>) src(%dma_wait3A_566 : memref<128x32xf32, #tpu.memory_space<vmem>>) dst(%dma_wait3A_572 : memref<10240x32xf32, #tpu.memory_space<vmem_shared>>)
      %dma_wait3A_575 = arith.constant 7 : i32
      %dma_wait3A_576 = arith.constant 7 : i32
      %dma_wait3A_577 = arith.constant 0 : i32
      %dma_wait3A_578 = arith.constant 0 : i32
      %dma_wait3A_579 = tpu.memref_slice %arg8[%dma_wait3A_575, %dma_wait3A_577, %dma_wait3A_578] : memref<10x128x32xf32, #tpu.memory_space<vmem>> -> memref<1x128x32xf32, #tpu.memory_space<vmem>>
      %dma_wait3A_580 = tpu.memref_squeeze %dma_wait3A_579 : memref<1x128x32xf32, #tpu.memory_space<vmem>> -> memref<128x32xf32, #tpu.memory_space<vmem>>
      %dma_wait3A_581 = arith.constant 0 : i32
      %dma_wait3A_582 = tpu.memref_slice %arg7[%add3A_402, %dma_wait3A_581] : memref<160x128xi32, #tpu.memory_space<vmem>> -> memref<1x128xi32, #tpu.memory_space<vmem>>
      %dma_wait3A_583 = tpu.memref_squeeze %dma_wait3A_582 : memref<1x128xi32, #tpu.memory_space<vmem>> -> memref<128xi32, #tpu.memory_space<vmem>>
      %dma_wait3A_584 = arith.constant 0 : i32
      %dma_wait3A_585 = arith.constant 0 : i32
      %dma_wait3A_586 = tpu.memref_slice %arg11[%dma_wait3A_584, %dma_wait3A_585] : memref<10240x32xf32, #tpu.memory_space<vmem_shared>> -> memref<10240x32xf32, #tpu.memory_space<vmem_shared>>
      %dma_wait3A_587 = tpu.memref_slice %arg10[%dma_wait3A_576] : memref<10x!tpu.dma_semaphore, #tpu.memory_space<semaphore_mem>> -> memref<1x!tpu.dma_semaphore, #tpu.memory_space<semaphore_mem>>
      %dma_wait3A_588 = tpu.memref_squeeze %dma_wait3A_587 : memref<1x!tpu.dma_semaphore, #tpu.memory_space<semaphore_mem>> -> memref<!tpu.dma_semaphore, #tpu.memory_space<semaphore_mem>>
      tpu.wait_indirect_dma semaphore(%dma_wait3A_588 : memref<!tpu.dma_semaphore, #tpu.memory_space<semaphore_mem>>) src(%dma_wait3A_580 : memref<128x32xf32, #tpu.memory_space<vmem>>) dst(%dma_wait3A_586 : memref<10240x32xf32, #tpu.memory_space<vmem_shared>>)
      %dma_wait3A_589 = arith.constant 8 : i32
      %dma_wait3A_590 = arith.constant 8 : i32
      %dma_wait3A_591 = arith.constant 0 : i32
      %dma_wait3A_592 = arith.constant 0 : i32
      %dma_wait3A_593 = tpu.memref_slice %arg8[%dma_wait3A_589, %dma_wait3A_591, %dma_wait3A_592] : memref<10x128x32xf32, #tpu.memory_space<vmem>> -> memref<1x128x32xf32, #tpu.memory_space<vmem>>
      %dma_wait3A_594 = tpu.memref_squeeze %dma_wait3A_593 : memref<1x128x32xf32, #tpu.memory_space<vmem>> -> memref<128x32xf32, #tpu.memory_space<vmem>>
      %dma_wait3A_595 = arith.constant 0 : i32
      %dma_wait3A_596 = tpu.memref_slice %arg7[%add3A_432, %dma_wait3A_595] : memref<160x128xi32, #tpu.memory_space<vmem>> -> memref<1x128xi32, #tpu.memory_space<vmem>>
      %dma_wait3A_597 = tpu.memref_squeeze %dma_wait3A_596 : memref<1x128xi32, #tpu.memory_space<vmem>> -> memref<128xi32, #tpu.memory_space<vmem>>
      %dma_wait3A_598 = arith.constant 0 : i32
      %dma_wait3A_599 = arith.constant 0 : i32
      %dma_wait3A_600 = tpu.memref_slice %arg11[%dma_wait3A_598, %dma_wait3A_599] : memref<10240x32xf32, #tpu.memory_space<vmem_shared>> -> memref<10240x32xf32, #tpu.memory_space<vmem_shared>>
      %dma_wait3A_601 = tpu.memref_slice %arg10[%dma_wait3A_590] : memref<10x!tpu.dma_semaphore, #tpu.memory_space<semaphore_mem>> -> memref<1x!tpu.dma_semaphore, #tpu.memory_space<semaphore_mem>>
      %dma_wait3A_602 = tpu.memref_squeeze %dma_wait3A_601 : memref<1x!tpu.dma_semaphore, #tpu.memory_space<semaphore_mem>> -> memref<!tpu.dma_semaphore, #tpu.memory_space<semaphore_mem>>
      tpu.wait_indirect_dma semaphore(%dma_wait3A_602 : memref<!tpu.dma_semaphore, #tpu.memory_space<semaphore_mem>>) src(%dma_wait3A_594 : memref<128x32xf32, #tpu.memory_space<vmem>>) dst(%dma_wait3A_600 : memref<10240x32xf32, #tpu.memory_space<vmem_shared>>)
      %dma_wait3A_603 = arith.constant 9 : i32
      %dma_wait3A_604 = arith.constant 9 : i32
      %dma_wait3A_605 = arith.constant 0 : i32
      %dma_wait3A_606 = arith.constant 0 : i32
      %dma_wait3A_607 = tpu.memref_slice %arg8[%dma_wait3A_603, %dma_wait3A_605, %dma_wait3A_606] : memref<10x128x32xf32, #tpu.memory_space<vmem>> -> memref<1x128x32xf32, #tpu.memory_space<vmem>>
      %dma_wait3A_608 = tpu.memref_squeeze %dma_wait3A_607 : memref<1x128x32xf32, #tpu.memory_space<vmem>> -> memref<128x32xf32, #tpu.memory_space<vmem>>
      %dma_wait3A_609 = arith.constant 0 : i32
      %dma_wait3A_610 = tpu.memref_slice %arg7[%add3A_462, %dma_wait3A_609] : memref<160x128xi32, #tpu.memory_space<vmem>> -> memref<1x128xi32, #tpu.memory_space<vmem>>
      %dma_wait3A_611 = tpu.memref_squeeze %dma_wait3A_610 : memref<1x128xi32, #tpu.memory_space<vmem>> -> memref<128xi32, #tpu.memory_space<vmem>>
      %dma_wait3A_612 = arith.constant 0 : i32
      %dma_wait3A_613 = arith.constant 0 : i32
      %dma_wait3A_614 = tpu.memref_slice %arg11[%dma_wait3A_612, %dma_wait3A_613] : memref<10240x32xf32, #tpu.memory_space<vmem_shared>> -> memref<10240x32xf32, #tpu.memory_space<vmem_shared>>
      %dma_wait3A_615 = tpu.memref_slice %arg10[%dma_wait3A_604] : memref<10x!tpu.dma_semaphore, #tpu.memory_space<semaphore_mem>> -> memref<1x!tpu.dma_semaphore, #tpu.memory_space<semaphore_mem>>
      %dma_wait3A_616 = tpu.memref_squeeze %dma_wait3A_615 : memref<1x!tpu.dma_semaphore, #tpu.memory_space<semaphore_mem>> -> memref<!tpu.dma_semaphore, #tpu.memory_space<semaphore_mem>>
      tpu.wait_indirect_dma semaphore(%dma_wait3A_616 : memref<!tpu.dma_semaphore, #tpu.memory_space<semaphore_mem>>) src(%dma_wait3A_608 : memref<128x32xf32, #tpu.memory_space<vmem>>) dst(%dma_wait3A_614 : memref<10240x32xf32, #tpu.memory_space<vmem_shared>>)
    }
    %scan3A_11 = arith.constant 16 : i32
    %barrier3A_12 = arith.constant 0 : index
    tpu.barrier barrier_id(%barrier3A_12)
    %mul3A_13 = arith.constant 640 : i32
    %mul3A_14 = arith.muli %arg1, %mul3A_13 : i32
    %mul3A_15 = arith.constant 640 : i32
    %mul3A_16 = arith.muli %arg1, %mul3A_15 : i32
    "tpu.region"() ({
      %run_scoped3A = tpu.sem_alloc : memref<!tpu.dma_semaphore, #tpu.memory_space<semaphore_mem>>
      %dma_start3A = arith.constant 0 : i32
      %dma_start3A_17 = tpu.memref_slice %arg5[%arg0, %mul3A_16, %dma_start3A] : memref<2x10240x32xf32, #tpu.memory_space<hbm>> -> memref<1x640x32xf32, #tpu.memory_space<hbm>>
      %dma_start3A_18 = tpu.memref_squeeze %dma_start3A_17 : memref<1x640x32xf32, #tpu.memory_space<hbm>> -> memref<640x32xf32, #tpu.memory_space<hbm>>
      %dma_start3A_19 = arith.constant 0 : i32
      %dma_start3A_20 = tpu.memref_slice %arg11[%mul3A_14, %dma_start3A_19] : memref<10240x32xf32, #tpu.memory_space<vmem_shared>> -> memref<640x32xf32, #tpu.memory_space<vmem_shared>>
      tpu.enqueue_dma source(%dma_start3A_20 : memref<640x32xf32, #tpu.memory_space<vmem_shared>>) target(%dma_start3A_18 : memref<640x32xf32, #tpu.memory_space<hbm>>) target_semaphore(%run_scoped3A : memref<!tpu.dma_semaphore, #tpu.memory_space<semaphore_mem>>)
      %dma_wait3A = arith.constant 0 : i32
      %dma_wait3A_21 = tpu.memref_slice %arg5[%arg0, %mul3A_16, %dma_wait3A] : memref<2x10240x32xf32, #tpu.memory_space<hbm>> -> memref<1x640x32xf32, #tpu.memory_space<hbm>>
      %dma_wait3A_22 = tpu.memref_squeeze %dma_wait3A_21 : memref<1x640x32xf32, #tpu.memory_space<hbm>> -> memref<640x32xf32, #tpu.memory_space<hbm>>
      %dma_wait3A_23 = arith.constant 0 : i32
      %dma_wait3A_24 = tpu.memref_slice %arg11[%mul3A_14, %dma_wait3A_23] : memref<10240x32xf32, #tpu.memory_space<vmem_shared>> -> memref<640x32xf32, #tpu.memory_space<vmem_shared>>
      tpu.wait_dma2 semaphore(%run_scoped3A : memref<!tpu.dma_semaphore, #tpu.memory_space<semaphore_mem>>) src(%dma_wait3A_24 : memref<640x32xf32, #tpu.memory_space<vmem_shared>>) dst(%dma_wait3A_22 : memref<640x32xf32, #tpu.memory_space<hbm>>)
      tpu.yield
    }) : () -> ()
    return
  }
}

module attributes {stable_mosaic.version = 14 : i64} {
  func.func @_pre_body(%arg0: i32, %arg1: memref<2x1280xf32, #tpu.memory_space<vmem>>, %arg2: memref<1280x128xf32, #tpu.memory_space<vmem>>, %arg3: memref<128x64xf32, #tpu.memory_space<vmem>>, %arg4: memref<2x1280x32xf32, #tpu.memory_space<vmem>>, %arg5: memref<1280x8xf32, #tpu.memory_space<vmem>>) attributes {dimension_semantics = [#tpu.dimension_semantics<arbitrary>], iteration_bounds = array<i64: 8>, scalar_prefetch = 0 : i64, scratch_operands = 0 : i64, tpu.core_type = #tpu.core_type<tc>, window_params = [{transform_indices = @transform_0, window_bounds = array<i64: 2, 1280>}, {transform_indices = @transform_1, window_bounds = array<i64: 1280, 128>}, {pipeline_mode = #tpu.pipeline_mode<synchronous>, transform_indices = @transform_2, window_bounds = array<i64: 128, 64>}, {transform_indices = @transform_3, window_bounds = array<i64: 2, 1280, 32>}, {transform_indices = @transform_4, window_bounds = array<i64: 1280, 8>}]} {
    %get3A = arith.constant 0 : index
    %get3A_0 = arith.constant 0 : index
    %get3A_1 = vector.load %arg1[%get3A, %get3A_0] : memref<2x1280xf32, #tpu.memory_space<vmem>>, vector<2x1280xf32>
    %transpose3A = tpu.transpose %get3A_1, [1, 0] : vector<2x1280xf32> -> vector<1280x2xf32>
    %slice3A = vector.extract_strided_slice %transpose3A {offsets = [0, 0], sizes = [1280, 1], strides = [1, 1]} : vector<1280x2xf32> to vector<1280x1xf32>
    %slice3A_2 = vector.extract_strided_slice %transpose3A {offsets = [0, 1], sizes = [1280, 1], strides = [1, 1]} : vector<1280x2xf32> to vector<1280x1xf32>
    %add3A = arith.addf %slice3A, %slice3A_2 : vector<1280x1xf32>
    %sub3A = arith.constant 1.000000e+00 : f32
    %sub3A_3 = vector.broadcast %sub3A : f32 to vector<1280x1xf32>
    %sub3A_4 = arith.subf %add3A, %sub3A_3 : vector<1280x1xf32>
    %rsqrt3A = math.rsqrt %sub3A_4 : vector<1280x1xf32>
    %broadcast_in_dim3A = vector.shape_cast %rsqrt3A : vector<1280x1xf32> to vector<1280x1xf32>
    %broadcast_in_dim3A_5 = vector.broadcast %broadcast_in_dim3A : vector<1280x1xf32> to vector<1280x8xf32>
    %swap3A = arith.constant 0 : index
    %swap3A_6 = arith.constant 0 : index
    %swap3A_7 = vector.load %arg5[%swap3A, %swap3A_6] : memref<1280x8xf32, #tpu.memory_space<vmem>>, vector<1280x8xf32>
    tpu.vector_store %arg5[%swap3A, %swap3A_6], %broadcast_in_dim3A_5 {strides = array<i32>} : memref<1280x8xf32, #tpu.memory_space<vmem>>, vector<1280x8xf32>,
    %get3A_8 = arith.constant 0 : index
    %get3A_9 = arith.constant 0 : index
    %get3A_10 = vector.load %arg2[%get3A_8, %get3A_9] : memref<1280x128xf32, #tpu.memory_space<vmem>>, vector<1280x128xf32>
    %get3A_11 = arith.constant 0 : index
    %get3A_12 = arith.constant 0 : index
    %get3A_13 = vector.load %arg3[%get3A_11, %get3A_12] : memref<128x64xf32, #tpu.memory_space<vmem>>, vector<128x64xf32>
    %dot_general3A = arith.constant dense<0.000000e+00> : vector<1280x64xf32>
    %dot_general3A_14 = tpu.matmul %get3A_10, %get3A_13, %dot_general3A {dimension_numbers = #tpu.dot_dimension_numbers<[1], [0], [0], [1], [0, 0, 1, 1], [], []>, transpose_lhs_hint = false} : vector<1280x128xf32>, vector<128x64xf32>, vector<1280x64xf32> -> vector<1280x64xf32>
    %mul3A = vector.broadcast %rsqrt3A : vector<1280x1xf32> to vector<1280x64xf32>
    %mul3A_15 = arith.mulf %dot_general3A_14, %mul3A : vector<1280x64xf32>
    %slice3A_16 = vector.extract_strided_slice %mul3A_15 {offsets = [0, 0], sizes = [1280, 32], strides = [1, 1]} : vector<1280x64xf32> to vector<1280x32xf32>
    %swap3A_17 = arith.constant 0 : index
    %swap3A_18 = arith.constant 0 : index
    %swap3A_19 = arith.constant 0 : index
    %swap3A_20 = vector.load %arg4[%swap3A_17, %swap3A_18, %swap3A_19] : memref<2x1280x32xf32, #tpu.memory_space<vmem>>, vector<1x1280x32xf32>
    %swap3A_21 = vector.shape_cast %swap3A_20 : vector<1x1280x32xf32> to vector<1280x32xf32>
    %swap3A_22 = vector.shape_cast %slice3A_16 : vector<1280x32xf32> to vector<1x1280x32xf32>
    tpu.vector_store %arg4[%swap3A_17, %swap3A_18, %swap3A_19], %swap3A_22 {strides = array<i32>} : memref<2x1280x32xf32, #tpu.memory_space<vmem>>, vector<1x1280x32xf32>,
    %slice3A_23 = vector.extract_strided_slice %mul3A_15 {offsets = [0, 32], sizes = [1280, 32], strides = [1, 1]} : vector<1280x64xf32> to vector<1280x32xf32>
    %swap3A_24 = arith.constant 1 : index
    %swap3A_25 = arith.constant 0 : index
    %swap3A_26 = arith.constant 0 : index
    %swap3A_27 = vector.load %arg4[%swap3A_24, %swap3A_25, %swap3A_26] : memref<2x1280x32xf32, #tpu.memory_space<vmem>>, vector<1x1280x32xf32>
    %swap3A_28 = vector.shape_cast %swap3A_27 : vector<1x1280x32xf32> to vector<1280x32xf32>
    %swap3A_29 = vector.shape_cast %slice3A_23 : vector<1280x32xf32> to vector<1x1280x32xf32>
    tpu.vector_store %arg4[%swap3A_24, %swap3A_25, %swap3A_26], %swap3A_29 {strides = array<i32>} : memref<2x1280x32xf32, #tpu.memory_space<vmem>>, vector<1x1280x32xf32>,
    return
  }
  func.func @transform_0(%arg0: i32) -> (i32, i32) {
    %c0_i32 = arith.constant 0 : i32
    %c0_i32_0 = arith.constant 0 : i32
    return %c0_i32, %arg0 : i32, i32
  }
  func.func @transform_1(%arg0: i32) -> (i32, i32) {
    %c0_i32 = arith.constant 0 : i32
    %c0_i32_0 = arith.constant 0 : i32
    return %arg0, %c0_i32 : i32, i32
  }
  func.func @transform_2(%arg0: i32) -> (i32, i32) {
    %c0_i32 = arith.constant 0 : i32
    %c0_i32_0 = arith.constant 0 : i32
    %c0_i32_1 = arith.constant 0 : i32
    return %c0_i32, %c0_i32_0 : i32, i32
  }
  func.func @transform_3(%arg0: i32) -> (i32, i32, i32) {
    %c0_i32 = arith.constant 0 : i32
    %c0_i32_0 = arith.constant 0 : i32
    %c0_i32_1 = arith.constant 0 : i32
    return %c0_i32, %arg0, %c0_i32_0 : i32, i32, i32
  }
  func.func @transform_4(%arg0: i32) -> (i32, i32) {
    %c0_i32 = arith.constant 0 : i32
    %c0_i32_0 = arith.constant 0 : i32
    return %arg0, %c0_i32 : i32, i32
  }
}

module attributes {stable_mosaic.version = 14 : i64} {
  func.func @_mid_body(%arg0: i32, %arg1: memref<2x1280x32xf32, #tpu.memory_space<vmem>>, %arg2: memref<1280x8xf32, #tpu.memory_space<vmem>>, %arg3: memref<64x64xf32, #tpu.memory_space<vmem>>, %arg4: memref<2x1x32xf32, #tpu.memory_space<vmem>>, %arg5: memref<2x1x32xf32, #tpu.memory_space<vmem>>, %arg6: memref<2x1x32xf32, #tpu.memory_space<vmem>>, %arg7: memref<2x1280x32xf32, #tpu.memory_space<vmem>>) attributes {dimension_semantics = [#tpu.dimension_semantics<arbitrary>], iteration_bounds = array<i64: 8>, scalar_prefetch = 0 : i64, scratch_operands = 0 : i64, tpu.core_type = #tpu.core_type<tc>, window_params = [{transform_indices = @transform_0, window_bounds = array<i64: 2, 1280, 32>}, {transform_indices = @transform_1, window_bounds = array<i64: 1280, 8>}, {pipeline_mode = #tpu.pipeline_mode<synchronous>, transform_indices = @transform_2, window_bounds = array<i64: 64, 64>}, {pipeline_mode = #tpu.pipeline_mode<synchronous>, transform_indices = @transform_3, window_bounds = array<i64: 2, 1, 32>}, {pipeline_mode = #tpu.pipeline_mode<synchronous>, transform_indices = @transform_4, window_bounds = array<i64: 2, 1, 32>}, {pipeline_mode = #tpu.pipeline_mode<synchronous>, transform_indices = @transform_5, window_bounds = array<i64: 2, 1, 32>}, {transform_indices = @transform_6, window_bounds = array<i64: 2, 1280, 32>}]} {
    %get3A = arith.constant 0 : index
    %get3A_0 = arith.constant 0 : index
    %get3A_1 = arith.constant 0 : index
    %get3A_2 = vector.load %arg1[%get3A, %get3A_0, %get3A_1] : memref<2x1280x32xf32, #tpu.memory_space<vmem>>, vector<2x1280x32xf32>
    %get3A_3 = arith.constant 0 : index
    %get3A_4 = arith.constant 0 : index
    %get3A_5 = vector.load %arg2[%get3A_3, %get3A_4] : memref<1280x8xf32, #tpu.memory_space<vmem>>, vector<1280x1xf32>
    %broadcast_in_dim3A = vector.shape_cast %get3A_5 : vector<1280x1xf32> to vector<1x1280x1xf32>
    %mul3A = vector.broadcast %broadcast_in_dim3A : vector<1x1280x1xf32> to vector<2x1280x32xf32>
    %mul3A_6 = arith.mulf %get3A_2, %mul3A : vector<2x1280x32xf32>
    %get3A_7 = arith.constant 0 : index
    %get3A_8 = arith.constant 0 : index
    %get3A_9 = arith.constant 0 : index
    %get3A_10 = vector.load %arg4[%get3A_7, %get3A_8, %get3A_9] : memref<2x1x32xf32, #tpu.memory_space<vmem>>, vector<2x1x32xf32>
    %mul3A_11 = arith.constant 0.999994993 : f32
    %mul3A_12 = vector.broadcast %mul3A_11 : f32 to vector<2x1x32xf32>
    %mul3A_13 = arith.mulf %get3A_10, %mul3A_12 : vector<2x1x32xf32>
    %mul3A_14 = vector.broadcast %mul3A_13 : vector<2x1x32xf32> to vector<2x1280x32xf32>
    %mul3A_15 = arith.mulf %mul3A_6, %mul3A_14 : vector<2x1280x32xf32>
    %get3A_16 = arith.constant 0 : index
    %get3A_17 = arith.constant 0 : index
    %get3A_18 = arith.constant 0 : index
    %get3A_19 = vector.load %arg5[%get3A_16, %get3A_17, %get3A_18] : memref<2x1x32xf32, #tpu.memory_space<vmem>>, vector<2x1x32xf32>
    %mul3A_20 = arith.mulf %get3A_19, %mul3A_13 : vector<2x1x32xf32>
    %get3A_21 = arith.constant 0 : index
    %get3A_22 = arith.constant 0 : index
    %get3A_23 = arith.constant 0 : index
    %get3A_24 = vector.load %arg6[%get3A_21, %get3A_22, %get3A_23] : memref<2x1x32xf32, #tpu.memory_space<vmem>>, vector<2x1x32xf32>
    %add3A = arith.addf %mul3A_20, %get3A_24 : vector<2x1x32xf32>
    %add3A_25 = vector.broadcast %add3A : vector<2x1x32xf32> to vector<2x1280x32xf32>
    %add3A_26 = arith.addf %mul3A_15, %add3A_25 : vector<2x1280x32xf32>
    %max3A = arith.constant 0.000000e+00 : f32
    %max3A_27 = vector.broadcast %max3A : f32 to vector<2x1280x32xf32>
    %max3A_28 = arith.maximumf %add3A_26, %max3A_27 : vector<2x1280x32xf32>
    %slice3A = vector.extract_strided_slice %max3A_28 {offsets = [0, 0, 0], sizes = [1, 1280, 32], strides = [1, 1, 1]} : vector<2x1280x32xf32> to vector<1x1280x32xf32>
    %squeeze3A = vector.shape_cast %slice3A : vector<1x1280x32xf32> to vector<1280x32xf32>
    %slice3A_29 = vector.extract_strided_slice %max3A_28 {offsets = [1, 0, 0], sizes = [1, 1280, 32], strides = [1, 1, 1]} : vector<2x1280x32xf32> to vector<1x1280x32xf32>
    %squeeze3A_30 = vector.shape_cast %slice3A_29 : vector<1x1280x32xf32> to vector<1280x32xf32>
    %concatenate3A = tpu.concatenate %squeeze3A, %squeeze3A_30 in 1 : vector<1280x32xf32>, vector<1280x32xf32> -> vector<1280x64xf32>
    %get3A_31 = arith.constant 0 : index
    %get3A_32 = arith.constant 0 : index
    %get3A_33 = vector.load %arg3[%get3A_31, %get3A_32] : memref<64x64xf32, #tpu.memory_space<vmem>>, vector<64x64xf32>
    %dot_general3A = arith.constant dense<0.000000e+00> : vector<1280x64xf32>
    %dot_general3A_34 = tpu.matmul %concatenate3A, %get3A_33, %dot_general3A {dimension_numbers = #tpu.dot_dimension_numbers<[1], [0], [0], [1], [0, 0, 1, 1], [], []>, transpose_lhs_hint = false} : vector<1280x64xf32>, vector<64x64xf32>, vector<1280x64xf32> -> vector<1280x64xf32>
    %get3A_35 = arith.constant 0 : index
    %get3A_36 = arith.constant 0 : index
    %get3A_37 = vector.load %arg2[%get3A_35, %get3A_36] : memref<1280x8xf32, #tpu.memory_space<vmem>>, vector<1280x1xf32>
    %mul3A_38 = vector.broadcast %get3A_37 : vector<1280x1xf32> to vector<1280x64xf32>
    %mul3A_39 = arith.mulf %dot_general3A_34, %mul3A_38 : vector<1280x64xf32>
    %slice3A_40 = vector.extract_strided_slice %mul3A_39 {offsets = [0, 0], sizes = [1280, 32], strides = [1, 1]} : vector<1280x64xf32> to vector<1280x32xf32>
    %swap3A = arith.constant 0 : index
    %swap3A_41 = arith.constant 0 : index
    %swap3A_42 = arith.constant 0 : index
    %swap3A_43 = vector.load %arg7[%swap3A, %swap3A_41, %swap3A_42] : memref<2x1280x32xf32, #tpu.memory_space<vmem>>, vector<1x1280x32xf32>
    %swap3A_44 = vector.shape_cast %swap3A_43 : vector<1x1280x32xf32> to vector<1280x32xf32>
    %swap3A_45 = vector.shape_cast %slice3A_40 : vector<1280x32xf32> to vector<1x1280x32xf32>
    tpu.vector_store %arg7[%swap3A, %swap3A_41, %swap3A_42], %swap3A_45 {strides = array<i32>} : memref<2x1280x32xf32, #tpu.memory_space<vmem>>, vector<1x1280x32xf32>,
    %slice3A_46 = vector.extract_strided_slice %mul3A_39 {offsets = [0, 32], sizes = [1280, 32], strides = [1, 1]} : vector<1280x64xf32> to vector<1280x32xf32>
    %swap3A_47 = arith.constant 1 : index
    %swap3A_48 = arith.constant 0 : index
    %swap3A_49 = arith.constant 0 : index
    %swap3A_50 = vector.load %arg7[%swap3A_47, %swap3A_48, %swap3A_49] : memref<2x1280x32xf32, #tpu.memory_space<vmem>>, vector<1x1280x32xf32>
    %swap3A_51 = vector.shape_cast %swap3A_50 : vector<1x1280x32xf32> to vector<1280x32xf32>
    %swap3A_52 = vector.shape_cast %slice3A_46 : vector<1280x32xf32> to vector<1x1280x32xf32>
    tpu.vector_store %arg7[%swap3A_47, %swap3A_48, %swap3A_49], %swap3A_52 {strides = array<i32>} : memref<2x1280x32xf32, #tpu.memory_space<vmem>>, vector<1x1280x32xf32>,
    return
  }
  func.func @transform_0(%arg0: i32) -> (i32, i32, i32) {
    %c0_i32 = arith.constant 0 : i32
    %c0_i32_0 = arith.constant 0 : i32
    %c0_i32_1 = arith.constant 0 : i32
    return %c0_i32, %arg0, %c0_i32_0 : i32, i32, i32
  }
  func.func @transform_1(%arg0: i32) -> (i32, i32) {
    %c0_i32 = arith.constant 0 : i32
    %c0_i32_0 = arith.constant 0 : i32
    return %arg0, %c0_i32 : i32, i32
  }
  func.func @transform_2(%arg0: i32) -> (i32, i32) {
    %c0_i32 = arith.constant 0 : i32
    %c0_i32_0 = arith.constant 0 : i32
    %c0_i32_1 = arith.constant 0 : i32
    return %c0_i32, %c0_i32_0 : i32, i32
  }
  func.func @transform_3(%arg0: i32) -> (i32, i32, i32) {
    %c0_i32 = arith.constant 0 : i32
    %c0_i32_0 = arith.constant 0 : i32
    %c0_i32_1 = arith.constant 0 : i32
    %c0_i32_2 = arith.constant 0 : i32
    return %c0_i32, %c0_i32_0, %c0_i32_1 : i32, i32, i32
  }
  func.func @transform_4(%arg0: i32) -> (i32, i32, i32) {
    %c0_i32 = arith.constant 0 : i32
    %c0_i32_0 = arith.constant 0 : i32
    %c0_i32_1 = arith.constant 0 : i32
    %c0_i32_2 = arith.constant 0 : i32
    return %c0_i32, %c0_i32_0, %c0_i32_1 : i32, i32, i32
  }
  func.func @transform_5(%arg0: i32) -> (i32, i32, i32) {
    %c0_i32 = arith.constant 0 : i32
    %c0_i32_0 = arith.constant 0 : i32
    %c0_i32_1 = arith.constant 0 : i32
    %c0_i32_2 = arith.constant 0 : i32
    return %c0_i32, %c0_i32_0, %c0_i32_1 : i32, i32, i32
  }
  func.func @transform_6(%arg0: i32) -> (i32, i32, i32) {
    %c0_i32 = arith.constant 0 : i32
    %c0_i32_0 = arith.constant 0 : i32
    %c0_i32_1 = arith.constant 0 : i32
    return %c0_i32, %arg0, %c0_i32_0 : i32, i32, i32
  }
}

module attributes {stable_mosaic.version = 14 : i64} {
  func.func @_final_body(%arg0: i32, %arg1: memref<2x1280x32xf32, #tpu.memory_space<vmem>>, %arg2: memref<1280x8xf32, #tpu.memory_space<vmem>>, %arg3: memref<256x1xi32, #tpu.memory_space<vmem>>, %arg4: memref<2x1x32xf32, #tpu.memory_space<vmem>>, %arg5: memref<2x1x32xf32, #tpu.memory_space<vmem>>, %arg6: memref<2x1x32xf32, #tpu.memory_space<vmem>>, %arg7: memref<64x32xf32, #tpu.memory_space<vmem>>, %arg8: memref<1x32xf32, #tpu.memory_space<vmem>>, %arg9: memref<32x1xf32, #tpu.memory_space<vmem>>, %arg10: memref<1x1xf32, #tpu.memory_space<vmem>>, %arg11: memref<256x1xf32, #tpu.memory_space<vmem>>, %arg12: memref<256x64xf32, #tpu.memory_space<vmem>>) attributes {dimension_semantics = [#tpu.dimension_semantics<arbitrary>], iteration_bounds = array<i64: 8>, scalar_prefetch = 0 : i64, scratch_operands = 1 : i64, tpu.core_type = #tpu.core_type<tc>, window_params = [{transform_indices = @transform_0, window_bounds = array<i64: 2, 1280, 32>}, {transform_indices = @transform_1, window_bounds = array<i64: 1280, 8>}, {pipeline_mode = #tpu.pipeline_mode<synchronous>, transform_indices = @transform_2, window_bounds = array<i64: 256, 1>}, {pipeline_mode = #tpu.pipeline_mode<synchronous>, transform_indices = @transform_3, window_bounds = array<i64: 2, 1, 32>}, {pipeline_mode = #tpu.pipeline_mode<synchronous>, transform_indices = @transform_4, window_bounds = array<i64: 2, 1, 32>}, {pipeline_mode = #tpu.pipeline_mode<synchronous>, transform_indices = @transform_5, window_bounds = array<i64: 2, 1, 32>}, {pipeline_mode = #tpu.pipeline_mode<synchronous>, transform_indices = @transform_6, window_bounds = array<i64: 64, 32>}, {pipeline_mode = #tpu.pipeline_mode<synchronous>, transform_indices = @transform_7, window_bounds = array<i64: 1, 32>}, {pipeline_mode = #tpu.pipeline_mode<synchronous>, transform_indices = @transform_8, window_bounds = array<i64: 32, 1>}, {pipeline_mode = #tpu.pipeline_mode<synchronous>, transform_indices = @transform_9, window_bounds = array<i64: 1, 1>}, {pipeline_mode = #tpu.pipeline_mode<synchronous>, transform_indices = @transform_10, window_bounds = array<i64: 256, 1>}]} {
    %eq3A = arith.constant 0 : i32
    %eq3A_0 = arith.cmpi eq, %arg0, %eq3A : i32
    %convert_element_type3A = arith.extui %eq3A_0 : i1 to i32
    %cond3A = arith.constant 0 : i32
    %cond3A_1 = arith.cmpi ne, %convert_element_type3A, %cond3A : i32
    scf.if %cond3A_1 {
      %broadcast_in_dim3A_56 = arith.constant 0.000000e+00 : f32
      %broadcast_in_dim3A_57 = vector.broadcast %broadcast_in_dim3A_56 : f32 to vector<256x64xf32>
      %swap3A_58 = arith.constant 0 : index
      %swap3A_59 = arith.constant 0 : index
      %swap3A_60 = vector.load %arg12[%swap3A_58, %swap3A_59] : memref<256x64xf32, #tpu.memory_space<vmem>>, vector<256x64xf32>
      tpu.vector_store %arg12[%swap3A_58, %swap3A_59], %broadcast_in_dim3A_57 {strides = array<i32>} : memref<256x64xf32, #tpu.memory_space<vmem>>, vector<256x64xf32>,
    } else {
    }
    %get3A = arith.constant 0 : index
    %get3A_2 = arith.constant 0 : index
    %get3A_3 = arith.constant 0 : index
    %get3A_4 = vector.load %arg1[%get3A, %get3A_2, %get3A_3] : memref<2x1280x32xf32, #tpu.memory_space<vmem>>, vector<2x1280x32xf32>
    %get3A_5 = arith.constant 0 : index
    %get3A_6 = arith.constant 0 : index
    %get3A_7 = vector.load %arg2[%get3A_5, %get3A_6] : memref<1280x8xf32, #tpu.memory_space<vmem>>, vector<1280x1xf32>
    %broadcast_in_dim3A = vector.shape_cast %get3A_7 : vector<1280x1xf32> to vector<1x1280x1xf32>
    %mul3A = vector.broadcast %broadcast_in_dim3A : vector<1x1280x1xf32> to vector<2x1280x32xf32>
    %mul3A_8 = arith.mulf %get3A_4, %mul3A : vector<2x1280x32xf32>
    %get3A_9 = arith.constant 0 : index
    %get3A_10 = arith.constant 0 : index
    %get3A_11 = arith.constant 0 : index
    %get3A_12 = vector.load %arg4[%get3A_9, %get3A_10, %get3A_11] : memref<2x1x32xf32, #tpu.memory_space<vmem>>, vector<2x1x32xf32>
    %mul3A_13 = arith.constant 0.999994993 : f32
    %mul3A_14 = vector.broadcast %mul3A_13 : f32 to vector<2x1x32xf32>
    %mul3A_15 = arith.mulf %get3A_12, %mul3A_14 : vector<2x1x32xf32>
    %mul3A_16 = vector.broadcast %mul3A_15 : vector<2x1x32xf32> to vector<2x1280x32xf32>
    %mul3A_17 = arith.mulf %mul3A_8, %mul3A_16 : vector<2x1280x32xf32>
    %get3A_18 = arith.constant 0 : index
    %get3A_19 = arith.constant 0 : index
    %get3A_20 = arith.constant 0 : index
    %get3A_21 = vector.load %arg5[%get3A_18, %get3A_19, %get3A_20] : memref<2x1x32xf32, #tpu.memory_space<vmem>>, vector<2x1x32xf32>
    %mul3A_22 = arith.mulf %get3A_21, %mul3A_15 : vector<2x1x32xf32>
    %get3A_23 = arith.constant 0 : index
    %get3A_24 = arith.constant 0 : index
    %get3A_25 = arith.constant 0 : index
    %get3A_26 = vector.load %arg6[%get3A_23, %get3A_24, %get3A_25] : memref<2x1x32xf32, #tpu.memory_space<vmem>>, vector<2x1x32xf32>
    %add3A = arith.addf %mul3A_22, %get3A_26 : vector<2x1x32xf32>
    %add3A_27 = vector.broadcast %add3A : vector<2x1x32xf32> to vector<2x1280x32xf32>
    %add3A_28 = arith.addf %mul3A_17, %add3A_27 : vector<2x1280x32xf32>
    %max3A = arith.constant 0.000000e+00 : f32
    %max3A_29 = vector.broadcast %max3A : f32 to vector<2x1280x32xf32>
    %max3A_30 = arith.maximumf %add3A_28, %max3A_29 : vector<2x1280x32xf32>
    %slice3A = vector.extract_strided_slice %max3A_30 {offsets = [0, 0, 0], sizes = [1, 1280, 32], strides = [1, 1, 1]} : vector<2x1280x32xf32> to vector<1x1280x32xf32>
    %squeeze3A = vector.shape_cast %slice3A : vector<1x1280x32xf32> to vector<1280x32xf32>
    %slice3A_31 = vector.extract_strided_slice %max3A_30 {offsets = [1, 0, 0], sizes = [1, 1280, 32], strides = [1, 1, 1]} : vector<2x1280x32xf32> to vector<1x1280x32xf32>
    %squeeze3A_32 = vector.shape_cast %slice3A_31 : vector<1x1280x32xf32> to vector<1280x32xf32>
    %concatenate3A = tpu.concatenate %squeeze3A, %squeeze3A_32 in 1 : vector<1280x32xf32>, vector<1280x32xf32> -> vector<1280x64xf32>
    %iota3A = tpu.iota {dimensions = array<i32: 1>} : vector<256x1280xi32>
    %mul3A_33 = arith.constant 1280 : i32
    %mul3A_34 = arith.muli %arg0, %mul3A_33 : i32
    %add3A_35 = vector.broadcast %mul3A_34 : i32 to vector<256x1280xi32>
    %add3A_36 = arith.addi %iota3A, %add3A_35 : vector<256x1280xi32>
    %get3A_37 = arith.constant 0 : index
    %get3A_38 = arith.constant 0 : index
    %get3A_39 = vector.load %arg3[%get3A_37, %get3A_38] : memref<256x1xi32, #tpu.memory_space<vmem>>, vector<256x1xi32>
    %eq3A_40 = vector.broadcast %get3A_39 : vector<256x1xi32> to vector<256x1280xi32>
    %eq3A_41 = arith.cmpi eq, %eq3A_40, %add3A_36 : vector<256x1280xi32>
    %convert_element_type3A_42 = arith.extui %eq3A_41 : vector<256x1280xi1> to vector<256x1280xi32>
    %convert_element_type3A_43 = arith.sitofp %convert_element_type3A_42 : vector<256x1280xi32> to vector<256x1280xf32>
    %get3A_44 = arith.constant 0 : index
    %get3A_45 = arith.constant 0 : index
    %get3A_46 = vector.load %arg12[%get3A_44, %get3A_45] : memref<256x64xf32, #tpu.memory_space<vmem>>, vector<256x64xf32>
    %dot_general3A = arith.constant dense<0.000000e+00> : vector<256x64xf32>
    %dot_general3A_47 = tpu.matmul %convert_element_type3A_43, %concatenate3A, %dot_general3A {dimension_numbers = #tpu.dot_dimension_numbers<[1], [0], [0], [1], [0, 0, 1, 1], [], []>, transpose_lhs_hint = false} : vector<256x1280xf32>, vector<1280x64xf32>, vector<256x64xf32> -> vector<256x64xf32>
    %add3A_48 = arith.addf %get3A_46, %dot_general3A_47 : vector<256x64xf32>
    %swap3A = arith.constant 0 : index
    %swap3A_49 = arith.constant 0 : index
    %swap3A_50 = vector.load %arg12[%swap3A, %swap3A_49] : memref<256x64xf32, #tpu.memory_space<vmem>>, vector<256x64xf32>
    tpu.vector_store %arg12[%swap3A, %swap3A_49], %add3A_48 {strides = array<i32>} : memref<256x64xf32, #tpu.memory_space<vmem>>, vector<256x64xf32>,
    %eq3A_51 = arith.constant 7 : i32
    %eq3A_52 = arith.cmpi eq, %arg0, %eq3A_51 : i32
    %convert_element_type3A_53 = arith.extui %eq3A_52 : i1 to i32
    %cond3A_54 = arith.constant 0 : i32
    %cond3A_55 = arith.cmpi ne, %convert_element_type3A_53, %cond3A_54 : i32
    scf.if %cond3A_55 {
      %get3A_56 = arith.constant 0 : index
      %get3A_57 = arith.constant 0 : index
      %get3A_58 = vector.load %arg12[%get3A_56, %get3A_57] : memref<256x64xf32, #tpu.memory_space<vmem>>, vector<256x64xf32>
      %get3A_59 = arith.constant 0 : index
      %get3A_60 = arith.constant 0 : index
      %get3A_61 = vector.load %arg7[%get3A_59, %get3A_60] : memref<64x32xf32, #tpu.memory_space<vmem>>, vector<64x32xf32>
      %dot_general3A_62 = arith.constant dense<0.000000e+00> : vector<256x32xf32>
      %dot_general3A_63 = tpu.matmul %get3A_58, %get3A_61, %dot_general3A_62 {dimension_numbers = #tpu.dot_dimension_numbers<[1], [0], [0], [1], [0, 0, 1, 1], [], []>, transpose_lhs_hint = false} : vector<256x64xf32>, vector<64x32xf32>, vector<256x32xf32> -> vector<256x32xf32>
      %get3A_64 = arith.constant 0 : index
      %get3A_65 = arith.constant 0 : index
      %get3A_66 = vector.load %arg8[%get3A_64, %get3A_65] : memref<1x32xf32, #tpu.memory_space<vmem>>, vector<1x32xf32>
      %add3A_67 = vector.broadcast %get3A_66 : vector<1x32xf32> to vector<256x32xf32>
      %add3A_68 = arith.addf %dot_general3A_63, %add3A_67 : vector<256x32xf32>
      %max3A_69 = arith.constant 0.000000e+00 : f32
      %max3A_70 = vector.broadcast %max3A_69 : f32 to vector<256x32xf32>
      %max3A_71 = arith.maximumf %add3A_68, %max3A_70 : vector<256x32xf32>
      %get3A_72 = arith.constant 0 : index
      %get3A_73 = arith.constant 0 : index
      %get3A_74 = vector.load %arg9[%get3A_72, %get3A_73] : memref<32x1xf32, #tpu.memory_space<vmem>>, vector<32x1xf32>
      %dot_general3A_75 = arith.constant dense<0.000000e+00> : vector<256x1xf32>
      %dot_general3A_76 = tpu.matmul %max3A_71, %get3A_74, %dot_general3A_75 {dimension_numbers = #tpu.dot_dimension_numbers<[1], [0], [0], [1], [0, 0, 1, 1], [], []>, transpose_lhs_hint = false} : vector<256x32xf32>, vector<32x1xf32>, vector<256x1xf32> -> vector<256x1xf32>
      %get3A_77 = arith.constant 0 : index
      %get3A_78 = arith.constant 0 : index
      %get3A_79 = vector.load %arg10[%get3A_77, %get3A_78] : memref<1x1xf32, #tpu.memory_space<vmem>>, vector<1x1xf32>
      %add3A_80 = vector.broadcast %get3A_79 : vector<1x1xf32> to vector<256x1xf32>
      %add3A_81 = arith.addf %dot_general3A_76, %add3A_80 : vector<256x1xf32>
      %swap3A_82 = arith.constant 0 : index
      %swap3A_83 = arith.constant 0 : index
      %swap3A_84 = vector.load %arg11[%swap3A_82, %swap3A_83] : memref<256x1xf32, #tpu.memory_space<vmem>>, vector<256x1xf32>
      tpu.vector_store %arg11[%swap3A_82, %swap3A_83], %add3A_81 {strides = array<i32>} : memref<256x1xf32, #tpu.memory_space<vmem>>, vector<256x1xf32>,
    } else {
    }
    return
  }
  func.func @transform_0(%arg0: i32) -> (i32, i32, i32) {
    %c0_i32 = arith.constant 0 : i32
    %c0_i32_0 = arith.constant 0 : i32
    %c0_i32_1 = arith.constant 0 : i32
    return %c0_i32, %arg0, %c0_i32_0 : i32, i32, i32
  }
  func.func @transform_1(%arg0: i32) -> (i32, i32) {
    %c0_i32 = arith.constant 0 : i32
    %c0_i32_0 = arith.constant 0 : i32
    return %arg0, %c0_i32 : i32, i32
  }
  func.func @transform_2(%arg0: i32) -> (i32, i32) {
    %c0_i32 = arith.constant 0 : i32
    %c0_i32_0 = arith.constant 0 : i32
    %c0_i32_1 = arith.constant 0 : i32
    return %c0_i32, %c0_i32_0 : i32, i32
  }
  func.func @transform_3(%arg0: i32) -> (i32, i32, i32) {
    %c0_i32 = arith.constant 0 : i32
    %c0_i32_0 = arith.constant 0 : i32
    %c0_i32_1 = arith.constant 0 : i32
    %c0_i32_2 = arith.constant 0 : i32
    return %c0_i32, %c0_i32_0, %c0_i32_1 : i32, i32, i32
  }
  func.func @transform_4(%arg0: i32) -> (i32, i32, i32) {
    %c0_i32 = arith.constant 0 : i32
    %c0_i32_0 = arith.constant 0 : i32
    %c0_i32_1 = arith.constant 0 : i32
    %c0_i32_2 = arith.constant 0 : i32
    return %c0_i32, %c0_i32_0, %c0_i32_1 : i32, i32, i32
  }
  func.func @transform_5(%arg0: i32) -> (i32, i32, i32) {
    %c0_i32 = arith.constant 0 : i32
    %c0_i32_0 = arith.constant 0 : i32
    %c0_i32_1 = arith.constant 0 : i32
    %c0_i32_2 = arith.constant 0 : i32
    return %c0_i32, %c0_i32_0, %c0_i32_1 : i32, i32, i32
  }
  func.func @transform_6(%arg0: i32) -> (i32, i32) {
    %c0_i32 = arith.constant 0 : i32
    %c0_i32_0 = arith.constant 0 : i32
    %c0_i32_1 = arith.constant 0 : i32
    return %c0_i32, %c0_i32_0 : i32, i32
  }
  func.func @transform_7(%arg0: i32) -> (i32, i32) {
    %c0_i32 = arith.constant 0 : i32
    %c0_i32_0 = arith.constant 0 : i32
    %c0_i32_1 = arith.constant 0 : i32
    return %c0_i32, %c0_i32_0 : i32, i32
  }
  func.func @transform_8(%arg0: i32) -> (i32, i32) {
    %c0_i32 = arith.constant 0 : i32
    %c0_i32_0 = arith.constant 0 : i32
    %c0_i32_1 = arith.constant 0 : i32
    return %c0_i32, %c0_i32_0 : i32, i32
  }
  func.func @transform_9(%arg0: i32) -> (i32, i32) {
    %c0_i32 = arith.constant 0 : i32
    %c0_i32_0 = arith.constant 0 : i32
    %c0_i32_1 = arith.constant 0 : i32
    return %c0_i32, %c0_i32_0 : i32, i32
  }
  func.func @transform_10(%arg0: i32) -> (i32, i32) {
    %c0_i32 = arith.constant 0 : i32
    %c0_i32_0 = arith.constant 0 : i32
    %c0_i32_1 = arith.constant 0 : i32
    return %c0_i32, %c0_i32_0 : i32, i32
  }
}

</mosaic_0001>

<sc_bundles>
// kernel: kernel.10.cloned.1.call-start
scs
__scs_entry_jumppad:
0x0: {  	(pc) =	sbr.rel $0x88, $3  }
0x1: {  	(tag) =	ssettag $0x0;
	lr =	simm.s32 $0x1  }
0x2: {  	[smem:$0x3F8E] =	sst lr;
	_ =	strace $0xD0000000  }
0x3: {  	_ = 	snop  }
0x4: {  	_ = 	snop  }
0x5: {  	_ = 	snop  }
0x6: {  	_ = 	snop  }
0x7: {  	_ = 	snop  }
__scs_overlays_trampoline_lowered:
0x8: {  	[smem:$0x3F9D] =	sst s0  }
0x9: {  	[smem:$0x3F9E] =	sst s1  }
0xa: {  	[smem:$0x3F9F] =	sst s2  }
0xb: {  	[smem:$0x3FA0] =	sst s3  }
0xc: {  	[smem:$0x3FA1] =	sst s4  }
0xd: {  	[smem:$0x3FA2] =	sst s5  }
0xe: {  	[smem:$0x3FA3] =	sst s6  }
0xf: {  	[smem:$0x3FA4] =	sst s7  }
0x10: {  	[smem:$0x3FA5] =	sst s8  }
0x11: {  	[smem:$0x3FA6] =	sst s9;
	s0 =	simm.s32 @!p0 $0x0  }
0x12: {  	s1 =	sld [smem:$0x3F8C];
	s0 =	simm.s32 @p0 $0x1  }
0x13: {  	[smem:$0x3FA7] =	sst s0;
	s0 =	simm.s32 @!p1 $0x0  }
0x14: {  	s2 =	sld [smem:$0x3F8B];
	s0 =	simm.s32 @p1 $0x1  }
0x15: {  	[smem:$0x3FA8] =	sst s0;
	s0 =	simm.s32 @!p2 $0x0  }
0x16: {  	s3 =	sld [smem:$0x3FDB];
	s0 =	simm.s32 @p2 $0x1  }
0x17: {  	s4 =	simm.s32 $0x1BF5;
	[smem:$0x3FAA] =	sst s0  }
0x18: {  	s0 =	sld [smem:$0x3F8D];
	_ =	swait.ge [sflag:s4], $0x0  }
0x19: {  	s7 =	sld [smem:$0x3F8E]  }
0x1a: {  	s8 =	sadd.s32 $0xFFFFE003, lr  }
0x1b: {  	s9 =	sadd.s32 $0xFFFFFEF7, lr;
	s5 =	simm.s32 $0xFFFFFFFF;
	p2 =	slt.u32 s8, $0xFFFFF086  }
0x1c: {  	p1 =	slt.u32 s9, $0xF7A;
	s5 =	simm.s32 @!p2 $0x0  }
0x1d: {  	s5 =	simm.s32 @p1 $0x1;
	p0 =	seq.s32 s7, s2  }
0x1e: {  	s7 =	smul.u32 @!p0 $0xF7A, s2;
	p2 =	seq.s32 @!p0 s5, $0x0  }
0x1f: {  	s9 =	smul.u32 $0xF7A, s1;
	s8 =	simm.s32 @!p0 $0x1BF5;
	p2 =	por !p2, p0  }
0x20: {  	[sflag:s8] =	ssyncset.s32 @!p0 $0xFFFFF086;
	s6 =	sadd.s32 @!p0 s3, s7;
	s7 =	simm.s32 @!p0 $0x108  }
0x21: {  	s3 =	sadd.s32 s3, s9;
	s6 =	sadd.s32 @!p0 $0x88, s6;
	s7 =	simm.s32 @p2 $0x1082  }
0x22: {  	[simem:s7], [sflag:s8] =	dma.local @!p0 [hbm:s6], $0xF7A  }
0x23: {  	s9 =	sor.u32 $0xD0000000, s2;
	s6 =	simm.s32 $0x108;
	_ =	swait.ge @!p0 [sflag:s8], $0x0  }
0x24: {  	s3 =	sadd.s32 $0x88, s3;
	s6 =	simm.s32 @!p1 $0x1082;
	[sflag:s4] =	ssyncset.s32 $0xFFFFF086  }
0x25: {  	[simem:s6], [sflag:s4] =	dma.local [hbm:s3], $0xF7A  }
0x26: {  	[smem:$0x3F8E] =	sst s1;
	(tag) =	ssettag s2;
	_ =	strace s9  }
0x27: {  	s1 =	sld [smem:$0x3F9E]  }
0x28: {  	s2 =	sld [smem:$0x3F9F]  }
0x29: {  	s4 =	sld [smem:$0x3FA1]  }
0x2a: {  	p0 =	seq.s32 s5, $0x0;
	s5 =	sld [smem:$0x3FA2]  }
0x2b: {  	s6 =	sld [smem:$0x3FA3]  }
0x2c: {  	s7 =	sld [smem:$0x3FA4]  }
0x2d: {  	s3 =	simm.s32 $0x108;
	s8 =	sld [smem:$0x3FA5]  }
0x2e: {  	s3 =	simm.s32 @!p0 $0x1082;
	s9 =	sld [smem:$0x3FA6]  }
0x2f: {  	lr =	sadd.s32 s0, s3;
	s0 =	sld [smem:$0x3F9D]  }
0x30: {  	s3 =	sld [smem:$0x3FA0]  }
0x31: {  	[smem:$0x3FA9] =	sst s10  }
0x32: {  	s10 =	sld [smem:$0x3FA7];
	_ =	sdelay $0x3  }
0x33: {  	p0 =	seq.s32 s10, $0x1;
	s10 =	sld [smem:$0x3FA9];
	_ =	sdelay $0x3  }
0x34: {  	[smem:$0x3FA9] =	sst s10  }
0x35: {  	s10 =	sld [smem:$0x3FA8];
	_ =	sdelay $0x3  }
0x36: {  	p1 =	seq.s32 s10, $0x1;
	s10 =	sld [smem:$0x3FA9];
	_ =	sdelay $0x3  }
0x37: {  	[smem:$0x3FA9] =	sst s10  }
0x38: {  	s10 =	sld [smem:$0x3FAA]  }
0x39: {  	_ = 	snop;
	(pc) =	sbr.ind lr, $3  }
0x3a: {  	_ = 	snop  }
0x3b: {  	_ = 	snop  }
0x3c: {  	p2 =	seq.s32 s10, $0x1;
	s10 =	sld [smem:$0x3FA9]  }
0x3d: {  	_ =	shalt  }
0x3e: {  	_ =	shalt  }
0x3f: {  	_ =	shalt  }
0x40: {  	_ =	shalt  }
0x41: {  	_ =	shalt  }
0x42: {  	_ =	shalt  }
0x43: {  	_ =	shalt  }
0x44: {  	_ =	shalt  }
0x45: {  	_ =	shalt  }
0x46: {  	_ =	shalt  }
0x47: {  	_ =	shalt  }
0x48: {  	_ =	shalt  }
0x49: {  	_ =	shalt  }
0x4a: {  	_ =	shalt  }
0x4b: {  	_ =	shalt  }
0x4c: {  	_ =	shalt  }
0x4d: {  	_ =	shalt  }
0x4e: {  	_ =	shalt  }
0x4f: {  	_ =	shalt  }
0x50: {  	_ =	shalt  }
0x51: {  	_ =	shalt  }
0x52: {  	_ =	shalt  }
0x53: {  	_ =	shalt  }
0x54: {  	_ =	shalt  }
0x55: {  	_ =	shalt  }
0x56: {  	_ =	shalt  }
0x57: {  	_ =	shalt  }
0x58: {  	_ =	shalt  }
0x59: {  	_ =	shalt  }
0x5a: {  	_ =	shalt  }
0x5b: {  	_ =	shalt  }
0x5c: {  	_ =	shalt  }
0x5d: {  	_ =	shalt  }
0x5e: {  	_ =	shalt  }
0x5f: {  	_ =	shalt  }
0x60: {  	_ =	shalt  }
0x61: {  	_ =	shalt  }
0x62: {  	_ =	shalt  }
0x63: {  	_ =	shalt  }
0x64: {  	_ =	shalt  }
0x65: {  	_ =	shalt  }
0x66: {  	_ =	shalt  }
0x67: {  	_ =	shalt  }
0x68: {  	_ =	shalt  }
0x69: {  	_ =	shalt  }
0x6a: {  	_ =	shalt  }
0x6b: {  	_ =	shalt  }
0x6c: {  	_ =	shalt  }
0x6d: {  	_ =	shalt  }
0x6e: {  	_ =	shalt  }
0x6f: {  	_ =	shalt  }
0x70: {  	_ =	shalt  }
0x71: {  	_ =	shalt  }
0x72: {  	_ =	shalt  }
0x73: {  	_ =	shalt  }
0x74: {  	_ =	shalt  }
0x75: {  	_ =	shalt  }
0x76: {  	_ =	shalt  }
0x77: {  	_ =	shalt  }
0x78: {  	_ =	shalt  }
0x79: {  	_ =	shalt  }
0x7a: {  	_ =	shalt  }
0x7b: {  	_ =	shalt  }
0x7c: {  	_ =	shalt  }
0x7d: {  	_ =	shalt  }
0x7e: {  	_ =	shalt  }
0x7f: {  	_ =	shalt  }
0x80: {  	_ =	shalt  }
0x81: {  	_ =	shalt  }
0x82: {  	_ =	shalt  }
0x83: {  	_ =	shalt  }
0x84: {  	_ =	shalt  }
0x85: {  	_ =	shalt  }
0x86: {  	_ =	shalt  }
0x87: {  	_ =	shalt  }
.Lfunc_end0:
.L_simem_size_0:
called_computation_lowered:
.L_overlay_start_0:
0x88: {  	s2 =	sld [smem:$0x3FD9]  }
0x89: {  	s3 =	sld [smem:$0x3FFE];
	_ =	sdelay $0x1  }
0x8a: {  	s1 =	srdreg.scid  }
0x8b: {  	s0 =	sand.u32 $0x1, s1  }
0x8c: {  	s16 =	sshll.u32 s0, $0xA;
	s2 =	sadd.s32 s3, s2  }
0x8d: {  	s2 =	sadd.s32 s2, s16  }
0x8e: {  	[smem:$0x3FB5] =	sst s2  }
0x8f: {  	_ = 	snop  }
0x90: {  	(tm) =	ssettm $0x1  }
0x91: {  	s17 =	sld [smem:$0x3FFB];
	_ =	sdelay $0x3  }
0x92: {  	_ =	strace s17  }
0x93: {  	s2 =	sld [smem:$0x3FFC];
	_ =	sdelay $0x3  }
0x94: {  	_ =	strace s2  }
0x95: {  	s2 =	sld [smem:$0x3FFD];
	_ =	sdelay $0x3  }
0x96: {  	_ =	strace s2  }
0x97: {  	_ =	strace $0x8FFFFFFF  }
0x98: {  	s18 =	sld [smem:$0x3FDB];
	_ =	sdelay $0x1  }
0x99: {  	s19 =	simm.s32 $_scs_section_size  }
0x9a: {  	s4 =	simm.s32 $_size__tile_overlayer_lowered;
	s5 =	simm.s32 $_tile_overlayer_lowered  }
0x9b: {  	s22 =	simm.s32 $0x1BFF;
	s21 =	sshll.u32 s5, $0x1;
	s2 =	sadd.s32 s19, s18  }
0x9c: {  	s6 =	simm.s32 $0x0;
	s20 =	sshll.u32 s4, $0x1;
	s4 =	sadd.s32 s21, s2  }
0x9d: {  	[timem:s6], [sflag:s22] =	dma.local [hbm:s4], s20  }
0x9e: {  	_ =	swait.ge [sflag:s22], s20  }
0x9f: {  	s3 =	ssub.s32 $0x0, s20;
	[sflag:s22] =	ssyncset.done $0x0  }
0xa0: {  	[sflag:s22] =	ssyncadd.s32 s3;
	_ =	sdelay $0x1  }
0xa1: {  	s23 =	simm.s32 $0x1B8B  }
0xa2: {  	_ =	swait.ge [sflag:s23], $0x1  }
0xa3: {  	[sflag:s23] =	ssyncset.done $0x0  }
0xa4: {  	s25 =	simm.s32 $0x1B8E;
	s24 =	sld [smem:$0x3FFE];
	[sflag:s23] =	ssyncadd.s32 $0xFFFFFFFF  }
0xa5: {  	s26 =	simm.s32 $execute0_lowered;
	[smem:$0x3FD2] =	sst s25  }
0xa6: {  	s4 =	sshll.u32 s26, $0x1;
	_ =	strace $0x80000046;
	[dreg:$0x1] =	wrdreg $0xFFFFFFFF  }
0xa7: {  	s28 =	simm.s32 $_size_execute0_lowered;
	s2 =	sadd.s32 s2, s4;
	[dreg:$0x0] =	wrdreg $0x0  }
0xa8: {  	s4 =	sshll.u32 s28, $0x1;
	[dreg:$0x2] =	wrdreg s2  }
0xa9: {  	[dreg:$0x3] =	wrdreg s4  }
0xaa: {  	[dreg:$0x4] =	wrdreg $0xC0  }
0xab: {  	_ =	task [dreg:s6], $0x5FFFF  }
0xac: {  	[dreg:$0x1] =	wrdreg $0xFFFFFFFF  }
0xad: {  	[dreg:$0x0] =	wrdreg $0x60  }
0xae: {  	[dreg:$0x2] =	wrdreg s24  }
0xaf: {  	[dreg:$0x3] =	wrdreg $0x53000  }
0xb0: {  	[dreg:$0x4] =	wrdreg $0x9  }
0xb1: {  	_ =	task.clear_ibuf [dreg:s6], $0x5FFFF;
	_ =	strace $0x90000046  }
0xb2: {  	s29 =	simm.s32 $0x9;
	_ =	strace $0x80000048  }
0xb3: {  	_ =	swait.ge [sflag:s29], $0x1  }
0xb4: {  	[sflag:s29] =	ssyncadd.s32 $0xFFFFFFFF  }
0xb5: {  	_ =	strace $0x90000048  }
0xb6: {  	_ =	sfence  }
0xb7: {  	s30 =	sld [smem:$0x0];
	_ =	sdelay $0x2  }
0xb8: {  	s31 =	sshll.u32 s1, $0xD;
	s1 =	sshrl.u32 s1, $0x2  }
0xb9: {  	s3 =	sand.u32 $0x4000, s31;
	s1 =	sadd.s32 s1, s30  }
0xba: {  	s0 =	sor.u32 s3, s0;
	s1 =	sshll.u32 s1, $0x11  }
0xbb: {  	s0 =	sor.u32 s1, s0  }
0xbc: {  	s0 =	sadd.s32 $0x8F2B, s0  }
0xbd: {  	[sflag:s0] =	ssyncadd.remote.s32 $0x1  }
0xbe: {  	_ =	sfence.sel $0xFFFF  }
0xbf: {  	[dreg:$0x0] =	wrdreg $0xFFFFFFFF;
	(pc) =	sbr.abs _section_cstart, $3  }
0xc0: {  	[dreg:$0x1] =	wrdreg $0xFFFFFFFF  }
0xc1: {  	_ =	task.clear_ibuf [dreg:s6], $0x2FFFF;
	_ =	strace $0x9FFFFFFF  }
0xc2: {  	(tm) =	ssettm $0x7FFFFFFF  }
0xc3: {  	_ =	shalt  }
tec
execute0_lowered:
.L_overlay_start_1:
0x0: {  	(tag) =	ssettag $0x1  }
0x1: {  	s4 =	rddreg [dreg:$0x0];
	s0 =	stileid.u32  }
0x2: {  	s1 =	srdreg.scid;
	s2 =	rddreg [dreg:$0x1]  }
0x3: {  	s3 =	simm.s32 $0x0;
	s11 =	simm.s32 $0x80;
	s12 =	simm.s32 $0x280  }
0x4: {  	s5 =	sand.u32 $0x1, s1;
	s6 =	smul.u32 $0x280, s0;
	s1 =	rddreg [dreg:$0x2]  }
0x5: {  	s15 =	simm.s32 $0x0;
	[smem:$0x7FF] =	sst s3;
	s8 =	smul.u32 $0xA00, s0  }
0x6: {  	s13 =	sshll.u32 s0, $0x6;
	s7 =	smul.u32 $0x2800, s5;
	_ =	strace $0x80000047  }
0x7: {  	s9 =	ssub.s32 $0x2, s5;
	s10 =	smul.u32 $0xA000, s5;
	s13 =	sor.u32 $0x1C01, s13  }
0x8: {  	s8 =	sadd.s32 s8, s4;
	s30 =	sshrl.u32 s9, $0x1;
	s7 =	sadd.s32 s6, s7  }
0x9: {  	s9 =	ssub.s32 s9, s30;
	s5 =	sadd.s32 $0x2E00, s8;
	s7 =	sshrl.u32 s7, $0x3  }
0xa: {  	s31 =	sshrl.u32 s10, $0x2;
	s10 =	simm.s32 $0x300;
	s7 =	sadd.s32 s7, s4  }
0xb: {  	s8 =	sor.u32 $0x300, s31;
	s4 =	sadd.s32 s6, s2;
	s6 =	sadd.s32 $0x16E00, s7  }
0xc: {  	v0 =	vimm.f32 $1.000000000e+00;
	s7 =	smax.u32 s9, $0x1;
	s9 =	simm.s32 $0x1;
	s14 =	sshrl.u32 s4, $0x3  }
.LBB2_1:
0xd: {  	[tilespmem:$0x0] =	vst v0  }
0xe: {  	[tilespmem:$0x10] =	vst v0  }
0xf: {  	[tilespmem:$0x20] =	vst v0  }
0x10: {  	[tilespmem:$0x30] =	vst v0  }
0x11: {  	[tilespmem:$0x40] =	vst v0  }
0x12: {  	[tilespmem:$0x50] =	vst v0  }
0x13: {  	[tilespmem:$0x60] =	vst v0  }
0x14: {  	[tilespmem:$0x70] =	vst v0  }
0x15: {  	[tilespmem:$0x80] =	vst v0  }
0x16: {  	[tilespmem:$0x90] =	vst v0  }
0x17: {  	[tilespmem:$0xA0] =	vst v0  }
0x18: {  	[tilespmem:$0xB0] =	vst v0  }
0x19: {  	[tilespmem:$0xC0] =	vst v0  }
0x1a: {  	[tilespmem:$0xD0] =	vst v0  }
0x1b: {  	[tilespmem:$0xE0] =	vst v0  }
0x1c: {  	[tilespmem:$0xF0] =	vst v0  }
0x1d: {  	[tilespmem:$0x100] =	vst v0  }
0x1e: {  	[tilespmem:$0x110] =	vst v0  }
0x1f: {  	[tilespmem:$0x120] =	vst v0  }
0x20: {  	[tilespmem:$0x130] =	vst v0  }
0x21: {  	[tilespmem:$0x140] =	vst v0  }
0x22: {  	[tilespmem:$0x150] =	vst v0  }
0x23: {  	[tilespmem:$0x160] =	vst v0  }
0x24: {  	[tilespmem:$0x170] =	vst v0  }
0x25: {  	[tilespmem:$0x180] =	vst v0  }
0x26: {  	[tilespmem:$0x190] =	vst v0  }
0x27: {  	[tilespmem:$0x1A0] =	vst v0  }
0x28: {  	[tilespmem:$0x1B0] =	vst v0  }
0x29: {  	[tilespmem:$0x1C0] =	vst v0  }
0x2a: {  	[tilespmem:$0x1D0] =	vst v0  }
0x2b: {  	[tilespmem:$0x1E0] =	vst v0  }
0x2c: {  	[tilespmem:$0x1F0] =	vst v0  }
0x2d: {  	[tilespmem:$0x200] =	vst v0  }
0x2e: {  	[tilespmem:$0x210] =	vst v0  }
0x2f: {  	[tilespmem:$0x220] =	vst v0  }
0x30: {  	[tilespmem:$0x230] =	vst v0  }
0x31: {  	[tilespmem:$0x240] =	vst v0  }
0x32: {  	[tilespmem:$0x250] =	vst v0  }
0x33: {  	[tilespmem:$0x260] =	vst v0  }
0x34: {  	[tilespmem:$0x270] =	vst v0  }
0x35: {  	[tilespmem:$0x280] =	vst v0  }
0x36: {  	[tilespmem:$0x290] =	vst v0  }
0x37: {  	[tilespmem:$0x2A0] =	vst v0  }
0x38: {  	[tilespmem:$0x2B0] =	vst v0  }
0x39: {  	[tilespmem:$0x2C0] =	vst v0  }
0x3a: {  	[tilespmem:$0x2D0] =	vst v0  }
0x3b: {  	[tilespmem:$0x2E0] =	vst v0  }
0x3c: {  	[tilespmem:$0x2F0] =	vst v0  }
0x3d: {  	[spmem:s4] =	stream.linear.scatter [tilespmem:s3], [sflag:$0x1], $0x280, $0x38;
	[tilespmem:$0x5580] =	vst v63  }
0x3e: {  	_ =	swait.ge [sflag:s9], $0x280  }
0x3f: {  	[sflag:s9] =	ssyncset.done $0x0  }
0x40: {  	[sflag:s9] =	ssyncadd.s32 $0xFFFFFD80  }
0x41: {  	[tilespmem:s10], [sflag:$0x1] =	stream.linear.gather [hbm4b:s5+s3], $0x5000, $0x38;
	[tilespmem:$0x5580] =	vst v63  }
0x42: {  	_ =	swait.ge [sflag:s9], $0x5000  }
0x43: {  	[sflag:s9] =	ssyncset.done $0x0  }
0x44: {  	[sflag:s9] =	ssyncadd.s32 $0xFFFFB000  }
0x45: {  	s16 =	sadd.s32 $0x0, s8;
	[bflag:$0x0] =	sbarrier.arrive $0xFFFF  }
0x46: {  	[spmem:s2] =	stream.indirect.scatter.add.f32 [tilespmem:s12], [sflag:$0x1], $0x1, s16, s11, $0xb8;
	[tilespmem:$0x5580] =	vst v63  }
0x47: {  	s16 =	simm.s32 $0x200;
	_ =	swait.ge [sflag:s9], $0x80  }
.LBB2_2:
0x48: {  	s17 =	sshra.s32 s16, $0x2;
	[sflag:s9] =	ssyncset.done $0x0;
	p0 =	sne.s32 s16, $0x9E00  }
.Ltmp0:
0x49: {  	s17 =	sadd.s32 s17, s8;
	[sflag:s9] =	ssyncadd.s32 $0xFFFFFF80;
	(pc) =	sbr.rel @p0 .LBB2_2-.Ltmp0, $3  }
0x4a: {  	[spmem:s2] =	stream.indirect.scatter.add.f32 [tilespmem:s12], [sflag:$0x1], $0x1, s17, s11, $0xb8;
	[tilespmem:$0x5580] =	vst v63  }
0x4b: {  	s16 =	sadd.s32 $0x200, s16;
	_ =	sdelay $0x1  }
0x4c: {  	_ =	swait.ge [sflag:s9], $0x80  }
0x4d: {  	[sflag:s9] =	ssyncset.done $0x0;
	s15 =	sadd.s32 $0x1, s15  }
0x4e: {  	[sflag:s9] =	ssyncadd.s32 $0xFFFFFF80;
	p0 =	sne.s32 s15, s7  }
.Ltmp1:
0x4f: {  	[bflag:$0x0] =	sbarrier.arrive $0xFFFF;
	(pc) =	sbr.rel @p0 .LBB2_1-.Ltmp1, $4  }
0x50: {  	[hbm:s6], [sflag:s13] =	dma.local [spmem:s14], $0x50  }
0x51: {  	_ =	swait.ge [sflag:s9], $0x50  }
0x52: {  	[sflag:s9] =	ssyncset.done $0x0  }
0x53: {  	[sflag:s9] =	ssyncadd.s32 $0xFFFFFFB0  }
0x54: {  	_ =	sfence.sel $0x180000  }
0x55: {  	[bflag:$0x0] =	sbarrier.arrive $0xFFFF  }
0x56: {  	p0 =	sne.s32 s0, $0x0;
	_ =	strace $0x90000047  }
0x57: {  	s0 =	sadd.s32 @!p0 $0x100000, s1;
	[bflag:$0x2] =	sbarrier.arrive $0xFFFF  }
0x58: {  	[sflag:s0] =	ssyncadd.tile.s32 @!p0 $0x1;
	_ =	shalt  }
.Lfunc_end2:
_tile_overlayer_lowered:
.L_overlay_start_2:
0x59: {  	(tag) =	ssettag $0x2  }
0x5a: {  	s0 =	rddreg [dreg:$0x0];
	s2 =	stileid.u32  }
0x5b: {  	s1 =	rddreg [dreg:$0x1];
	p0 =	sne.s32 s2, $0x0  }
0x5c: {  	s3 =	rddreg [dreg:$0x2];
	[bflag:$0x3] =	sbarrier.arrive $0xFFFF;
	s2 =	simm.s32 @!p0 $0x1C01  }
0x5d: {  	[timem:s3], [sflag:s2] =	dma.local @!p0 [hbm:s0], s1  }
0x5e: {  	s0 =	simm.s32 @!p0 $0x1  }
0x5f: {  	_ =	swait.ge @!p0 [sflag:s0], s1  }
0x60: {  	s1 =	ssub.s32 @!p0 $0x0, s1;
	[sflag:s0] =	ssyncset.done @!p0 $0x0  }
0x61: {  	[sflag:s0] =	ssyncadd.s32 @!p0 s1  }
0x62: {  	[bflag:$0x3] =	sbarrier.arrive $0xFFFF  }
0x63: {  	_ =	shalt  }

// kernel: kernel.13.cloned.1.call-start
scs
__scs_entry_jumppad:
0x0: {  	(pc) =	sbr.rel $0x88, $3  }
0x1: {  	(tag) =	ssettag $0x0;
	lr =	simm.s32 $0x1  }
0x2: {  	[smem:$0x3F8E] =	sst lr;
	_ =	strace $0xD0000000  }
0x3: {  	_ = 	snop  }
0x4: {  	_ = 	snop  }
0x5: {  	_ = 	snop  }
0x6: {  	_ = 	snop  }
0x7: {  	_ = 	snop  }
__scs_overlays_trampoline_lowered:
0x8: {  	[smem:$0x3F9D] =	sst s0  }
0x9: {  	[smem:$0x3F9E] =	sst s1  }
0xa: {  	[smem:$0x3F9F] =	sst s2  }
0xb: {  	[smem:$0x3FA0] =	sst s3  }
0xc: {  	[smem:$0x3FA1] =	sst s4  }
0xd: {  	[smem:$0x3FA2] =	sst s5  }
0xe: {  	[smem:$0x3FA3] =	sst s6  }
0xf: {  	[smem:$0x3FA4] =	sst s7  }
0x10: {  	[smem:$0x3FA5] =	sst s8  }
0x11: {  	[smem:$0x3FA6] =	sst s9;
	s0 =	simm.s32 @!p0 $0x0  }
0x12: {  	s1 =	sld [smem:$0x3F8C];
	s0 =	simm.s32 @p0 $0x1  }
0x13: {  	[smem:$0x3FA7] =	sst s0;
	s0 =	simm.s32 @!p1 $0x0  }
0x14: {  	s2 =	sld [smem:$0x3F8B];
	s0 =	simm.s32 @p1 $0x1  }
0x15: {  	[smem:$0x3FA8] =	sst s0;
	s0 =	simm.s32 @!p2 $0x0  }
0x16: {  	s3 =	sld [smem:$0x3FDB];
	s0 =	simm.s32 @p2 $0x1  }
0x17: {  	s4 =	simm.s32 $0x1BF5;
	[smem:$0x3FAA] =	sst s0  }
0x18: {  	s0 =	sld [smem:$0x3F8D];
	_ =	swait.ge [sflag:s4], $0x0  }
0x19: {  	s7 =	sld [smem:$0x3F8E]  }
0x1a: {  	s8 =	sadd.s32 $0xFFFFE003, lr  }
0x1b: {  	s9 =	sadd.s32 $0xFFFFFEF7, lr;
	s5 =	simm.s32 $0xFFFFFFFF;
	p2 =	slt.u32 s8, $0xFFFFF086  }
0x1c: {  	p1 =	slt.u32 s9, $0xF7A;
	s5 =	simm.s32 @!p2 $0x0  }
0x1d: {  	s5 =	simm.s32 @p1 $0x1;
	p0 =	seq.s32 s7, s2  }
0x1e: {  	s7 =	smul.u32 @!p0 $0xF7A, s2;
	p2 =	seq.s32 @!p0 s5, $0x0  }
0x1f: {  	s9 =	smul.u32 $0xF7A, s1;
	s8 =	simm.s32 @!p0 $0x1BF5;
	p2 =	por !p2, p0  }
0x20: {  	[sflag:s8] =	ssyncset.s32 @!p0 $0xFFFFF086;
	s6 =	sadd.s32 @!p0 s3, s7;
	s7 =	simm.s32 @!p0 $0x108  }
0x21: {  	s3 =	sadd.s32 s3, s9;
	s6 =	sadd.s32 @!p0 $0x88, s6;
	s7 =	simm.s32 @p2 $0x1082  }
0x22: {  	[simem:s7], [sflag:s8] =	dma.local @!p0 [hbm:s6], $0xF7A  }
0x23: {  	s9 =	sor.u32 $0xD0000000, s2;
	s6 =	simm.s32 $0x108;
	_ =	swait.ge @!p0 [sflag:s8], $0x0  }
0x24: {  	s3 =	sadd.s32 $0x88, s3;
	s6 =	simm.s32 @!p1 $0x1082;
	[sflag:s4] =	ssyncset.s32 $0xFFFFF086  }
0x25: {  	[simem:s6], [sflag:s4] =	dma.local [hbm:s3], $0xF7A  }
0x26: {  	[smem:$0x3F8E] =	sst s1;
	(tag) =	ssettag s2;
	_ =	strace s9  }
0x27: {  	s1 =	sld [smem:$0x3F9E]  }
0x28: {  	s2 =	sld [smem:$0x3F9F]  }
0x29: {  	s4 =	sld [smem:$0x3FA1]  }
0x2a: {  	p0 =	seq.s32 s5, $0x0;
	s5 =	sld [smem:$0x3FA2]  }
0x2b: {  	s6 =	sld [smem:$0x3FA3]  }
0x2c: {  	s7 =	sld [smem:$0x3FA4]  }
0x2d: {  	s3 =	simm.s32 $0x108;
	s8 =	sld [smem:$0x3FA5]  }
0x2e: {  	s3 =	simm.s32 @!p0 $0x1082;
	s9 =	sld [smem:$0x3FA6]  }
0x2f: {  	lr =	sadd.s32 s0, s3;
	s0 =	sld [smem:$0x3F9D]  }
0x30: {  	s3 =	sld [smem:$0x3FA0]  }
0x31: {  	[smem:$0x3FA9] =	sst s10  }
0x32: {  	s10 =	sld [smem:$0x3FA7];
	_ =	sdelay $0x3  }
0x33: {  	p0 =	seq.s32 s10, $0x1;
	s10 =	sld [smem:$0x3FA9];
	_ =	sdelay $0x3  }
0x34: {  	[smem:$0x3FA9] =	sst s10  }
0x35: {  	s10 =	sld [smem:$0x3FA8];
	_ =	sdelay $0x3  }
0x36: {  	p1 =	seq.s32 s10, $0x1;
	s10 =	sld [smem:$0x3FA9];
	_ =	sdelay $0x3  }
0x37: {  	[smem:$0x3FA9] =	sst s10  }
0x38: {  	s10 =	sld [smem:$0x3FAA]  }
0x39: {  	_ = 	snop;
	(pc) =	sbr.ind lr, $3  }
0x3a: {  	_ = 	snop  }
0x3b: {  	_ = 	snop  }
0x3c: {  	p2 =	seq.s32 s10, $0x1;
	s10 =	sld [smem:$0x3FA9]  }
0x3d: {  	_ =	shalt  }
0x3e: {  	_ =	shalt  }
0x3f: {  	_ =	shalt  }
0x40: {  	_ =	shalt  }
0x41: {  	_ =	shalt  }
0x42: {  	_ =	shalt  }
0x43: {  	_ =	shalt  }
0x44: {  	_ =	shalt  }
0x45: {  	_ =	shalt  }
0x46: {  	_ =	shalt  }
0x47: {  	_ =	shalt  }
0x48: {  	_ =	shalt  }
0x49: {  	_ =	shalt  }
0x4a: {  	_ =	shalt  }
0x4b: {  	_ =	shalt  }
0x4c: {  	_ =	shalt  }
0x4d: {  	_ =	shalt  }
0x4e: {  	_ =	shalt  }
0x4f: {  	_ =	shalt  }
0x50: {  	_ =	shalt  }
0x51: {  	_ =	shalt  }
0x52: {  	_ =	shalt  }
0x53: {  	_ =	shalt  }
0x54: {  	_ =	shalt  }
0x55: {  	_ =	shalt  }
0x56: {  	_ =	shalt  }
0x57: {  	_ =	shalt  }
0x58: {  	_ =	shalt  }
0x59: {  	_ =	shalt  }
0x5a: {  	_ =	shalt  }
0x5b: {  	_ =	shalt  }
0x5c: {  	_ =	shalt  }
0x5d: {  	_ =	shalt  }
0x5e: {  	_ =	shalt  }
0x5f: {  	_ =	shalt  }
0x60: {  	_ =	shalt  }
0x61: {  	_ =	shalt  }
0x62: {  	_ =	shalt  }
0x63: {  	_ =	shalt  }
0x64: {  	_ =	shalt  }
0x65: {  	_ =	shalt  }
0x66: {  	_ =	shalt  }
0x67: {  	_ =	shalt  }
0x68: {  	_ =	shalt  }
0x69: {  	_ =	shalt  }
0x6a: {  	_ =	shalt  }
0x6b: {  	_ =	shalt  }
0x6c: {  	_ =	shalt  }
0x6d: {  	_ =	shalt  }
0x6e: {  	_ =	shalt  }
0x6f: {  	_ =	shalt  }
0x70: {  	_ =	shalt  }
0x71: {  	_ =	shalt  }
0x72: {  	_ =	shalt  }
0x73: {  	_ =	shalt  }
0x74: {  	_ =	shalt  }
0x75: {  	_ =	shalt  }
0x76: {  	_ =	shalt  }
0x77: {  	_ =	shalt  }
0x78: {  	_ =	shalt  }
0x79: {  	_ =	shalt  }
0x7a: {  	_ =	shalt  }
0x7b: {  	_ =	shalt  }
0x7c: {  	_ =	shalt  }
0x7d: {  	_ =	shalt  }
0x7e: {  	_ =	shalt  }
0x7f: {  	_ =	shalt  }
0x80: {  	_ =	shalt  }
0x81: {  	_ =	shalt  }
0x82: {  	_ =	shalt  }
0x83: {  	_ =	shalt  }
0x84: {  	_ =	shalt  }
0x85: {  	_ =	shalt  }
0x86: {  	_ =	shalt  }
0x87: {  	_ =	shalt  }
.Lfunc_end0:
.L_simem_size_0:
called_computation.1_lowered:
.L_overlay_start_0:
0x88: {  	s2 =	sld [smem:$0x3FD9]  }
0x89: {  	s3 =	sld [smem:$0x3FFE];
	_ =	sdelay $0x1  }
0x8a: {  	s1 =	srdreg.scid  }
0x8b: {  	s0 =	sand.u32 $0x1, s1  }
0x8c: {  	s16 =	sshll.u32 s0, $0xA;
	s2 =	sadd.s32 s3, s2  }
0x8d: {  	s2 =	sadd.s32 s2, s16  }
0x8e: {  	[smem:$0x3FB5] =	sst s2  }
0x8f: {  	_ = 	snop  }
0x90: {  	(tm) =	ssettm $0x1  }
0x91: {  	s17 =	sld [smem:$0x3FFB];
	_ =	sdelay $0x3  }
0x92: {  	_ =	strace s17  }
0x93: {  	s2 =	sld [smem:$0x3FFC];
	_ =	sdelay $0x3  }
0x94: {  	_ =	strace s2  }
0x95: {  	s2 =	sld [smem:$0x3FFD];
	_ =	sdelay $0x3  }
0x96: {  	_ =	strace s2  }
0x97: {  	_ =	strace $0x8FFFFFFF  }
0x98: {  	s18 =	sld [smem:$0x3FDB];
	_ =	sdelay $0x1  }
0x99: {  	s19 =	simm.s32 $_scs_section_size  }
0x9a: {  	s4 =	simm.s32 $_size__tile_overlayer_lowered;
	s5 =	simm.s32 $_tile_overlayer_lowered  }
0x9b: {  	s22 =	simm.s32 $0x1BFF;
	s21 =	sshll.u32 s5, $0x1;
	s2 =	sadd.s32 s19, s18  }
0x9c: {  	s6 =	simm.s32 $0x0;
	s20 =	sshll.u32 s4, $0x1;
	s4 =	sadd.s32 s21, s2  }
0x9d: {  	[timem:s6], [sflag:s22] =	dma.local [hbm:s4], s20  }
0x9e: {  	_ =	swait.ge [sflag:s22], s20  }
0x9f: {  	s3 =	ssub.s32 $0x0, s20;
	[sflag:s22] =	ssyncset.done $0x0  }
0xa0: {  	[sflag:s22] =	ssyncadd.s32 s3;
	_ =	sdelay $0x1  }
0xa1: {  	s23 =	simm.s32 $0x1B8B  }
0xa2: {  	_ =	swait.ge [sflag:s23], $0x1  }
0xa3: {  	[sflag:s23] =	ssyncset.done $0x0  }
0xa4: {  	s25 =	simm.s32 $0x1B8E;
	s24 =	sld [smem:$0x3FFE];
	[sflag:s23] =	ssyncadd.s32 $0xFFFFFFFF  }
0xa5: {  	s26 =	simm.s32 $execute0_lowered;
	[smem:$0x3FD2] =	sst s25  }
0xa6: {  	s4 =	sshll.u32 s26, $0x1;
	_ =	strace $0x80000049;
	[dreg:$0x1] =	wrdreg $0xFFFFFFFF  }
0xa7: {  	s28 =	simm.s32 $_size_execute0_lowered;
	s2 =	sadd.s32 s2, s4;
	[dreg:$0x0] =	wrdreg $0x0  }
0xa8: {  	s4 =	sshll.u32 s28, $0x1;
	[dreg:$0x2] =	wrdreg s2  }
0xa9: {  	[dreg:$0x3] =	wrdreg s4  }
0xaa: {  	[dreg:$0x4] =	wrdreg $0xC0  }
0xab: {  	_ =	task [dreg:s6], $0x5FFFF  }
0xac: {  	[dreg:$0x1] =	wrdreg $0xFFFFFFFF  }
0xad: {  	[dreg:$0x0] =	wrdreg $0x60  }
0xae: {  	[dreg:$0x2] =	wrdreg s24  }
0xaf: {  	[dreg:$0x3] =	wrdreg $0x140000  }
0xb0: {  	[dreg:$0x4] =	wrdreg $0x190000  }
0xb1: {  	[dreg:$0x5] =	wrdreg $0x9  }
0xb2: {  	_ =	task.clear_ibuf [dreg:s6], $0x6FFFF;
	_ =	strace $0x90000049  }
0xb3: {  	s29 =	simm.s32 $0x9;
	_ =	strace $0x8000004B  }
0xb4: {  	_ =	swait.ge [sflag:s29], $0x1  }
0xb5: {  	[sflag:s29] =	ssyncadd.s32 $0xFFFFFFFF  }
0xb6: {  	_ =	strace $0x9000004B  }
0xb7: {  	_ =	sfence  }
0xb8: {  	s30 =	sld [smem:$0x0];
	_ =	sdelay $0x2  }
0xb9: {  	s31 =	sshll.u32 s1, $0xD;
	s1 =	sshrl.u32 s1, $0x2  }
0xba: {  	s3 =	sand.u32 $0x4000, s31;
	s1 =	sadd.s32 s1, s30  }
0xbb: {  	s0 =	sor.u32 s3, s0;
	s1 =	sshll.u32 s1, $0x11  }
0xbc: {  	s0 =	sor.u32 s1, s0  }
0xbd: {  	s0 =	sadd.s32 $0x8F2B, s0  }
0xbe: {  	[sflag:s0] =	ssyncadd.remote.s32 $0x1  }
0xbf: {  	_ =	sfence.sel $0xFFFF  }
0xc0: {  	[dreg:$0x0] =	wrdreg $0xFFFFFFFF;
	(pc) =	sbr.abs _section_cstart, $3  }
0xc1: {  	[dreg:$0x1] =	wrdreg $0xFFFFFFFF  }
0xc2: {  	_ =	task.clear_ibuf [dreg:s6], $0x2FFFF;
	_ =	strace $0x9FFFFFFF  }
0xc3: {  	(tm) =	ssettm $0x7FFFFFFF  }
tec
execute0_lowered:
.L_overlay_start_1:
0x0: {  	(tag) =	ssettag $0x1  }
0x1: {  	s0 =	rddreg [dreg:$0x0]  }
0x2: {  	s2 =	rddreg [dreg:$0x1];
	s8 =	stileid.u32  }
0x3: {  	s1 =	srdreg.scid;
	s3 =	rddreg [dreg:$0x2];
	s6 =	simm.s32 $0x0  }
0x4: {  	s21 =	simm.s32 $0x15;
	s15 =	simm.s32 $0x80;
	s14 =	simm.s32 $0x8  }
0x5: {  	s9 =	simm.s32 $0xC;
	s10 =	simm.s32 $0xD;
	s13 =	simm.s32 $0xE  }
0x6: {  	s11 =	simm.s32 $0x10;
	s12 =	simm.s32 $0x12;
	s16 =	simm.s32 $0x13  }
0x7: {  	s17 =	simm.s32 $0x14;
	s30 =	simm.s32 $0x11000;
	s31 =	simm.s32 $0x12000  }
0x8: {  	s1 =	sand.u32 $0x1, s1;
	s4 =	smul.u32 $0x5000, s8;
	[smem:$0x7FF] =	sst s6  }
0x9: {  	s22 =	smul.u32 $0xA00, s8;
	s25 =	sshll.u32 s8, $0x6;
	s8 =	simm.s32 $0xB  }
0xa: {  	s5 =	smul.u32 $0x50000, s1;
	s1 =	ssub.s32 $0x2, s1;
	_ =	strace $0x8000004A  }
0xb: {  	s19 =	sor.u32 $0x1C15, s25;
	s7 =	sshrl.u32 s1, $0x1;
	s6 =	sadd.s32 s22, s0  }
0xc: {  	s23 =	sadd.s32 s4, s2;
	[dreg:$0x5] =	wrdreg s19;
	s5 =	sadd.s32 s4, s5  }
0xd: {  	s1 =	ssub.s32 s1, s7;
	s4 =	sadd.s32 s4, s3;
	s26 =	sadd.s32 $0xCE00, s6  }
0xe: {  	s6 =	sadd.s32 $0x2E00, s6;
	s20 =	sshrl.u32 s23, $0x3;
	[dreg:$0x6] =	wrdreg s26  }
0xf: {  	s7 =	simm.s32 $0xA;
	s5 =	sshrl.u32 s5, $0x3;
	[dreg:$0x7] =	wrdreg s6  }
0x10: {  	s28 =	smax.u32 s1, $0x1;
	s29 =	sshrl.u32 s4, $0x3;
	[dreg:$0xa] =	wrdreg s20  }
0x11: {  	s4 =	simm.s32 $0x9;
	s0 =	sadd.s32 s5, s0;
	[dreg:$0x9] =	wrdreg s28  }
0x12: {  	s6 =	simm.s32 $0x11;
	[dreg:$0xb] =	wrdreg s29;
	s24 =	sadd.s32 $0x16E00, s0  }
0x13: {  	s1 =	simm.s32 $0x0;
	s0 =	sadd.s32 $0x2AE00, s0;
	[dreg:$0x4] =	wrdreg s24  }
0x14: {  	s5 =	simm.s32 $0xF;
	[dreg:$0x8] =	wrdreg s0;
	s0 =	simm.s32 $0x7  }
.LBB2_1:
0x15: {  	[dreg:$0xc] =	wrdreg s1  }
0x16: {  	s18 =	rddreg [dreg:$0x4]  }
0x17: {  	[spmem:s20], [sflag:s19] =	dma.local [hbm:s18], $0xA00  }
0x18: {  	_ =	swait.ge [sflag:s21], $0xA00  }
0x19: {  	[sflag:s21] =	ssyncset.done $0x0  }
0x1a: {  	s25 =	rddreg [dreg:$0xb];
	[sflag:s21] =	ssyncadd.s32 $0xFFFFF600  }
0x1b: {  	[spmem:s25], [sflag:s19] =	dma.local [hbm:s18], $0xA00  }
0x1c: {  	_ =	swait.ge [sflag:s21], $0xA00  }
0x1d: {  	[sflag:s21] =	ssyncset.done $0x0  }
0x1e: {  	s26 =	simm.s32 $0x0;
	s28 =	rddreg [dreg:$0x6];
	[sflag:s21] =	ssyncadd.s32 $0xFFFFF600  }
0x1f: {  	[tilespmem:s26], [sflag:$0x15] =	stream.linear.gather [hbm4b:s28+s26], $0x5000, $0x38;
	[tilespmem:$0x1E000] =	vst v63  }
0x20: {  	_ =	swait.ge [sflag:s21], $0x5000  }
0x21: {  	[sflag:s21] =	ssyncset.done $0x0  }
0x22: {  	s1 =	simm.s32 $0x5000;
	s29 =	rddreg [dreg:$0x7];
	[sflag:s21] =	ssyncadd.s32 $0xFFFFB000  }
0x23: {  	[tilespmem:s1], [sflag:$0x15] =	stream.linear.gather [hbm4b:s29+s26], $0x5000, $0x38;
	[tilespmem:$0x1E000] =	vst v63  }
0x24: {  	_ =	swait.ge [sflag:s21], $0x5000  }
0x25: {  	[sflag:s21] =	ssyncset.done $0x0  }
0x26: {  	[sflag:s21] =	ssyncadd.s32 $0xFFFFB000  }
0x27: {  	s19 =	simm.s32 $0xA000;
	s21 =	simm.s32 $0x0;
	[bflag:$0x0] =	sbarrier.arrive $0xFFFF  }
0x28: {  	[tilespmem:s19], [sflag:$0x1] =	stream.indirect.gather [spmem:s3], $0x20, s21, s15, $0xb8;
	[tilespmem:$0x1E000] =	vst v63  }
0x29: {  	s22 =	simm.s32 $0x80;
	s20 =	simm.s32 $0xB000  }
0x2a: {  	[tilespmem:s20], [sflag:$0x2] =	stream.indirect.gather [spmem:s3], $0x20, s22, s15, $0xb8;
	[tilespmem:$0x1E000] =	vst v63  }
0x2b: {  	s23 =	simm.s32 $0x100;
	s21 =	simm.s32 $0xC000  }
0x2c: {  	[tilespmem:s21], [sflag:$0x3] =	stream.indirect.gather [spmem:s3], $0x20, s23, s15, $0xb8;
	[tilespmem:$0x1E000] =	vst v63  }
0x2d: {  	s24 =	simm.s32 $0x180;
	s22 =	simm.s32 $0xD000  }
0x2e: {  	[tilespmem:s22], [sflag:$0x4] =	stream.indirect.gather [spmem:s3], $0x20, s24, s15, $0xb8;
	[tilespmem:$0x1E000] =	vst v63  }
0x2f: {  	s25 =	simm.s32 $0x200;
	s23 =	simm.s32 $0xE000  }
0x30: {  	[tilespmem:s23], [sflag:$0x5] =	stream.indirect.gather [spmem:s3], $0x20, s25, s15, $0xb8;
	[tilespmem:$0x1E000] =	vst v63  }
0x31: {  	s26 =	simm.s32 $0x280;
	s24 =	simm.s32 $0xF000  }
0x32: {  	[tilespmem:s24], [sflag:$0x6] =	stream.indirect.gather [spmem:s3], $0x20, s26, s15, $0xb8;
	[tilespmem:$0x1E000] =	vst v63  }
0x33: {  	s28 =	simm.s32 $0x300;
	s25 =	simm.s32 $0x10000  }
0x34: {  	[tilespmem:s25], [sflag:$0x7] =	stream.indirect.gather [spmem:s3], $0x20, s28, s15, $0xb8;
	[tilespmem:$0x1E000] =	vst v63  }
0x35: {  	s29 =	simm.s32 $0x380;
	s26 =	simm.s32 $0x11000  }
0x36: {  	[tilespmem:s26], [sflag:$0x8] =	stream.indirect.gather [spmem:s3], $0x20, s29, s15, $0xb8;
	[tilespmem:$0x1E000] =	vst v63  }
0x37: {  	s1 =	simm.s32 $0x400;
	s28 =	simm.s32 $0x12000  }
0x38: {  	[tilespmem:s28], [sflag:$0x9] =	stream.indirect.gather [spmem:s3], $0x20, s1, s15, $0xb8;
	[tilespmem:$0x1E000] =	vst v63  }
0x39: {  	s29 =	simm.s32 $0x480;
	s1 =	simm.s32 $0x13000  }
0x3a: {  	[tilespmem:s1], [sflag:$0xA] =	stream.indirect.gather [spmem:s3], $0x20, s29, s15, $0xb8;
	[tilespmem:$0x1E000] =	vst v63  }
0x3b: {  	s29 =	simm.s32 $0x1  }
0x3c: {  	_ =	swait.ge [sflag:s29], $0x1000  }
0x3d: {  	[sflag:s29] =	ssyncset.done $0x0  }
0x3e: {  	[sflag:s29] =	ssyncadd.s32 $0xFFFFF000;
	s29 =	simm.s32 $0x5000  }
0x3f: {  	[spmem:s2] =	stream.indirect.scatter.add.f32 [tilespmem:s19], [sflag:$0xB], $0x20, s29, s15, $0xb8;
	[tilespmem:$0x1E000] =	vst v63  }
0x40: {  	s19 =	simm.s32 $0x2  }
0x41: {  	_ =	swait.ge [sflag:s19], $0x1000  }
0x42: {  	[sflag:s19] =	ssyncset.done $0x0  }
0x43: {  	s29 =	simm.s32 $0x5080;
	[sflag:s19] =	ssyncadd.s32 $0xFFFFF000;
	s19 =	simm.s32 $0x3  }
0x44: {  	[spmem:s2] =	stream.indirect.scatter.add.f32 [tilespmem:s20], [sflag:$0xC], $0x20, s29, s15, $0xb8;
	[tilespmem:$0x1E000] =	vst v63  }
0x45: {  	_ =	swait.ge [sflag:s19], $0x1000  }
0x46: {  	[sflag:s19] =	ssyncset.done $0x0  }
0x47: {  	s20 =	simm.s32 $0x5100;
	s29 =	simm.s32 $0x4;
	[sflag:s19] =	ssyncadd.s32 $0xFFFFF000  }
0x48: {  	[spmem:s2] =	stream.indirect.scatter.add.f32 [tilespmem:s21], [sflag:$0xD], $0x20, s20, s15, $0xb8;
	[tilespmem:$0x1E000] =	vst v63  }
0x49: {  	_ =	swait.ge [sflag:s29], $0x1000  }
0x4a: {  	[sflag:s29] =	ssyncset.done $0x0  }
0x4b: {  	s19 =	simm.s32 $0x5180;
	s20 =	simm.s32 $0x5;
	[sflag:s29] =	ssyncadd.s32 $0xFFFFF000  }
0x4c: {  	[spmem:s2] =	stream.indirect.scatter.add.f32 [tilespmem:s22], [sflag:$0xE], $0x20, s19, s15, $0xb8;
	[tilespmem:$0x1E000] =	vst v63  }
0x4d: {  	_ =	swait.ge [sflag:s20], $0x1000  }
0x4e: {  	[sflag:s20] =	ssyncset.done $0x0  }
0x4f: {  	s21 =	simm.s32 $0x5200;
	s22 =	simm.s32 $0x6;
	[sflag:s20] =	ssyncadd.s32 $0xFFFFF000  }
0x50: {  	[spmem:s2] =	stream.indirect.scatter.add.f32 [tilespmem:s23], [sflag:$0xF], $0x20, s21, s15, $0xb8;
	[tilespmem:$0x1E000] =	vst v63  }
0x51: {  	_ =	swait.ge [sflag:s22], $0x1000  }
0x52: {  	[sflag:s22] =	ssyncset.done $0x0  }
0x53: {  	s23 =	simm.s32 $0x5280;
	[sflag:s22] =	ssyncadd.s32 $0xFFFFF000  }
0x54: {  	[spmem:s2] =	stream.indirect.scatter.add.f32 [tilespmem:s24], [sflag:$0x10], $0x20, s23, s15, $0xb8;
	[tilespmem:$0x1E000] =	vst v63  }
0x55: {  	_ =	swait.ge [sflag:s0], $0x1000  }
0x56: {  	[sflag:s0] =	ssyncset.done $0x0  }
0x57: {  	s24 =	simm.s32 $0x5300;
	[sflag:s0] =	ssyncadd.s32 $0xFFFFF000  }
0x58: {  	[spmem:s2] =	stream.indirect.scatter.add.f32 [tilespmem:s25], [sflag:$0x11], $0x20, s24, s15, $0xb8;
	[tilespmem:$0x1E000] =	vst v63  }
0x59: {  	_ =	swait.ge [sflag:s14], $0x1000  }
0x5a: {  	[sflag:s14] =	ssyncset.done $0x0  }
0x5b: {  	s25 =	simm.s32 $0x5380;
	[sflag:s14] =	ssyncadd.s32 $0xFFFFF000  }
0x5c: {  	[spmem:s2] =	stream.indirect.scatter.add.f32 [tilespmem:s26], [sflag:$0x12], $0x20, s25, s15, $0xb8;
	[tilespmem:$0x1E000] =	vst v63  }
0x5d: {  	_ =	swait.ge [sflag:s4], $0x1000  }
0x5e: {  	[sflag:s4] =	ssyncset.done $0x0  }
0x5f: {  	s26 =	simm.s32 $0x5400;
	[sflag:s4] =	ssyncadd.s32 $0xFFFFF000  }
0x60: {  	[spmem:s2] =	stream.indirect.scatter.add.f32 [tilespmem:s28], [sflag:$0x13], $0x20, s26, s15, $0xb8;
	[tilespmem:$0x1E000] =	vst v63  }
0x61: {  	_ =	swait.ge [sflag:s7], $0x1000  }
0x62: {  	[sflag:s7] =	ssyncset.done $0x0  }
0x63: {  	s29 =	simm.s32 $0x5480;
	[sflag:s7] =	ssyncadd.s32 $0xFFFFF000  }
0x64: {  	[spmem:s2] =	stream.indirect.scatter.add.f32 [tilespmem:s1], [sflag:$0x14], $0x20, s29, s15, $0xb8;
	[tilespmem:$0x1E000] =	vst v63  }
0x65: {  	_ =	swait.ge [sflag:s8], $0x1000  }
0x66: {  	[sflag:s8] =	ssyncset.done $0x0  }
0x67: {  	[sflag:s8] =	ssyncadd.s32 $0xFFFFF000  }
0x68: {  	_ =	swait.ge [sflag:s9], $0x1000  }
0x69: {  	[sflag:s9] =	ssyncset.done $0x0  }
0x6a: {  	[sflag:s9] =	ssyncadd.s32 $0xFFFFF000  }
0x6b: {  	_ =	swait.ge [sflag:s10], $0x1000  }
0x6c: {  	[sflag:s10] =	ssyncset.done $0x0  }
0x6d: {  	[sflag:s10] =	ssyncadd.s32 $0xFFFFF000  }
0x6e: {  	_ =	swait.ge [sflag:s13], $0x1000  }
0x6f: {  	[sflag:s13] =	ssyncset.done $0x0  }
0x70: {  	[sflag:s13] =	ssyncadd.s32 $0xFFFFF000  }
0x71: {  	_ =	swait.ge [sflag:s5], $0x1000  }
0x72: {  	[sflag:s5] =	ssyncset.done $0x0  }
0x73: {  	[sflag:s5] =	ssyncadd.s32 $0xFFFFF000  }
0x74: {  	_ =	swait.ge [sflag:s11], $0x1000  }
0x75: {  	[sflag:s11] =	ssyncset.done $0x0  }
0x76: {  	[sflag:s11] =	ssyncadd.s32 $0xFFFFF000  }
0x77: {  	_ =	swait.ge [sflag:s6], $0x1000  }
0x78: {  	[sflag:s6] =	ssyncset.done $0x0  }
0x79: {  	[sflag:s6] =	ssyncadd.s32 $0xFFFFF000  }
0x7a: {  	_ =	swait.ge [sflag:s12], $0x1000  }
0x7b: {  	[sflag:s12] =	ssyncset.done $0x0  }
0x7c: {  	[sflag:s12] =	ssyncadd.s32 $0xFFFFF000  }
0x7d: {  	_ =	swait.ge [sflag:s16], $0x1000  }
0x7e: {  	[sflag:s16] =	ssyncset.done $0x0  }
0x7f: {  	[sflag:s16] =	ssyncadd.s32 $0xFFFFF000  }
0x80: {  	_ =	swait.ge [sflag:s17], $0x1000  }
0x81: {  	s18 =	simm.s32 $0x1400;
	s19 =	simm.s32 $0x2800;
	[sflag:s17] =	ssyncset.done $0x0  }
.LBB2_2:
0x82: {  	s20 =	sshra.s32 s18, $0x2;
	[sflag:s17] =	ssyncadd.s32 $0xFFFFF000  }
0x83: {  	s18 =	smov.u32 s19;
	s21 =	sadd.s32 $0x1400, s19;
	s22 =	simm.s32 $0xA000  }
0x84: {  	[tilespmem:s22], [sflag:$0x1] =	stream.indirect.gather [spmem:s3], $0x20, s20, s15, $0xb8;
	[tilespmem:$0x1E000] =	vst v63  }
0x85: {  	p0 =	sne.s32 s19, $0x12C00;
	s23 =	simm.s32 $0xB000;
	s19 =	sadd.s32 $0x80, s20  }
0x86: {  	[tilespmem:s23], [sflag:$0x2] =	stream.indirect.gather [spmem:s3], $0x20, s19, s15, $0xb8;
	[tilespmem:$0x1E000] =	vst v63  }
0x87: {  	s24 =	simm.s32 $0xC000;
	s19 =	sadd.s32 $0x100, s20  }
0x88: {  	[tilespmem:s24], [sflag:$0x3] =	stream.indirect.gather [spmem:s3], $0x20, s19, s15, $0xb8;
	[tilespmem:$0x1E000] =	vst v63  }
0x89: {  	s25 =	simm.s32 $0xD000;
	s19 =	sadd.s32 $0x180, s20  }
0x8a: {  	[tilespmem:s25], [sflag:$0x4] =	stream.indirect.gather [spmem:s3], $0x20, s19, s15, $0xb8;
	[tilespmem:$0x1E000] =	vst v63  }
0x8b: {  	s26 =	simm.s32 $0xE000;
	s19 =	sadd.s32 $0x200, s20  }
0x8c: {  	[tilespmem:s26], [sflag:$0x5] =	stream.indirect.gather [spmem:s3], $0x20, s19, s15, $0xb8;
	[tilespmem:$0x1E000] =	vst v63  }
0x8d: {  	s28 =	simm.s32 $0xF000;
	s19 =	sadd.s32 $0x280, s20  }
0x8e: {  	[tilespmem:s28], [sflag:$0x6] =	stream.indirect.gather [spmem:s3], $0x20, s19, s15, $0xb8;
	[tilespmem:$0x1E000] =	vst v63  }
0x8f: {  	s29 =	simm.s32 $0x10000;
	s19 =	sadd.s32 $0x300, s20  }
0x90: {  	[tilespmem:s29], [sflag:$0x7] =	stream.indirect.gather [spmem:s3], $0x20, s19, s15, $0xb8;
	[tilespmem:$0x1E000] =	vst v63  }
0x91: {  	s19 =	sadd.s32 $0x380, s20  }
0x92: {  	[tilespmem:s30], [sflag:$0x8] =	stream.indirect.gather [spmem:s3], $0x20, s19, s15, $0xb8;
	[tilespmem:$0x1E000] =	vst v63  }
0x93: {  	s19 =	sadd.s32 $0x400, s20  }
0x94: {  	[tilespmem:s31], [sflag:$0x9] =	stream.indirect.gather [spmem:s3], $0x20, s19, s15, $0xb8;
	[tilespmem:$0x1E000] =	vst v63  }
0x95: {  	s1 =	simm.s32 $0x13000;
	s19 =	sadd.s32 $0x480, s20  }
0x96: {  	[tilespmem:s1], [sflag:$0xA] =	stream.indirect.gather [spmem:s3], $0x20, s19, s15, $0xb8;
	[tilespmem:$0x1E000] =	vst v63  }
0x97: {  	s19 =	simm.s32 $0x1  }
0x98: {  	_ =	swait.ge [sflag:s19], $0x1000  }
0x99: {  	[sflag:s19] =	ssyncset.done $0x0  }
0x9a: {  	[sflag:s19] =	ssyncadd.s32 $0xFFFFF000;
	s19 =	sadd.s32 $0x5000, s20  }
0x9b: {  	[spmem:s2] =	stream.indirect.scatter.add.f32 [tilespmem:s22], [sflag:$0xB], $0x20, s19, s15, $0xb8;
	[tilespmem:$0x1E000] =	vst v63  }
0x9c: {  	s19 =	simm.s32 $0x2  }
0x9d: {  	_ =	swait.ge [sflag:s19], $0x1000  }
0x9e: {  	[sflag:s19] =	ssyncset.done $0x0  }
0x9f: {  	[sflag:s19] =	ssyncadd.s32 $0xFFFFF000;
	s19 =	sadd.s32 $0x5080, s20  }
0xa0: {  	[spmem:s2] =	stream.indirect.scatter.add.f32 [tilespmem:s23], [sflag:$0xC], $0x20, s19, s15, $0xb8;
	[tilespmem:$0x1E000] =	vst v63  }
0xa1: {  	s19 =	simm.s32 $0x3  }
0xa2: {  	_ =	swait.ge [sflag:s19], $0x1000  }
0xa3: {  	[sflag:s19] =	ssyncset.done $0x0  }
0xa4: {  	[sflag:s19] =	ssyncadd.s32 $0xFFFFF000;
	s19 =	sadd.s32 $0x5100, s20  }
0xa5: {  	[spmem:s2] =	stream.indirect.scatter.add.f32 [tilespmem:s24], [sflag:$0xD], $0x20, s19, s15, $0xb8;
	[tilespmem:$0x1E000] =	vst v63  }
0xa6: {  	s19 =	simm.s32 $0x4  }
0xa7: {  	_ =	swait.ge [sflag:s19], $0x1000  }
0xa8: {  	[sflag:s19] =	ssyncset.done $0x0  }
0xa9: {  	[sflag:s19] =	ssyncadd.s32 $0xFFFFF000;
	s19 =	sadd.s32 $0x5180, s20  }
0xaa: {  	[spmem:s2] =	stream.indirect.scatter.add.f32 [tilespmem:s25], [sflag:$0xE], $0x20, s19, s15, $0xb8;
	[tilespmem:$0x1E000] =	vst v63  }
0xab: {  	s19 =	simm.s32 $0x5  }
0xac: {  	_ =	swait.ge [sflag:s19], $0x1000  }
0xad: {  	[sflag:s19] =	ssyncset.done $0x0  }
0xae: {  	[sflag:s19] =	ssyncadd.s32 $0xFFFFF000;
	s19 =	sadd.s32 $0x5200, s20  }
0xaf: {  	[spmem:s2] =	stream.indirect.scatter.add.f32 [tilespmem:s26], [sflag:$0xF], $0x20, s19, s15, $0xb8;
	[tilespmem:$0x1E000] =	vst v63  }
0xb0: {  	s19 =	simm.s32 $0x6  }
0xb1: {  	_ =	swait.ge [sflag:s19], $0x1000  }
0xb2: {  	[sflag:s19] =	ssyncset.done $0x0  }
0xb3: {  	[sflag:s19] =	ssyncadd.s32 $0xFFFFF000;
	s19 =	sadd.s32 $0x5280, s20  }
0xb4: {  	[spmem:s2] =	stream.indirect.scatter.add.f32 [tilespmem:s28], [sflag:$0x10], $0x20, s19, s15, $0xb8;
	[tilespmem:$0x1E000] =	vst v63  }
0xb5: {  	_ =	swait.ge [sflag:s0], $0x1000  }
0xb6: {  	[sflag:s0] =	ssyncset.done $0x0  }
0xb7: {  	s19 =	sadd.s32 $0x5300, s20;
	[sflag:s0] =	ssyncadd.s32 $0xFFFFF000  }
0xb8: {  	[spmem:s2] =	stream.indirect.scatter.add.f32 [tilespmem:s29], [sflag:$0x11], $0x20, s19, s15, $0xb8;
	[tilespmem:$0x1E000] =	vst v63  }
0xb9: {  	_ =	swait.ge [sflag:s14], $0x1000  }
0xba: {  	[sflag:s14] =	ssyncset.done $0x0  }
0xbb: {  	s19 =	sadd.s32 $0x5380, s20;
	[sflag:s14] =	ssyncadd.s32 $0xFFFFF000  }
0xbc: {  	[spmem:s2] =	stream.indirect.scatter.add.f32 [tilespmem:s30], [sflag:$0x12], $0x20, s19, s15, $0xb8;
	[tilespmem:$0x1E000] =	vst v63  }
0xbd: {  	_ =	swait.ge [sflag:s4], $0x1000  }
0xbe: {  	[sflag:s4] =	ssyncset.done $0x0  }
0xbf: {  	s19 =	sadd.s32 $0x5400, s20;
	[sflag:s4] =	ssyncadd.s32 $0xFFFFF000  }
0xc0: {  	[spmem:s2] =	stream.indirect.scatter.add.f32 [tilespmem:s31], [sflag:$0x13], $0x20, s19, s15, $0xb8;
	[tilespmem:$0x1E000] =	vst v63  }
0xc1: {  	_ =	swait.ge [sflag:s7], $0x1000  }
0xc2: {  	[sflag:s7] =	ssyncset.done $0x0  }
0xc3: {  	s19 =	sadd.s32 $0x5480, s20;
	[sflag:s7] =	ssyncadd.s32 $0xFFFFF000  }
0xc4: {  	[spmem:s2] =	stream.indirect.scatter.add.f32 [tilespmem:s1], [sflag:$0x14], $0x20, s19, s15, $0xb8;
	[tilespmem:$0x1E000] =	vst v63  }
0xc5: {  	_ =	swait.ge [sflag:s8], $0x1000  }
0xc6: {  	[sflag:s8] =	ssyncset.done $0x0  }
0xc7: {  	[sflag:s8] =	ssyncadd.s32 $0xFFFFF000  }
0xc8: {  	_ =	swait.ge [sflag:s9], $0x1000  }
0xc9: {  	[sflag:s9] =	ssyncset.done $0x0  }
0xca: {  	[sflag:s9] =	ssyncadd.s32 $0xFFFFF000  }
0xcb: {  	_ =	swait.ge [sflag:s10], $0x1000  }
0xcc: {  	[sflag:s10] =	ssyncset.done $0x0  }
0xcd: {  	[sflag:s10] =	ssyncadd.s32 $0xFFFFF000  }
0xce: {  	_ =	swait.ge [sflag:s13], $0x1000  }
0xcf: {  	[sflag:s13] =	ssyncset.done $0x0  }
0xd0: {  	[sflag:s13] =	ssyncadd.s32 $0xFFFFF000  }
0xd1: {  	_ =	swait.ge [sflag:s5], $0x1000  }
0xd2: {  	[sflag:s5] =	ssyncset.done $0x0  }
0xd3: {  	[sflag:s5] =	ssyncadd.s32 $0xFFFFF000  }
0xd4: {  	_ =	swait.ge [sflag:s11], $0x1000  }
0xd5: {  	[sflag:s11] =	ssyncset.done $0x0  }
0xd6: {  	[sflag:s11] =	ssyncadd.s32 $0xFFFFF000  }
0xd7: {  	_ =	swait.ge [sflag:s6], $0x1000  }
0xd8: {  	[sflag:s6] =	ssyncset.done $0x0  }
0xd9: {  	[sflag:s6] =	ssyncadd.s32 $0xFFFFF000  }
0xda: {  	_ =	swait.ge [sflag:s12], $0x1000  }
0xdb: {  	[sflag:s12] =	ssyncset.done $0x0  }
0xdc: {  	[sflag:s12] =	ssyncadd.s32 $0xFFFFF000  }
.Ltmp0:
0xdd: {  	_ =	swait.ge [sflag:s16], $0x1000;
	(pc) =	sbr.rel @p0 .LBB2_2-.Ltmp0, $4  }
0xde: {  	[sflag:s16] =	ssyncset.done $0x0  }
0xdf: {  	[sflag:s16] =	ssyncadd.s32 $0xFFFFF000  }
0xe0: {  	_ =	swait.ge [sflag:s17], $0x1000  }
0xe1: {  	s19 =	smov.u32 s21;
	[sflag:s17] =	ssyncset.done $0x0  }
0xe2: {  	s18 =	sshra.s32 s18, $0x2;
	[sflag:s17] =	ssyncadd.s32 $0xFFFFF000;
	s20 =	simm.s32 $0xA000  }
0xe3: {  	[tilespmem:s20], [sflag:$0x1] =	stream.indirect.gather [spmem:s3], $0x20, s18, s15, $0xb8;
	[tilespmem:$0x1E000] =	vst v63  }
0xe4: {  	s21 =	simm.s32 $0xB000;
	s19 =	sadd.s32 $0x80, s18  }
0xe5: {  	[tilespmem:s21], [sflag:$0x2] =	stream.indirect.gather [spmem:s3], $0x20, s19, s15, $0xb8;
	[tilespmem:$0x1E000] =	vst v63  }
0xe6: {  	s22 =	simm.s32 $0xC000;
	s23 =	sadd.s32 $0x100, s18  }
0xe7: {  	[tilespmem:s22], [sflag:$0x3] =	stream.indirect.gather [spmem:s3], $0x20, s23, s15, $0xb8;
	[tilespmem:$0x1E000] =	vst v63  }
0xe8: {  	s24 =	sadd.s32 $0x180, s18;
	s23 =	simm.s32 $0xD000  }
0xe9: {  	[tilespmem:s23], [sflag:$0x4] =	stream.indirect.gather [spmem:s3], $0x20, s24, s15, $0xb8;
	[tilespmem:$0x1E000] =	vst v63  }
0xea: {  	s25 =	sadd.s32 $0x200, s18;
	s24 =	simm.s32 $0xE000  }
0xeb: {  	[tilespmem:s24], [sflag:$0x5] =	stream.indirect.gather [spmem:s3], $0x20, s25, s15, $0xb8;
	[tilespmem:$0x1E000] =	vst v63  }
0xec: {  	s26 =	sadd.s32 $0x280, s18;
	s25 =	simm.s32 $0xF000  }
0xed: {  	[tilespmem:s25], [sflag:$0x6] =	stream.indirect.gather [spmem:s3], $0x20, s26, s15, $0xb8;
	[tilespmem:$0x1E000] =	vst v63  }
0xee: {  	s28 =	sadd.s32 $0x300, s18;
	s26 =	simm.s32 $0x10000  }
0xef: {  	[tilespmem:s26], [sflag:$0x7] =	stream.indirect.gather [spmem:s3], $0x20, s28, s15, $0xb8;
	[tilespmem:$0x1E000] =	vst v63  }
0xf0: {  	s29 =	sadd.s32 $0x380, s18;
	s28 =	simm.s32 $0x11000  }
0xf1: {  	[tilespmem:s28], [sflag:$0x8] =	stream.indirect.gather [spmem:s3], $0x20, s29, s15, $0xb8;
	[tilespmem:$0x1E000] =	vst v63  }
0xf2: {  	s1 =	sadd.s32 $0x400, s18;
	s29 =	simm.s32 $0x12000  }
0xf3: {  	[tilespmem:s29], [sflag:$0x9] =	stream.indirect.gather [spmem:s3], $0x20, s1, s15, $0xb8;
	[tilespmem:$0x1E000] =	vst v63  }
0xf4: {  	s19 =	sadd.s32 $0x480, s18;
	s1 =	simm.s32 $0x13000  }
0xf5: {  	[tilespmem:s1], [sflag:$0xA] =	stream.indirect.gather [spmem:s3], $0x20, s19, s15, $0xb8;
	[tilespmem:$0x1E000] =	vst v63  }
0xf6: {  	s19 =	simm.s32 $0x1  }
0xf7: {  	_ =	swait.ge [sflag:s19], $0x1000  }
0xf8: {  	[sflag:s19] =	ssyncset.done $0x0  }
0xf9: {  	[sflag:s19] =	ssyncadd.s32 $0xFFFFF000;
	s19 =	sadd.s32 $0x5000, s18  }
0xfa: {  	[spmem:s2] =	stream.indirect.scatter.add.f32 [tilespmem:s20], [sflag:$0xB], $0x20, s19, s15, $0xb8;
	[tilespmem:$0x1E000] =	vst v63  }
0xfb: {  	s20 =	simm.s32 $0x2  }
0xfc: {  	_ =	swait.ge [sflag:s20], $0x1000  }
0xfd: {  	[sflag:s20] =	ssyncset.done $0x0  }
0xfe: {  	[sflag:s20] =	ssyncadd.s32 $0xFFFFF000;
	s20 =	sadd.s32 $0x5080, s18  }
0xff: {  	[spmem:s2] =	stream.indirect.scatter.add.f32 [tilespmem:s21], [sflag:$0xC], $0x20, s20, s15, $0xb8;
	[tilespmem:$0x1E000] =	vst v63  }
0x100: {  	s21 =	simm.s32 $0x3  }
0x101: {  	_ =	swait.ge [sflag:s21], $0x1000  }
0x102: {  	[sflag:s21] =	ssyncset.done $0x0  }
0x103: {  	s20 =	sadd.s32 $0x5100, s18;
	[sflag:s21] =	ssyncadd.s32 $0xFFFFF000;
	s21 =	simm.s32 $0x4  }
0x104: {  	[spmem:s2] =	stream.indirect.scatter.add.f32 [tilespmem:s22], [sflag:$0xD], $0x20, s20, s15, $0xb8;
	[tilespmem:$0x1E000] =	vst v63  }
0x105: {  	_ =	swait.ge [sflag:s21], $0x1000  }
0x106: {  	[sflag:s21] =	ssyncset.done $0x0  }
0x107: {  	s22 =	sadd.s32 $0x5180, s18;
	[sflag:s21] =	ssyncadd.s32 $0xFFFFF000  }
0x108: {  	[spmem:s2] =	stream.indirect.scatter.add.f32 [tilespmem:s23], [sflag:$0xE], $0x20, s22, s15, $0xb8;
	[tilespmem:$0x1E000] =	vst v63  }
0x109: {  	s23 =	simm.s32 $0x5  }
0x10a: {  	_ =	swait.ge [sflag:s23], $0x1000  }
0x10b: {  	[sflag:s23] =	ssyncset.done $0x0  }
0x10c: {  	s20 =	sadd.s32 $0x5200, s18;
	s21 =	simm.s32 $0x6;
	[sflag:s23] =	ssyncadd.s32 $0xFFFFF000  }
0x10d: {  	[spmem:s2] =	stream.indirect.scatter.add.f32 [tilespmem:s24], [sflag:$0xF], $0x20, s20, s15, $0xb8;
	[tilespmem:$0x1E000] =	vst v63  }
0x10e: {  	_ =	swait.ge [sflag:s21], $0x1000  }
0x10f: {  	[sflag:s21] =	ssyncset.done $0x0  }
0x110: {  	s22 =	sadd.s32 $0x5280, s18;
	[sflag:s21] =	ssyncadd.s32 $0xFFFFF000  }
0x111: {  	[spmem:s2] =	stream.indirect.scatter.add.f32 [tilespmem:s25], [sflag:$0x10], $0x20, s22, s15, $0xb8;
	[tilespmem:$0x1E000] =	vst v63  }
0x112: {  	_ =	swait.ge [sflag:s0], $0x1000  }
0x113: {  	[sflag:s0] =	ssyncset.done $0x0  }
0x114: {  	s23 =	sadd.s32 $0x5300, s18;
	[sflag:s0] =	ssyncadd.s32 $0xFFFFF000  }
0x115: {  	[spmem:s2] =	stream.indirect.scatter.add.f32 [tilespmem:s26], [sflag:$0x11], $0x20, s23, s15, $0xb8;
	[tilespmem:$0x1E000] =	vst v63  }
0x116: {  	_ =	swait.ge [sflag:s14], $0x1000  }
0x117: {  	[sflag:s14] =	ssyncset.done $0x0  }
0x118: {  	s24 =	sadd.s32 $0x5380, s18;
	[sflag:s14] =	ssyncadd.s32 $0xFFFFF000  }
0x119: {  	[spmem:s2] =	stream.indirect.scatter.add.f32 [tilespmem:s28], [sflag:$0x12], $0x20, s24, s15, $0xb8;
	[tilespmem:$0x1E000] =	vst v63  }
0x11a: {  	_ =	swait.ge [sflag:s4], $0x1000  }
0x11b: {  	[sflag:s4] =	ssyncset.done $0x0  }
0x11c: {  	s25 =	sadd.s32 $0x5400, s18;
	[sflag:s4] =	ssyncadd.s32 $0xFFFFF000  }
0x11d: {  	[spmem:s2] =	stream.indirect.scatter.add.f32 [tilespmem:s29], [sflag:$0x13], $0x20, s25, s15, $0xb8;
	[tilespmem:$0x1E000] =	vst v63  }
0x11e: {  	_ =	swait.ge [sflag:s7], $0x1000  }
0x11f: {  	[sflag:s7] =	ssyncset.done $0x0  }
0x120: {  	s18 =	sadd.s32 $0x5480, s18;
	[sflag:s7] =	ssyncadd.s32 $0xFFFFF000  }
0x121: {  	[spmem:s2] =	stream.indirect.scatter.add.f32 [tilespmem:s1], [sflag:$0x14], $0x20, s18, s15, $0xb8;
	[tilespmem:$0x1E000] =	vst v63  }
0x122: {  	_ =	swait.ge [sflag:s8], $0x1000  }
0x123: {  	[sflag:s8] =	ssyncset.done $0x0  }
0x124: {  	[sflag:s8] =	ssyncadd.s32 $0xFFFFF000  }
0x125: {  	_ =	swait.ge [sflag:s9], $0x1000  }
0x126: {  	[sflag:s9] =	ssyncset.done $0x0  }
0x127: {  	[sflag:s9] =	ssyncadd.s32 $0xFFFFF000  }
0x128: {  	_ =	swait.ge [sflag:s10], $0x1000  }
0x129: {  	[sflag:s10] =	ssyncset.done $0x0  }
0x12a: {  	[sflag:s10] =	ssyncadd.s32 $0xFFFFF000  }
0x12b: {  	_ =	swait.ge [sflag:s13], $0x1000  }
0x12c: {  	[sflag:s13] =	ssyncset.done $0x0  }
0x12d: {  	[sflag:s13] =	ssyncadd.s32 $0xFFFFF000  }
0x12e: {  	_ =	swait.ge [sflag:s5], $0x1000  }
0x12f: {  	[sflag:s5] =	ssyncset.done $0x0  }
0x130: {  	[sflag:s5] =	ssyncadd.s32 $0xFFFFF000  }
0x131: {  	_ =	swait.ge [sflag:s11], $0x1000  }
0x132: {  	[sflag:s11] =	ssyncset.done $0x0  }
0x133: {  	[sflag:s11] =	ssyncadd.s32 $0xFFFFF000  }
0x134: {  	_ =	swait.ge [sflag:s6], $0x1000  }
0x135: {  	[sflag:s6] =	ssyncset.done $0x0  }
0x136: {  	[sflag:s6] =	ssyncadd.s32 $0xFFFFF000  }
0x137: {  	_ =	swait.ge [sflag:s12], $0x1000  }
0x138: {  	[sflag:s12] =	ssyncset.done $0x0  }
0x139: {  	[sflag:s12] =	ssyncadd.s32 $0xFFFFF000  }
0x13a: {  	_ =	swait.ge [sflag:s16], $0x1000  }
0x13b: {  	[sflag:s16] =	ssyncset.done $0x0  }
0x13c: {  	[sflag:s16] =	ssyncadd.s32 $0xFFFFF000  }
0x13d: {  	_ =	swait.ge [sflag:s17], $0x1000  }
0x13e: {  	[sflag:s17] =	ssyncset.done $0x0  }
0x13f: {  	[sflag:s17] =	ssyncadd.s32 $0xFFFFF000  }
0x140: {  	[bflag:$0x0] =	sbarrier.arrive $0xFFFF  }
0x141: {  	s19 =	rddreg [dreg:$0x5]  }
0x142: {  	s26 =	rddreg [dreg:$0x8]  }
0x143: {  	s21 =	simm.s32 $0x15;
	s20 =	rddreg [dreg:$0xa]  }
0x144: {  	[hbm:s26], [sflag:s19] =	dma.local [spmem:s20], $0xA00  }
0x145: {  	_ =	swait.ge [sflag:s21], $0xA00  }
0x146: {  	s28 =	rddreg [dreg:$0xc]  }
0x147: {  	s29 =	rddreg [dreg:$0x9];
	s1 =	sadd.s32 $0x1, s28  }
0x148: {  	p0 =	sne.s32 s1, s29  }
.Ltmp1:
0x149: {  	_ = 	snop;
	(pc) =	sbr.rel @p0 .LBB2_1-.Ltmp1, $3  }
0x14a: {  	_ =	sdelay $0x1  }
0x14b: {  	[sflag:s21] =	ssyncset.done $0x0  }
0x14c: {  	[sflag:s21] =	ssyncadd.s32 $0xFFFFF600  }
0x14d: {  	_ =	sfence.sel $0x180000  }
0x14e: {  	[bflag:$0x0] =	sbarrier.arrive $0xFFFF  }
0x14f: {  	_ =	strace $0x9000004A  }
0x150: {  	s0 =	stileid.u32;
	[bflag:$0x2] =	sbarrier.arrive $0xFFFF  }
0x151: {  	p0 =	sne.s32 s0, $0x0;
	s0 =	rddreg [dreg:$0x3]  }
0x152: {  	s0 =	sadd.s32 @!p0 $0x100000, s0  }
0x153: {  	[sflag:s0] =	ssyncadd.tile.s32 @!p0 $0x1;
	_ =	shalt  }
.Lfunc_end2:
_tile_overlayer_lowered:
.L_overlay_start_2:
0x154: {  	(tag) =	ssettag $0x2  }
0x155: {  	s0 =	rddreg [dreg:$0x0];
	s2 =	stileid.u32  }
0x156: {  	s1 =	rddreg [dreg:$0x1];
	p0 =	sne.s32 s2, $0x0  }
0x157: {  	s3 =	rddreg [dreg:$0x2];
	[bflag:$0x3] =	sbarrier.arrive $0xFFFF;
	s2 =	simm.s32 @!p0 $0x1C15  }
0x158: {  	[timem:s3], [sflag:s2] =	dma.local @!p0 [hbm:s0], s1  }
0x159: {  	s0 =	simm.s32 @!p0 $0x15  }
0x15a: {  	_ =	swait.ge @!p0 [sflag:s0], s1  }
0x15b: {  	s1 =	ssub.s32 @!p0 $0x0, s1;
	[sflag:s0] =	ssyncset.done @!p0 $0x0  }
0x15c: {  	[sflag:s0] =	ssyncadd.s32 @!p0 s1  }
0x15d: {  	[bflag:$0x3] =	sbarrier.arrive $0xFFFF  }
0x15e: {  	_ =	shalt  }

// kernel: kernel.16.cloned.1.call-start
scs
__scs_entry_jumppad:
0x0: {  	(pc) =	sbr.rel $0x88, $3  }
0x1: {  	(tag) =	ssettag $0x0;
	lr =	simm.s32 $0x1  }
0x2: {  	[smem:$0x3F8E] =	sst lr;
	_ =	strace $0xD0000000  }
0x3: {  	_ = 	snop  }
0x4: {  	_ = 	snop  }
0x5: {  	_ = 	snop  }
0x6: {  	_ = 	snop  }
0x7: {  	_ = 	snop  }
__scs_overlays_trampoline_lowered:
0x8: {  	[smem:$0x3F9D] =	sst s0  }
0x9: {  	[smem:$0x3F9E] =	sst s1  }
0xa: {  	[smem:$0x3F9F] =	sst s2  }
0xb: {  	[smem:$0x3FA0] =	sst s3  }
0xc: {  	[smem:$0x3FA1] =	sst s4  }
0xd: {  	[smem:$0x3FA2] =	sst s5  }
0xe: {  	[smem:$0x3FA3] =	sst s6  }
0xf: {  	[smem:$0x3FA4] =	sst s7  }
0x10: {  	[smem:$0x3FA5] =	sst s8  }
0x11: {  	[smem:$0x3FA6] =	sst s9;
	s0 =	simm.s32 @!p0 $0x0  }
0x12: {  	s1 =	sld [smem:$0x3F8C];
	s0 =	simm.s32 @p0 $0x1  }
0x13: {  	[smem:$0x3FA7] =	sst s0;
	s0 =	simm.s32 @!p1 $0x0  }
0x14: {  	s2 =	sld [smem:$0x3F8B];
	s0 =	simm.s32 @p1 $0x1  }
0x15: {  	[smem:$0x3FA8] =	sst s0;
	s0 =	simm.s32 @!p2 $0x0  }
0x16: {  	s3 =	sld [smem:$0x3FDB];
	s0 =	simm.s32 @p2 $0x1  }
0x17: {  	s4 =	simm.s32 $0x1BF5;
	[smem:$0x3FAA] =	sst s0  }
0x18: {  	s0 =	sld [smem:$0x3F8D];
	_ =	swait.ge [sflag:s4], $0x0  }
0x19: {  	s7 =	sld [smem:$0x3F8E]  }
0x1a: {  	s8 =	sadd.s32 $0xFFFFE003, lr  }
0x1b: {  	s9 =	sadd.s32 $0xFFFFFEF7, lr;
	s5 =	simm.s32 $0xFFFFFFFF;
	p2 =	slt.u32 s8, $0xFFFFF086  }
0x1c: {  	p1 =	slt.u32 s9, $0xF7A;
	s5 =	simm.s32 @!p2 $0x0  }
0x1d: {  	s5 =	simm.s32 @p1 $0x1;
	p0 =	seq.s32 s7, s2  }
0x1e: {  	s7 =	smul.u32 @!p0 $0xF7A, s2;
	p2 =	seq.s32 @!p0 s5, $0x0  }
0x1f: {  	s9 =	smul.u32 $0xF7A, s1;
	s8 =	simm.s32 @!p0 $0x1BF5;
	p2 =	por !p2, p0  }
0x20: {  	[sflag:s8] =	ssyncset.s32 @!p0 $0xFFFFF086;
	s6 =	sadd.s32 @!p0 s3, s7;
	s7 =	simm.s32 @!p0 $0x108  }
0x21: {  	s3 =	sadd.s32 s3, s9;
	s6 =	sadd.s32 @!p0 $0x88, s6;
	s7 =	simm.s32 @p2 $0x1082  }
0x22: {  	[simem:s7], [sflag:s8] =	dma.local @!p0 [hbm:s6], $0xF7A  }
0x23: {  	s9 =	sor.u32 $0xD0000000, s2;
	s6 =	simm.s32 $0x108;
	_ =	swait.ge @!p0 [sflag:s8], $0x0  }
0x24: {  	s3 =	sadd.s32 $0x88, s3;
	s6 =	simm.s32 @!p1 $0x1082;
	[sflag:s4] =	ssyncset.s32 $0xFFFFF086  }
0x25: {  	[simem:s6], [sflag:s4] =	dma.local [hbm:s3], $0xF7A  }
0x26: {  	[smem:$0x3F8E] =	sst s1;
	(tag) =	ssettag s2;
	_ =	strace s9  }
0x27: {  	s1 =	sld [smem:$0x3F9E]  }
0x28: {  	s2 =	sld [smem:$0x3F9F]  }
0x29: {  	s4 =	sld [smem:$0x3FA1]  }
0x2a: {  	p0 =	seq.s32 s5, $0x0;
	s5 =	sld [smem:$0x3FA2]  }
0x2b: {  	s6 =	sld [smem:$0x3FA3]  }
0x2c: {  	s7 =	sld [smem:$0x3FA4]  }
0x2d: {  	s3 =	simm.s32 $0x108;
	s8 =	sld [smem:$0x3FA5]  }
0x2e: {  	s3 =	simm.s32 @!p0 $0x1082;
	s9 =	sld [smem:$0x3FA6]  }
0x2f: {  	lr =	sadd.s32 s0, s3;
	s0 =	sld [smem:$0x3F9D]  }
0x30: {  	s3 =	sld [smem:$0x3FA0]  }
0x31: {  	[smem:$0x3FA9] =	sst s10  }
0x32: {  	s10 =	sld [smem:$0x3FA7];
	_ =	sdelay $0x3  }
0x33: {  	p0 =	seq.s32 s10, $0x1;
	s10 =	sld [smem:$0x3FA9];
	_ =	sdelay $0x3  }
0x34: {  	[smem:$0x3FA9] =	sst s10  }
0x35: {  	s10 =	sld [smem:$0x3FA8];
	_ =	sdelay $0x3  }
0x36: {  	p1 =	seq.s32 s10, $0x1;
	s10 =	sld [smem:$0x3FA9];
	_ =	sdelay $0x3  }
0x37: {  	[smem:$0x3FA9] =	sst s10  }
0x38: {  	s10 =	sld [smem:$0x3FAA]  }
0x39: {  	_ = 	snop;
	(pc) =	sbr.ind lr, $3  }
0x3a: {  	_ = 	snop  }
0x3b: {  	_ = 	snop  }
0x3c: {  	p2 =	seq.s32 s10, $0x1;
	s10 =	sld [smem:$0x3FA9]  }
0x3d: {  	_ =	shalt  }
0x3e: {  	_ =	shalt  }
0x3f: {  	_ =	shalt  }
0x40: {  	_ =	shalt  }
0x41: {  	_ =	shalt  }
0x42: {  	_ =	shalt  }
0x43: {  	_ =	shalt  }
0x44: {  	_ =	shalt  }
0x45: {  	_ =	shalt  }
0x46: {  	_ =	shalt  }
0x47: {  	_ =	shalt  }
0x48: {  	_ =	shalt  }
0x49: {  	_ =	shalt  }
0x4a: {  	_ =	shalt  }
0x4b: {  	_ =	shalt  }
0x4c: {  	_ =	shalt  }
0x4d: {  	_ =	shalt  }
0x4e: {  	_ =	shalt  }
0x4f: {  	_ =	shalt  }
0x50: {  	_ =	shalt  }
0x51: {  	_ =	shalt  }
0x52: {  	_ =	shalt  }
0x53: {  	_ =	shalt  }
0x54: {  	_ =	shalt  }
0x55: {  	_ =	shalt  }
0x56: {  	_ =	shalt  }
0x57: {  	_ =	shalt  }
0x58: {  	_ =	shalt  }
0x59: {  	_ =	shalt  }
0x5a: {  	_ =	shalt  }
0x5b: {  	_ =	shalt  }
0x5c: {  	_ =	shalt  }
0x5d: {  	_ =	shalt  }
0x5e: {  	_ =	shalt  }
0x5f: {  	_ =	shalt  }
0x60: {  	_ =	shalt  }
0x61: {  	_ =	shalt  }
0x62: {  	_ =	shalt  }
0x63: {  	_ =	shalt  }
0x64: {  	_ =	shalt  }
0x65: {  	_ =	shalt  }
0x66: {  	_ =	shalt  }
0x67: {  	_ =	shalt  }
0x68: {  	_ =	shalt  }
0x69: {  	_ =	shalt  }
0x6a: {  	_ =	shalt  }
0x6b: {  	_ =	shalt  }
0x6c: {  	_ =	shalt  }
0x6d: {  	_ =	shalt  }
0x6e: {  	_ =	shalt  }
0x6f: {  	_ =	shalt  }
0x70: {  	_ =	shalt  }
0x71: {  	_ =	shalt  }
0x72: {  	_ =	shalt  }
0x73: {  	_ =	shalt  }
0x74: {  	_ =	shalt  }
0x75: {  	_ =	shalt  }
0x76: {  	_ =	shalt  }
0x77: {  	_ =	shalt  }
0x78: {  	_ =	shalt  }
0x79: {  	_ =	shalt  }
0x7a: {  	_ =	shalt  }
0x7b: {  	_ =	shalt  }
0x7c: {  	_ =	shalt  }
0x7d: {  	_ =	shalt  }
0x7e: {  	_ =	shalt  }
0x7f: {  	_ =	shalt  }
0x80: {  	_ =	shalt  }
0x81: {  	_ =	shalt  }
0x82: {  	_ =	shalt  }
0x83: {  	_ =	shalt  }
0x84: {  	_ =	shalt  }
0x85: {  	_ =	shalt  }
0x86: {  	_ =	shalt  }
0x87: {  	_ =	shalt  }
.Lfunc_end0:
.L_simem_size_0:
called_computation.2_lowered:
.L_overlay_start_0:
0x88: {  	s2 =	sld [smem:$0x3FD9]  }
0x89: {  	s3 =	sld [smem:$0x3FFE];
	_ =	sdelay $0x1  }
0x8a: {  	s1 =	srdreg.scid  }
0x8b: {  	s0 =	sand.u32 $0x1, s1  }
0x8c: {  	s16 =	sshll.u32 s0, $0xA;
	s2 =	sadd.s32 s3, s2  }
0x8d: {  	s2 =	sadd.s32 s2, s16  }
0x8e: {  	[smem:$0x3FB5] =	sst s2  }
0x8f: {  	_ = 	snop  }
0x90: {  	(tm) =	ssettm $0x1  }
0x91: {  	s17 =	sld [smem:$0x3FFB];
	_ =	sdelay $0x3  }
0x92: {  	_ =	strace s17  }
0x93: {  	s2 =	sld [smem:$0x3FFC];
	_ =	sdelay $0x3  }
0x94: {  	_ =	strace s2  }
0x95: {  	s2 =	sld [smem:$0x3FFD];
	_ =	sdelay $0x3  }
0x96: {  	_ =	strace s2  }
0x97: {  	_ =	strace $0x8FFFFFFF  }
0x98: {  	s18 =	sld [smem:$0x3FDB];
	_ =	sdelay $0x1  }
0x99: {  	s19 =	simm.s32 $_scs_section_size  }
0x9a: {  	s4 =	simm.s32 $_size__tile_overlayer_lowered;
	s5 =	simm.s32 $_tile_overlayer_lowered  }
0x9b: {  	s22 =	simm.s32 $0x1BFF;
	s21 =	sshll.u32 s5, $0x1;
	s2 =	sadd.s32 s19, s18  }
0x9c: {  	s6 =	simm.s32 $0x0;
	s20 =	sshll.u32 s4, $0x1;
	s4 =	sadd.s32 s21, s2  }
0x9d: {  	[timem:s6], [sflag:s22] =	dma.local [hbm:s4], s20  }
0x9e: {  	_ =	swait.ge [sflag:s22], s20  }
0x9f: {  	s3 =	ssub.s32 $0x0, s20;
	[sflag:s22] =	ssyncset.done $0x0  }
0xa0: {  	[sflag:s22] =	ssyncadd.s32 s3;
	_ =	sdelay $0x1  }
0xa1: {  	s23 =	simm.s32 $0x1B8B  }
0xa2: {  	_ =	swait.ge [sflag:s23], $0x1  }
0xa3: {  	[sflag:s23] =	ssyncset.done $0x0  }
0xa4: {  	s25 =	simm.s32 $0x1B8E;
	s24 =	sld [smem:$0x3FFE];
	[sflag:s23] =	ssyncadd.s32 $0xFFFFFFFF  }
0xa5: {  	s26 =	simm.s32 $execute0_lowered;
	[smem:$0x3FD2] =	sst s25  }
0xa6: {  	s4 =	sshll.u32 s26, $0x1;
	_ =	strace $0x8000004C;
	[dreg:$0x1] =	wrdreg $0xFFFFFFFF  }
0xa7: {  	s28 =	simm.s32 $_size_execute0_lowered;
	s2 =	sadd.s32 s2, s4;
	[dreg:$0x0] =	wrdreg $0x0  }
0xa8: {  	s4 =	sshll.u32 s28, $0x1;
	[dreg:$0x2] =	wrdreg s2  }
0xa9: {  	[dreg:$0x3] =	wrdreg s4  }
0xaa: {  	[dreg:$0x4] =	wrdreg $0xC0  }
0xab: {  	_ =	task [dreg:s6], $0x5FFFF  }
0xac: {  	[dreg:$0x1] =	wrdreg $0xFFFFFFFF  }
0xad: {  	[dreg:$0x0] =	wrdreg $0x60  }
0xae: {  	[dreg:$0x2] =	wrdreg s24  }
0xaf: {  	[dreg:$0x3] =	wrdreg $0x140000  }
0xb0: {  	[dreg:$0x4] =	wrdreg $0x190000  }
0xb1: {  	[dreg:$0x5] =	wrdreg $0x9  }
0xb2: {  	_ =	task.clear_ibuf [dreg:s6], $0x6FFFF;
	_ =	strace $0x9000004C  }
0xb3: {  	s29 =	simm.s32 $0x9;
	_ =	strace $0x8000004E  }
0xb4: {  	_ =	swait.ge [sflag:s29], $0x1  }
0xb5: {  	[sflag:s29] =	ssyncadd.s32 $0xFFFFFFFF  }
0xb6: {  	_ =	strace $0x9000004E  }
0xb7: {  	_ =	sfence  }
0xb8: {  	s30 =	sld [smem:$0x0];
	_ =	sdelay $0x2  }
0xb9: {  	s31 =	sshll.u32 s1, $0xD;
	s1 =	sshrl.u32 s1, $0x2  }
0xba: {  	s3 =	sand.u32 $0x4000, s31;
	s1 =	sadd.s32 s1, s30  }
0xbb: {  	s0 =	sor.u32 s3, s0;
	s1 =	sshll.u32 s1, $0x11  }
0xbc: {  	s0 =	sor.u32 s1, s0  }
0xbd: {  	s0 =	sadd.s32 $0x8F2B, s0  }
0xbe: {  	[sflag:s0] =	ssyncadd.remote.s32 $0x1  }
0xbf: {  	_ =	sfence.sel $0xFFFF  }
0xc0: {  	[dreg:$0x0] =	wrdreg $0xFFFFFFFF;
	(pc) =	sbr.abs _section_cstart, $3  }
0xc1: {  	[dreg:$0x1] =	wrdreg $0xFFFFFFFF  }
0xc2: {  	_ =	task.clear_ibuf [dreg:s6], $0x2FFFF;
	_ =	strace $0x9FFFFFFF  }
0xc3: {  	(tm) =	ssettm $0x7FFFFFFF  }
tec
execute0_lowered:
.L_overlay_start_1:
0x0: {  	(tag) =	ssettag $0x1  }
0x1: {  	s0 =	rddreg [dreg:$0x0]  }
0x2: {  	s2 =	rddreg [dreg:$0x1];
	s8 =	stileid.u32  }
0x3: {  	s1 =	srdreg.scid;
	s3 =	rddreg [dreg:$0x2];
	s6 =	simm.s32 $0x0  }
0x4: {  	s21 =	simm.s32 $0x15;
	s15 =	simm.s32 $0x80;
	s14 =	simm.s32 $0x8  }
0x5: {  	s9 =	simm.s32 $0xC;
	s10 =	simm.s32 $0xD;
	s13 =	simm.s32 $0xE  }
0x6: {  	s11 =	simm.s32 $0x10;
	s12 =	simm.s32 $0x12;
	s16 =	simm.s32 $0x13  }
0x7: {  	s17 =	simm.s32 $0x14;
	s30 =	simm.s32 $0x11000;
	s31 =	simm.s32 $0x12000  }
0x8: {  	s1 =	sand.u32 $0x1, s1;
	s4 =	smul.u32 $0x5000, s8;
	[smem:$0x7FF] =	sst s6  }
0x9: {  	s22 =	smul.u32 $0xA00, s8;
	s25 =	sshll.u32 s8, $0x6;
	s8 =	simm.s32 $0xB  }
0xa: {  	s5 =	smul.u32 $0x50000, s1;
	s1 =	ssub.s32 $0x2, s1;
	_ =	strace $0x8000004D  }
0xb: {  	s19 =	sor.u32 $0x1C15, s25;
	s7 =	sshrl.u32 s1, $0x1;
	s6 =	sadd.s32 s22, s0  }
0xc: {  	s23 =	sadd.s32 s4, s2;
	[dreg:$0x5] =	wrdreg s19;
	s5 =	sadd.s32 s4, s5  }
0xd: {  	s1 =	ssub.s32 s1, s7;
	s4 =	sadd.s32 s4, s3;
	s26 =	sadd.s32 $0xCE00, s6  }
0xe: {  	s6 =	sadd.s32 $0x2E00, s6;
	s20 =	sshrl.u32 s23, $0x3;
	[dreg:$0x6] =	wrdreg s26  }
0xf: {  	s7 =	simm.s32 $0xA;
	s5 =	sshrl.u32 s5, $0x3;
	[dreg:$0x7] =	wrdreg s6  }
0x10: {  	s28 =	smax.u32 s1, $0x1;
	s29 =	sshrl.u32 s4, $0x3;
	[dreg:$0xa] =	wrdreg s20  }
0x11: {  	s4 =	simm.s32 $0x9;
	s0 =	sadd.s32 s5, s0;
	[dreg:$0x9] =	wrdreg s28  }
0x12: {  	s6 =	simm.s32 $0x11;
	[dreg:$0xb] =	wrdreg s29;
	s24 =	sadd.s32 $0x16E00, s0  }
0x13: {  	s1 =	simm.s32 $0x0;
	s0 =	sadd.s32 $0x2AE00, s0;
	[dreg:$0x4] =	wrdreg s24  }
0x14: {  	s5 =	simm.s32 $0xF;
	[dreg:$0x8] =	wrdreg s0;
	s0 =	simm.s32 $0x7  }
.LBB2_1:
0x15: {  	[dreg:$0xc] =	wrdreg s1  }
0x16: {  	s18 =	rddreg [dreg:$0x4]  }
0x17: {  	[spmem:s20], [sflag:s19] =	dma.local [hbm:s18], $0xA00  }
0x18: {  	_ =	swait.ge [sflag:s21], $0xA00  }
0x19: {  	[sflag:s21] =	ssyncset.done $0x0  }
0x1a: {  	s25 =	rddreg [dreg:$0xb];
	[sflag:s21] =	ssyncadd.s32 $0xFFFFF600  }
0x1b: {  	[spmem:s25], [sflag:s19] =	dma.local [hbm:s18], $0xA00  }
0x1c: {  	_ =	swait.ge [sflag:s21], $0xA00  }
0x1d: {  	[sflag:s21] =	ssyncset.done $0x0  }
0x1e: {  	s26 =	simm.s32 $0x0;
	s28 =	rddreg [dreg:$0x6];
	[sflag:s21] =	ssyncadd.s32 $0xFFFFF600  }
0x1f: {  	[tilespmem:s26], [sflag:$0x15] =	stream.linear.gather [hbm4b:s28+s26], $0x5000, $0x38;
	[tilespmem:$0x1E000] =	vst v63  }
0x20: {  	_ =	swait.ge [sflag:s21], $0x5000  }
0x21: {  	[sflag:s21] =	ssyncset.done $0x0  }
0x22: {  	s1 =	simm.s32 $0x5000;
	s29 =	rddreg [dreg:$0x7];
	[sflag:s21] =	ssyncadd.s32 $0xFFFFB000  }
0x23: {  	[tilespmem:s1], [sflag:$0x15] =	stream.linear.gather [hbm4b:s29+s26], $0x5000, $0x38;
	[tilespmem:$0x1E000] =	vst v63  }
0x24: {  	_ =	swait.ge [sflag:s21], $0x5000  }
0x25: {  	[sflag:s21] =	ssyncset.done $0x0  }
0x26: {  	[sflag:s21] =	ssyncadd.s32 $0xFFFFB000  }
0x27: {  	s19 =	simm.s32 $0xA000;
	s21 =	simm.s32 $0x0;
	[bflag:$0x0] =	sbarrier.arrive $0xFFFF  }
0x28: {  	[tilespmem:s19], [sflag:$0x1] =	stream.indirect.gather [spmem:s3], $0x20, s21, s15, $0xb8;
	[tilespmem:$0x1E000] =	vst v63  }
0x29: {  	s22 =	simm.s32 $0x80;
	s20 =	simm.s32 $0xB000  }
0x2a: {  	[tilespmem:s20], [sflag:$0x2] =	stream.indirect.gather [spmem:s3], $0x20, s22, s15, $0xb8;
	[tilespmem:$0x1E000] =	vst v63  }
0x2b: {  	s23 =	simm.s32 $0x100;
	s21 =	simm.s32 $0xC000  }
0x2c: {  	[tilespmem:s21], [sflag:$0x3] =	stream.indirect.gather [spmem:s3], $0x20, s23, s15, $0xb8;
	[tilespmem:$0x1E000] =	vst v63  }
0x2d: {  	s24 =	simm.s32 $0x180;
	s22 =	simm.s32 $0xD000  }
0x2e: {  	[tilespmem:s22], [sflag:$0x4] =	stream.indirect.gather [spmem:s3], $0x20, s24, s15, $0xb8;
	[tilespmem:$0x1E000] =	vst v63  }
0x2f: {  	s25 =	simm.s32 $0x200;
	s23 =	simm.s32 $0xE000  }
0x30: {  	[tilespmem:s23], [sflag:$0x5] =	stream.indirect.gather [spmem:s3], $0x20, s25, s15, $0xb8;
	[tilespmem:$0x1E000] =	vst v63  }
0x31: {  	s26 =	simm.s32 $0x280;
	s24 =	simm.s32 $0xF000  }
0x32: {  	[tilespmem:s24], [sflag:$0x6] =	stream.indirect.gather [spmem:s3], $0x20, s26, s15, $0xb8;
	[tilespmem:$0x1E000] =	vst v63  }
0x33: {  	s28 =	simm.s32 $0x300;
	s25 =	simm.s32 $0x10000  }
0x34: {  	[tilespmem:s25], [sflag:$0x7] =	stream.indirect.gather [spmem:s3], $0x20, s28, s15, $0xb8;
	[tilespmem:$0x1E000] =	vst v63  }
0x35: {  	s29 =	simm.s32 $0x380;
	s26 =	simm.s32 $0x11000  }
0x36: {  	[tilespmem:s26], [sflag:$0x8] =	stream.indirect.gather [spmem:s3], $0x20, s29, s15, $0xb8;
	[tilespmem:$0x1E000] =	vst v63  }
0x37: {  	s1 =	simm.s32 $0x400;
	s28 =	simm.s32 $0x12000  }
0x38: {  	[tilespmem:s28], [sflag:$0x9] =	stream.indirect.gather [spmem:s3], $0x20, s1, s15, $0xb8;
	[tilespmem:$0x1E000] =	vst v63  }
0x39: {  	s29 =	simm.s32 $0x480;
	s1 =	simm.s32 $0x13000  }
0x3a: {  	[tilespmem:s1], [sflag:$0xA] =	stream.indirect.gather [spmem:s3], $0x20, s29, s15, $0xb8;
	[tilespmem:$0x1E000] =	vst v63  }
0x3b: {  	s29 =	simm.s32 $0x1  }
0x3c: {  	_ =	swait.ge [sflag:s29], $0x1000  }
0x3d: {  	[sflag:s29] =	ssyncset.done $0x0  }
0x3e: {  	[sflag:s29] =	ssyncadd.s32 $0xFFFFF000;
	s29 =	simm.s32 $0x5000  }
0x3f: {  	[spmem:s2] =	stream.indirect.scatter.add.f32 [tilespmem:s19], [sflag:$0xB], $0x20, s29, s15, $0xb8;
	[tilespmem:$0x1E000] =	vst v63  }
0x40: {  	s19 =	simm.s32 $0x2  }
0x41: {  	_ =	swait.ge [sflag:s19], $0x1000  }
0x42: {  	[sflag:s19] =	ssyncset.done $0x0  }
0x43: {  	s29 =	simm.s32 $0x5080;
	[sflag:s19] =	ssyncadd.s32 $0xFFFFF000;
	s19 =	simm.s32 $0x3  }
0x44: {  	[spmem:s2] =	stream.indirect.scatter.add.f32 [tilespmem:s20], [sflag:$0xC], $0x20, s29, s15, $0xb8;
	[tilespmem:$0x1E000] =	vst v63  }
0x45: {  	_ =	swait.ge [sflag:s19], $0x1000  }
0x46: {  	[sflag:s19] =	ssyncset.done $0x0  }
0x47: {  	s20 =	simm.s32 $0x5100;
	s29 =	simm.s32 $0x4;
	[sflag:s19] =	ssyncadd.s32 $0xFFFFF000  }
0x48: {  	[spmem:s2] =	stream.indirect.scatter.add.f32 [tilespmem:s21], [sflag:$0xD], $0x20, s20, s15, $0xb8;
	[tilespmem:$0x1E000] =	vst v63  }
0x49: {  	_ =	swait.ge [sflag:s29], $0x1000  }
0x4a: {  	[sflag:s29] =	ssyncset.done $0x0  }
0x4b: {  	s19 =	simm.s32 $0x5180;
	s20 =	simm.s32 $0x5;
	[sflag:s29] =	ssyncadd.s32 $0xFFFFF000  }
0x4c: {  	[spmem:s2] =	stream.indirect.scatter.add.f32 [tilespmem:s22], [sflag:$0xE], $0x20, s19, s15, $0xb8;
	[tilespmem:$0x1E000] =	vst v63  }
0x4d: {  	_ =	swait.ge [sflag:s20], $0x1000  }
0x4e: {  	[sflag:s20] =	ssyncset.done $0x0  }
0x4f: {  	s21 =	simm.s32 $0x5200;
	s22 =	simm.s32 $0x6;
	[sflag:s20] =	ssyncadd.s32 $0xFFFFF000  }
0x50: {  	[spmem:s2] =	stream.indirect.scatter.add.f32 [tilespmem:s23], [sflag:$0xF], $0x20, s21, s15, $0xb8;
	[tilespmem:$0x1E000] =	vst v63  }
0x51: {  	_ =	swait.ge [sflag:s22], $0x1000  }
0x52: {  	[sflag:s22] =	ssyncset.done $0x0  }
0x53: {  	s23 =	simm.s32 $0x5280;
	[sflag:s22] =	ssyncadd.s32 $0xFFFFF000  }
0x54: {  	[spmem:s2] =	stream.indirect.scatter.add.f32 [tilespmem:s24], [sflag:$0x10], $0x20, s23, s15, $0xb8;
	[tilespmem:$0x1E000] =	vst v63  }
0x55: {  	_ =	swait.ge [sflag:s0], $0x1000  }
0x56: {  	[sflag:s0] =	ssyncset.done $0x0  }
0x57: {  	s24 =	simm.s32 $0x5300;
	[sflag:s0] =	ssyncadd.s32 $0xFFFFF000  }
0x58: {  	[spmem:s2] =	stream.indirect.scatter.add.f32 [tilespmem:s25], [sflag:$0x11], $0x20, s24, s15, $0xb8;
	[tilespmem:$0x1E000] =	vst v63  }
0x59: {  	_ =	swait.ge [sflag:s14], $0x1000  }
0x5a: {  	[sflag:s14] =	ssyncset.done $0x0  }
0x5b: {  	s25 =	simm.s32 $0x5380;
	[sflag:s14] =	ssyncadd.s32 $0xFFFFF000  }
0x5c: {  	[spmem:s2] =	stream.indirect.scatter.add.f32 [tilespmem:s26], [sflag:$0x12], $0x20, s25, s15, $0xb8;
	[tilespmem:$0x1E000] =	vst v63  }
0x5d: {  	_ =	swait.ge [sflag:s4], $0x1000  }
0x5e: {  	[sflag:s4] =	ssyncset.done $0x0  }
0x5f: {  	s26 =	simm.s32 $0x5400;
	[sflag:s4] =	ssyncadd.s32 $0xFFFFF000  }
0x60: {  	[spmem:s2] =	stream.indirect.scatter.add.f32 [tilespmem:s28], [sflag:$0x13], $0x20, s26, s15, $0xb8;
	[tilespmem:$0x1E000] =	vst v63  }
0x61: {  	_ =	swait.ge [sflag:s7], $0x1000  }
0x62: {  	[sflag:s7] =	ssyncset.done $0x0  }
0x63: {  	s29 =	simm.s32 $0x5480;
	[sflag:s7] =	ssyncadd.s32 $0xFFFFF000  }
0x64: {  	[spmem:s2] =	stream.indirect.scatter.add.f32 [tilespmem:s1], [sflag:$0x14], $0x20, s29, s15, $0xb8;
	[tilespmem:$0x1E000] =	vst v63  }
0x65: {  	_ =	swait.ge [sflag:s8], $0x1000  }
0x66: {  	[sflag:s8] =	ssyncset.done $0x0  }
0x67: {  	[sflag:s8] =	ssyncadd.s32 $0xFFFFF000  }
0x68: {  	_ =	swait.ge [sflag:s9], $0x1000  }
0x69: {  	[sflag:s9] =	ssyncset.done $0x0  }
0x6a: {  	[sflag:s9] =	ssyncadd.s32 $0xFFFFF000  }
0x6b: {  	_ =	swait.ge [sflag:s10], $0x1000  }
0x6c: {  	[sflag:s10] =	ssyncset.done $0x0  }
0x6d: {  	[sflag:s10] =	ssyncadd.s32 $0xFFFFF000  }
0x6e: {  	_ =	swait.ge [sflag:s13], $0x1000  }
0x6f: {  	[sflag:s13] =	ssyncset.done $0x0  }
0x70: {  	[sflag:s13] =	ssyncadd.s32 $0xFFFFF000  }
0x71: {  	_ =	swait.ge [sflag:s5], $0x1000  }
0x72: {  	[sflag:s5] =	ssyncset.done $0x0  }
0x73: {  	[sflag:s5] =	ssyncadd.s32 $0xFFFFF000  }
0x74: {  	_ =	swait.ge [sflag:s11], $0x1000  }
0x75: {  	[sflag:s11] =	ssyncset.done $0x0  }
0x76: {  	[sflag:s11] =	ssyncadd.s32 $0xFFFFF000  }
0x77: {  	_ =	swait.ge [sflag:s6], $0x1000  }
0x78: {  	[sflag:s6] =	ssyncset.done $0x0  }
0x79: {  	[sflag:s6] =	ssyncadd.s32 $0xFFFFF000  }
0x7a: {  	_ =	swait.ge [sflag:s12], $0x1000  }
0x7b: {  	[sflag:s12] =	ssyncset.done $0x0  }
0x7c: {  	[sflag:s12] =	ssyncadd.s32 $0xFFFFF000  }
0x7d: {  	_ =	swait.ge [sflag:s16], $0x1000  }
0x7e: {  	[sflag:s16] =	ssyncset.done $0x0  }
0x7f: {  	[sflag:s16] =	ssyncadd.s32 $0xFFFFF000  }
0x80: {  	_ =	swait.ge [sflag:s17], $0x1000  }
0x81: {  	s18 =	simm.s32 $0x1400;
	s19 =	simm.s32 $0x2800;
	[sflag:s17] =	ssyncset.done $0x0  }
.LBB2_2:
0x82: {  	s20 =	sshra.s32 s18, $0x2;
	[sflag:s17] =	ssyncadd.s32 $0xFFFFF000  }
0x83: {  	s18 =	smov.u32 s19;
	s21 =	sadd.s32 $0x1400, s19;
	s22 =	simm.s32 $0xA000  }
0x84: {  	[tilespmem:s22], [sflag:$0x1] =	stream.indirect.gather [spmem:s3], $0x20, s20, s15, $0xb8;
	[tilespmem:$0x1E000] =	vst v63  }
0x85: {  	p0 =	sne.s32 s19, $0x12C00;
	s23 =	simm.s32 $0xB000;
	s19 =	sadd.s32 $0x80, s20  }
0x86: {  	[tilespmem:s23], [sflag:$0x2] =	stream.indirect.gather [spmem:s3], $0x20, s19, s15, $0xb8;
	[tilespmem:$0x1E000] =	vst v63  }
0x87: {  	s24 =	simm.s32 $0xC000;
	s19 =	sadd.s32 $0x100, s20  }
0x88: {  	[tilespmem:s24], [sflag:$0x3] =	stream.indirect.gather [spmem:s3], $0x20, s19, s15, $0xb8;
	[tilespmem:$0x1E000] =	vst v63  }
0x89: {  	s25 =	simm.s32 $0xD000;
	s19 =	sadd.s32 $0x180, s20  }
0x8a: {  	[tilespmem:s25], [sflag:$0x4] =	stream.indirect.gather [spmem:s3], $0x20, s19, s15, $0xb8;
	[tilespmem:$0x1E000] =	vst v63  }
0x8b: {  	s26 =	simm.s32 $0xE000;
	s19 =	sadd.s32 $0x200, s20  }
0x8c: {  	[tilespmem:s26], [sflag:$0x5] =	stream.indirect.gather [spmem:s3], $0x20, s19, s15, $0xb8;
	[tilespmem:$0x1E000] =	vst v63  }
0x8d: {  	s28 =	simm.s32 $0xF000;
	s19 =	sadd.s32 $0x280, s20  }
0x8e: {  	[tilespmem:s28], [sflag:$0x6] =	stream.indirect.gather [spmem:s3], $0x20, s19, s15, $0xb8;
	[tilespmem:$0x1E000] =	vst v63  }
0x8f: {  	s29 =	simm.s32 $0x10000;
	s19 =	sadd.s32 $0x300, s20  }
0x90: {  	[tilespmem:s29], [sflag:$0x7] =	stream.indirect.gather [spmem:s3], $0x20, s19, s15, $0xb8;
	[tilespmem:$0x1E000] =	vst v63  }
0x91: {  	s19 =	sadd.s32 $0x380, s20  }
0x92: {  	[tilespmem:s30], [sflag:$0x8] =	stream.indirect.gather [spmem:s3], $0x20, s19, s15, $0xb8;
	[tilespmem:$0x1E000] =	vst v63  }
0x93: {  	s19 =	sadd.s32 $0x400, s20  }
0x94: {  	[tilespmem:s31], [sflag:$0x9] =	stream.indirect.gather [spmem:s3], $0x20, s19, s15, $0xb8;
	[tilespmem:$0x1E000] =	vst v63  }
0x95: {  	s1 =	simm.s32 $0x13000;
	s19 =	sadd.s32 $0x480, s20  }
0x96: {  	[tilespmem:s1], [sflag:$0xA] =	stream.indirect.gather [spmem:s3], $0x20, s19, s15, $0xb8;
	[tilespmem:$0x1E000] =	vst v63  }
0x97: {  	s19 =	simm.s32 $0x1  }
0x98: {  	_ =	swait.ge [sflag:s19], $0x1000  }
0x99: {  	[sflag:s19] =	ssyncset.done $0x0  }
0x9a: {  	[sflag:s19] =	ssyncadd.s32 $0xFFFFF000;
	s19 =	sadd.s32 $0x5000, s20  }
0x9b: {  	[spmem:s2] =	stream.indirect.scatter.add.f32 [tilespmem:s22], [sflag:$0xB], $0x20, s19, s15, $0xb8;
	[tilespmem:$0x1E000] =	vst v63  }
0x9c: {  	s19 =	simm.s32 $0x2  }
0x9d: {  	_ =	swait.ge [sflag:s19], $0x1000  }
0x9e: {  	[sflag:s19] =	ssyncset.done $0x0  }
0x9f: {  	[sflag:s19] =	ssyncadd.s32 $0xFFFFF000;
	s19 =	sadd.s32 $0x5080, s20  }
0xa0: {  	[spmem:s2] =	stream.indirect.scatter.add.f32 [tilespmem:s23], [sflag:$0xC], $0x20, s19, s15, $0xb8;
	[tilespmem:$0x1E000] =	vst v63  }
0xa1: {  	s19 =	simm.s32 $0x3  }
0xa2: {  	_ =	swait.ge [sflag:s19], $0x1000  }
0xa3: {  	[sflag:s19] =	ssyncset.done $0x0  }
0xa4: {  	[sflag:s19] =	ssyncadd.s32 $0xFFFFF000;
	s19 =	sadd.s32 $0x5100, s20  }
0xa5: {  	[spmem:s2] =	stream.indirect.scatter.add.f32 [tilespmem:s24], [sflag:$0xD], $0x20, s19, s15, $0xb8;
	[tilespmem:$0x1E000] =	vst v63  }
0xa6: {  	s19 =	simm.s32 $0x4  }
0xa7: {  	_ =	swait.ge [sflag:s19], $0x1000  }
0xa8: {  	[sflag:s19] =	ssyncset.done $0x0  }
0xa9: {  	[sflag:s19] =	ssyncadd.s32 $0xFFFFF000;
	s19 =	sadd.s32 $0x5180, s20  }
0xaa: {  	[spmem:s2] =	stream.indirect.scatter.add.f32 [tilespmem:s25], [sflag:$0xE], $0x20, s19, s15, $0xb8;
	[tilespmem:$0x1E000] =	vst v63  }
0xab: {  	s19 =	simm.s32 $0x5  }
0xac: {  	_ =	swait.ge [sflag:s19], $0x1000  }
0xad: {  	[sflag:s19] =	ssyncset.done $0x0  }
0xae: {  	[sflag:s19] =	ssyncadd.s32 $0xFFFFF000;
	s19 =	sadd.s32 $0x5200, s20  }
0xaf: {  	[spmem:s2] =	stream.indirect.scatter.add.f32 [tilespmem:s26], [sflag:$0xF], $0x20, s19, s15, $0xb8;
	[tilespmem:$0x1E000] =	vst v63  }
0xb0: {  	s19 =	simm.s32 $0x6  }
0xb1: {  	_ =	swait.ge [sflag:s19], $0x1000  }
0xb2: {  	[sflag:s19] =	ssyncset.done $0x0  }
0xb3: {  	[sflag:s19] =	ssyncadd.s32 $0xFFFFF000;
	s19 =	sadd.s32 $0x5280, s20  }
0xb4: {  	[spmem:s2] =	stream.indirect.scatter.add.f32 [tilespmem:s28], [sflag:$0x10], $0x20, s19, s15, $0xb8;
	[tilespmem:$0x1E000] =	vst v63  }
0xb5: {  	_ =	swait.ge [sflag:s0], $0x1000  }
0xb6: {  	[sflag:s0] =	ssyncset.done $0x0  }
0xb7: {  	s19 =	sadd.s32 $0x5300, s20;
	[sflag:s0] =	ssyncadd.s32 $0xFFFFF000  }
0xb8: {  	[spmem:s2] =	stream.indirect.scatter.add.f32 [tilespmem:s29], [sflag:$0x11], $0x20, s19, s15, $0xb8;
	[tilespmem:$0x1E000] =	vst v63  }
0xb9: {  	_ =	swait.ge [sflag:s14], $0x1000  }
0xba: {  	[sflag:s14] =	ssyncset.done $0x0  }
0xbb: {  	s19 =	sadd.s32 $0x5380, s20;
	[sflag:s14] =	ssyncadd.s32 $0xFFFFF000  }
0xbc: {  	[spmem:s2] =	stream.indirect.scatter.add.f32 [tilespmem:s30], [sflag:$0x12], $0x20, s19, s15, $0xb8;
	[tilespmem:$0x1E000] =	vst v63  }
0xbd: {  	_ =	swait.ge [sflag:s4], $0x1000  }
0xbe: {  	[sflag:s4] =	ssyncset.done $0x0  }
0xbf: {  	s19 =	sadd.s32 $0x5400, s20;
	[sflag:s4] =	ssyncadd.s32 $0xFFFFF000  }
0xc0: {  	[spmem:s2] =	stream.indirect.scatter.add.f32 [tilespmem:s31], [sflag:$0x13], $0x20, s19, s15, $0xb8;
	[tilespmem:$0x1E000] =	vst v63  }
0xc1: {  	_ =	swait.ge [sflag:s7], $0x1000  }
0xc2: {  	[sflag:s7] =	ssyncset.done $0x0  }
0xc3: {  	s19 =	sadd.s32 $0x5480, s20;
	[sflag:s7] =	ssyncadd.s32 $0xFFFFF000  }
0xc4: {  	[spmem:s2] =	stream.indirect.scatter.add.f32 [tilespmem:s1], [sflag:$0x14], $0x20, s19, s15, $0xb8;
	[tilespmem:$0x1E000] =	vst v63  }
0xc5: {  	_ =	swait.ge [sflag:s8], $0x1000  }
0xc6: {  	[sflag:s8] =	ssyncset.done $0x0  }
0xc7: {  	[sflag:s8] =	ssyncadd.s32 $0xFFFFF000  }
0xc8: {  	_ =	swait.ge [sflag:s9], $0x1000  }
0xc9: {  	[sflag:s9] =	ssyncset.done $0x0  }
0xca: {  	[sflag:s9] =	ssyncadd.s32 $0xFFFFF000  }
0xcb: {  	_ =	swait.ge [sflag:s10], $0x1000  }
0xcc: {  	[sflag:s10] =	ssyncset.done $0x0  }
0xcd: {  	[sflag:s10] =	ssyncadd.s32 $0xFFFFF000  }
0xce: {  	_ =	swait.ge [sflag:s13], $0x1000  }
0xcf: {  	[sflag:s13] =	ssyncset.done $0x0  }
0xd0: {  	[sflag:s13] =	ssyncadd.s32 $0xFFFFF000  }
0xd1: {  	_ =	swait.ge [sflag:s5], $0x1000  }
0xd2: {  	[sflag:s5] =	ssyncset.done $0x0  }
0xd3: {  	[sflag:s5] =	ssyncadd.s32 $0xFFFFF000  }
0xd4: {  	_ =	swait.ge [sflag:s11], $0x1000  }
0xd5: {  	[sflag:s11] =	ssyncset.done $0x0  }
0xd6: {  	[sflag:s11] =	ssyncadd.s32 $0xFFFFF000  }
0xd7: {  	_ =	swait.ge [sflag:s6], $0x1000  }
0xd8: {  	[sflag:s6] =	ssyncset.done $0x0  }
0xd9: {  	[sflag:s6] =	ssyncadd.s32 $0xFFFFF000  }
0xda: {  	_ =	swait.ge [sflag:s12], $0x1000  }
0xdb: {  	[sflag:s12] =	ssyncset.done $0x0  }
0xdc: {  	[sflag:s12] =	ssyncadd.s32 $0xFFFFF000  }
.Ltmp0:
0xdd: {  	_ =	swait.ge [sflag:s16], $0x1000;
	(pc) =	sbr.rel @p0 .LBB2_2-.Ltmp0, $4  }
0xde: {  	[sflag:s16] =	ssyncset.done $0x0  }
0xdf: {  	[sflag:s16] =	ssyncadd.s32 $0xFFFFF000  }
0xe0: {  	_ =	swait.ge [sflag:s17], $0x1000  }
0xe1: {  	s19 =	smov.u32 s21;
	[sflag:s17] =	ssyncset.done $0x0  }
0xe2: {  	s18 =	sshra.s32 s18, $0x2;
	[sflag:s17] =	ssyncadd.s32 $0xFFFFF000;
	s20 =	simm.s32 $0xA000  }
0xe3: {  	[tilespmem:s20], [sflag:$0x1] =	stream.indirect.gather [spmem:s3], $0x20, s18, s15, $0xb8;
	[tilespmem:$0x1E000] =	vst v63  }
0xe4: {  	s21 =	simm.s32 $0xB000;
	s19 =	sadd.s32 $0x80, s18  }
0xe5: {  	[tilespmem:s21], [sflag:$0x2] =	stream.indirect.gather [spmem:s3], $0x20, s19, s15, $0xb8;
	[tilespmem:$0x1E000] =	vst v63  }
0xe6: {  	s22 =	simm.s32 $0xC000;
	s23 =	sadd.s32 $0x100, s18  }
0xe7: {  	[tilespmem:s22], [sflag:$0x3] =	stream.indirect.gather [spmem:s3], $0x20, s23, s15, $0xb8;
	[tilespmem:$0x1E000] =	vst v63  }
0xe8: {  	s24 =	sadd.s32 $0x180, s18;
	s23 =	simm.s32 $0xD000  }
0xe9: {  	[tilespmem:s23], [sflag:$0x4] =	stream.indirect.gather [spmem:s3], $0x20, s24, s15, $0xb8;
	[tilespmem:$0x1E000] =	vst v63  }
0xea: {  	s25 =	sadd.s32 $0x200, s18;
	s24 =	simm.s32 $0xE000  }
0xeb: {  	[tilespmem:s24], [sflag:$0x5] =	stream.indirect.gather [spmem:s3], $0x20, s25, s15, $0xb8;
	[tilespmem:$0x1E000] =	vst v63  }
0xec: {  	s26 =	sadd.s32 $0x280, s18;
	s25 =	simm.s32 $0xF000  }
0xed: {  	[tilespmem:s25], [sflag:$0x6] =	stream.indirect.gather [spmem:s3], $0x20, s26, s15, $0xb8;
	[tilespmem:$0x1E000] =	vst v63  }
0xee: {  	s28 =	sadd.s32 $0x300, s18;
	s26 =	simm.s32 $0x10000  }
0xef: {  	[tilespmem:s26], [sflag:$0x7] =	stream.indirect.gather [spmem:s3], $0x20, s28, s15, $0xb8;
	[tilespmem:$0x1E000] =	vst v63  }
0xf0: {  	s29 =	sadd.s32 $0x380, s18;
	s28 =	simm.s32 $0x11000  }
0xf1: {  	[tilespmem:s28], [sflag:$0x8] =	stream.indirect.gather [spmem:s3], $0x20, s29, s15, $0xb8;
	[tilespmem:$0x1E000] =	vst v63  }
0xf2: {  	s1 =	sadd.s32 $0x400, s18;
	s29 =	simm.s32 $0x12000  }
0xf3: {  	[tilespmem:s29], [sflag:$0x9] =	stream.indirect.gather [spmem:s3], $0x20, s1, s15, $0xb8;
	[tilespmem:$0x1E000] =	vst v63  }
0xf4: {  	s19 =	sadd.s32 $0x480, s18;
	s1 =	simm.s32 $0x13000  }
0xf5: {  	[tilespmem:s1], [sflag:$0xA] =	stream.indirect.gather [spmem:s3], $0x20, s19, s15, $0xb8;
	[tilespmem:$0x1E000] =	vst v63  }
0xf6: {  	s19 =	simm.s32 $0x1  }
0xf7: {  	_ =	swait.ge [sflag:s19], $0x1000  }
0xf8: {  	[sflag:s19] =	ssyncset.done $0x0  }
0xf9: {  	[sflag:s19] =	ssyncadd.s32 $0xFFFFF000;
	s19 =	sadd.s32 $0x5000, s18  }
0xfa: {  	[spmem:s2] =	stream.indirect.scatter.add.f32 [tilespmem:s20], [sflag:$0xB], $0x20, s19, s15, $0xb8;
	[tilespmem:$0x1E000] =	vst v63  }
0xfb: {  	s20 =	simm.s32 $0x2  }
0xfc: {  	_ =	swait.ge [sflag:s20], $0x1000  }
0xfd: {  	[sflag:s20] =	ssyncset.done $0x0  }
0xfe: {  	[sflag:s20] =	ssyncadd.s32 $0xFFFFF000;
	s20 =	sadd.s32 $0x5080, s18  }
0xff: {  	[spmem:s2] =	stream.indirect.scatter.add.f32 [tilespmem:s21], [sflag:$0xC], $0x20, s20, s15, $0xb8;
	[tilespmem:$0x1E000] =	vst v63  }
0x100: {  	s21 =	simm.s32 $0x3  }
0x101: {  	_ =	swait.ge [sflag:s21], $0x1000  }
0x102: {  	[sflag:s21] =	ssyncset.done $0x0  }
0x103: {  	s20 =	sadd.s32 $0x5100, s18;
	[sflag:s21] =	ssyncadd.s32 $0xFFFFF000;
	s21 =	simm.s32 $0x4  }
0x104: {  	[spmem:s2] =	stream.indirect.scatter.add.f32 [tilespmem:s22], [sflag:$0xD], $0x20, s20, s15, $0xb8;
	[tilespmem:$0x1E000] =	vst v63  }
0x105: {  	_ =	swait.ge [sflag:s21], $0x1000  }
0x106: {  	[sflag:s21] =	ssyncset.done $0x0  }
0x107: {  	s22 =	sadd.s32 $0x5180, s18;
	[sflag:s21] =	ssyncadd.s32 $0xFFFFF000  }
0x108: {  	[spmem:s2] =	stream.indirect.scatter.add.f32 [tilespmem:s23], [sflag:$0xE], $0x20, s22, s15, $0xb8;
	[tilespmem:$0x1E000] =	vst v63  }
0x109: {  	s23 =	simm.s32 $0x5  }
0x10a: {  	_ =	swait.ge [sflag:s23], $0x1000  }
0x10b: {  	[sflag:s23] =	ssyncset.done $0x0  }
0x10c: {  	s20 =	sadd.s32 $0x5200, s18;
	s21 =	simm.s32 $0x6;
	[sflag:s23] =	ssyncadd.s32 $0xFFFFF000  }
0x10d: {  	[spmem:s2] =	stream.indirect.scatter.add.f32 [tilespmem:s24], [sflag:$0xF], $0x20, s20, s15, $0xb8;
	[tilespmem:$0x1E000] =	vst v63  }
0x10e: {  	_ =	swait.ge [sflag:s21], $0x1000  }
0x10f: {  	[sflag:s21] =	ssyncset.done $0x0  }
0x110: {  	s22 =	sadd.s32 $0x5280, s18;
	[sflag:s21] =	ssyncadd.s32 $0xFFFFF000  }
0x111: {  	[spmem:s2] =	stream.indirect.scatter.add.f32 [tilespmem:s25], [sflag:$0x10], $0x20, s22, s15, $0xb8;
	[tilespmem:$0x1E000] =	vst v63  }
0x112: {  	_ =	swait.ge [sflag:s0], $0x1000  }
0x113: {  	[sflag:s0] =	ssyncset.done $0x0  }
0x114: {  	s23 =	sadd.s32 $0x5300, s18;
	[sflag:s0] =	ssyncadd.s32 $0xFFFFF000  }
0x115: {  	[spmem:s2] =	stream.indirect.scatter.add.f32 [tilespmem:s26], [sflag:$0x11], $0x20, s23, s15, $0xb8;
	[tilespmem:$0x1E000] =	vst v63  }
0x116: {  	_ =	swait.ge [sflag:s14], $0x1000  }
0x117: {  	[sflag:s14] =	ssyncset.done $0x0  }
0x118: {  	s24 =	sadd.s32 $0x5380, s18;
	[sflag:s14] =	ssyncadd.s32 $0xFFFFF000  }
0x119: {  	[spmem:s2] =	stream.indirect.scatter.add.f32 [tilespmem:s28], [sflag:$0x12], $0x20, s24, s15, $0xb8;
	[tilespmem:$0x1E000] =	vst v63  }
0x11a: {  	_ =	swait.ge [sflag:s4], $0x1000  }
0x11b: {  	[sflag:s4] =	ssyncset.done $0x0  }
0x11c: {  	s25 =	sadd.s32 $0x5400, s18;
	[sflag:s4] =	ssyncadd.s32 $0xFFFFF000  }
0x11d: {  	[spmem:s2] =	stream.indirect.scatter.add.f32 [tilespmem:s29], [sflag:$0x13], $0x20, s25, s15, $0xb8;
	[tilespmem:$0x1E000] =	vst v63  }
0x11e: {  	_ =	swait.ge [sflag:s7], $0x1000  }
0x11f: {  	[sflag:s7] =	ssyncset.done $0x0  }
0x120: {  	s18 =	sadd.s32 $0x5480, s18;
	[sflag:s7] =	ssyncadd.s32 $0xFFFFF000  }
0x121: {  	[spmem:s2] =	stream.indirect.scatter.add.f32 [tilespmem:s1], [sflag:$0x14], $0x20, s18, s15, $0xb8;
	[tilespmem:$0x1E000] =	vst v63  }
0x122: {  	_ =	swait.ge [sflag:s8], $0x1000  }
0x123: {  	[sflag:s8] =	ssyncset.done $0x0  }
0x124: {  	[sflag:s8] =	ssyncadd.s32 $0xFFFFF000  }
0x125: {  	_ =	swait.ge [sflag:s9], $0x1000  }
0x126: {  	[sflag:s9] =	ssyncset.done $0x0  }
0x127: {  	[sflag:s9] =	ssyncadd.s32 $0xFFFFF000  }
0x128: {  	_ =	swait.ge [sflag:s10], $0x1000  }
0x129: {  	[sflag:s10] =	ssyncset.done $0x0  }
0x12a: {  	[sflag:s10] =	ssyncadd.s32 $0xFFFFF000  }
0x12b: {  	_ =	swait.ge [sflag:s13], $0x1000  }
0x12c: {  	[sflag:s13] =	ssyncset.done $0x0  }
0x12d: {  	[sflag:s13] =	ssyncadd.s32 $0xFFFFF000  }
0x12e: {  	_ =	swait.ge [sflag:s5], $0x1000  }
0x12f: {  	[sflag:s5] =	ssyncset.done $0x0  }
0x130: {  	[sflag:s5] =	ssyncadd.s32 $0xFFFFF000  }
0x131: {  	_ =	swait.ge [sflag:s11], $0x1000  }
0x132: {  	[sflag:s11] =	ssyncset.done $0x0  }
0x133: {  	[sflag:s11] =	ssyncadd.s32 $0xFFFFF000  }
0x134: {  	_ =	swait.ge [sflag:s6], $0x1000  }
0x135: {  	[sflag:s6] =	ssyncset.done $0x0  }
0x136: {  	[sflag:s6] =	ssyncadd.s32 $0xFFFFF000  }
0x137: {  	_ =	swait.ge [sflag:s12], $0x1000  }
0x138: {  	[sflag:s12] =	ssyncset.done $0x0  }
0x139: {  	[sflag:s12] =	ssyncadd.s32 $0xFFFFF000  }
0x13a: {  	_ =	swait.ge [sflag:s16], $0x1000  }
0x13b: {  	[sflag:s16] =	ssyncset.done $0x0  }
0x13c: {  	[sflag:s16] =	ssyncadd.s32 $0xFFFFF000  }
0x13d: {  	_ =	swait.ge [sflag:s17], $0x1000  }
0x13e: {  	[sflag:s17] =	ssyncset.done $0x0  }
0x13f: {  	[sflag:s17] =	ssyncadd.s32 $0xFFFFF000  }
0x140: {  	[bflag:$0x0] =	sbarrier.arrive $0xFFFF  }
0x141: {  	s19 =	rddreg [dreg:$0x5]  }
0x142: {  	s26 =	rddreg [dreg:$0x8]  }
0x143: {  	s21 =	simm.s32 $0x15;
	s20 =	rddreg [dreg:$0xa]  }
0x144: {  	[hbm:s26], [sflag:s19] =	dma.local [spmem:s20], $0xA00  }
0x145: {  	_ =	swait.ge [sflag:s21], $0xA00  }
0x146: {  	s28 =	rddreg [dreg:$0xc]  }
0x147: {  	s29 =	rddreg [dreg:$0x9];
	s1 =	sadd.s32 $0x1, s28  }
0x148: {  	p0 =	sne.s32 s1, s29  }
.Ltmp1:
0x149: {  	_ = 	snop;
	(pc) =	sbr.rel @p0 .LBB2_1-.Ltmp1, $3  }
0x14a: {  	_ =	sdelay $0x1  }
0x14b: {  	[sflag:s21] =	ssyncset.done $0x0  }
0x14c: {  	[sflag:s21] =	ssyncadd.s32 $0xFFFFF600  }
0x14d: {  	_ =	sfence.sel $0x180000  }
0x14e: {  	[bflag:$0x0] =	sbarrier.arrive $0xFFFF  }
0x14f: {  	_ =	strace $0x9000004D  }
0x150: {  	s0 =	stileid.u32;
	[bflag:$0x2] =	sbarrier.arrive $0xFFFF  }
0x151: {  	p0 =	sne.s32 s0, $0x0;
	s0 =	rddreg [dreg:$0x3]  }
0x152: {  	s0 =	sadd.s32 @!p0 $0x100000, s0  }
0x153: {  	[sflag:s0] =	ssyncadd.tile.s32 @!p0 $0x1;
	_ =	shalt  }
.Lfunc_end2:
_tile_overlayer_lowered:
.L_overlay_start_2:
0x154: {  	(tag) =	ssettag $0x2  }
0x155: {  	s0 =	rddreg [dreg:$0x0];
	s2 =	stileid.u32  }
0x156: {  	s1 =	rddreg [dreg:$0x1];
	p0 =	sne.s32 s2, $0x0  }
0x157: {  	s3 =	rddreg [dreg:$0x2];
	[bflag:$0x3] =	sbarrier.arrive $0xFFFF;
	s2 =	simm.s32 @!p0 $0x1C15  }
0x158: {  	[timem:s3], [sflag:s2] =	dma.local @!p0 [hbm:s0], s1  }
0x159: {  	s0 =	simm.s32 @!p0 $0x15  }
0x15a: {  	_ =	swait.ge @!p0 [sflag:s0], s1  }
0x15b: {  	s1 =	ssub.s32 @!p0 $0x0, s1;
	[sflag:s0] =	ssyncset.done @!p0 $0x0  }
0x15c: {  	[sflag:s0] =	ssyncadd.s32 @!p0 s1  }
0x15d: {  	[bflag:$0x3] =	sbarrier.arrive $0xFFFF  }
0x15e: {  	_ =	shalt  }

// kernel: kernel.19.cloned.1.call-start
scs
__scs_entry_jumppad:
0x0: {  	(pc) =	sbr.rel $0x88, $3  }
0x1: {  	(tag) =	ssettag $0x0;
	lr =	simm.s32 $0x1  }
0x2: {  	[smem:$0x3F8E] =	sst lr;
	_ =	strace $0xD0000000  }
0x3: {  	_ = 	snop  }
0x4: {  	_ = 	snop  }
0x5: {  	_ = 	snop  }
0x6: {  	_ = 	snop  }
0x7: {  	_ = 	snop  }
__scs_overlays_trampoline_lowered:
0x8: {  	[smem:$0x3F9D] =	sst s0  }
0x9: {  	[smem:$0x3F9E] =	sst s1  }
0xa: {  	[smem:$0x3F9F] =	sst s2  }
0xb: {  	[smem:$0x3FA0] =	sst s3  }
0xc: {  	[smem:$0x3FA1] =	sst s4  }
0xd: {  	[smem:$0x3FA2] =	sst s5  }
0xe: {  	[smem:$0x3FA3] =	sst s6  }
0xf: {  	[smem:$0x3FA4] =	sst s7  }
0x10: {  	[smem:$0x3FA5] =	sst s8  }
0x11: {  	[smem:$0x3FA6] =	sst s9;
	s0 =	simm.s32 @!p0 $0x0  }
0x12: {  	s1 =	sld [smem:$0x3F8C];
	s0 =	simm.s32 @p0 $0x1  }
0x13: {  	[smem:$0x3FA7] =	sst s0;
	s0 =	simm.s32 @!p1 $0x0  }
0x14: {  	s2 =	sld [smem:$0x3F8B];
	s0 =	simm.s32 @p1 $0x1  }
0x15: {  	[smem:$0x3FA8] =	sst s0;
	s0 =	simm.s32 @!p2 $0x0  }
0x16: {  	s3 =	sld [smem:$0x3FDB];
	s0 =	simm.s32 @p2 $0x1  }
0x17: {  	s4 =	simm.s32 $0x1BF5;
	[smem:$0x3FAA] =	sst s0  }
0x18: {  	s0 =	sld [smem:$0x3F8D];
	_ =	swait.ge [sflag:s4], $0x0  }
0x19: {  	s7 =	sld [smem:$0x3F8E]  }
0x1a: {  	s8 =	sadd.s32 $0xFFFFE003, lr  }
0x1b: {  	s9 =	sadd.s32 $0xFFFFFEF7, lr;
	s5 =	simm.s32 $0xFFFFFFFF;
	p2 =	slt.u32 s8, $0xFFFFF086  }
0x1c: {  	p1 =	slt.u32 s9, $0xF7A;
	s5 =	simm.s32 @!p2 $0x0  }
0x1d: {  	s5 =	simm.s32 @p1 $0x1;
	p0 =	seq.s32 s7, s2  }
0x1e: {  	s7 =	smul.u32 @!p0 $0xF7A, s2;
	p2 =	seq.s32 @!p0 s5, $0x0  }
0x1f: {  	s9 =	smul.u32 $0xF7A, s1;
	s8 =	simm.s32 @!p0 $0x1BF5;
	p2 =	por !p2, p0  }
0x20: {  	[sflag:s8] =	ssyncset.s32 @!p0 $0xFFFFF086;
	s6 =	sadd.s32 @!p0 s3, s7;
	s7 =	simm.s32 @!p0 $0x108  }
0x21: {  	s3 =	sadd.s32 s3, s9;
	s6 =	sadd.s32 @!p0 $0x88, s6;
	s7 =	simm.s32 @p2 $0x1082  }
0x22: {  	[simem:s7], [sflag:s8] =	dma.local @!p0 [hbm:s6], $0xF7A  }
0x23: {  	s9 =	sor.u32 $0xD0000000, s2;
	s6 =	simm.s32 $0x108;
	_ =	swait.ge @!p0 [sflag:s8], $0x0  }
0x24: {  	s3 =	sadd.s32 $0x88, s3;
	s6 =	simm.s32 @!p1 $0x1082;
	[sflag:s4] =	ssyncset.s32 $0xFFFFF086  }
0x25: {  	[simem:s6], [sflag:s4] =	dma.local [hbm:s3], $0xF7A  }
0x26: {  	[smem:$0x3F8E] =	sst s1;
	(tag) =	ssettag s2;
	_ =	strace s9  }
0x27: {  	s1 =	sld [smem:$0x3F9E]  }
0x28: {  	s2 =	sld [smem:$0x3F9F]  }
0x29: {  	s4 =	sld [smem:$0x3FA1]  }
0x2a: {  	p0 =	seq.s32 s5, $0x0;
	s5 =	sld [smem:$0x3FA2]  }
0x2b: {  	s6 =	sld [smem:$0x3FA3]  }
0x2c: {  	s7 =	sld [smem:$0x3FA4]  }
0x2d: {  	s3 =	simm.s32 $0x108;
	s8 =	sld [smem:$0x3FA5]  }
0x2e: {  	s3 =	simm.s32 @!p0 $0x1082;
	s9 =	sld [smem:$0x3FA6]  }
0x2f: {  	lr =	sadd.s32 s0, s3;
	s0 =	sld [smem:$0x3F9D]  }
0x30: {  	s3 =	sld [smem:$0x3FA0]  }
0x31: {  	[smem:$0x3FA9] =	sst s10  }
0x32: {  	s10 =	sld [smem:$0x3FA7];
	_ =	sdelay $0x3  }
0x33: {  	p0 =	seq.s32 s10, $0x1;
	s10 =	sld [smem:$0x3FA9];
	_ =	sdelay $0x3  }
0x34: {  	[smem:$0x3FA9] =	sst s10  }
0x35: {  	s10 =	sld [smem:$0x3FA8];
	_ =	sdelay $0x3  }
0x36: {  	p1 =	seq.s32 s10, $0x1;
	s10 =	sld [smem:$0x3FA9];
	_ =	sdelay $0x3  }
0x37: {  	[smem:$0x3FA9] =	sst s10  }
0x38: {  	s10 =	sld [smem:$0x3FAA]  }
0x39: {  	_ = 	snop;
	(pc) =	sbr.ind lr, $3  }
0x3a: {  	_ = 	snop  }
0x3b: {  	_ = 	snop  }
0x3c: {  	p2 =	seq.s32 s10, $0x1;
	s10 =	sld [smem:$0x3FA9]  }
0x3d: {  	_ =	shalt  }
0x3e: {  	_ =	shalt  }
0x3f: {  	_ =	shalt  }
0x40: {  	_ =	shalt  }
0x41: {  	_ =	shalt  }
0x42: {  	_ =	shalt  }
0x43: {  	_ =	shalt  }
0x44: {  	_ =	shalt  }
0x45: {  	_ =	shalt  }
0x46: {  	_ =	shalt  }
0x47: {  	_ =	shalt  }
0x48: {  	_ =	shalt  }
0x49: {  	_ =	shalt  }
0x4a: {  	_ =	shalt  }
0x4b: {  	_ =	shalt  }
0x4c: {  	_ =	shalt  }
0x4d: {  	_ =	shalt  }
0x4e: {  	_ =	shalt  }
0x4f: {  	_ =	shalt  }
0x50: {  	_ =	shalt  }
0x51: {  	_ =	shalt  }
0x52: {  	_ =	shalt  }
0x53: {  	_ =	shalt  }
0x54: {  	_ =	shalt  }
0x55: {  	_ =	shalt  }
0x56: {  	_ =	shalt  }
0x57: {  	_ =	shalt  }
0x58: {  	_ =	shalt  }
0x59: {  	_ =	shalt  }
0x5a: {  	_ =	shalt  }
0x5b: {  	_ =	shalt  }
0x5c: {  	_ =	shalt  }
0x5d: {  	_ =	shalt  }
0x5e: {  	_ =	shalt  }
0x5f: {  	_ =	shalt  }
0x60: {  	_ =	shalt  }
0x61: {  	_ =	shalt  }
0x62: {  	_ =	shalt  }
0x63: {  	_ =	shalt  }
0x64: {  	_ =	shalt  }
0x65: {  	_ =	shalt  }
0x66: {  	_ =	shalt  }
0x67: {  	_ =	shalt  }
0x68: {  	_ =	shalt  }
0x69: {  	_ =	shalt  }
0x6a: {  	_ =	shalt  }
0x6b: {  	_ =	shalt  }
0x6c: {  	_ =	shalt  }
0x6d: {  	_ =	shalt  }
0x6e: {  	_ =	shalt  }
0x6f: {  	_ =	shalt  }
0x70: {  	_ =	shalt  }
0x71: {  	_ =	shalt  }
0x72: {  	_ =	shalt  }
0x73: {  	_ =	shalt  }
0x74: {  	_ =	shalt  }
0x75: {  	_ =	shalt  }
0x76: {  	_ =	shalt  }
0x77: {  	_ =	shalt  }
0x78: {  	_ =	shalt  }
0x79: {  	_ =	shalt  }
0x7a: {  	_ =	shalt  }
0x7b: {  	_ =	shalt  }
0x7c: {  	_ =	shalt  }
0x7d: {  	_ =	shalt  }
0x7e: {  	_ =	shalt  }
0x7f: {  	_ =	shalt  }
0x80: {  	_ =	shalt  }
0x81: {  	_ =	shalt  }
0x82: {  	_ =	shalt  }
0x83: {  	_ =	shalt  }
0x84: {  	_ =	shalt  }
0x85: {  	_ =	shalt  }
0x86: {  	_ =	shalt  }
0x87: {  	_ =	shalt  }
.Lfunc_end0:
.L_simem_size_0:
called_computation.3_lowered:
.L_overlay_start_0:
0x88: {  	s2 =	sld [smem:$0x3FD9]  }
0x89: {  	s3 =	sld [smem:$0x3FFE];
	_ =	sdelay $0x1  }
0x8a: {  	s1 =	srdreg.scid  }
0x8b: {  	s0 =	sand.u32 $0x1, s1  }
0x8c: {  	s16 =	sshll.u32 s0, $0xA;
	s2 =	sadd.s32 s3, s2  }
0x8d: {  	s2 =	sadd.s32 s2, s16  }
0x8e: {  	[smem:$0x3FB5] =	sst s2  }
0x8f: {  	_ = 	snop  }
0x90: {  	(tm) =	ssettm $0x1  }
0x91: {  	s17 =	sld [smem:$0x3FFB];
	_ =	sdelay $0x3  }
0x92: {  	_ =	strace s17  }
0x93: {  	s2 =	sld [smem:$0x3FFC];
	_ =	sdelay $0x3  }
0x94: {  	_ =	strace s2  }
0x95: {  	s2 =	sld [smem:$0x3FFD];
	_ =	sdelay $0x3  }
0x96: {  	_ =	strace s2  }
0x97: {  	_ =	strace $0x8FFFFFFF  }
0x98: {  	s18 =	sld [smem:$0x3FDB];
	_ =	sdelay $0x1  }
0x99: {  	s19 =	simm.s32 $_scs_section_size  }
0x9a: {  	s4 =	simm.s32 $_size__tile_overlayer_lowered;
	s5 =	simm.s32 $_tile_overlayer_lowered  }
0x9b: {  	s22 =	simm.s32 $0x1BFF;
	s21 =	sshll.u32 s5, $0x1;
	s2 =	sadd.s32 s19, s18  }
0x9c: {  	s6 =	simm.s32 $0x0;
	s20 =	sshll.u32 s4, $0x1;
	s4 =	sadd.s32 s21, s2  }
0x9d: {  	[timem:s6], [sflag:s22] =	dma.local [hbm:s4], s20  }
0x9e: {  	_ =	swait.ge [sflag:s22], s20  }
0x9f: {  	s3 =	ssub.s32 $0x0, s20;
	[sflag:s22] =	ssyncset.done $0x0  }
0xa0: {  	[sflag:s22] =	ssyncadd.s32 s3;
	_ =	sdelay $0x1  }
0xa1: {  	s23 =	simm.s32 $0x1B8B  }
0xa2: {  	_ =	swait.ge [sflag:s23], $0x1  }
0xa3: {  	[sflag:s23] =	ssyncset.done $0x0  }
0xa4: {  	s25 =	simm.s32 $0x1B8E;
	s24 =	sld [smem:$0x3FFE];
	[sflag:s23] =	ssyncadd.s32 $0xFFFFFFFF  }
0xa5: {  	s26 =	simm.s32 $execute0_lowered;
	[smem:$0x3FD2] =	sst s25  }
0xa6: {  	s4 =	sshll.u32 s26, $0x1;
	_ =	strace $0x8000004F;
	[dreg:$0x1] =	wrdreg $0xFFFFFFFF  }
0xa7: {  	s28 =	simm.s32 $_size_execute0_lowered;
	s2 =	sadd.s32 s2, s4;
	[dreg:$0x0] =	wrdreg $0x0  }
0xa8: {  	s4 =	sshll.u32 s28, $0x1;
	[dreg:$0x2] =	wrdreg s2  }
0xa9: {  	[dreg:$0x3] =	wrdreg s4  }
0xaa: {  	[dreg:$0x4] =	wrdreg $0xC0  }
0xab: {  	_ =	task [dreg:s6], $0x5FFFF  }
0xac: {  	[dreg:$0x1] =	wrdreg $0xFFFFFFFF  }
0xad: {  	[dreg:$0x0] =	wrdreg $0x60  }
0xae: {  	[dreg:$0x2] =	wrdreg s24  }
0xaf: {  	[dreg:$0x3] =	wrdreg $0x140000  }
0xb0: {  	[dreg:$0x4] =	wrdreg $0x190000  }
0xb1: {  	[dreg:$0x5] =	wrdreg $0x9  }
0xb2: {  	_ =	task.clear_ibuf [dreg:s6], $0x6FFFF;
	_ =	strace $0x9000004F  }
0xb3: {  	s29 =	simm.s32 $0x9;
	_ =	strace $0x80000051  }
0xb4: {  	_ =	swait.ge [sflag:s29], $0x1  }
0xb5: {  	[sflag:s29] =	ssyncadd.s32 $0xFFFFFFFF  }
0xb6: {  	_ =	strace $0x90000051  }
0xb7: {  	_ =	sfence  }
0xb8: {  	s30 =	sld [smem:$0x0];
	_ =	sdelay $0x2  }
0xb9: {  	s31 =	sshll.u32 s1, $0xD;
	s1 =	sshrl.u32 s1, $0x2  }
0xba: {  	s3 =	sand.u32 $0x4000, s31;
	s1 =	sadd.s32 s1, s30  }
0xbb: {  	s0 =	sor.u32 s3, s0;
	s1 =	sshll.u32 s1, $0x11  }
0xbc: {  	s0 =	sor.u32 s1, s0  }
0xbd: {  	s0 =	sadd.s32 $0x8F2B, s0  }
0xbe: {  	[sflag:s0] =	ssyncadd.remote.s32 $0x1  }
0xbf: {  	_ =	sfence.sel $0xFFFF  }
0xc0: {  	[dreg:$0x0] =	wrdreg $0xFFFFFFFF;
	(pc) =	sbr.abs _section_cstart, $3  }
0xc1: {  	[dreg:$0x1] =	wrdreg $0xFFFFFFFF  }
0xc2: {  	_ =	task.clear_ibuf [dreg:s6], $0x2FFFF;
	_ =	strace $0x9FFFFFFF  }
0xc3: {  	(tm) =	ssettm $0x7FFFFFFF  }
tec
execute0_lowered:
.L_overlay_start_1:
0x0: {  	(tag) =	ssettag $0x1  }
0x1: {  	s0 =	rddreg [dreg:$0x0]  }
0x2: {  	s2 =	rddreg [dreg:$0x1];
	s8 =	stileid.u32  }
0x3: {  	s1 =	srdreg.scid;
	s3 =	rddreg [dreg:$0x2];
	s6 =	simm.s32 $0x0  }
0x4: {  	s21 =	simm.s32 $0x15;
	s15 =	simm.s32 $0x80;
	s14 =	simm.s32 $0x8  }
0x5: {  	s9 =	simm.s32 $0xC;
	s10 =	simm.s32 $0xD;
	s13 =	simm.s32 $0xE  }
0x6: {  	s11 =	simm.s32 $0x10;
	s12 =	simm.s32 $0x12;
	s16 =	simm.s32 $0x13  }
0x7: {  	s17 =	simm.s32 $0x14;
	s30 =	simm.s32 $0x11000;
	s31 =	simm.s32 $0x12000  }
0x8: {  	s1 =	sand.u32 $0x1, s1;
	s4 =	smul.u32 $0x5000, s8;
	[smem:$0x7FF] =	sst s6  }
0x9: {  	s22 =	smul.u32 $0xA00, s8;
	s25 =	sshll.u32 s8, $0x6;
	s8 =	simm.s32 $0xB  }
0xa: {  	s5 =	smul.u32 $0x50000, s1;
	s1 =	ssub.s32 $0x2, s1;
	_ =	strace $0x80000050  }
0xb: {  	s19 =	sor.u32 $0x1C15, s25;
	s7 =	sshrl.u32 s1, $0x1;
	s6 =	sadd.s32 s22, s0  }
0xc: {  	s23 =	sadd.s32 s4, s2;
	[dreg:$0x5] =	wrdreg s19;
	s5 =	sadd.s32 s4, s5  }
0xd: {  	s1 =	ssub.s32 s1, s7;
	s4 =	sadd.s32 s4, s3;
	s26 =	sadd.s32 $0xCE00, s6  }
0xe: {  	s6 =	sadd.s32 $0x2E00, s6;
	s20 =	sshrl.u32 s23, $0x3;
	[dreg:$0x6] =	wrdreg s26  }
0xf: {  	s7 =	simm.s32 $0xA;
	s5 =	sshrl.u32 s5, $0x3;
	[dreg:$0x7] =	wrdreg s6  }
0x10: {  	s28 =	smax.u32 s1, $0x1;
	s29 =	sshrl.u32 s4, $0x3;
	[dreg:$0xa] =	wrdreg s20  }
0x11: {  	s4 =	simm.s32 $0x9;
	s0 =	sadd.s32 s5, s0;
	[dreg:$0x9] =	wrdreg s28  }
0x12: {  	s6 =	simm.s32 $0x11;
	[dreg:$0xb] =	wrdreg s29;
	s24 =	sadd.s32 $0x16E00, s0  }
0x13: {  	s1 =	simm.s32 $0x0;
	s0 =	sadd.s32 $0x2AE00, s0;
	[dreg:$0x4] =	wrdreg s24  }
0x14: {  	s5 =	simm.s32 $0xF;
	[dreg:$0x8] =	wrdreg s0;
	s0 =	simm.s32 $0x7  }
.LBB2_1:
0x15: {  	[dreg:$0xc] =	wrdreg s1  }
0x16: {  	s18 =	rddreg [dreg:$0x4]  }
0x17: {  	[spmem:s20], [sflag:s19] =	dma.local [hbm:s18], $0xA00  }
0x18: {  	_ =	swait.ge [sflag:s21], $0xA00  }
0x19: {  	[sflag:s21] =	ssyncset.done $0x0  }
0x1a: {  	s25 =	rddreg [dreg:$0xb];
	[sflag:s21] =	ssyncadd.s32 $0xFFFFF600  }
0x1b: {  	[spmem:s25], [sflag:s19] =	dma.local [hbm:s18], $0xA00  }
0x1c: {  	_ =	swait.ge [sflag:s21], $0xA00  }
0x1d: {  	[sflag:s21] =	ssyncset.done $0x0  }
0x1e: {  	s26 =	simm.s32 $0x0;
	s28 =	rddreg [dreg:$0x6];
	[sflag:s21] =	ssyncadd.s32 $0xFFFFF600  }
0x1f: {  	[tilespmem:s26], [sflag:$0x15] =	stream.linear.gather [hbm4b:s28+s26], $0x5000, $0x38;
	[tilespmem:$0x1E000] =	vst v63  }
0x20: {  	_ =	swait.ge [sflag:s21], $0x5000  }
0x21: {  	[sflag:s21] =	ssyncset.done $0x0  }
0x22: {  	s1 =	simm.s32 $0x5000;
	s29 =	rddreg [dreg:$0x7];
	[sflag:s21] =	ssyncadd.s32 $0xFFFFB000  }
0x23: {  	[tilespmem:s1], [sflag:$0x15] =	stream.linear.gather [hbm4b:s29+s26], $0x5000, $0x38;
	[tilespmem:$0x1E000] =	vst v63  }
0x24: {  	_ =	swait.ge [sflag:s21], $0x5000  }
0x25: {  	[sflag:s21] =	ssyncset.done $0x0  }
0x26: {  	[sflag:s21] =	ssyncadd.s32 $0xFFFFB000  }
0x27: {  	s19 =	simm.s32 $0xA000;
	s21 =	simm.s32 $0x0;
	[bflag:$0x0] =	sbarrier.arrive $0xFFFF  }
0x28: {  	[tilespmem:s19], [sflag:$0x1] =	stream.indirect.gather [spmem:s3], $0x20, s21, s15, $0xb8;
	[tilespmem:$0x1E000] =	vst v63  }
0x29: {  	s22 =	simm.s32 $0x80;
	s20 =	simm.s32 $0xB000  }
0x2a: {  	[tilespmem:s20], [sflag:$0x2] =	stream.indirect.gather [spmem:s3], $0x20, s22, s15, $0xb8;
	[tilespmem:$0x1E000] =	vst v63  }
0x2b: {  	s23 =	simm.s32 $0x100;
	s21 =	simm.s32 $0xC000  }
0x2c: {  	[tilespmem:s21], [sflag:$0x3] =	stream.indirect.gather [spmem:s3], $0x20, s23, s15, $0xb8;
	[tilespmem:$0x1E000] =	vst v63  }
0x2d: {  	s24 =	simm.s32 $0x180;
	s22 =	simm.s32 $0xD000  }
0x2e: {  	[tilespmem:s22], [sflag:$0x4] =	stream.indirect.gather [spmem:s3], $0x20, s24, s15, $0xb8;
	[tilespmem:$0x1E000] =	vst v63  }
0x2f: {  	s25 =	simm.s32 $0x200;
	s23 =	simm.s32 $0xE000  }
0x30: {  	[tilespmem:s23], [sflag:$0x5] =	stream.indirect.gather [spmem:s3], $0x20, s25, s15, $0xb8;
	[tilespmem:$0x1E000] =	vst v63  }
0x31: {  	s26 =	simm.s32 $0x280;
	s24 =	simm.s32 $0xF000  }
0x32: {  	[tilespmem:s24], [sflag:$0x6] =	stream.indirect.gather [spmem:s3], $0x20, s26, s15, $0xb8;
	[tilespmem:$0x1E000] =	vst v63  }
0x33: {  	s28 =	simm.s32 $0x300;
	s25 =	simm.s32 $0x10000  }
0x34: {  	[tilespmem:s25], [sflag:$0x7] =	stream.indirect.gather [spmem:s3], $0x20, s28, s15, $0xb8;
	[tilespmem:$0x1E000] =	vst v63  }
0x35: {  	s29 =	simm.s32 $0x380;
	s26 =	simm.s32 $0x11000  }
0x36: {  	[tilespmem:s26], [sflag:$0x8] =	stream.indirect.gather [spmem:s3], $0x20, s29, s15, $0xb8;
	[tilespmem:$0x1E000] =	vst v63  }
0x37: {  	s1 =	simm.s32 $0x400;
	s28 =	simm.s32 $0x12000  }
0x38: {  	[tilespmem:s28], [sflag:$0x9] =	stream.indirect.gather [spmem:s3], $0x20, s1, s15, $0xb8;
	[tilespmem:$0x1E000] =	vst v63  }
0x39: {  	s29 =	simm.s32 $0x480;
	s1 =	simm.s32 $0x13000  }
0x3a: {  	[tilespmem:s1], [sflag:$0xA] =	stream.indirect.gather [spmem:s3], $0x20, s29, s15, $0xb8;
	[tilespmem:$0x1E000] =	vst v63  }
0x3b: {  	s29 =	simm.s32 $0x1  }
0x3c: {  	_ =	swait.ge [sflag:s29], $0x1000  }
0x3d: {  	[sflag:s29] =	ssyncset.done $0x0  }
0x3e: {  	[sflag:s29] =	ssyncadd.s32 $0xFFFFF000;
	s29 =	simm.s32 $0x5000  }
0x3f: {  	[spmem:s2] =	stream.indirect.scatter.add.f32 [tilespmem:s19], [sflag:$0xB], $0x20, s29, s15, $0xb8;
	[tilespmem:$0x1E000] =	vst v63  }
0x40: {  	s19 =	simm.s32 $0x2  }
0x41: {  	_ =	swait.ge [sflag:s19], $0x1000  }
0x42: {  	[sflag:s19] =	ssyncset.done $0x0  }
0x43: {  	s29 =	simm.s32 $0x5080;
	[sflag:s19] =	ssyncadd.s32 $0xFFFFF000;
	s19 =	simm.s32 $0x3  }
0x44: {  	[spmem:s2] =	stream.indirect.scatter.add.f32 [tilespmem:s20], [sflag:$0xC], $0x20, s29, s15, $0xb8;
	[tilespmem:$0x1E000] =	vst v63  }
0x45: {  	_ =	swait.ge [sflag:s19], $0x1000  }
0x46: {  	[sflag:s19] =	ssyncset.done $0x0  }
0x47: {  	s20 =	simm.s32 $0x5100;
	s29 =	simm.s32 $0x4;
	[sflag:s19] =	ssyncadd.s32 $0xFFFFF000  }
0x48: {  	[spmem:s2] =	stream.indirect.scatter.add.f32 [tilespmem:s21], [sflag:$0xD], $0x20, s20, s15, $0xb8;
	[tilespmem:$0x1E000] =	vst v63  }
0x49: {  	_ =	swait.ge [sflag:s29], $0x1000  }
0x4a: {  	[sflag:s29] =	ssyncset.done $0x0  }
0x4b: {  	s19 =	simm.s32 $0x5180;
	s20 =	simm.s32 $0x5;
	[sflag:s29] =	ssyncadd.s32 $0xFFFFF000  }
0x4c: {  	[spmem:s2] =	stream.indirect.scatter.add.f32 [tilespmem:s22], [sflag:$0xE], $0x20, s19, s15, $0xb8;
	[tilespmem:$0x1E000] =	vst v63  }
0x4d: {  	_ =	swait.ge [sflag:s20], $0x1000  }
0x4e: {  	[sflag:s20] =	ssyncset.done $0x0  }
0x4f: {  	s21 =	simm.s32 $0x5200;
	s22 =	simm.s32 $0x6;
	[sflag:s20] =	ssyncadd.s32 $0xFFFFF000  }
0x50: {  	[spmem:s2] =	stream.indirect.scatter.add.f32 [tilespmem:s23], [sflag:$0xF], $0x20, s21, s15, $0xb8;
	[tilespmem:$0x1E000] =	vst v63  }
0x51: {  	_ =	swait.ge [sflag:s22], $0x1000  }
0x52: {  	[sflag:s22] =	ssyncset.done $0x0  }
0x53: {  	s23 =	simm.s32 $0x5280;
	[sflag:s22] =	ssyncadd.s32 $0xFFFFF000  }
0x54: {  	[spmem:s2] =	stream.indirect.scatter.add.f32 [tilespmem:s24], [sflag:$0x10], $0x20, s23, s15, $0xb8;
	[tilespmem:$0x1E000] =	vst v63  }
0x55: {  	_ =	swait.ge [sflag:s0], $0x1000  }
0x56: {  	[sflag:s0] =	ssyncset.done $0x0  }
0x57: {  	s24 =	simm.s32 $0x5300;
	[sflag:s0] =	ssyncadd.s32 $0xFFFFF000  }
0x58: {  	[spmem:s2] =	stream.indirect.scatter.add.f32 [tilespmem:s25], [sflag:$0x11], $0x20, s24, s15, $0xb8;
	[tilespmem:$0x1E000] =	vst v63  }
0x59: {  	_ =	swait.ge [sflag:s14], $0x1000  }
0x5a: {  	[sflag:s14] =	ssyncset.done $0x0  }
0x5b: {  	s25 =	simm.s32 $0x5380;
	[sflag:s14] =	ssyncadd.s32 $0xFFFFF000  }
0x5c: {  	[spmem:s2] =	stream.indirect.scatter.add.f32 [tilespmem:s26], [sflag:$0x12], $0x20, s25, s15, $0xb8;
	[tilespmem:$0x1E000] =	vst v63  }
0x5d: {  	_ =	swait.ge [sflag:s4], $0x1000  }
0x5e: {  	[sflag:s4] =	ssyncset.done $0x0  }
0x5f: {  	s26 =	simm.s32 $0x5400;
	[sflag:s4] =	ssyncadd.s32 $0xFFFFF000  }
0x60: {  	[spmem:s2] =	stream.indirect.scatter.add.f32 [tilespmem:s28], [sflag:$0x13], $0x20, s26, s15, $0xb8;
	[tilespmem:$0x1E000] =	vst v63  }
0x61: {  	_ =	swait.ge [sflag:s7], $0x1000  }
0x62: {  	[sflag:s7] =	ssyncset.done $0x0  }
0x63: {  	s29 =	simm.s32 $0x5480;
	[sflag:s7] =	ssyncadd.s32 $0xFFFFF000  }
0x64: {  	[spmem:s2] =	stream.indirect.scatter.add.f32 [tilespmem:s1], [sflag:$0x14], $0x20, s29, s15, $0xb8;
	[tilespmem:$0x1E000] =	vst v63  }
0x65: {  	_ =	swait.ge [sflag:s8], $0x1000  }
0x66: {  	[sflag:s8] =	ssyncset.done $0x0  }
0x67: {  	[sflag:s8] =	ssyncadd.s32 $0xFFFFF000  }
0x68: {  	_ =	swait.ge [sflag:s9], $0x1000  }
0x69: {  	[sflag:s9] =	ssyncset.done $0x0  }
0x6a: {  	[sflag:s9] =	ssyncadd.s32 $0xFFFFF000  }
0x6b: {  	_ =	swait.ge [sflag:s10], $0x1000  }
0x6c: {  	[sflag:s10] =	ssyncset.done $0x0  }
0x6d: {  	[sflag:s10] =	ssyncadd.s32 $0xFFFFF000  }
0x6e: {  	_ =	swait.ge [sflag:s13], $0x1000  }
0x6f: {  	[sflag:s13] =	ssyncset.done $0x0  }
0x70: {  	[sflag:s13] =	ssyncadd.s32 $0xFFFFF000  }
0x71: {  	_ =	swait.ge [sflag:s5], $0x1000  }
0x72: {  	[sflag:s5] =	ssyncset.done $0x0  }
0x73: {  	[sflag:s5] =	ssyncadd.s32 $0xFFFFF000  }
0x74: {  	_ =	swait.ge [sflag:s11], $0x1000  }
0x75: {  	[sflag:s11] =	ssyncset.done $0x0  }
0x76: {  	[sflag:s11] =	ssyncadd.s32 $0xFFFFF000  }
0x77: {  	_ =	swait.ge [sflag:s6], $0x1000  }
0x78: {  	[sflag:s6] =	ssyncset.done $0x0  }
0x79: {  	[sflag:s6] =	ssyncadd.s32 $0xFFFFF000  }
0x7a: {  	_ =	swait.ge [sflag:s12], $0x1000  }
0x7b: {  	[sflag:s12] =	ssyncset.done $0x0  }
0x7c: {  	[sflag:s12] =	ssyncadd.s32 $0xFFFFF000  }
0x7d: {  	_ =	swait.ge [sflag:s16], $0x1000  }
0x7e: {  	[sflag:s16] =	ssyncset.done $0x0  }
0x7f: {  	[sflag:s16] =	ssyncadd.s32 $0xFFFFF000  }
0x80: {  	_ =	swait.ge [sflag:s17], $0x1000  }
0x81: {  	s18 =	simm.s32 $0x1400;
	s19 =	simm.s32 $0x2800;
	[sflag:s17] =	ssyncset.done $0x0  }
.LBB2_2:
0x82: {  	s20 =	sshra.s32 s18, $0x2;
	[sflag:s17] =	ssyncadd.s32 $0xFFFFF000  }
0x83: {  	s18 =	smov.u32 s19;
	s21 =	sadd.s32 $0x1400, s19;
	s22 =	simm.s32 $0xA000  }
0x84: {  	[tilespmem:s22], [sflag:$0x1] =	stream.indirect.gather [spmem:s3], $0x20, s20, s15, $0xb8;
	[tilespmem:$0x1E000] =	vst v63  }
0x85: {  	p0 =	sne.s32 s19, $0x12C00;
	s23 =	simm.s32 $0xB000;
	s19 =	sadd.s32 $0x80, s20  }
0x86: {  	[tilespmem:s23], [sflag:$0x2] =	stream.indirect.gather [spmem:s3], $0x20, s19, s15, $0xb8;
	[tilespmem:$0x1E000] =	vst v63  }
0x87: {  	s24 =	simm.s32 $0xC000;
	s19 =	sadd.s32 $0x100, s20  }
0x88: {  	[tilespmem:s24], [sflag:$0x3] =	stream.indirect.gather [spmem:s3], $0x20, s19, s15, $0xb8;
	[tilespmem:$0x1E000] =	vst v63  }
0x89: {  	s25 =	simm.s32 $0xD000;
	s19 =	sadd.s32 $0x180, s20  }
0x8a: {  	[tilespmem:s25], [sflag:$0x4] =	stream.indirect.gather [spmem:s3], $0x20, s19, s15, $0xb8;
	[tilespmem:$0x1E000] =	vst v63  }
0x8b: {  	s26 =	simm.s32 $0xE000;
	s19 =	sadd.s32 $0x200, s20  }
0x8c: {  	[tilespmem:s26], [sflag:$0x5] =	stream.indirect.gather [spmem:s3], $0x20, s19, s15, $0xb8;
	[tilespmem:$0x1E000] =	vst v63  }
0x8d: {  	s28 =	simm.s32 $0xF000;
	s19 =	sadd.s32 $0x280, s20  }
0x8e: {  	[tilespmem:s28], [sflag:$0x6] =	stream.indirect.gather [spmem:s3], $0x20, s19, s15, $0xb8;
	[tilespmem:$0x1E000] =	vst v63  }
0x8f: {  	s29 =	simm.s32 $0x10000;
	s19 =	sadd.s32 $0x300, s20  }
0x90: {  	[tilespmem:s29], [sflag:$0x7] =	stream.indirect.gather [spmem:s3], $0x20, s19, s15, $0xb8;
	[tilespmem:$0x1E000] =	vst v63  }
0x91: {  	s19 =	sadd.s32 $0x380, s20  }
0x92: {  	[tilespmem:s30], [sflag:$0x8] =	stream.indirect.gather [spmem:s3], $0x20, s19, s15, $0xb8;
	[tilespmem:$0x1E000] =	vst v63  }
0x93: {  	s19 =	sadd.s32 $0x400, s20  }
0x94: {  	[tilespmem:s31], [sflag:$0x9] =	stream.indirect.gather [spmem:s3], $0x20, s19, s15, $0xb8;
	[tilespmem:$0x1E000] =	vst v63  }
0x95: {  	s1 =	simm.s32 $0x13000;
	s19 =	sadd.s32 $0x480, s20  }
0x96: {  	[tilespmem:s1], [sflag:$0xA] =	stream.indirect.gather [spmem:s3], $0x20, s19, s15, $0xb8;
	[tilespmem:$0x1E000] =	vst v63  }
0x97: {  	s19 =	simm.s32 $0x1  }
0x98: {  	_ =	swait.ge [sflag:s19], $0x1000  }
0x99: {  	[sflag:s19] =	ssyncset.done $0x0  }
0x9a: {  	[sflag:s19] =	ssyncadd.s32 $0xFFFFF000;
	s19 =	sadd.s32 $0x5000, s20  }
0x9b: {  	[spmem:s2] =	stream.indirect.scatter.add.f32 [tilespmem:s22], [sflag:$0xB], $0x20, s19, s15, $0xb8;
	[tilespmem:$0x1E000] =	vst v63  }
0x9c: {  	s19 =	simm.s32 $0x2  }
0x9d: {  	_ =	swait.ge [sflag:s19], $0x1000  }
0x9e: {  	[sflag:s19] =	ssyncset.done $0x0  }
0x9f: {  	[sflag:s19] =	ssyncadd.s32 $0xFFFFF000;
	s19 =	sadd.s32 $0x5080, s20  }
0xa0: {  	[spmem:s2] =	stream.indirect.scatter.add.f32 [tilespmem:s23], [sflag:$0xC], $0x20, s19, s15, $0xb8;
	[tilespmem:$0x1E000] =	vst v63  }
0xa1: {  	s19 =	simm.s32 $0x3  }
0xa2: {  	_ =	swait.ge [sflag:s19], $0x1000  }
0xa3: {  	[sflag:s19] =	ssyncset.done $0x0  }
0xa4: {  	[sflag:s19] =	ssyncadd.s32 $0xFFFFF000;
	s19 =	sadd.s32 $0x5100, s20  }
0xa5: {  	[spmem:s2] =	stream.indirect.scatter.add.f32 [tilespmem:s24], [sflag:$0xD], $0x20, s19, s15, $0xb8;
	[tilespmem:$0x1E000] =	vst v63  }
0xa6: {  	s19 =	simm.s32 $0x4  }
0xa7: {  	_ =	swait.ge [sflag:s19], $0x1000  }
0xa8: {  	[sflag:s19] =	ssyncset.done $0x0  }
0xa9: {  	[sflag:s19] =	ssyncadd.s32 $0xFFFFF000;
	s19 =	sadd.s32 $0x5180, s20  }
0xaa: {  	[spmem:s2] =	stream.indirect.scatter.add.f32 [tilespmem:s25], [sflag:$0xE], $0x20, s19, s15, $0xb8;
	[tilespmem:$0x1E000] =	vst v63  }
0xab: {  	s19 =	simm.s32 $0x5  }
0xac: {  	_ =	swait.ge [sflag:s19], $0x1000  }
0xad: {  	[sflag:s19] =	ssyncset.done $0x0  }
0xae: {  	[sflag:s19] =	ssyncadd.s32 $0xFFFFF000;
	s19 =	sadd.s32 $0x5200, s20  }
0xaf: {  	[spmem:s2] =	stream.indirect.scatter.add.f32 [tilespmem:s26], [sflag:$0xF], $0x20, s19, s15, $0xb8;
	[tilespmem:$0x1E000] =	vst v63  }
0xb0: {  	s19 =	simm.s32 $0x6  }
0xb1: {  	_ =	swait.ge [sflag:s19], $0x1000  }
0xb2: {  	[sflag:s19] =	ssyncset.done $0x0  }
0xb3: {  	[sflag:s19] =	ssyncadd.s32 $0xFFFFF000;
	s19 =	sadd.s32 $0x5280, s20  }
0xb4: {  	[spmem:s2] =	stream.indirect.scatter.add.f32 [tilespmem:s28], [sflag:$0x10], $0x20, s19, s15, $0xb8;
	[tilespmem:$0x1E000] =	vst v63  }
0xb5: {  	_ =	swait.ge [sflag:s0], $0x1000  }
0xb6: {  	[sflag:s0] =	ssyncset.done $0x0  }
0xb7: {  	s19 =	sadd.s32 $0x5300, s20;
	[sflag:s0] =	ssyncadd.s32 $0xFFFFF000  }
0xb8: {  	[spmem:s2] =	stream.indirect.scatter.add.f32 [tilespmem:s29], [sflag:$0x11], $0x20, s19, s15, $0xb8;
	[tilespmem:$0x1E000] =	vst v63  }
0xb9: {  	_ =	swait.ge [sflag:s14], $0x1000  }
0xba: {  	[sflag:s14] =	ssyncset.done $0x0  }
0xbb: {  	s19 =	sadd.s32 $0x5380, s20;
	[sflag:s14] =	ssyncadd.s32 $0xFFFFF000  }
0xbc: {  	[spmem:s2] =	stream.indirect.scatter.add.f32 [tilespmem:s30], [sflag:$0x12], $0x20, s19, s15, $0xb8;
	[tilespmem:$0x1E000] =	vst v63  }
0xbd: {  	_ =	swait.ge [sflag:s4], $0x1000  }
0xbe: {  	[sflag:s4] =	ssyncset.done $0x0  }
0xbf: {  	s19 =	sadd.s32 $0x5400, s20;
	[sflag:s4] =	ssyncadd.s32 $0xFFFFF000  }
0xc0: {  	[spmem:s2] =	stream.indirect.scatter.add.f32 [tilespmem:s31], [sflag:$0x13], $0x20, s19, s15, $0xb8;
	[tilespmem:$0x1E000] =	vst v63  }
0xc1: {  	_ =	swait.ge [sflag:s7], $0x1000  }
0xc2: {  	[sflag:s7] =	ssyncset.done $0x0  }
0xc3: {  	s19 =	sadd.s32 $0x5480, s20;
	[sflag:s7] =	ssyncadd.s32 $0xFFFFF000  }
0xc4: {  	[spmem:s2] =	stream.indirect.scatter.add.f32 [tilespmem:s1], [sflag:$0x14], $0x20, s19, s15, $0xb8;
	[tilespmem:$0x1E000] =	vst v63  }
0xc5: {  	_ =	swait.ge [sflag:s8], $0x1000  }
0xc6: {  	[sflag:s8] =	ssyncset.done $0x0  }
0xc7: {  	[sflag:s8] =	ssyncadd.s32 $0xFFFFF000  }
0xc8: {  	_ =	swait.ge [sflag:s9], $0x1000  }
0xc9: {  	[sflag:s9] =	ssyncset.done $0x0  }
0xca: {  	[sflag:s9] =	ssyncadd.s32 $0xFFFFF000  }
0xcb: {  	_ =	swait.ge [sflag:s10], $0x1000  }
0xcc: {  	[sflag:s10] =	ssyncset.done $0x0  }
0xcd: {  	[sflag:s10] =	ssyncadd.s32 $0xFFFFF000  }
0xce: {  	_ =	swait.ge [sflag:s13], $0x1000  }
0xcf: {  	[sflag:s13] =	ssyncset.done $0x0  }
0xd0: {  	[sflag:s13] =	ssyncadd.s32 $0xFFFFF000  }
0xd1: {  	_ =	swait.ge [sflag:s5], $0x1000  }
0xd2: {  	[sflag:s5] =	ssyncset.done $0x0  }
0xd3: {  	[sflag:s5] =	ssyncadd.s32 $0xFFFFF000  }
0xd4: {  	_ =	swait.ge [sflag:s11], $0x1000  }
0xd5: {  	[sflag:s11] =	ssyncset.done $0x0  }
0xd6: {  	[sflag:s11] =	ssyncadd.s32 $0xFFFFF000  }
0xd7: {  	_ =	swait.ge [sflag:s6], $0x1000  }
0xd8: {  	[sflag:s6] =	ssyncset.done $0x0  }
0xd9: {  	[sflag:s6] =	ssyncadd.s32 $0xFFFFF000  }
0xda: {  	_ =	swait.ge [sflag:s12], $0x1000  }
0xdb: {  	[sflag:s12] =	ssyncset.done $0x0  }
0xdc: {  	[sflag:s12] =	ssyncadd.s32 $0xFFFFF000  }
.Ltmp0:
0xdd: {  	_ =	swait.ge [sflag:s16], $0x1000;
	(pc) =	sbr.rel @p0 .LBB2_2-.Ltmp0, $4  }
0xde: {  	[sflag:s16] =	ssyncset.done $0x0  }
0xdf: {  	[sflag:s16] =	ssyncadd.s32 $0xFFFFF000  }
0xe0: {  	_ =	swait.ge [sflag:s17], $0x1000  }
0xe1: {  	s19 =	smov.u32 s21;
	[sflag:s17] =	ssyncset.done $0x0  }
0xe2: {  	s18 =	sshra.s32 s18, $0x2;
	[sflag:s17] =	ssyncadd.s32 $0xFFFFF000;
	s20 =	simm.s32 $0xA000  }
0xe3: {  	[tilespmem:s20], [sflag:$0x1] =	stream.indirect.gather [spmem:s3], $0x20, s18, s15, $0xb8;
	[tilespmem:$0x1E000] =	vst v63  }
0xe4: {  	s21 =	simm.s32 $0xB000;
	s19 =	sadd.s32 $0x80, s18  }
0xe5: {  	[tilespmem:s21], [sflag:$0x2] =	stream.indirect.gather [spmem:s3], $0x20, s19, s15, $0xb8;
	[tilespmem:$0x1E000] =	vst v63  }
0xe6: {  	s22 =	simm.s32 $0xC000;
	s23 =	sadd.s32 $0x100, s18  }
0xe7: {  	[tilespmem:s22], [sflag:$0x3] =	stream.indirect.gather [spmem:s3], $0x20, s23, s15, $0xb8;
	[tilespmem:$0x1E000] =	vst v63  }
0xe8: {  	s24 =	sadd.s32 $0x180, s18;
	s23 =	simm.s32 $0xD000  }
0xe9: {  	[tilespmem:s23], [sflag:$0x4] =	stream.indirect.gather [spmem:s3], $0x20, s24, s15, $0xb8;
	[tilespmem:$0x1E000] =	vst v63  }
0xea: {  	s25 =	sadd.s32 $0x200, s18;
	s24 =	simm.s32 $0xE000  }
0xeb: {  	[tilespmem:s24], [sflag:$0x5] =	stream.indirect.gather [spmem:s3], $0x20, s25, s15, $0xb8;
	[tilespmem:$0x1E000] =	vst v63  }
0xec: {  	s26 =	sadd.s32 $0x280, s18;
	s25 =	simm.s32 $0xF000  }
0xed: {  	[tilespmem:s25], [sflag:$0x6] =	stream.indirect.gather [spmem:s3], $0x20, s26, s15, $0xb8;
	[tilespmem:$0x1E000] =	vst v63  }
0xee: {  	s28 =	sadd.s32 $0x300, s18;
	s26 =	simm.s32 $0x10000  }
0xef: {  	[tilespmem:s26], [sflag:$0x7] =	stream.indirect.gather [spmem:s3], $0x20, s28, s15, $0xb8;
	[tilespmem:$0x1E000] =	vst v63  }
0xf0: {  	s29 =	sadd.s32 $0x380, s18;
	s28 =	simm.s32 $0x11000  }
0xf1: {  	[tilespmem:s28], [sflag:$0x8] =	stream.indirect.gather [spmem:s3], $0x20, s29, s15, $0xb8;
	[tilespmem:$0x1E000] =	vst v63  }
0xf2: {  	s1 =	sadd.s32 $0x400, s18;
	s29 =	simm.s32 $0x12000  }
0xf3: {  	[tilespmem:s29], [sflag:$0x9] =	stream.indirect.gather [spmem:s3], $0x20, s1, s15, $0xb8;
	[tilespmem:$0x1E000] =	vst v63  }
0xf4: {  	s19 =	sadd.s32 $0x480, s18;
	s1 =	simm.s32 $0x13000  }
0xf5: {  	[tilespmem:s1], [sflag:$0xA] =	stream.indirect.gather [spmem:s3], $0x20, s19, s15, $0xb8;
	[tilespmem:$0x1E000] =	vst v63  }
0xf6: {  	s19 =	simm.s32 $0x1  }
0xf7: {  	_ =	swait.ge [sflag:s19], $0x1000  }
0xf8: {  	[sflag:s19] =	ssyncset.done $0x0  }
0xf9: {  	[sflag:s19] =	ssyncadd.s32 $0xFFFFF000;
	s19 =	sadd.s32 $0x5000, s18  }
0xfa: {  	[spmem:s2] =	stream.indirect.scatter.add.f32 [tilespmem:s20], [sflag:$0xB], $0x20, s19, s15, $0xb8;
	[tilespmem:$0x1E000] =	vst v63  }
0xfb: {  	s20 =	simm.s32 $0x2  }
0xfc: {  	_ =	swait.ge [sflag:s20], $0x1000  }
0xfd: {  	[sflag:s20] =	ssyncset.done $0x0  }
0xfe: {  	[sflag:s20] =	ssyncadd.s32 $0xFFFFF000;
	s20 =	sadd.s32 $0x5080, s18  }
0xff: {  	[spmem:s2] =	stream.indirect.scatter.add.f32 [tilespmem:s21], [sflag:$0xC], $0x20, s20, s15, $0xb8;
	[tilespmem:$0x1E000] =	vst v63  }
0x100: {  	s21 =	simm.s32 $0x3  }
0x101: {  	_ =	swait.ge [sflag:s21], $0x1000  }
0x102: {  	[sflag:s21] =	ssyncset.done $0x0  }
0x103: {  	s20 =	sadd.s32 $0x5100, s18;
	[sflag:s21] =	ssyncadd.s32 $0xFFFFF000;
	s21 =	simm.s32 $0x4  }
0x104: {  	[spmem:s2] =	stream.indirect.scatter.add.f32 [tilespmem:s22], [sflag:$0xD], $0x20, s20, s15, $0xb8;
	[tilespmem:$0x1E000] =	vst v63  }
0x105: {  	_ =	swait.ge [sflag:s21], $0x1000  }
0x106: {  	[sflag:s21] =	ssyncset.done $0x0  }
0x107: {  	s22 =	sadd.s32 $0x5180, s18;
	[sflag:s21] =	ssyncadd.s32 $0xFFFFF000  }
0x108: {  	[spmem:s2] =	stream.indirect.scatter.add.f32 [tilespmem:s23], [sflag:$0xE], $0x20, s22, s15, $0xb8;
	[tilespmem:$0x1E000] =	vst v63  }
0x109: {  	s23 =	simm.s32 $0x5  }
0x10a: {  	_ =	swait.ge [sflag:s23], $0x1000  }
0x10b: {  	[sflag:s23] =	ssyncset.done $0x0  }
0x10c: {  	s20 =	sadd.s32 $0x5200, s18;
	s21 =	simm.s32 $0x6;
	[sflag:s23] =	ssyncadd.s32 $0xFFFFF000  }
0x10d: {  	[spmem:s2] =	stream.indirect.scatter.add.f32 [tilespmem:s24], [sflag:$0xF], $0x20, s20, s15, $0xb8;
	[tilespmem:$0x1E000] =	vst v63  }
0x10e: {  	_ =	swait.ge [sflag:s21], $0x1000  }
0x10f: {  	[sflag:s21] =	ssyncset.done $0x0  }
0x110: {  	s22 =	sadd.s32 $0x5280, s18;
	[sflag:s21] =	ssyncadd.s32 $0xFFFFF000  }
0x111: {  	[spmem:s2] =	stream.indirect.scatter.add.f32 [tilespmem:s25], [sflag:$0x10], $0x20, s22, s15, $0xb8;
	[tilespmem:$0x1E000] =	vst v63  }
0x112: {  	_ =	swait.ge [sflag:s0], $0x1000  }
0x113: {  	[sflag:s0] =	ssyncset.done $0x0  }
0x114: {  	s23 =	sadd.s32 $0x5300, s18;
	[sflag:s0] =	ssyncadd.s32 $0xFFFFF000  }
0x115: {  	[spmem:s2] =	stream.indirect.scatter.add.f32 [tilespmem:s26], [sflag:$0x11], $0x20, s23, s15, $0xb8;
	[tilespmem:$0x1E000] =	vst v63  }
0x116: {  	_ =	swait.ge [sflag:s14], $0x1000  }
0x117: {  	[sflag:s14] =	ssyncset.done $0x0  }
0x118: {  	s24 =	sadd.s32 $0x5380, s18;
	[sflag:s14] =	ssyncadd.s32 $0xFFFFF000  }
0x119: {  	[spmem:s2] =	stream.indirect.scatter.add.f32 [tilespmem:s28], [sflag:$0x12], $0x20, s24, s15, $0xb8;
	[tilespmem:$0x1E000] =	vst v63  }
0x11a: {  	_ =	swait.ge [sflag:s4], $0x1000  }
0x11b: {  	[sflag:s4] =	ssyncset.done $0x0  }
0x11c: {  	s25 =	sadd.s32 $0x5400, s18;
	[sflag:s4] =	ssyncadd.s32 $0xFFFFF000  }
0x11d: {  	[spmem:s2] =	stream.indirect.scatter.add.f32 [tilespmem:s29], [sflag:$0x13], $0x20, s25, s15, $0xb8;
	[tilespmem:$0x1E000] =	vst v63  }
0x11e: {  	_ =	swait.ge [sflag:s7], $0x1000  }
0x11f: {  	[sflag:s7] =	ssyncset.done $0x0  }
0x120: {  	s18 =	sadd.s32 $0x5480, s18;
	[sflag:s7] =	ssyncadd.s32 $0xFFFFF000  }
0x121: {  	[spmem:s2] =	stream.indirect.scatter.add.f32 [tilespmem:s1], [sflag:$0x14], $0x20, s18, s15, $0xb8;
	[tilespmem:$0x1E000] =	vst v63  }
0x122: {  	_ =	swait.ge [sflag:s8], $0x1000  }
0x123: {  	[sflag:s8] =	ssyncset.done $0x0  }
0x124: {  	[sflag:s8] =	ssyncadd.s32 $0xFFFFF000  }
0x125: {  	_ =	swait.ge [sflag:s9], $0x1000  }
0x126: {  	[sflag:s9] =	ssyncset.done $0x0  }
0x127: {  	[sflag:s9] =	ssyncadd.s32 $0xFFFFF000  }
0x128: {  	_ =	swait.ge [sflag:s10], $0x1000  }
0x129: {  	[sflag:s10] =	ssyncset.done $0x0  }
0x12a: {  	[sflag:s10] =	ssyncadd.s32 $0xFFFFF000  }
0x12b: {  	_ =	swait.ge [sflag:s13], $0x1000  }
0x12c: {  	[sflag:s13] =	ssyncset.done $0x0  }
0x12d: {  	[sflag:s13] =	ssyncadd.s32 $0xFFFFF000  }
0x12e: {  	_ =	swait.ge [sflag:s5], $0x1000  }
0x12f: {  	[sflag:s5] =	ssyncset.done $0x0  }
0x130: {  	[sflag:s5] =	ssyncadd.s32 $0xFFFFF000  }
0x131: {  	_ =	swait.ge [sflag:s11], $0x1000  }
0x132: {  	[sflag:s11] =	ssyncset.done $0x0  }
0x133: {  	[sflag:s11] =	ssyncadd.s32 $0xFFFFF000  }
0x134: {  	_ =	swait.ge [sflag:s6], $0x1000  }
0x135: {  	[sflag:s6] =	ssyncset.done $0x0  }
0x136: {  	[sflag:s6] =	ssyncadd.s32 $0xFFFFF000  }
0x137: {  	_ =	swait.ge [sflag:s12], $0x1000  }
0x138: {  	[sflag:s12] =	ssyncset.done $0x0  }
0x139: {  	[sflag:s12] =	ssyncadd.s32 $0xFFFFF000  }
0x13a: {  	_ =	swait.ge [sflag:s16], $0x1000  }
0x13b: {  	[sflag:s16] =	ssyncset.done $0x0  }
0x13c: {  	[sflag:s16] =	ssyncadd.s32 $0xFFFFF000  }
0x13d: {  	_ =	swait.ge [sflag:s17], $0x1000  }
0x13e: {  	[sflag:s17] =	ssyncset.done $0x0  }
0x13f: {  	[sflag:s17] =	ssyncadd.s32 $0xFFFFF000  }
0x140: {  	[bflag:$0x0] =	sbarrier.arrive $0xFFFF  }
0x141: {  	s19 =	rddreg [dreg:$0x5]  }
0x142: {  	s26 =	rddreg [dreg:$0x8]  }
0x143: {  	s21 =	simm.s32 $0x15;
	s20 =	rddreg [dreg:$0xa]  }
0x144: {  	[hbm:s26], [sflag:s19] =	dma.local [spmem:s20], $0xA00  }
0x145: {  	_ =	swait.ge [sflag:s21], $0xA00  }
0x146: {  	s28 =	rddreg [dreg:$0xc]  }
0x147: {  	s29 =	rddreg [dreg:$0x9];
	s1 =	sadd.s32 $0x1, s28  }
0x148: {  	p0 =	sne.s32 s1, s29  }
.Ltmp1:
0x149: {  	_ = 	snop;
	(pc) =	sbr.rel @p0 .LBB2_1-.Ltmp1, $3  }
0x14a: {  	_ =	sdelay $0x1  }
0x14b: {  	[sflag:s21] =	ssyncset.done $0x0  }
0x14c: {  	[sflag:s21] =	ssyncadd.s32 $0xFFFFF600  }
0x14d: {  	_ =	sfence.sel $0x180000  }
0x14e: {  	[bflag:$0x0] =	sbarrier.arrive $0xFFFF  }
0x14f: {  	_ =	strace $0x90000050  }
0x150: {  	s0 =	stileid.u32;
	[bflag:$0x2] =	sbarrier.arrive $0xFFFF  }
0x151: {  	p0 =	sne.s32 s0, $0x0;
	s0 =	rddreg [dreg:$0x3]  }
0x152: {  	s0 =	sadd.s32 @!p0 $0x100000, s0  }
0x153: {  	[sflag:s0] =	ssyncadd.tile.s32 @!p0 $0x1;
	_ =	shalt  }
.Lfunc_end2:
_tile_overlayer_lowered:
.L_overlay_start_2:
0x154: {  	(tag) =	ssettag $0x2  }
0x155: {  	s0 =	rddreg [dreg:$0x0];
	s2 =	stileid.u32  }
0x156: {  	s1 =	rddreg [dreg:$0x1];
	p0 =	sne.s32 s2, $0x0  }
0x157: {  	s3 =	rddreg [dreg:$0x2];
	[bflag:$0x3] =	sbarrier.arrive $0xFFFF;
	s2 =	simm.s32 @!p0 $0x1C15  }
0x158: {  	[timem:s3], [sflag:s2] =	dma.local @!p0 [hbm:s0], s1  }
0x159: {  	s0 =	simm.s32 @!p0 $0x15  }
0x15a: {  	_ =	swait.ge @!p0 [sflag:s0], s1  }
0x15b: {  	s1 =	ssub.s32 @!p0 $0x0, s1;
	[sflag:s0] =	ssyncset.done @!p0 $0x0  }
0x15c: {  	[sflag:s0] =	ssyncadd.s32 @!p0 s1  }
0x15d: {  	[bflag:$0x3] =	sbarrier.arrive $0xFFFF  }
0x15e: {  	_ =	shalt  }

</sc_bundles>
